<compile_context>
chip_gen: v7x
topology: tpu7x:2x2x1
jax: 0.10.2.dev20260603
libtpu: 0.0.44.dev20260713+nightly
codegen_flags: <defaults>
</compile_context>

<pallas_src>
import functools
import math

import jax
import jax.numpy as jnp
from jax import lax
from jax.experimental import pallas as pl
from jax.experimental.pallas import tpu as pltpu
from jax.experimental.pallas import tpu_sc as plsc

B, N, M, D_FEAT = 32, 4096, 32, 3
NPAR = 8
LANES = 16
MH = M // 2
RC = 12.0
ETA = 0.04
RS_STEP = 1.5
G_COEF = 2.0 * ETA * RS_STEP
C_K = [math.exp(-ETA * (RS_STEP * k) ** 2) for k in range(NPAR)]
S0, S1, S2, S3 = (0.999999242 / 2, -0.166656797 / 2,
                  8.31322559e-03 / 2, -1.85234488e-04 / 2)


def _sc_layer(xt, nbp, zw):
    mesh = plsc.VectorSubcoreMesh(core_axis_name="c", subcore_axis_name="s")

    @functools.partial(
        pl.kernel,
        mesh=mesh,
        compiler_params=pltpu.CompilerParams(
            needs_layout_passes=False, use_tc_tiling_on_sc=False),
        out_type=jax.ShapeDtypeStruct((B * N * NPAR,), jnp.float32),
        scratch_types=[
            pltpu.VMEM((N,), jnp.float32),
            pltpu.VMEM((N,), jnp.float32),
            pltpu.VMEM((N,), jnp.float32),
            pltpu.VMEM((N * MH,), jnp.int32),
            pltpu.VMEM((N,), jnp.int32),
            pltpu.VMEM((N * NPAR,), jnp.float32),
        ],
    )
    def k(xt_hbm, nb_hbm, zw_hbm, out_hbm, xp, yp, zp, nb_v, zw_v, stage):
        b = lax.axis_index("s") * 2 + lax.axis_index("c")
        pltpu.sync_copy(xt_hbm.at[pl.ds((3 * b + 0) * N, N)], xp)
        pltpu.sync_copy(xt_hbm.at[pl.ds((3 * b + 1) * N, N)], yp)
        pltpu.sync_copy(xt_hbm.at[pl.ds((3 * b + 2) * N, N)], zp)
        pltpu.sync_copy(nb_hbm.at[b], nb_v)
        pltpu.sync_copy(zw_hbm.at[pl.ds(b * N, N)], zw_v)

        lanes = lax.iota(jnp.int32, LANES)
        lane_w = lanes * MH
        lane_p = lanes * NPAR

        def group_body(g, carry):
            a0 = g * LANES
            xo = xp[pl.ds(a0, LANES)]
            yo = yp[pl.ds(a0, LANES)]
            zo = zp[pl.ds(a0, LANES)]
            wbits = zw_v[pl.ds(a0, LANES)]
            gbase = g * (LANES * MH)

            def pair(ni, mbit, accs):
                xn = plsc.load_gather(xp, [ni])
                yn = plsc.load_gather(yp, [ni])
                zn = plsc.load_gather(zp, [ni])
                dx = xn - xo
                dy = yn - yo
                dz = zn - zo
                s = dx * dx + dy * dy + dz * dz
                i = lax.bitcast_convert_type(s, jnp.int32)
                i = 0x5F3759DF - lax.shift_right_arithmetic(i, 1)
                y = lax.bitcast_convert_type(i, jnp.float32)
                hs = 0.5 * s
                y = y * (1.5 - hs * y * y)
                y = y * (1.5 - hs * y * y)
                r = s * y
                rcl = jnp.minimum(r, RC)
                u = rcl * (math.pi / RC) - (0.5 * math.pi)
                u2 = u * u
                p = S0 + u2 * (S1 + u2 * (S2 + u2 * S3))
                fc = 0.5 - u * p
                a = jnp.exp(-ETA * (rcl * rcl))
                gg = jnp.exp(G_COEF * rcl)
                t = (fc * a) * mbit.astype(jnp.float32)
                new = []
                for kk in range(NPAR):
                    new.append(accs[kk] + t)
                    if kk < NPAR - 1:
                        t = t * gg
                return tuple(new)

            accs = (jnp.zeros((LANES,), jnp.float32),) * NPAR
            for mm in range(MH):
                w = plsc.load_gather(nb_v, [lane_w + (gbase + mm)])
                ni0 = jnp.bitwise_and(w, 0xFFFF)
                ni1 = lax.shift_right_logical(w, 16)
                bit0 = jnp.bitwise_and(
                    lax.shift_right_logical(wbits, mm), 1)
                bit1 = jnp.bitwise_and(
                    lax.shift_right_logical(wbits, mm + MH), 1)
                accs = pair(ni0, bit0, accs)
                accs = pair(ni1, bit1, accs)

            sbase = g * (LANES * NPAR)
            for kk in range(NPAR):
                plsc.store_scatter(
                    stage, [lane_p + (sbase + kk)], accs[kk] * C_K[kk])
            return carry

        lax.fori_loop(0, N // LANES, group_body, 0)
        pltpu.sync_copy(stage, out_hbm.at[pl.ds(b * (N * NPAR), N * NPAR)])

    return k(xt, nbp, zw)


def _bn(layer):
    cols = N * NPAR // 16

    def body(x_ref, o_ref):
        x = x_ref[...]
        mu = jnp.mean(x, axis=0, keepdims=True)
        d = x - mu
        var = jnp.mean(d * d, axis=0, keepdims=True)
        o_ref[...] = d * lax.rsqrt(var + 0.001)

    return pl.pallas_call(
        body,
        grid=(16,),
        in_specs=[pl.BlockSpec((B, cols), lambda i: (0, i))],
        out_specs=pl.BlockSpec((B, cols), lambda i: (0, i)),
        out_shape=jax.ShapeDtypeStruct((B, N * NPAR), jnp.float32),
    )(layer)


def kernel(X, Nbrs, Nbrs_Z):
    xt = jnp.transpose(X, (0, 2, 1)).reshape(B * D_FEAT * N)
    nbp = jnp.bitwise_or(
        Nbrs[:, :, :MH],
        lax.shift_left(Nbrs[:, :, MH:], 16)).reshape(B, N * MH)
    zbits = lax.shift_left(
        (Nbrs_Z != 0).astype(jnp.int32),
        jnp.arange(M, dtype=jnp.int32)[None, None, :])
    zw = jnp.sum(zbits, axis=-1).astype(jnp.int32).reshape(B * N)
    layer = _sc_layer(xt, nbp, zw)
    out = _bn(layer.reshape(B, N * NPAR))
    return out.reshape(B, N, NPAR)

# --- scband reference (transcript-rebuilt; emitter-appended) ---
"""Pipeline reference for scband-atomic-convolution-498216207041 (READ-ONLY COPY).

The authoritative reference and input builder live on the scoring server;
editing this copy changes nothing except your own understanding.
"""

import jax, jax.numpy as jnp
import numpy as np

RADIAL_PARAMS = [(12.0, 0.0, 0.04), (12.0, 1.5, 0.04), (12.0, 3.0, 0.04), (12.0, 4.5, 0.04), (12.0, 6.0, 0.04), (12.0, 7.5, 0.04), (12.0, 9.0, 0.04), (12.0, 10.5, 0.04)]

B, N, M, D_FEAT = 32, 4096, 32, 3


def setup_inputs(seed: int = 0) -> dict:
    key = jax.random.key(seed)
    k1, k2, k3 = jax.random.split(key, 3)
    X = jax.random.normal(k1, (B, N, D_FEAT), dtype=jnp.float32)
    Nbrs = jax.random.randint(k2, (B, N, M), 0, N, dtype=jnp.int32)
    # avoid self-neighbors so distances are never exactly zero (keeps sqrt grad finite)
    self_idx = jnp.arange(N, dtype=jnp.int32)[None, :, None]
    Nbrs = jnp.where(Nbrs == self_idx, (Nbrs + 1) % N, Nbrs)
    Nbrs_Z = jax.random.randint(k3, (B, N, M), 0, 10, dtype=jnp.int32)
    return {"X": X, "Nbrs": Nbrs, "Nbrs_Z": Nbrs_Z}


def reference(X, Nbrs, Nbrs_Z):
    # gather_neighbors: [B, N, M, d]
    nbr_coords = jax.vmap(lambda x, nb: x[nb])(X, Nbrs)
    # distance_tensor (boxsize=None)
    D = nbr_coords - X[:, :, None, :]
    # distance_matrix
    R = jnp.sqrt(jnp.sum(D * D, axis=3))  # [B, N, M]
    cond = Nbrs_Z != 0
    zeros = jnp.zeros_like(R)
    sym = []
    for (rc, rs, e) in RADIAL_PARAMS:
        K = jnp.exp(-e * (R - rs) ** 2)
        T = 0.5 * (jnp.cos(np.pi * R / rc) + 1.0)
        FC = jnp.where(R <= rc, T, zeros)
        rsf = K * FC
        sym.append(jnp.sum(jnp.where(cond, rsf, zeros), axis=2))
    layer = jnp.stack(sym)               # [l, B, N]
    layer = jnp.transpose(layer, (1, 2, 0))  # [B, N, l]
    m = jnp.mean(layer, axis=0)
    v = jnp.var(layer, axis=0)
    out = (layer - m) / jnp.sqrt(v + 0.001)  # tf.nn.batch_normalization, eps=0.001
    return out

if __name__ == "__main__":
    import jax
    _d = setup_inputs()
    print(jax.jit(kernel)(*tuple(_d.values())))

</pallas_src>

<mosaic_0001>
#map = affine_map<(d0, d1) -> (0)>
#map1 = affine_map<(d0, d1) -> (0, 0)>
module attributes {stable_mosaic.version = 14 : i64} {
  func.func @k(%arg0: i32, %arg1: i32, %arg2: memref<393216xf32, #tpu.memory_space<hbm>>, %arg3: memref<32x65536xi32, #tpu.memory_space<hbm>>, %arg4: memref<131072xi32, #tpu.memory_space<hbm>>, %arg5: memref<1048576xf32, #tpu.memory_space<hbm>>, %arg6: memref<4096xf32, #tpu.memory_space<vmem>>, %arg7: memref<4096xf32, #tpu.memory_space<vmem>>, %arg8: memref<4096xf32, #tpu.memory_space<vmem>>, %arg9: memref<65536xi32, #tpu.memory_space<vmem>>, %arg10: memref<4096xi32, #tpu.memory_space<vmem>>, %arg11: memref<32768xf32, #tpu.memory_space<vmem>>) attributes {dimension_semantics = [#tpu.dimension_semantics<core_parallel>, #tpu.dimension_semantics<subcore_parallel>], iteration_bounds = array<i64: 2, 16>, scalar_prefetch = 0 : i64, scratch_operands = 6 : i64, tpu.core_type = #tpu.core_type<sc_vector_subcore>, window_params = [{transform_indices = #map}, {transform_indices = #map1}, {transform_indices = #map}, {transform_indices = #map}]} {
    %mul3A = arith.constant 2 : i32
    %mul3A_0 = arith.muli %arg1, %mul3A : i32
    %add3A = arith.addi %mul3A_0, %arg0 : i32
    %mul3A_1 = arith.constant 3 : i32
    %mul3A_2 = arith.muli %mul3A_1, %add3A : i32
    %add3A_3 = arith.constant 0 : i32
    %add3A_4 = arith.addi %mul3A_2, %add3A_3 : i32
    %mul3A_5 = arith.constant 4096 : i32
    %mul3A_6 = arith.muli %add3A_4, %mul3A_5 : i32
    "tpu.region"() ({
      %run_scoped3A = tpu.sem_alloc : memref<!tpu.dma_semaphore, #tpu.memory_space<semaphore_mem>>
      %dma_start3A = tpu.memref_slice %arg2[%mul3A_6] : memref<393216xf32, #tpu.memory_space<hbm>> -> memref<4096xf32, #tpu.memory_space<hbm>>
      %dma_start3A_34 = tpu.memref_slice %arg2[%mul3A_6] : memref<393216xf32, #tpu.memory_space<hbm>> -> memref<4096xf32, #tpu.memory_space<hbm>>
      tpu.enqueue_dma source(%dma_start3A_34 : memref<4096xf32, #tpu.memory_space<hbm>>) target(%arg6 : memref<4096xf32, #tpu.memory_space<vmem>>) target_semaphore(%run_scoped3A : memref<!tpu.dma_semaphore, #tpu.memory_space<semaphore_mem>>)
      %dma_wait3A = tpu.memref_slice %arg2[%mul3A_6] : memref<393216xf32, #tpu.memory_space<hbm>> -> memref<4096xf32, #tpu.memory_space<hbm>>
      %dma_wait3A_35 = tpu.memref_slice %arg2[%mul3A_6] : memref<393216xf32, #tpu.memory_space<hbm>> -> memref<4096xf32, #tpu.memory_space<hbm>>
      tpu.wait_dma2 semaphore(%run_scoped3A : memref<!tpu.dma_semaphore, #tpu.memory_space<semaphore_mem>>) src(%dma_wait3A_35 : memref<4096xf32, #tpu.memory_space<hbm>>) dst(%arg6 : memref<4096xf32, #tpu.memory_space<vmem>>)
      tpu.yield
    }) : () -> ()
    %mul3A_7 = arith.constant 3 : i32
    %mul3A_8 = arith.muli %mul3A_7, %add3A : i32
    %add3A_9 = arith.constant 1 : i32
    %add3A_10 = arith.addi %mul3A_8, %add3A_9 : i32
    %mul3A_11 = arith.constant 4096 : i32
    %mul3A_12 = arith.muli %add3A_10, %mul3A_11 : i32
    "tpu.region"() ({
      %run_scoped3A = tpu.sem_alloc : memref<!tpu.dma_semaphore, #tpu.memory_space<semaphore_mem>>
      %dma_start3A = tpu.memref_slice %arg2[%mul3A_12] : memref<393216xf32, #tpu.memory_space<hbm>> -> memref<4096xf32, #tpu.memory_space<hbm>>
      %dma_start3A_34 = tpu.memref_slice %arg2[%mul3A_12] : memref<393216xf32, #tpu.memory_space<hbm>> -> memref<4096xf32, #tpu.memory_space<hbm>>
      tpu.enqueue_dma source(%dma_start3A_34 : memref<4096xf32, #tpu.memory_space<hbm>>) target(%arg7 : memref<4096xf32, #tpu.memory_space<vmem>>) target_semaphore(%run_scoped3A : memref<!tpu.dma_semaphore, #tpu.memory_space<semaphore_mem>>)
      %dma_wait3A = tpu.memref_slice %arg2[%mul3A_12] : memref<393216xf32, #tpu.memory_space<hbm>> -> memref<4096xf32, #tpu.memory_space<hbm>>
      %dma_wait3A_35 = tpu.memref_slice %arg2[%mul3A_12] : memref<393216xf32, #tpu.memory_space<hbm>> -> memref<4096xf32, #tpu.memory_space<hbm>>
      tpu.wait_dma2 semaphore(%run_scoped3A : memref<!tpu.dma_semaphore, #tpu.memory_space<semaphore_mem>>) src(%dma_wait3A_35 : memref<4096xf32, #tpu.memory_space<hbm>>) dst(%arg7 : memref<4096xf32, #tpu.memory_space<vmem>>)
      tpu.yield
    }) : () -> ()
    %mul3A_13 = arith.constant 3 : i32
    %mul3A_14 = arith.muli %mul3A_13, %add3A : i32
    %add3A_15 = arith.constant 2 : i32
    %add3A_16 = arith.addi %mul3A_14, %add3A_15 : i32
    %mul3A_17 = arith.constant 4096 : i32
    %mul3A_18 = arith.muli %add3A_16, %mul3A_17 : i32
    "tpu.region"() ({
      %run_scoped3A = tpu.sem_alloc : memref<!tpu.dma_semaphore, #tpu.memory_space<semaphore_mem>>
      %dma_start3A = tpu.memref_slice %arg2[%mul3A_18] : memref<393216xf32, #tpu.memory_space<hbm>> -> memref<4096xf32, #tpu.memory_space<hbm>>
      %dma_start3A_34 = tpu.memref_slice %arg2[%mul3A_18] : memref<393216xf32, #tpu.memory_space<hbm>> -> memref<4096xf32, #tpu.memory_space<hbm>>
      tpu.enqueue_dma source(%dma_start3A_34 : memref<4096xf32, #tpu.memory_space<hbm>>) target(%arg8 : memref<4096xf32, #tpu.memory_space<vmem>>) target_semaphore(%run_scoped3A : memref<!tpu.dma_semaphore, #tpu.memory_space<semaphore_mem>>)
      %dma_wait3A = tpu.memref_slice %arg2[%mul3A_18] : memref<393216xf32, #tpu.memory_space<hbm>> -> memref<4096xf32, #tpu.memory_space<hbm>>
      %dma_wait3A_35 = tpu.memref_slice %arg2[%mul3A_18] : memref<393216xf32, #tpu.memory_space<hbm>> -> memref<4096xf32, #tpu.memory_space<hbm>>
      tpu.wait_dma2 semaphore(%run_scoped3A : memref<!tpu.dma_semaphore, #tpu.memory_space<semaphore_mem>>) src(%dma_wait3A_35 : memref<4096xf32, #tpu.memory_space<hbm>>) dst(%arg8 : memref<4096xf32, #tpu.memory_space<vmem>>)
      tpu.yield
    }) : () -> ()
    "tpu.region"() ({
      %run_scoped3A = tpu.sem_alloc : memref<!tpu.dma_semaphore, #tpu.memory_space<semaphore_mem>>
      %dma_start3A = arith.constant 0 : i32
      %dma_start3A_34 = tpu.memref_slice %arg3[%add3A, %dma_start3A] : memref<32x65536xi32, #tpu.memory_space<hbm>> -> memref<1x65536xi32, #tpu.memory_space<hbm>>
      %dma_start3A_35 = tpu.memref_squeeze %dma_start3A_34 : memref<1x65536xi32, #tpu.memory_space<hbm>> -> memref<65536xi32, #tpu.memory_space<hbm>>
      %dma_start3A_36 = arith.constant 0 : i32
      %dma_start3A_37 = tpu.memref_slice %arg3[%add3A, %dma_start3A_36] : memref<32x65536xi32, #tpu.memory_space<hbm>> -> memref<1x65536xi32, #tpu.memory_space<hbm>>
      %dma_start3A_38 = tpu.memref_squeeze %dma_start3A_37 : memref<1x65536xi32, #tpu.memory_space<hbm>> -> memref<65536xi32, #tpu.memory_space<hbm>>
      tpu.enqueue_dma source(%dma_start3A_38 : memref<65536xi32, #tpu.memory_space<hbm>>) target(%arg9 : memref<65536xi32, #tpu.memory_space<vmem>>) target_semaphore(%run_scoped3A : memref<!tpu.dma_semaphore, #tpu.memory_space<semaphore_mem>>)
      %dma_wait3A = arith.constant 0 : i32
      %dma_wait3A_39 = tpu.memref_slice %arg3[%add3A, %dma_wait3A] : memref<32x65536xi32, #tpu.memory_space<hbm>> -> memref<1x65536xi32, #tpu.memory_space<hbm>>
      %dma_wait3A_40 = tpu.memref_squeeze %dma_wait3A_39 : memref<1x65536xi32, #tpu.memory_space<hbm>> -> memref<65536xi32, #tpu.memory_space<hbm>>
      %dma_wait3A_41 = arith.constant 0 : i32
      %dma_wait3A_42 = tpu.memref_slice %arg3[%add3A, %dma_wait3A_41] : memref<32x65536xi32, #tpu.memory_space<hbm>> -> memref<1x65536xi32, #tpu.memory_space<hbm>>
      %dma_wait3A_43 = tpu.memref_squeeze %dma_wait3A_42 : memref<1x65536xi32, #tpu.memory_space<hbm>> -> memref<65536xi32, #tpu.memory_space<hbm>>
      tpu.wait_dma2 semaphore(%run_scoped3A : memref<!tpu.dma_semaphore, #tpu.memory_space<semaphore_mem>>) src(%dma_wait3A_43 : memref<65536xi32, #tpu.memory_space<hbm>>) dst(%arg9 : memref<65536xi32, #tpu.memory_space<vmem>>)
      tpu.yield
    }) : () -> ()
    %mul3A_19 = arith.constant 4096 : i32
    %mul3A_20 = arith.muli %add3A, %mul3A_19 : i32
    "tpu.region"() ({
      %run_scoped3A = tpu.sem_alloc : memref<!tpu.dma_semaphore, #tpu.memory_space<semaphore_mem>>
      %dma_start3A = tpu.memref_slice %arg4[%mul3A_20] : memref<131072xi32, #tpu.memory_space<hbm>> -> memref<4096xi32, #tpu.memory_space<hbm>>
      %dma_start3A_34 = tpu.memref_slice %arg4[%mul3A_20] : memref<131072xi32, #tpu.memory_space<hbm>> -> memref<4096xi32, #tpu.memory_space<hbm>>
      tpu.enqueue_dma source(%dma_start3A_34 : memref<4096xi32, #tpu.memory_space<hbm>>) target(%arg10 : memref<4096xi32, #tpu.memory_space<vmem>>) target_semaphore(%run_scoped3A : memref<!tpu.dma_semaphore, #tpu.memory_space<semaphore_mem>>)
      %dma_wait3A = tpu.memref_slice %arg4[%mul3A_20] : memref<131072xi32, #tpu.memory_space<hbm>> -> memref<4096xi32, #tpu.memory_space<hbm>>
      %dma_wait3A_35 = tpu.memref_slice %arg4[%mul3A_20] : memref<131072xi32, #tpu.memory_space<hbm>> -> memref<4096xi32, #tpu.memory_space<hbm>>
      tpu.wait_dma2 semaphore(%run_scoped3A : memref<!tpu.dma_semaphore, #tpu.memory_space<semaphore_mem>>) src(%dma_wait3A_35 : memref<4096xi32, #tpu.memory_space<hbm>>) dst(%arg10 : memref<4096xi32, #tpu.memory_space<vmem>>)
      tpu.yield
    }) : () -> ()
    %iota3A = tpu.iota {dimensions = array<i32: 0>} : vector<16xi32>
    %mul3A_21 = arith.constant 16 : i32
    %mul3A_22 = vector.broadcast %mul3A_21 : i32 to vector<16xi32>
    %mul3A_23 = arith.muli %iota3A, %mul3A_22 : vector<16xi32>
    %mul3A_24 = arith.constant 8 : i32
    %mul3A_25 = vector.broadcast %mul3A_24 : i32 to vector<16xi32>
    %mul3A_26 = arith.muli %iota3A, %mul3A_25 : vector<16xi32>
    %scan3A = arith.constant 0 : i32
    %scan3A_27 = arith.constant 0 : i32
    %scan3A_28 = arith.constant 256 : i32
    %scan3A_29 = arith.addi %scan3A_27, %scan3A_28 : i32
    %scan3A_30 = arith.constant 1 : i32
    scf.for %scan3A_34 = %scan3A_27 to %scan3A_29 step %scan3A_30  : i32 {
      %mul3A_35 = arith.constant 16 : i32
      %mul3A_36 = arith.muli %scan3A_34, %mul3A_35 : i32
      %get3A = arith.index_cast %mul3A_36 : i32 to index
      %get3A_37 = tpu.vector_load %arg6[%get3A] {strides = array<i32>} : memref<4096xf32, #tpu.memory_space<vmem>>, vector<16xf32>,
      %get3A_38 = arith.index_cast %mul3A_36 : i32 to index
      %get3A_39 = tpu.vector_load %arg7[%get3A_38] {strides = array<i32>} : memref<4096xf32, #tpu.memory_space<vmem>>, vector<16xf32>,
      %get3A_40 = arith.index_cast %mul3A_36 : i32 to index
      %get3A_41 = tpu.vector_load %arg8[%get3A_40] {strides = array<i32>} : memref<4096xf32, #tpu.memory_space<vmem>>, vector<16xf32>,
      %get3A_42 = arith.index_cast %mul3A_36 : i32 to index
      %get3A_43 = tpu.vector_load %arg10[%get3A_42] {strides = array<i32>} : memref<4096xi32, #tpu.memory_space<vmem>>, vector<16xi32>,
      %mul3A_44 = arith.constant 256 : i32
      %mul3A_45 = arith.muli %scan3A_34, %mul3A_44 : i32
      %broadcast_in_dim3A = arith.constant 0.000000e+00 : f32
      %broadcast_in_dim3A_46 = vector.broadcast %broadcast_in_dim3A : f32 to vector<16xf32>
      %add3A_47 = arith.constant 0 : i32
      %add3A_48 = arith.addi %mul3A_45, %add3A_47 : i32
      %add3A_49 = vector.broadcast %add3A_48 : i32 to vector<16xi32>
      %add3A_50 = arith.addi %mul3A_23, %add3A_49 : vector<16xi32>
      %gather3A = tpu.vector_load_idx %arg9[%add3A_50] : memref<65536xi32, #tpu.memory_space<vmem>>[vector<16xi32>], vector<16xi32>,
      %and3A = arith.constant 65535 : i32
      %and3A_51 = vector.broadcast %and3A : i32 to vector<16xi32>
      %and3A_52 = arith.andi %gather3A, %and3A_51 : vector<16xi32>
      %shift_right_logical3A = arith.constant 16 : i32
      %shift_right_logical3A_53 = vector.broadcast %shift_right_logical3A : i32 to vector<16xi32>
      %shift_right_logical3A_54 = arith.shrui %gather3A, %shift_right_logical3A_53 : vector<16xi32>
      %shift_right_logical3A_55 = arith.constant 0 : i32
      %shift_right_logical3A_56 = vector.broadcast %shift_right_logical3A_55 : i32 to vector<16xi32>
      %shift_right_logical3A_57 = arith.shrui %get3A_43, %shift_right_logical3A_56 : vector<16xi32>
      %and3A_58 = arith.constant 1 : i32
      %and3A_59 = vector.broadcast %and3A_58 : i32 to vector<16xi32>
      %and3A_60 = arith.andi %shift_right_logical3A_57, %and3A_59 : vector<16xi32>
      %shift_right_logical3A_61 = arith.constant 16 : i32
      %shift_right_logical3A_62 = vector.broadcast %shift_right_logical3A_61 : i32 to vector<16xi32>
      %shift_right_logical3A_63 = arith.shrui %get3A_43, %shift_right_logical3A_62 : vector<16xi32>
      %and3A_64 = arith.constant 1 : i32
      %and3A_65 = vector.broadcast %and3A_64 : i32 to vector<16xi32>
      %and3A_66 = arith.andi %shift_right_logical3A_63, %and3A_65 : vector<16xi32>
      %gather3A_67 = tpu.vector_load_idx %arg6[%and3A_52] : memref<4096xf32, #tpu.memory_space<vmem>>[vector<16xi32>], vector<16xf32>,
      %gather3A_68 = tpu.vector_load_idx %arg7[%and3A_52] : memref<4096xf32, #tpu.memory_space<vmem>>[vector<16xi32>], vector<16xf32>,
      %gather3A_69 = tpu.vector_load_idx %arg8[%and3A_52] : memref<4096xf32, #tpu.memory_space<vmem>>[vector<16xi32>], vector<16xf32>,
      %sub3A = arith.subf %gather3A_67, %get3A_37 : vector<16xf32>
      %sub3A_70 = arith.subf %gather3A_68, %get3A_39 : vector<16xf32>
      %sub3A_71 = arith.subf %gather3A_69, %get3A_41 : vector<16xf32>
      %mul3A_72 = arith.mulf %sub3A, %sub3A : vector<16xf32>
      %mul3A_73 = arith.mulf %sub3A_70, %sub3A_70 : vector<16xf32>
      %add3A_74 = arith.addf %mul3A_72, %mul3A_73 : vector<16xf32>
      %mul3A_75 = arith.mulf %sub3A_71, %sub3A_71 : vector<16xf32>
      %add3A_76 = arith.addf %add3A_74, %mul3A_75 : vector<16xf32>
      %bitcast_convert_type3A = tpu.bitcast %add3A_76 : vector<16xf32> -> vector<16xi32>
      %shift_right_arithmetic3A = arith.constant 1 : i32
      %shift_right_arithmetic3A_77 = vector.broadcast %shift_right_arithmetic3A : i32 to vector<16xi32>
      %shift_right_arithmetic3A_78 = arith.shrsi %bitcast_convert_type3A, %shift_right_arithmetic3A_77 : vector<16xi32>
      %sub3A_79 = arith.constant 1597463007 : i32
      %sub3A_80 = vector.broadcast %sub3A_79 : i32 to vector<16xi32>
      %sub3A_81 = arith.subi %sub3A_80, %shift_right_arithmetic3A_78 : vector<16xi32>
      %bitcast_convert_type3A_82 = tpu.bitcast %sub3A_81 : vector<16xi32> -> vector<16xf32>
      %mul3A_83 = arith.constant 5.000000e-01 : f32
      %mul3A_84 = vector.broadcast %mul3A_83 : f32 to vector<16xf32>
      %mul3A_85 = arith.mulf %mul3A_84, %add3A_76 : vector<16xf32>
      %mul3A_86 = arith.mulf %mul3A_85, %bitcast_convert_type3A_82 : vector<16xf32>
      %mul3A_87 = arith.mulf %mul3A_86, %bitcast_convert_type3A_82 : vector<16xf32>
      %sub3A_88 = arith.constant 1.500000e+00 : f32
      %sub3A_89 = vector.broadcast %sub3A_88 : f32 to vector<16xf32>
      %sub3A_90 = arith.subf %sub3A_89, %mul3A_87 : vector<16xf32>
      %mul3A_91 = arith.mulf %bitcast_convert_type3A_82, %sub3A_90 : vector<16xf32>
      %mul3A_92 = arith.mulf %mul3A_85, %mul3A_91 : vector<16xf32>
      %mul3A_93 = arith.mulf %mul3A_92, %mul3A_91 : vector<16xf32>
      %sub3A_94 = arith.constant 1.500000e+00 : f32
      %sub3A_95 = vector.broadcast %sub3A_94 : f32 to vector<16xf32>
      %sub3A_96 = arith.subf %sub3A_95, %mul3A_93 : vector<16xf32>
      %mul3A_97 = arith.mulf %mul3A_91, %sub3A_96 : vector<16xf32>
      %mul3A_98 = arith.mulf %add3A_76, %mul3A_97 : vector<16xf32>
      %min3A = arith.constant 1.200000e+01 : f32
      %min3A_99 = vector.broadcast %min3A : f32 to vector<16xf32>
      %min3A_100 = arith.minimumf %mul3A_98, %min3A_99 : vector<16xf32>
      %mul3A_101 = arith.constant 0.261799395 : f32
      %mul3A_102 = vector.broadcast %mul3A_101 : f32 to vector<16xf32>
      %mul3A_103 = arith.mulf %min3A_100, %mul3A_102 : vector<16xf32>
      %sub3A_104 = arith.constant 1.57079637 : f32
      %sub3A_105 = vector.broadcast %sub3A_104 : f32 to vector<16xf32>
      %sub3A_106 = arith.subf %mul3A_103, %sub3A_105 : vector<16xf32>
      %mul3A_107 = arith.mulf %sub3A_106, %sub3A_106 : vector<16xf32>
      %mul3A_108 = arith.constant -9.26172433E-5 : f32
      %mul3A_109 = vector.broadcast %mul3A_108 : f32 to vector<16xf32>
      %mul3A_110 = arith.mulf %mul3A_107, %mul3A_109 : vector<16xf32>
      %add3A_111 = arith.constant 0.00415661279 : f32
      %add3A_112 = vector.broadcast %add3A_111 : f32 to vector<16xf32>
      %add3A_113 = arith.addf %add3A_112, %mul3A_110 : vector<16xf32>
      %mul3A_114 = arith.mulf %mul3A_107, %add3A_113 : vector<16xf32>
      %add3A_115 = arith.constant -0.083328396 : f32
      %add3A_116 = vector.broadcast %add3A_115 : f32 to vector<16xf32>
      %add3A_117 = arith.addf %add3A_116, %mul3A_114 : vector<16xf32>
      %mul3A_118 = arith.mulf %mul3A_107, %add3A_117 : vector<16xf32>
      %add3A_119 = arith.constant 0.499999613 : f32
      %add3A_120 = vector.broadcast %add3A_119 : f32 to vector<16xf32>
      %add3A_121 = arith.addf %add3A_120, %mul3A_118 : vector<16xf32>
      %mul3A_122 = arith.mulf %sub3A_106, %add3A_121 : vector<16xf32>
      %sub3A_123 = arith.constant 5.000000e-01 : f32
      %sub3A_124 = vector.broadcast %sub3A_123 : f32 to vector<16xf32>
      %sub3A_125 = arith.subf %sub3A_124, %mul3A_122 : vector<16xf32>
      %mul3A_126 = arith.mulf %min3A_100, %min3A_100 : vector<16xf32>
      %mul3A_127 = arith.constant -4.000000e-02 : f32
      %mul3A_128 = vector.broadcast %mul3A_127 : f32 to vector<16xf32>
      %mul3A_129 = arith.mulf %mul3A_128, %mul3A_126 : vector<16xf32>
      %exp3A = math.exp %mul3A_129 : vector<16xf32>
      %mul3A_130 = arith.constant 1.200000e-01 : f32
      %mul3A_131 = vector.broadcast %mul3A_130 : f32 to vector<16xf32>
      %mul3A_132 = arith.mulf %mul3A_131, %min3A_100 : vector<16xf32>
      %exp3A_133 = math.exp %mul3A_132 : vector<16xf32>
      %mul3A_134 = arith.mulf %sub3A_125, %exp3A : vector<16xf32>
      %convert_element_type3A = arith.sitofp %and3A_60 : vector<16xi32> to vector<16xf32>
      %mul3A_135 = arith.mulf %mul3A_134, %convert_element_type3A : vector<16xf32>
      %add3A_136 = arith.addf %broadcast_in_dim3A_46, %mul3A_135 : vector<16xf32>
      %mul3A_137 = arith.mulf %mul3A_135, %exp3A_133 : vector<16xf32>
      %add3A_138 = arith.addf %broadcast_in_dim3A_46, %mul3A_137 : vector<16xf32>
      %mul3A_139 = arith.mulf %mul3A_137, %exp3A_133 : vector<16xf32>
      %add3A_140 = arith.addf %broadcast_in_dim3A_46, %mul3A_139 : vector<16xf32>
      %mul3A_141 = arith.mulf %mul3A_139, %exp3A_133 : vector<16xf32>
      %add3A_142 = arith.addf %broadcast_in_dim3A_46, %mul3A_141 : vector<16xf32>
      %mul3A_143 = arith.mulf %mul3A_141, %exp3A_133 : vector<16xf32>
      %add3A_144 = arith.addf %broadcast_in_dim3A_46, %mul3A_143 : vector<16xf32>
      %mul3A_145 = arith.mulf %mul3A_143, %exp3A_133 : vector<16xf32>
      %add3A_146 = arith.addf %broadcast_in_dim3A_46, %mul3A_145 : vector<16xf32>
      %mul3A_147 = arith.mulf %mul3A_145, %exp3A_133 : vector<16xf32>
      %add3A_148 = arith.addf %broadcast_in_dim3A_46, %mul3A_147 : vector<16xf32>
      %mul3A_149 = arith.mulf %mul3A_147, %exp3A_133 : vector<16xf32>
      %add3A_150 = arith.addf %broadcast_in_dim3A_46, %mul3A_149 : vector<16xf32>
      %gather3A_151 = tpu.vector_load_idx %arg6[%shift_right_logical3A_54] : memref<4096xf32, #tpu.memory_space<vmem>>[vector<16xi32>], vector<16xf32>,
      %gather3A_152 = tpu.vector_load_idx %arg7[%shift_right_logical3A_54] : memref<4096xf32, #tpu.memory_space<vmem>>[vector<16xi32>], vector<16xf32>,
      %gather3A_153 = tpu.vector_load_idx %arg8[%shift_right_logical3A_54] : memref<4096xf32, #tpu.memory_space<vmem>>[vector<16xi32>], vector<16xf32>,
      %sub3A_154 = arith.subf %gather3A_151, %get3A_37 : vector<16xf32>
      %sub3A_155 = arith.subf %gather3A_152, %get3A_39 : vector<16xf32>
      %sub3A_156 = arith.subf %gather3A_153, %get3A_41 : vector<16xf32>
      %mul3A_157 = arith.mulf %sub3A_154, %sub3A_154 : vector<16xf32>
      %mul3A_158 = arith.mulf %sub3A_155, %sub3A_155 : vector<16xf32>
      %add3A_159 = arith.addf %mul3A_157, %mul3A_158 : vector<16xf32>
      %mul3A_160 = arith.mulf %sub3A_156, %sub3A_156 : vector<16xf32>
      %add3A_161 = arith.addf %add3A_159, %mul3A_160 : vector<16xf32>
      %bitcast_convert_type3A_162 = tpu.bitcast %add3A_161 : vector<16xf32> -> vector<16xi32>
      %shift_right_arithmetic3A_163 = arith.constant 1 : i32
      %shift_right_arithmetic3A_164 = vector.broadcast %shift_right_arithmetic3A_163 : i32 to vector<16xi32>
      %shift_right_arithmetic3A_165 = arith.shrsi %bitcast_convert_type3A_162, %shift_right_arithmetic3A_164 : vector<16xi32>
      %sub3A_166 = arith.constant 1597463007 : i32
      %sub3A_167 = vector.broadcast %sub3A_166 : i32 to vector<16xi32>
      %sub3A_168 = arith.subi %sub3A_167, %shift_right_arithmetic3A_165 : vector<16xi32>
      %bitcast_convert_type3A_169 = tpu.bitcast %sub3A_168 : vector<16xi32> -> vector<16xf32>
      %mul3A_170 = arith.constant 5.000000e-01 : f32
      %mul3A_171 = vector.broadcast %mul3A_170 : f32 to vector<16xf32>
      %mul3A_172 = arith.mulf %mul3A_171, %add3A_161 : vector<16xf32>
      %mul3A_173 = arith.mulf %mul3A_172, %bitcast_convert_type3A_169 : vector<16xf32>
      %mul3A_174 = arith.mulf %mul3A_173, %bitcast_convert_type3A_169 : vector<16xf32>
      %sub3A_175 = arith.constant 1.500000e+00 : f32
      %sub3A_176 = vector.broadcast %sub3A_175 : f32 to vector<16xf32>
      %sub3A_177 = arith.subf %sub3A_176, %mul3A_174 : vector<16xf32>
      %mul3A_178 = arith.mulf %bitcast_convert_type3A_169, %sub3A_177 : vector<16xf32>
      %mul3A_179 = arith.mulf %mul3A_172, %mul3A_178 : vector<16xf32>
      %mul3A_180 = arith.mulf %mul3A_179, %mul3A_178 : vector<16xf32>
      %sub3A_181 = arith.constant 1.500000e+00 : f32
      %sub3A_182 = vector.broadcast %sub3A_181 : f32 to vector<16xf32>
      %sub3A_183 = arith.subf %sub3A_182, %mul3A_180 : vector<16xf32>
      %mul3A_184 = arith.mulf %mul3A_178, %sub3A_183 : vector<16xf32>
      %mul3A_185 = arith.mulf %add3A_161, %mul3A_184 : vector<16xf32>
      %min3A_186 = arith.constant 1.200000e+01 : f32
      %min3A_187 = vector.broadcast %min3A_186 : f32 to vector<16xf32>
      %min3A_188 = arith.minimumf %mul3A_185, %min3A_187 : vector<16xf32>
      %mul3A_189 = arith.constant 0.261799395 : f32
      %mul3A_190 = vector.broadcast %mul3A_189 : f32 to vector<16xf32>
      %mul3A_191 = arith.mulf %min3A_188, %mul3A_190 : vector<16xf32>
      %sub3A_192 = arith.constant 1.57079637 : f32
      %sub3A_193 = vector.broadcast %sub3A_192 : f32 to vector<16xf32>
      %sub3A_194 = arith.subf %mul3A_191, %sub3A_193 : vector<16xf32>
      %mul3A_195 = arith.mulf %sub3A_194, %sub3A_194 : vector<16xf32>
      %mul3A_196 = arith.constant -9.26172433E-5 : f32
      %mul3A_197 = vector.broadcast %mul3A_196 : f32 to vector<16xf32>
      %mul3A_198 = arith.mulf %mul3A_195, %mul3A_197 : vector<16xf32>
      %add3A_199 = arith.constant 0.00415661279 : f32
      %add3A_200 = vector.broadcast %add3A_199 : f32 to vector<16xf32>
      %add3A_201 = arith.addf %add3A_200, %mul3A_198 : vector<16xf32>
      %mul3A_202 = arith.mulf %mul3A_195, %add3A_201 : vector<16xf32>
      %add3A_203 = arith.constant -0.083328396 : f32
      %add3A_204 = vector.broadcast %add3A_203 : f32 to vector<16xf32>
      %add3A_205 = arith.addf %add3A_204, %mul3A_202 : vector<16xf32>
      %mul3A_206 = arith.mulf %mul3A_195, %add3A_205 : vector<16xf32>
      %add3A_207 = arith.constant 0.499999613 : f32
      %add3A_208 = vector.broadcast %add3A_207 : f32 to vector<16xf32>
      %add3A_209 = arith.addf %add3A_208, %mul3A_206 : vector<16xf32>
      %mul3A_210 = arith.mulf %sub3A_194, %add3A_209 : vector<16xf32>
      %sub3A_211 = arith.constant 5.000000e-01 : f32
      %sub3A_212 = vector.broadcast %sub3A_211 : f32 to vector<16xf32>
      %sub3A_213 = arith.subf %sub3A_212, %mul3A_210 : vector<16xf32>
      %mul3A_214 = arith.mulf %min3A_188, %min3A_188 : vector<16xf32>
      %mul3A_215 = arith.constant -4.000000e-02 : f32
      %mul3A_216 = vector.broadcast %mul3A_215 : f32 to vector<16xf32>
      %mul3A_217 = arith.mulf %mul3A_216, %mul3A_214 : vector<16xf32>
      %exp3A_218 = math.exp %mul3A_217 : vector<16xf32>
      %mul3A_219 = arith.constant 1.200000e-01 : f32
      %mul3A_220 = vector.broadcast %mul3A_219 : f32 to vector<16xf32>
      %mul3A_221 = arith.mulf %mul3A_220, %min3A_188 : vector<16xf32>
      %exp3A_222 = math.exp %mul3A_221 : vector<16xf32>
      %mul3A_223 = arith.mulf %sub3A_213, %exp3A_218 : vector<16xf32>
      %convert_element_type3A_224 = arith.sitofp %and3A_66 : vector<16xi32> to vector<16xf32>
      %mul3A_225 = arith.mulf %mul3A_223, %convert_element_type3A_224 : vector<16xf32>
      %add3A_226 = arith.addf %add3A_136, %mul3A_225 : vector<16xf32>
      %mul3A_227 = arith.mulf %mul3A_225, %exp3A_222 : vector<16xf32>
      %add3A_228 = arith.addf %add3A_138, %mul3A_227 : vector<16xf32>
      %mul3A_229 = arith.mulf %mul3A_227, %exp3A_222 : vector<16xf32>
      %add3A_230 = arith.addf %add3A_140, %mul3A_229 : vector<16xf32>
      %mul3A_231 = arith.mulf %mul3A_229, %exp3A_222 : vector<16xf32>
      %add3A_232 = arith.addf %add3A_142, %mul3A_231 : vector<16xf32>
      %mul3A_233 = arith.mulf %mul3A_231, %exp3A_222 : vector<16xf32>
      %add3A_234 = arith.addf %add3A_144, %mul3A_233 : vector<16xf32>
      %mul3A_235 = arith.mulf %mul3A_233, %exp3A_222 : vector<16xf32>
      %add3A_236 = arith.addf %add3A_146, %mul3A_235 : vector<16xf32>
      %mul3A_237 = arith.mulf %mul3A_235, %exp3A_222 : vector<16xf32>
      %add3A_238 = arith.addf %add3A_148, %mul3A_237 : vector<16xf32>
      %mul3A_239 = arith.mulf %mul3A_237, %exp3A_222 : vector<16xf32>
      %add3A_240 = arith.addf %add3A_150, %mul3A_239 : vector<16xf32>
      %add3A_241 = arith.constant 1 : i32
      %add3A_242 = arith.addi %mul3A_45, %add3A_241 : i32
      %add3A_243 = vector.broadcast %add3A_242 : i32 to vector<16xi32>
      %add3A_244 = arith.addi %mul3A_23, %add3A_243 : vector<16xi32>
      %gather3A_245 = tpu.vector_load_idx %arg9[%add3A_244] : memref<65536xi32, #tpu.memory_space<vmem>>[vector<16xi32>], vector<16xi32>,
      %and3A_246 = arith.constant 65535 : i32
      %and3A_247 = vector.broadcast %and3A_246 : i32 to vector<16xi32>
      %and3A_248 = arith.andi %gather3A_245, %and3A_247 : vector<16xi32>
      %shift_right_logical3A_249 = arith.constant 16 : i32
      %shift_right_logical3A_250 = vector.broadcast %shift_right_logical3A_249 : i32 to vector<16xi32>
      %shift_right_logical3A_251 = arith.shrui %gather3A_245, %shift_right_logical3A_250 : vector<16xi32>
      %shift_right_logical3A_252 = arith.constant 1 : i32
      %shift_right_logical3A_253 = vector.broadcast %shift_right_logical3A_252 : i32 to vector<16xi32>
      %shift_right_logical3A_254 = arith.shrui %get3A_43, %shift_right_logical3A_253 : vector<16xi32>
      %and3A_255 = arith.constant 1 : i32
      %and3A_256 = vector.broadcast %and3A_255 : i32 to vector<16xi32>
      %and3A_257 = arith.andi %shift_right_logical3A_254, %and3A_256 : vector<16xi32>
      %shift_right_logical3A_258 = arith.constant 17 : i32
      %shift_right_logical3A_259 = vector.broadcast %shift_right_logical3A_258 : i32 to vector<16xi32>
      %shift_right_logical3A_260 = arith.shrui %get3A_43, %shift_right_logical3A_259 : vector<16xi32>
      %and3A_261 = arith.constant 1 : i32
      %and3A_262 = vector.broadcast %and3A_261 : i32 to vector<16xi32>
      %and3A_263 = arith.andi %shift_right_logical3A_260, %and3A_262 : vector<16xi32>
      %gather3A_264 = tpu.vector_load_idx %arg6[%and3A_248] : memref<4096xf32, #tpu.memory_space<vmem>>[vector<16xi32>], vector<16xf32>,
      %gather3A_265 = tpu.vector_load_idx %arg7[%and3A_248] : memref<4096xf32, #tpu.memory_space<vmem>>[vector<16xi32>], vector<16xf32>,
      %gather3A_266 = tpu.vector_load_idx %arg8[%and3A_248] : memref<4096xf32, #tpu.memory_space<vmem>>[vector<16xi32>], vector<16xf32>,
      %sub3A_267 = arith.subf %gather3A_264, %get3A_37 : vector<16xf32>
      %sub3A_268 = arith.subf %gather3A_265, %get3A_39 : vector<16xf32>
      %sub3A_269 = arith.subf %gather3A_266, %get3A_41 : vector<16xf32>
      %mul3A_270 = arith.mulf %sub3A_267, %sub3A_267 : vector<16xf32>
      %mul3A_271 = arith.mulf %sub3A_268, %sub3A_268 : vector<16xf32>
      %add3A_272 = arith.addf %mul3A_270, %mul3A_271 : vector<16xf32>
      %mul3A_273 = arith.mulf %sub3A_269, %sub3A_269 : vector<16xf32>
      %add3A_274 = arith.addf %add3A_272, %mul3A_273 : vector<16xf32>
      %bitcast_convert_type3A_275 = tpu.bitcast %add3A_274 : vector<16xf32> -> vector<16xi32>
      %shift_right_arithmetic3A_276 = arith.constant 1 : i32
      %shift_right_arithmetic3A_277 = vector.broadcast %shift_right_arithmetic3A_276 : i32 to vector<16xi32>
      %shift_right_arithmetic3A_278 = arith.shrsi %bitcast_convert_type3A_275, %shift_right_arithmetic3A_277 : vector<16xi32>
      %sub3A_279 = arith.constant 1597463007 : i32
      %sub3A_280 = vector.broadcast %sub3A_279 : i32 to vector<16xi32>
      %sub3A_281 = arith.subi %sub3A_280, %shift_right_arithmetic3A_278 : vector<16xi32>
      %bitcast_convert_type3A_282 = tpu.bitcast %sub3A_281 : vector<16xi32> -> vector<16xf32>
      %mul3A_283 = arith.constant 5.000000e-01 : f32
      %mul3A_284 = vector.broadcast %mul3A_283 : f32 to vector<16xf32>
      %mul3A_285 = arith.mulf %mul3A_284, %add3A_274 : vector<16xf32>
      %mul3A_286 = arith.mulf %mul3A_285, %bitcast_convert_type3A_282 : vector<16xf32>
      %mul3A_287 = arith.mulf %mul3A_286, %bitcast_convert_type3A_282 : vector<16xf32>
      %sub3A_288 = arith.constant 1.500000e+00 : f32
      %sub3A_289 = vector.broadcast %sub3A_288 : f32 to vector<16xf32>
      %sub3A_290 = arith.subf %sub3A_289, %mul3A_287 : vector<16xf32>
      %mul3A_291 = arith.mulf %bitcast_convert_type3A_282, %sub3A_290 : vector<16xf32>
      %mul3A_292 = arith.mulf %mul3A_285, %mul3A_291 : vector<16xf32>
      %mul3A_293 = arith.mulf %mul3A_292, %mul3A_291 : vector<16xf32>
      %sub3A_294 = arith.constant 1.500000e+00 : f32
      %sub3A_295 = vector.broadcast %sub3A_294 : f32 to vector<16xf32>
      %sub3A_296 = arith.subf %sub3A_295, %mul3A_293 : vector<16xf32>
      %mul3A_297 = arith.mulf %mul3A_291, %sub3A_296 : vector<16xf32>
      %mul3A_298 = arith.mulf %add3A_274, %mul3A_297 : vector<16xf32>
      %min3A_299 = arith.constant 1.200000e+01 : f32
      %min3A_300 = vector.broadcast %min3A_299 : f32 to vector<16xf32>
      %min3A_301 = arith.minimumf %mul3A_298, %min3A_300 : vector<16xf32>
      %mul3A_302 = arith.constant 0.261799395 : f32
      %mul3A_303 = vector.broadcast %mul3A_302 : f32 to vector<16xf32>
      %mul3A_304 = arith.mulf %min3A_301, %mul3A_303 : vector<16xf32>
      %sub3A_305 = arith.constant 1.57079637 : f32
      %sub3A_306 = vector.broadcast %sub3A_305 : f32 to vector<16xf32>
      %sub3A_307 = arith.subf %mul3A_304, %sub3A_306 : vector<16xf32>
      %mul3A_308 = arith.mulf %sub3A_307, %sub3A_307 : vector<16xf32>
      %mul3A_309 = arith.constant -9.26172433E-5 : f32
      %mul3A_310 = vector.broadcast %mul3A_309 : f32 to vector<16xf32>
      %mul3A_311 = arith.mulf %mul3A_308, %mul3A_310 : vector<16xf32>
      %add3A_312 = arith.constant 0.00415661279 : f32
      %add3A_313 = vector.broadcast %add3A_312 : f32 to vector<16xf32>
      %add3A_314 = arith.addf %add3A_313, %mul3A_311 : vector<16xf32>
      %mul3A_315 = arith.mulf %mul3A_308, %add3A_314 : vector<16xf32>
      %add3A_316 = arith.constant -0.083328396 : f32
      %add3A_317 = vector.broadcast %add3A_316 : f32 to vector<16xf32>
      %add3A_318 = arith.addf %add3A_317, %mul3A_315 : vector<16xf32>
      %mul3A_319 = arith.mulf %mul3A_308, %add3A_318 : vector<16xf32>
      %add3A_320 = arith.constant 0.499999613 : f32
      %add3A_321 = vector.broadcast %add3A_320 : f32 to vector<16xf32>
      %add3A_322 = arith.addf %add3A_321, %mul3A_319 : vector<16xf32>
      %mul3A_323 = arith.mulf %sub3A_307, %add3A_322 : vector<16xf32>
      %sub3A_324 = arith.constant 5.000000e-01 : f32
      %sub3A_325 = vector.broadcast %sub3A_324 : f32 to vector<16xf32>
      %sub3A_326 = arith.subf %sub3A_325, %mul3A_323 : vector<16xf32>
      %mul3A_327 = arith.mulf %min3A_301, %min3A_301 : vector<16xf32>
      %mul3A_328 = arith.constant -4.000000e-02 : f32
      %mul3A_329 = vector.broadcast %mul3A_328 : f32 to vector<16xf32>
      %mul3A_330 = arith.mulf %mul3A_329, %mul3A_327 : vector<16xf32>
      %exp3A_331 = math.exp %mul3A_330 : vector<16xf32>
      %mul3A_332 = arith.constant 1.200000e-01 : f32
      %mul3A_333 = vector.broadcast %mul3A_332 : f32 to vector<16xf32>
      %mul3A_334 = arith.mulf %mul3A_333, %min3A_301 : vector<16xf32>
      %exp3A_335 = math.exp %mul3A_334 : vector<16xf32>
      %mul3A_336 = arith.mulf %sub3A_326, %exp3A_331 : vector<16xf32>
      %convert_element_type3A_337 = arith.sitofp %and3A_257 : vector<16xi32> to vector<16xf32>
      %mul3A_338 = arith.mulf %mul3A_336, %convert_element_type3A_337 : vector<16xf32>
      %add3A_339 = arith.addf %add3A_226, %mul3A_338 : vector<16xf32>
      %mul3A_340 = arith.mulf %mul3A_338, %exp3A_335 : vector<16xf32>
      %add3A_341 = arith.addf %add3A_228, %mul3A_340 : vector<16xf32>
      %mul3A_342 = arith.mulf %mul3A_340, %exp3A_335 : vector<16xf32>
      %add3A_343 = arith.addf %add3A_230, %mul3A_342 : vector<16xf32>
      %mul3A_344 = arith.mulf %mul3A_342, %exp3A_335 : vector<16xf32>
      %add3A_345 = arith.addf %add3A_232, %mul3A_344 : vector<16xf32>
      %mul3A_346 = arith.mulf %mul3A_344, %exp3A_335 : vector<16xf32>
      %add3A_347 = arith.addf %add3A_234, %mul3A_346 : vector<16xf32>
      %mul3A_348 = arith.mulf %mul3A_346, %exp3A_335 : vector<16xf32>
      %add3A_349 = arith.addf %add3A_236, %mul3A_348 : vector<16xf32>
      %mul3A_350 = arith.mulf %mul3A_348, %exp3A_335 : vector<16xf32>
      %add3A_351 = arith.addf %add3A_238, %mul3A_350 : vector<16xf32>
      %mul3A_352 = arith.mulf %mul3A_350, %exp3A_335 : vector<16xf32>
      %add3A_353 = arith.addf %add3A_240, %mul3A_352 : vector<16xf32>
      %gather3A_354 = tpu.vector_load_idx %arg6[%shift_right_logical3A_251] : memref<4096xf32, #tpu.memory_space<vmem>>[vector<16xi32>], vector<16xf32>,
      %gather3A_355 = tpu.vector_load_idx %arg7[%shift_right_logical3A_251] : memref<4096xf32, #tpu.memory_space<vmem>>[vector<16xi32>], vector<16xf32>,
      %gather3A_356 = tpu.vector_load_idx %arg8[%shift_right_logical3A_251] : memref<4096xf32, #tpu.memory_space<vmem>>[vector<16xi32>], vector<16xf32>,
      %sub3A_357 = arith.subf %gather3A_354, %get3A_37 : vector<16xf32>
      %sub3A_358 = arith.subf %gather3A_355, %get3A_39 : vector<16xf32>
      %sub3A_359 = arith.subf %gather3A_356, %get3A_41 : vector<16xf32>
      %mul3A_360 = arith.mulf %sub3A_357, %sub3A_357 : vector<16xf32>
      %mul3A_361 = arith.mulf %sub3A_358, %sub3A_358 : vector<16xf32>
      %add3A_362 = arith.addf %mul3A_360, %mul3A_361 : vector<16xf32>
      %mul3A_363 = arith.mulf %sub3A_359, %sub3A_359 : vector<16xf32>
      %add3A_364 = arith.addf %add3A_362, %mul3A_363 : vector<16xf32>
      %bitcast_convert_type3A_365 = tpu.bitcast %add3A_364 : vector<16xf32> -> vector<16xi32>
      %shift_right_arithmetic3A_366 = arith.constant 1 : i32
      %shift_right_arithmetic3A_367 = vector.broadcast %shift_right_arithmetic3A_366 : i32 to vector<16xi32>
      %shift_right_arithmetic3A_368 = arith.shrsi %bitcast_convert_type3A_365, %shift_right_arithmetic3A_367 : vector<16xi32>
      %sub3A_369 = arith.constant 1597463007 : i32
      %sub3A_370 = vector.broadcast %sub3A_369 : i32 to vector<16xi32>
      %sub3A_371 = arith.subi %sub3A_370, %shift_right_arithmetic3A_368 : vector<16xi32>
      %bitcast_convert_type3A_372 = tpu.bitcast %sub3A_371 : vector<16xi32> -> vector<16xf32>
      %mul3A_373 = arith.constant 5.000000e-01 : f32
      %mul3A_374 = vector.broadcast %mul3A_373 : f32 to vector<16xf32>
      %mul3A_375 = arith.mulf %mul3A_374, %add3A_364 : vector<16xf32>
      %mul3A_376 = arith.mulf %mul3A_375, %bitcast_convert_type3A_372 : vector<16xf32>
      %mul3A_377 = arith.mulf %mul3A_376, %bitcast_convert_type3A_372 : vector<16xf32>
      %sub3A_378 = arith.constant 1.500000e+00 : f32
      %sub3A_379 = vector.broadcast %sub3A_378 : f32 to vector<16xf32>
      %sub3A_380 = arith.subf %sub3A_379, %mul3A_377 : vector<16xf32>
      %mul3A_381 = arith.mulf %bitcast_convert_type3A_372, %sub3A_380 : vector<16xf32>
      %mul3A_382 = arith.mulf %mul3A_375, %mul3A_381 : vector<16xf32>
      %mul3A_383 = arith.mulf %mul3A_382, %mul3A_381 : vector<16xf32>
      %sub3A_384 = arith.constant 1.500000e+00 : f32
      %sub3A_385 = vector.broadcast %sub3A_384 : f32 to vector<16xf32>
      %sub3A_386 = arith.subf %sub3A_385, %mul3A_383 : vector<16xf32>
      %mul3A_387 = arith.mulf %mul3A_381, %sub3A_386 : vector<16xf32>
      %mul3A_388 = arith.mulf %add3A_364, %mul3A_387 : vector<16xf32>
      %min3A_389 = arith.constant 1.200000e+01 : f32
      %min3A_390 = vector.broadcast %min3A_389 : f32 to vector<16xf32>
      %min3A_391 = arith.minimumf %mul3A_388, %min3A_390 : vector<16xf32>
      %mul3A_392 = arith.constant 0.261799395 : f32
      %mul3A_393 = vector.broadcast %mul3A_392 : f32 to vector<16xf32>
      %mul3A_394 = arith.mulf %min3A_391, %mul3A_393 : vector<16xf32>
      %sub3A_395 = arith.constant 1.57079637 : f32
      %sub3A_396 = vector.broadcast %sub3A_395 : f32 to vector<16xf32>
      %sub3A_397 = arith.subf %mul3A_394, %sub3A_396 : vector<16xf32>
      %mul3A_398 = arith.mulf %sub3A_397, %sub3A_397 : vector<16xf32>
      %mul3A_399 = arith.constant -9.26172433E-5 : f32
      %mul3A_400 = vector.broadcast %mul3A_399 : f32 to vector<16xf32>
      %mul3A_401 = arith.mulf %mul3A_398, %mul3A_400 : vector<16xf32>
      %add3A_402 = arith.constant 0.00415661279 : f32
      %add3A_403 = vector.broadcast %add3A_402 : f32 to vector<16xf32>
      %add3A_404 = arith.addf %add3A_403, %mul3A_401 : vector<16xf32>
      %mul3A_405 = arith.mulf %mul3A_398, %add3A_404 : vector<16xf32>
      %add3A_406 = arith.constant -0.083328396 : f32
      %add3A_407 = vector.broadcast %add3A_406 : f32 to vector<16xf32>
      %add3A_408 = arith.addf %add3A_407, %mul3A_405 : vector<16xf32>
      %mul3A_409 = arith.mulf %mul3A_398, %add3A_408 : vector<16xf32>
      %add3A_410 = arith.constant 0.499999613 : f32
      %add3A_411 = vector.broadcast %add3A_410 : f32 to vector<16xf32>
      %add3A_412 = arith.addf %add3A_411, %mul3A_409 : vector<16xf32>
      %mul3A_413 = arith.mulf %sub3A_397, %add3A_412 : vector<16xf32>
      %sub3A_414 = arith.constant 5.000000e-01 : f32
      %sub3A_415 = vector.broadcast %sub3A_414 : f32 to vector<16xf32>
      %sub3A_416 = arith.subf %sub3A_415, %mul3A_413 : vector<16xf32>
      %mul3A_417 = arith.mulf %min3A_391, %min3A_391 : vector<16xf32>
      %mul3A_418 = arith.constant -4.000000e-02 : f32
      %mul3A_419 = vector.broadcast %mul3A_418 : f32 to vector<16xf32>
      %mul3A_420 = arith.mulf %mul3A_419, %mul3A_417 : vector<16xf32>
      %exp3A_421 = math.exp %mul3A_420 : vector<16xf32>
      %mul3A_422 = arith.constant 1.200000e-01 : f32
      %mul3A_423 = vector.broadcast %mul3A_422 : f32 to vector<16xf32>
      %mul3A_424 = arith.mulf %mul3A_423, %min3A_391 : vector<16xf32>
      %exp3A_425 = math.exp %mul3A_424 : vector<16xf32>
      %mul3A_426 = arith.mulf %sub3A_416, %exp3A_421 : vector<16xf32>
      %convert_element_type3A_427 = arith.sitofp %and3A_263 : vector<16xi32> to vector<16xf32>
      %mul3A_428 = arith.mulf %mul3A_426, %convert_element_type3A_427 : vector<16xf32>
      %add3A_429 = arith.addf %add3A_339, %mul3A_428 : vector<16xf32>
      %mul3A_430 = arith.mulf %mul3A_428, %exp3A_425 : vector<16xf32>
      %add3A_431 = arith.addf %add3A_341, %mul3A_430 : vector<16xf32>
      %mul3A_432 = arith.mulf %mul3A_430, %exp3A_425 : vector<16xf32>
      %add3A_433 = arith.addf %add3A_343, %mul3A_432 : vector<16xf32>
      %mul3A_434 = arith.mulf %mul3A_432, %exp3A_425 : vector<16xf32>
      %add3A_435 = arith.addf %add3A_345, %mul3A_434 : vector<16xf32>
      %mul3A_436 = arith.mulf %mul3A_434, %exp3A_425 : vector<16xf32>
      %add3A_437 = arith.addf %add3A_347, %mul3A_436 : vector<16xf32>
      %mul3A_438 = arith.mulf %mul3A_436, %exp3A_425 : vector<16xf32>
      %add3A_439 = arith.addf %add3A_349, %mul3A_438 : vector<16xf32>
      %mul3A_440 = arith.mulf %mul3A_438, %exp3A_425 : vector<16xf32>
      %add3A_441 = arith.addf %add3A_351, %mul3A_440 : vector<16xf32>
      %mul3A_442 = arith.mulf %mul3A_440, %exp3A_425 : vector<16xf32>
      %add3A_443 = arith.addf %add3A_353, %mul3A_442 : vector<16xf32>
      %add3A_444 = arith.constant 2 : i32
      %add3A_445 = arith.addi %mul3A_45, %add3A_444 : i32
      %add3A_446 = vector.broadcast %add3A_445 : i32 to vector<16xi32>
      %add3A_447 = arith.addi %mul3A_23, %add3A_446 : vector<16xi32>
      %gather3A_448 = tpu.vector_load_idx %arg9[%add3A_447] : memref<65536xi32, #tpu.memory_space<vmem>>[vector<16xi32>], vector<16xi32>,
      %and3A_449 = arith.constant 65535 : i32
      %and3A_450 = vector.broadcast %and3A_449 : i32 to vector<16xi32>
      %and3A_451 = arith.andi %gather3A_448, %and3A_450 : vector<16xi32>
      %shift_right_logical3A_452 = arith.constant 16 : i32
      %shift_right_logical3A_453 = vector.broadcast %shift_right_logical3A_452 : i32 to vector<16xi32>
      %shift_right_logical3A_454 = arith.shrui %gather3A_448, %shift_right_logical3A_453 : vector<16xi32>
      %shift_right_logical3A_455 = arith.constant 2 : i32
      %shift_right_logical3A_456 = vector.broadcast %shift_right_logical3A_455 : i32 to vector<16xi32>
      %shift_right_logical3A_457 = arith.shrui %get3A_43, %shift_right_logical3A_456 : vector<16xi32>
      %and3A_458 = arith.constant 1 : i32
      %and3A_459 = vector.broadcast %and3A_458 : i32 to vector<16xi32>
      %and3A_460 = arith.andi %shift_right_logical3A_457, %and3A_459 : vector<16xi32>
      %shift_right_logical3A_461 = arith.constant 18 : i32
      %shift_right_logical3A_462 = vector.broadcast %shift_right_logical3A_461 : i32 to vector<16xi32>
      %shift_right_logical3A_463 = arith.shrui %get3A_43, %shift_right_logical3A_462 : vector<16xi32>
      %and3A_464 = arith.constant 1 : i32
      %and3A_465 = vector.broadcast %and3A_464 : i32 to vector<16xi32>
      %and3A_466 = arith.andi %shift_right_logical3A_463, %and3A_465 : vector<16xi32>
      %gather3A_467 = tpu.vector_load_idx %arg6[%and3A_451] : memref<4096xf32, #tpu.memory_space<vmem>>[vector<16xi32>], vector<16xf32>,
      %gather3A_468 = tpu.vector_load_idx %arg7[%and3A_451] : memref<4096xf32, #tpu.memory_space<vmem>>[vector<16xi32>], vector<16xf32>,
      %gather3A_469 = tpu.vector_load_idx %arg8[%and3A_451] : memref<4096xf32, #tpu.memory_space<vmem>>[vector<16xi32>], vector<16xf32>,
      %sub3A_470 = arith.subf %gather3A_467, %get3A_37 : vector<16xf32>
      %sub3A_471 = arith.subf %gather3A_468, %get3A_39 : vector<16xf32>
      %sub3A_472 = arith.subf %gather3A_469, %get3A_41 : vector<16xf32>
      %mul3A_473 = arith.mulf %sub3A_470, %sub3A_470 : vector<16xf32>
      %mul3A_474 = arith.mulf %sub3A_471, %sub3A_471 : vector<16xf32>
      %add3A_475 = arith.addf %mul3A_473, %mul3A_474 : vector<16xf32>
      %mul3A_476 = arith.mulf %sub3A_472, %sub3A_472 : vector<16xf32>
      %add3A_477 = arith.addf %add3A_475, %mul3A_476 : vector<16xf32>
      %bitcast_convert_type3A_478 = tpu.bitcast %add3A_477 : vector<16xf32> -> vector<16xi32>
      %shift_right_arithmetic3A_479 = arith.constant 1 : i32
      %shift_right_arithmetic3A_480 = vector.broadcast %shift_right_arithmetic3A_479 : i32 to vector<16xi32>
      %shift_right_arithmetic3A_481 = arith.shrsi %bitcast_convert_type3A_478, %shift_right_arithmetic3A_480 : vector<16xi32>
      %sub3A_482 = arith.constant 1597463007 : i32
      %sub3A_483 = vector.broadcast %sub3A_482 : i32 to vector<16xi32>
      %sub3A_484 = arith.subi %sub3A_483, %shift_right_arithmetic3A_481 : vector<16xi32>
      %bitcast_convert_type3A_485 = tpu.bitcast %sub3A_484 : vector<16xi32> -> vector<16xf32>
      %mul3A_486 = arith.constant 5.000000e-01 : f32
      %mul3A_487 = vector.broadcast %mul3A_486 : f32 to vector<16xf32>
      %mul3A_488 = arith.mulf %mul3A_487, %add3A_477 : vector<16xf32>
      %mul3A_489 = arith.mulf %mul3A_488, %bitcast_convert_type3A_485 : vector<16xf32>
      %mul3A_490 = arith.mulf %mul3A_489, %bitcast_convert_type3A_485 : vector<16xf32>
      %sub3A_491 = arith.constant 1.500000e+00 : f32
      %sub3A_492 = vector.broadcast %sub3A_491 : f32 to vector<16xf32>
      %sub3A_493 = arith.subf %sub3A_492, %mul3A_490 : vector<16xf32>
      %mul3A_494 = arith.mulf %bitcast_convert_type3A_485, %sub3A_493 : vector<16xf32>
      %mul3A_495 = arith.mulf %mul3A_488, %mul3A_494 : vector<16xf32>
      %mul3A_496 = arith.mulf %mul3A_495, %mul3A_494 : vector<16xf32>
      %sub3A_497 = arith.constant 1.500000e+00 : f32
      %sub3A_498 = vector.broadcast %sub3A_497 : f32 to vector<16xf32>
      %sub3A_499 = arith.subf %sub3A_498, %mul3A_496 : vector<16xf32>
      %mul3A_500 = arith.mulf %mul3A_494, %sub3A_499 : vector<16xf32>
      %mul3A_501 = arith.mulf %add3A_477, %mul3A_500 : vector<16xf32>
      %min3A_502 = arith.constant 1.200000e+01 : f32
      %min3A_503 = vector.broadcast %min3A_502 : f32 to vector<16xf32>
      %min3A_504 = arith.minimumf %mul3A_501, %min3A_503 : vector<16xf32>
      %mul3A_505 = arith.constant 0.261799395 : f32
      %mul3A_506 = vector.broadcast %mul3A_505 : f32 to vector<16xf32>
      %mul3A_507 = arith.mulf %min3A_504, %mul3A_506 : vector<16xf32>
      %sub3A_508 = arith.constant 1.57079637 : f32
      %sub3A_509 = vector.broadcast %sub3A_508 : f32 to vector<16xf32>
      %sub3A_510 = arith.subf %mul3A_507, %sub3A_509 : vector<16xf32>
      %mul3A_511 = arith.mulf %sub3A_510, %sub3A_510 : vector<16xf32>
      %mul3A_512 = arith.constant -9.26172433E-5 : f32
      %mul3A_513 = vector.broadcast %mul3A_512 : f32 to vector<16xf32>
      %mul3A_514 = arith.mulf %mul3A_511, %mul3A_513 : vector<16xf32>
      %add3A_515 = arith.constant 0.00415661279 : f32
      %add3A_516 = vector.broadcast %add3A_515 : f32 to vector<16xf32>
      %add3A_517 = arith.addf %add3A_516, %mul3A_514 : vector<16xf32>
      %mul3A_518 = arith.mulf %mul3A_511, %add3A_517 : vector<16xf32>
      %add3A_519 = arith.constant -0.083328396 : f32
      %add3A_520 = vector.broadcast %add3A_519 : f32 to vector<16xf32>
      %add3A_521 = arith.addf %add3A_520, %mul3A_518 : vector<16xf32>
      %mul3A_522 = arith.mulf %mul3A_511, %add3A_521 : vector<16xf32>
      %add3A_523 = arith.constant 0.499999613 : f32
      %add3A_524 = vector.broadcast %add3A_523 : f32 to vector<16xf32>
      %add3A_525 = arith.addf %add3A_524, %mul3A_522 : vector<16xf32>
      %mul3A_526 = arith.mulf %sub3A_510, %add3A_525 : vector<16xf32>
      %sub3A_527 = arith.constant 5.000000e-01 : f32
      %sub3A_528 = vector.broadcast %sub3A_527 : f32 to vector<16xf32>
      %sub3A_529 = arith.subf %sub3A_528, %mul3A_526 : vector<16xf32>
      %mul3A_530 = arith.mulf %min3A_504, %min3A_504 : vector<16xf32>
      %mul3A_531 = arith.constant -4.000000e-02 : f32
      %mul3A_532 = vector.broadcast %mul3A_531 : f32 to vector<16xf32>
      %mul3A_533 = arith.mulf %mul3A_532, %mul3A_530 : vector<16xf32>
      %exp3A_534 = math.exp %mul3A_533 : vector<16xf32>
      %mul3A_535 = arith.constant 1.200000e-01 : f32
      %mul3A_536 = vector.broadcast %mul3A_535 : f32 to vector<16xf32>
      %mul3A_537 = arith.mulf %mul3A_536, %min3A_504 : vector<16xf32>
      %exp3A_538 = math.exp %mul3A_537 : vector<16xf32>
      %mul3A_539 = arith.mulf %sub3A_529, %exp3A_534 : vector<16xf32>
      %convert_element_type3A_540 = arith.sitofp %and3A_460 : vector<16xi32> to vector<16xf32>
      %mul3A_541 = arith.mulf %mul3A_539, %convert_element_type3A_540 : vector<16xf32>
      %add3A_542 = arith.addf %add3A_429, %mul3A_541 : vector<16xf32>
      %mul3A_543 = arith.mulf %mul3A_541, %exp3A_538 : vector<16xf32>
      %add3A_544 = arith.addf %add3A_431, %mul3A_543 : vector<16xf32>
      %mul3A_545 = arith.mulf %mul3A_543, %exp3A_538 : vector<16xf32>
      %add3A_546 = arith.addf %add3A_433, %mul3A_545 : vector<16xf32>
      %mul3A_547 = arith.mulf %mul3A_545, %exp3A_538 : vector<16xf32>
      %add3A_548 = arith.addf %add3A_435, %mul3A_547 : vector<16xf32>
      %mul3A_549 = arith.mulf %mul3A_547, %exp3A_538 : vector<16xf32>
      %add3A_550 = arith.addf %add3A_437, %mul3A_549 : vector<16xf32>
      %mul3A_551 = arith.mulf %mul3A_549, %exp3A_538 : vector<16xf32>
      %add3A_552 = arith.addf %add3A_439, %mul3A_551 : vector<16xf32>
      %mul3A_553 = arith.mulf %mul3A_551, %exp3A_538 : vector<16xf32>
      %add3A_554 = arith.addf %add3A_441, %mul3A_553 : vector<16xf32>
      %mul3A_555 = arith.mulf %mul3A_553, %exp3A_538 : vector<16xf32>
      %add3A_556 = arith.addf %add3A_443, %mul3A_555 : vector<16xf32>
      %gather3A_557 = tpu.vector_load_idx %arg6[%shift_right_logical3A_454] : memref<4096xf32, #tpu.memory_space<vmem>>[vector<16xi32>], vector<16xf32>,
      %gather3A_558 = tpu.vector_load_idx %arg7[%shift_right_logical3A_454] : memref<4096xf32, #tpu.memory_space<vmem>>[vector<16xi32>], vector<16xf32>,
      %gather3A_559 = tpu.vector_load_idx %arg8[%shift_right_logical3A_454] : memref<4096xf32, #tpu.memory_space<vmem>>[vector<16xi32>], vector<16xf32>,
      %sub3A_560 = arith.subf %gather3A_557, %get3A_37 : vector<16xf32>
      %sub3A_561 = arith.subf %gather3A_558, %get3A_39 : vector<16xf32>
      %sub3A_562 = arith.subf %gather3A_559, %get3A_41 : vector<16xf32>
      %mul3A_563 = arith.mulf %sub3A_560, %sub3A_560 : vector<16xf32>
      %mul3A_564 = arith.mulf %sub3A_561, %sub3A_561 : vector<16xf32>
      %add3A_565 = arith.addf %mul3A_563, %mul3A_564 : vector<16xf32>
      %mul3A_566 = arith.mulf %sub3A_562, %sub3A_562 : vector<16xf32>
      %add3A_567 = arith.addf %add3A_565, %mul3A_566 : vector<16xf32>
      %bitcast_convert_type3A_568 = tpu.bitcast %add3A_567 : vector<16xf32> -> vector<16xi32>
      %shift_right_arithmetic3A_569 = arith.constant 1 : i32
      %shift_right_arithmetic3A_570 = vector.broadcast %shift_right_arithmetic3A_569 : i32 to vector<16xi32>
      %shift_right_arithmetic3A_571 = arith.shrsi %bitcast_convert_type3A_568, %shift_right_arithmetic3A_570 : vector<16xi32>
      %sub3A_572 = arith.constant 1597463007 : i32
      %sub3A_573 = vector.broadcast %sub3A_572 : i32 to vector<16xi32>
      %sub3A_574 = arith.subi %sub3A_573, %shift_right_arithmetic3A_571 : vector<16xi32>
      %bitcast_convert_type3A_575 = tpu.bitcast %sub3A_574 : vector<16xi32> -> vector<16xf32>
      %mul3A_576 = arith.constant 5.000000e-01 : f32
      %mul3A_577 = vector.broadcast %mul3A_576 : f32 to vector<16xf32>
      %mul3A_578 = arith.mulf %mul3A_577, %add3A_567 : vector<16xf32>
      %mul3A_579 = arith.mulf %mul3A_578, %bitcast_convert_type3A_575 : vector<16xf32>
      %mul3A_580 = arith.mulf %mul3A_579, %bitcast_convert_type3A_575 : vector<16xf32>
      %sub3A_581 = arith.constant 1.500000e+00 : f32
      %sub3A_582 = vector.broadcast %sub3A_581 : f32 to vector<16xf32>
      %sub3A_583 = arith.subf %sub3A_582, %mul3A_580 : vector<16xf32>
      %mul3A_584 = arith.mulf %bitcast_convert_type3A_575, %sub3A_583 : vector<16xf32>
      %mul3A_585 = arith.mulf %mul3A_578, %mul3A_584 : vector<16xf32>
      %mul3A_586 = arith.mulf %mul3A_585, %mul3A_584 : vector<16xf32>
      %sub3A_587 = arith.constant 1.500000e+00 : f32
      %sub3A_588 = vector.broadcast %sub3A_587 : f32 to vector<16xf32>
      %sub3A_589 = arith.subf %sub3A_588, %mul3A_586 : vector<16xf32>
      %mul3A_590 = arith.mulf %mul3A_584, %sub3A_589 : vector<16xf32>
      %mul3A_591 = arith.mulf %add3A_567, %mul3A_590 : vector<16xf32>
      %min3A_592 = arith.constant 1.200000e+01 : f32
      %min3A_593 = vector.broadcast %min3A_592 : f32 to vector<16xf32>
      %min3A_594 = arith.minimumf %mul3A_591, %min3A_593 : vector<16xf32>
      %mul3A_595 = arith.constant 0.261799395 : f32
      %mul3A_596 = vector.broadcast %mul3A_595 : f32 to vector<16xf32>
      %mul3A_597 = arith.mulf %min3A_594, %mul3A_596 : vector<16xf32>
      %sub3A_598 = arith.constant 1.57079637 : f32
      %sub3A_599 = vector.broadcast %sub3A_598 : f32 to vector<16xf32>
      %sub3A_600 = arith.subf %mul3A_597, %sub3A_599 : vector<16xf32>
      %mul3A_601 = arith.mulf %sub3A_600, %sub3A_600 : vector<16xf32>
      %mul3A_602 = arith.constant -9.26172433E-5 : f32
      %mul3A_603 = vector.broadcast %mul3A_602 : f32 to vector<16xf32>
      %mul3A_604 = arith.mulf %mul3A_601, %mul3A_603 : vector<16xf32>
      %add3A_605 = arith.constant 0.00415661279 : f32
      %add3A_606 = vector.broadcast %add3A_605 : f32 to vector<16xf32>
      %add3A_607 = arith.addf %add3A_606, %mul3A_604 : vector<16xf32>
      %mul3A_608 = arith.mulf %mul3A_601, %add3A_607 : vector<16xf32>
      %add3A_609 = arith.constant -0.083328396 : f32
      %add3A_610 = vector.broadcast %add3A_609 : f32 to vector<16xf32>
      %add3A_611 = arith.addf %add3A_610, %mul3A_608 : vector<16xf32>
      %mul3A_612 = arith.mulf %mul3A_601, %add3A_611 : vector<16xf32>
      %add3A_613 = arith.constant 0.499999613 : f32
      %add3A_614 = vector.broadcast %add3A_613 : f32 to vector<16xf32>
      %add3A_615 = arith.addf %add3A_614, %mul3A_612 : vector<16xf32>
      %mul3A_616 = arith.mulf %sub3A_600, %add3A_615 : vector<16xf32>
      %sub3A_617 = arith.constant 5.000000e-01 : f32
      %sub3A_618 = vector.broadcast %sub3A_617 : f32 to vector<16xf32>
      %sub3A_619 = arith.subf %sub3A_618, %mul3A_616 : vector<16xf32>
      %mul3A_620 = arith.mulf %min3A_594, %min3A_594 : vector<16xf32>
      %mul3A_621 = arith.constant -4.000000e-02 : f32
      %mul3A_622 = vector.broadcast %mul3A_621 : f32 to vector<16xf32>
      %mul3A_623 = arith.mulf %mul3A_622, %mul3A_620 : vector<16xf32>
      %exp3A_624 = math.exp %mul3A_623 : vector<16xf32>
      %mul3A_625 = arith.constant 1.200000e-01 : f32
      %mul3A_626 = vector.broadcast %mul3A_625 : f32 to vector<16xf32>
      %mul3A_627 = arith.mulf %mul3A_626, %min3A_594 : vector<16xf32>
      %exp3A_628 = math.exp %mul3A_627 : vector<16xf32>
      %mul3A_629 = arith.mulf %sub3A_619, %exp3A_624 : vector<16xf32>
      %convert_element_type3A_630 = arith.sitofp %and3A_466 : vector<16xi32> to vector<16xf32>
      %mul3A_631 = arith.mulf %mul3A_629, %convert_element_type3A_630 : vector<16xf32>
      %add3A_632 = arith.addf %add3A_542, %mul3A_631 : vector<16xf32>
      %mul3A_633 = arith.mulf %mul3A_631, %exp3A_628 : vector<16xf32>
      %add3A_634 = arith.addf %add3A_544, %mul3A_633 : vector<16xf32>
      %mul3A_635 = arith.mulf %mul3A_633, %exp3A_628 : vector<16xf32>
      %add3A_636 = arith.addf %add3A_546, %mul3A_635 : vector<16xf32>
      %mul3A_637 = arith.mulf %mul3A_635, %exp3A_628 : vector<16xf32>
      %add3A_638 = arith.addf %add3A_548, %mul3A_637 : vector<16xf32>
      %mul3A_639 = arith.mulf %mul3A_637, %exp3A_628 : vector<16xf32>
      %add3A_640 = arith.addf %add3A_550, %mul3A_639 : vector<16xf32>
      %mul3A_641 = arith.mulf %mul3A_639, %exp3A_628 : vector<16xf32>
      %add3A_642 = arith.addf %add3A_552, %mul3A_641 : vector<16xf32>
      %mul3A_643 = arith.mulf %mul3A_641, %exp3A_628 : vector<16xf32>
      %add3A_644 = arith.addf %add3A_554, %mul3A_643 : vector<16xf32>
      %mul3A_645 = arith.mulf %mul3A_643, %exp3A_628 : vector<16xf32>
      %add3A_646 = arith.addf %add3A_556, %mul3A_645 : vector<16xf32>
      %add3A_647 = arith.constant 3 : i32
      %add3A_648 = arith.addi %mul3A_45, %add3A_647 : i32
      %add3A_649 = vector.broadcast %add3A_648 : i32 to vector<16xi32>
      %add3A_650 = arith.addi %mul3A_23, %add3A_649 : vector<16xi32>
      %gather3A_651 = tpu.vector_load_idx %arg9[%add3A_650] : memref<65536xi32, #tpu.memory_space<vmem>>[vector<16xi32>], vector<16xi32>,
      %and3A_652 = arith.constant 65535 : i32
      %and3A_653 = vector.broadcast %and3A_652 : i32 to vector<16xi32>
      %and3A_654 = arith.andi %gather3A_651, %and3A_653 : vector<16xi32>
      %shift_right_logical3A_655 = arith.constant 16 : i32
      %shift_right_logical3A_656 = vector.broadcast %shift_right_logical3A_655 : i32 to vector<16xi32>
      %shift_right_logical3A_657 = arith.shrui %gather3A_651, %shift_right_logical3A_656 : vector<16xi32>
      %shift_right_logical3A_658 = arith.constant 3 : i32
      %shift_right_logical3A_659 = vector.broadcast %shift_right_logical3A_658 : i32 to vector<16xi32>
      %shift_right_logical3A_660 = arith.shrui %get3A_43, %shift_right_logical3A_659 : vector<16xi32>
      %and3A_661 = arith.constant 1 : i32
      %and3A_662 = vector.broadcast %and3A_661 : i32 to vector<16xi32>
      %and3A_663 = arith.andi %shift_right_logical3A_660, %and3A_662 : vector<16xi32>
      %shift_right_logical3A_664 = arith.constant 19 : i32
      %shift_right_logical3A_665 = vector.broadcast %shift_right_logical3A_664 : i32 to vector<16xi32>
      %shift_right_logical3A_666 = arith.shrui %get3A_43, %shift_right_logical3A_665 : vector<16xi32>
      %and3A_667 = arith.constant 1 : i32
      %and3A_668 = vector.broadcast %and3A_667 : i32 to vector<16xi32>
      %and3A_669 = arith.andi %shift_right_logical3A_666, %and3A_668 : vector<16xi32>
      %gather3A_670 = tpu.vector_load_idx %arg6[%and3A_654] : memref<4096xf32, #tpu.memory_space<vmem>>[vector<16xi32>], vector<16xf32>,
      %gather3A_671 = tpu.vector_load_idx %arg7[%and3A_654] : memref<4096xf32, #tpu.memory_space<vmem>>[vector<16xi32>], vector<16xf32>,
      %gather3A_672 = tpu.vector_load_idx %arg8[%and3A_654] : memref<4096xf32, #tpu.memory_space<vmem>>[vector<16xi32>], vector<16xf32>,
      %sub3A_673 = arith.subf %gather3A_670, %get3A_37 : vector<16xf32>
      %sub3A_674 = arith.subf %gather3A_671, %get3A_39 : vector<16xf32>
      %sub3A_675 = arith.subf %gather3A_672, %get3A_41 : vector<16xf32>
      %mul3A_676 = arith.mulf %sub3A_673, %sub3A_673 : vector<16xf32>
      %mul3A_677 = arith.mulf %sub3A_674, %sub3A_674 : vector<16xf32>
      %add3A_678 = arith.addf %mul3A_676, %mul3A_677 : vector<16xf32>
      %mul3A_679 = arith.mulf %sub3A_675, %sub3A_675 : vector<16xf32>
      %add3A_680 = arith.addf %add3A_678, %mul3A_679 : vector<16xf32>
      %bitcast_convert_type3A_681 = tpu.bitcast %add3A_680 : vector<16xf32> -> vector<16xi32>
      %shift_right_arithmetic3A_682 = arith.constant 1 : i32
      %shift_right_arithmetic3A_683 = vector.broadcast %shift_right_arithmetic3A_682 : i32 to vector<16xi32>
      %shift_right_arithmetic3A_684 = arith.shrsi %bitcast_convert_type3A_681, %shift_right_arithmetic3A_683 : vector<16xi32>
      %sub3A_685 = arith.constant 1597463007 : i32
      %sub3A_686 = vector.broadcast %sub3A_685 : i32 to vector<16xi32>
      %sub3A_687 = arith.subi %sub3A_686, %shift_right_arithmetic3A_684 : vector<16xi32>
      %bitcast_convert_type3A_688 = tpu.bitcast %sub3A_687 : vector<16xi32> -> vector<16xf32>
      %mul3A_689 = arith.constant 5.000000e-01 : f32
      %mul3A_690 = vector.broadcast %mul3A_689 : f32 to vector<16xf32>
      %mul3A_691 = arith.mulf %mul3A_690, %add3A_680 : vector<16xf32>
      %mul3A_692 = arith.mulf %mul3A_691, %bitcast_convert_type3A_688 : vector<16xf32>
      %mul3A_693 = arith.mulf %mul3A_692, %bitcast_convert_type3A_688 : vector<16xf32>
      %sub3A_694 = arith.constant 1.500000e+00 : f32
      %sub3A_695 = vector.broadcast %sub3A_694 : f32 to vector<16xf32>
      %sub3A_696 = arith.subf %sub3A_695, %mul3A_693 : vector<16xf32>
      %mul3A_697 = arith.mulf %bitcast_convert_type3A_688, %sub3A_696 : vector<16xf32>
      %mul3A_698 = arith.mulf %mul3A_691, %mul3A_697 : vector<16xf32>
      %mul3A_699 = arith.mulf %mul3A_698, %mul3A_697 : vector<16xf32>
      %sub3A_700 = arith.constant 1.500000e+00 : f32
      %sub3A_701 = vector.broadcast %sub3A_700 : f32 to vector<16xf32>
      %sub3A_702 = arith.subf %sub3A_701, %mul3A_699 : vector<16xf32>
      %mul3A_703 = arith.mulf %mul3A_697, %sub3A_702 : vector<16xf32>
      %mul3A_704 = arith.mulf %add3A_680, %mul3A_703 : vector<16xf32>
      %min3A_705 = arith.constant 1.200000e+01 : f32
      %min3A_706 = vector.broadcast %min3A_705 : f32 to vector<16xf32>
      %min3A_707 = arith.minimumf %mul3A_704, %min3A_706 : vector<16xf32>
      %mul3A_708 = arith.constant 0.261799395 : f32
      %mul3A_709 = vector.broadcast %mul3A_708 : f32 to vector<16xf32>
      %mul3A_710 = arith.mulf %min3A_707, %mul3A_709 : vector<16xf32>
      %sub3A_711 = arith.constant 1.57079637 : f32
      %sub3A_712 = vector.broadcast %sub3A_711 : f32 to vector<16xf32>
      %sub3A_713 = arith.subf %mul3A_710, %sub3A_712 : vector<16xf32>
      %mul3A_714 = arith.mulf %sub3A_713, %sub3A_713 : vector<16xf32>
      %mul3A_715 = arith.constant -9.26172433E-5 : f32
      %mul3A_716 = vector.broadcast %mul3A_715 : f32 to vector<16xf32>
      %mul3A_717 = arith.mulf %mul3A_714, %mul3A_716 : vector<16xf32>
      %add3A_718 = arith.constant 0.00415661279 : f32
      %add3A_719 = vector.broadcast %add3A_718 : f32 to vector<16xf32>
      %add3A_720 = arith.addf %add3A_719, %mul3A_717 : vector<16xf32>
      %mul3A_721 = arith.mulf %mul3A_714, %add3A_720 : vector<16xf32>
      %add3A_722 = arith.constant -0.083328396 : f32
      %add3A_723 = vector.broadcast %add3A_722 : f32 to vector<16xf32>
      %add3A_724 = arith.addf %add3A_723, %mul3A_721 : vector<16xf32>
      %mul3A_725 = arith.mulf %mul3A_714, %add3A_724 : vector<16xf32>
      %add3A_726 = arith.constant 0.499999613 : f32
      %add3A_727 = vector.broadcast %add3A_726 : f32 to vector<16xf32>
      %add3A_728 = arith.addf %add3A_727, %mul3A_725 : vector<16xf32>
      %mul3A_729 = arith.mulf %sub3A_713, %add3A_728 : vector<16xf32>
      %sub3A_730 = arith.constant 5.000000e-01 : f32
      %sub3A_731 = vector.broadcast %sub3A_730 : f32 to vector<16xf32>
      %sub3A_732 = arith.subf %sub3A_731, %mul3A_729 : vector<16xf32>
      %mul3A_733 = arith.mulf %min3A_707, %min3A_707 : vector<16xf32>
      %mul3A_734 = arith.constant -4.000000e-02 : f32
      %mul3A_735 = vector.broadcast %mul3A_734 : f32 to vector<16xf32>
      %mul3A_736 = arith.mulf %mul3A_735, %mul3A_733 : vector<16xf32>
      %exp3A_737 = math.exp %mul3A_736 : vector<16xf32>
      %mul3A_738 = arith.constant 1.200000e-01 : f32
      %mul3A_739 = vector.broadcast %mul3A_738 : f32 to vector<16xf32>
      %mul3A_740 = arith.mulf %mul3A_739, %min3A_707 : vector<16xf32>
      %exp3A_741 = math.exp %mul3A_740 : vector<16xf32>
      %mul3A_742 = arith.mulf %sub3A_732, %exp3A_737 : vector<16xf32>
      %convert_element_type3A_743 = arith.sitofp %and3A_663 : vector<16xi32> to vector<16xf32>
      %mul3A_744 = arith.mulf %mul3A_742, %convert_element_type3A_743 : vector<16xf32>
      %add3A_745 = arith.addf %add3A_632, %mul3A_744 : vector<16xf32>
      %mul3A_746 = arith.mulf %mul3A_744, %exp3A_741 : vector<16xf32>
      %add3A_747 = arith.addf %add3A_634, %mul3A_746 : vector<16xf32>
      %mul3A_748 = arith.mulf %mul3A_746, %exp3A_741 : vector<16xf32>
      %add3A_749 = arith.addf %add3A_636, %mul3A_748 : vector<16xf32>
      %mul3A_750 = arith.mulf %mul3A_748, %exp3A_741 : vector<16xf32>
      %add3A_751 = arith.addf %add3A_638, %mul3A_750 : vector<16xf32>
      %mul3A_752 = arith.mulf %mul3A_750, %exp3A_741 : vector<16xf32>
      %add3A_753 = arith.addf %add3A_640, %mul3A_752 : vector<16xf32>
      %mul3A_754 = arith.mulf %mul3A_752, %exp3A_741 : vector<16xf32>
      %add3A_755 = arith.addf %add3A_642, %mul3A_754 : vector<16xf32>
      %mul3A_756 = arith.mulf %mul3A_754, %exp3A_741 : vector<16xf32>
      %add3A_757 = arith.addf %add3A_644, %mul3A_756 : vector<16xf32>
      %mul3A_758 = arith.mulf %mul3A_756, %exp3A_741 : vector<16xf32>
      %add3A_759 = arith.addf %add3A_646, %mul3A_758 : vector<16xf32>
      %gather3A_760 = tpu.vector_load_idx %arg6[%shift_right_logical3A_657] : memref<4096xf32, #tpu.memory_space<vmem>>[vector<16xi32>], vector<16xf32>,
      %gather3A_761 = tpu.vector_load_idx %arg7[%shift_right_logical3A_657] : memref<4096xf32, #tpu.memory_space<vmem>>[vector<16xi32>], vector<16xf32>,
      %gather3A_762 = tpu.vector_load_idx %arg8[%shift_right_logical3A_657] : memref<4096xf32, #tpu.memory_space<vmem>>[vector<16xi32>], vector<16xf32>,
      %sub3A_763 = arith.subf %gather3A_760, %get3A_37 : vector<16xf32>
      %sub3A_764 = arith.subf %gather3A_761, %get3A_39 : vector<16xf32>
      %sub3A_765 = arith.subf %gather3A_762, %get3A_41 : vector<16xf32>
      %mul3A_766 = arith.mulf %sub3A_763, %sub3A_763 : vector<16xf32>
      %mul3A_767 = arith.mulf %sub3A_764, %sub3A_764 : vector<16xf32>
      %add3A_768 = arith.addf %mul3A_766, %mul3A_767 : vector<16xf32>
      %mul3A_769 = arith.mulf %sub3A_765, %sub3A_765 : vector<16xf32>
      %add3A_770 = arith.addf %add3A_768, %mul3A_769 : vector<16xf32>
      %bitcast_convert_type3A_771 = tpu.bitcast %add3A_770 : vector<16xf32> -> vector<16xi32>
      %shift_right_arithmetic3A_772 = arith.constant 1 : i32
      %shift_right_arithmetic3A_773 = vector.broadcast %shift_right_arithmetic3A_772 : i32 to vector<16xi32>
      %shift_right_arithmetic3A_774 = arith.shrsi %bitcast_convert_type3A_771, %shift_right_arithmetic3A_773 : vector<16xi32>
      %sub3A_775 = arith.constant 1597463007 : i32
      %sub3A_776 = vector.broadcast %sub3A_775 : i32 to vector<16xi32>
      %sub3A_777 = arith.subi %sub3A_776, %shift_right_arithmetic3A_774 : vector<16xi32>
      %bitcast_convert_type3A_778 = tpu.bitcast %sub3A_777 : vector<16xi32> -> vector<16xf32>
      %mul3A_779 = arith.constant 5.000000e-01 : f32
      %mul3A_780 = vector.broadcast %mul3A_779 : f32 to vector<16xf32>
      %mul3A_781 = arith.mulf %mul3A_780, %add3A_770 : vector<16xf32>
      %mul3A_782 = arith.mulf %mul3A_781, %bitcast_convert_type3A_778 : vector<16xf32>
      %mul3A_783 = arith.mulf %mul3A_782, %bitcast_convert_type3A_778 : vector<16xf32>
      %sub3A_784 = arith.constant 1.500000e+00 : f32
      %sub3A_785 = vector.broadcast %sub3A_784 : f32 to vector<16xf32>
      %sub3A_786 = arith.subf %sub3A_785, %mul3A_783 : vector<16xf32>
      %mul3A_787 = arith.mulf %bitcast_convert_type3A_778, %sub3A_786 : vector<16xf32>
      %mul3A_788 = arith.mulf %mul3A_781, %mul3A_787 : vector<16xf32>
      %mul3A_789 = arith.mulf %mul3A_788, %mul3A_787 : vector<16xf32>
      %sub3A_790 = arith.constant 1.500000e+00 : f32
      %sub3A_791 = vector.broadcast %sub3A_790 : f32 to vector<16xf32>
      %sub3A_792 = arith.subf %sub3A_791, %mul3A_789 : vector<16xf32>
      %mul3A_793 = arith.mulf %mul3A_787, %sub3A_792 : vector<16xf32>
      %mul3A_794 = arith.mulf %add3A_770, %mul3A_793 : vector<16xf32>
      %min3A_795 = arith.constant 1.200000e+01 : f32
      %min3A_796 = vector.broadcast %min3A_795 : f32 to vector<16xf32>
      %min3A_797 = arith.minimumf %mul3A_794, %min3A_796 : vector<16xf32>
      %mul3A_798 = arith.constant 0.261799395 : f32
      %mul3A_799 = vector.broadcast %mul3A_798 : f32 to vector<16xf32>
      %mul3A_800 = arith.mulf %min3A_797, %mul3A_799 : vector<16xf32>
      %sub3A_801 = arith.constant 1.57079637 : f32
      %sub3A_802 = vector.broadcast %sub3A_801 : f32 to vector<16xf32>
      %sub3A_803 = arith.subf %mul3A_800, %sub3A_802 : vector<16xf32>
      %mul3A_804 = arith.mulf %sub3A_803, %sub3A_803 : vector<16xf32>
      %mul3A_805 = arith.constant -9.26172433E-5 : f32
      %mul3A_806 = vector.broadcast %mul3A_805 : f32 to vector<16xf32>
      %mul3A_807 = arith.mulf %mul3A_804, %mul3A_806 : vector<16xf32>
      %add3A_808 = arith.constant 0.00415661279 : f32
      %add3A_809 = vector.broadcast %add3A_808 : f32 to vector<16xf32>
      %add3A_810 = arith.addf %add3A_809, %mul3A_807 : vector<16xf32>
      %mul3A_811 = arith.mulf %mul3A_804, %add3A_810 : vector<16xf32>
      %add3A_812 = arith.constant -0.083328396 : f32
      %add3A_813 = vector.broadcast %add3A_812 : f32 to vector<16xf32>
      %add3A_814 = arith.addf %add3A_813, %mul3A_811 : vector<16xf32>
      %mul3A_815 = arith.mulf %mul3A_804, %add3A_814 : vector<16xf32>
      %add3A_816 = arith.constant 0.499999613 : f32
      %add3A_817 = vector.broadcast %add3A_816 : f32 to vector<16xf32>
      %add3A_818 = arith.addf %add3A_817, %mul3A_815 : vector<16xf32>
      %mul3A_819 = arith.mulf %sub3A_803, %add3A_818 : vector<16xf32>
      %sub3A_820 = arith.constant 5.000000e-01 : f32
      %sub3A_821 = vector.broadcast %sub3A_820 : f32 to vector<16xf32>
      %sub3A_822 = arith.subf %sub3A_821, %mul3A_819 : vector<16xf32>
      %mul3A_823 = arith.mulf %min3A_797, %min3A_797 : vector<16xf32>
      %mul3A_824 = arith.constant -4.000000e-02 : f32
      %mul3A_825 = vector.broadcast %mul3A_824 : f32 to vector<16xf32>
      %mul3A_826 = arith.mulf %mul3A_825, %mul3A_823 : vector<16xf32>
      %exp3A_827 = math.exp %mul3A_826 : vector<16xf32>
      %mul3A_828 = arith.constant 1.200000e-01 : f32
      %mul3A_829 = vector.broadcast %mul3A_828 : f32 to vector<16xf32>
      %mul3A_830 = arith.mulf %mul3A_829, %min3A_797 : vector<16xf32>
      %exp3A_831 = math.exp %mul3A_830 : vector<16xf32>
      %mul3A_832 = arith.mulf %sub3A_822, %exp3A_827 : vector<16xf32>
      %convert_element_type3A_833 = arith.sitofp %and3A_669 : vector<16xi32> to vector<16xf32>
      %mul3A_834 = arith.mulf %mul3A_832, %convert_element_type3A_833 : vector<16xf32>
      %add3A_835 = arith.addf %add3A_745, %mul3A_834 : vector<16xf32>
      %mul3A_836 = arith.mulf %mul3A_834, %exp3A_831 : vector<16xf32>
      %add3A_837 = arith.addf %add3A_747, %mul3A_836 : vector<16xf32>
      %mul3A_838 = arith.mulf %mul3A_836, %exp3A_831 : vector<16xf32>
      %add3A_839 = arith.addf %add3A_749, %mul3A_838 : vector<16xf32>
      %mul3A_840 = arith.mulf %mul3A_838, %exp3A_831 : vector<16xf32>
      %add3A_841 = arith.addf %add3A_751, %mul3A_840 : vector<16xf32>
      %mul3A_842 = arith.mulf %mul3A_840, %exp3A_831 : vector<16xf32>
      %add3A_843 = arith.addf %add3A_753, %mul3A_842 : vector<16xf32>
      %mul3A_844 = arith.mulf %mul3A_842, %exp3A_831 : vector<16xf32>
      %add3A_845 = arith.addf %add3A_755, %mul3A_844 : vector<16xf32>
      %mul3A_846 = arith.mulf %mul3A_844, %exp3A_831 : vector<16xf32>
      %add3A_847 = arith.addf %add3A_757, %mul3A_846 : vector<16xf32>
      %mul3A_848 = arith.mulf %mul3A_846, %exp3A_831 : vector<16xf32>
      %add3A_849 = arith.addf %add3A_759, %mul3A_848 : vector<16xf32>
      %add3A_850 = arith.constant 4 : i32
      %add3A_851 = arith.addi %mul3A_45, %add3A_850 : i32
      %add3A_852 = vector.broadcast %add3A_851 : i32 to vector<16xi32>
      %add3A_853 = arith.addi %mul3A_23, %add3A_852 : vector<16xi32>
      %gather3A_854 = tpu.vector_load_idx %arg9[%add3A_853] : memref<65536xi32, #tpu.memory_space<vmem>>[vector<16xi32>], vector<16xi32>,
      %and3A_855 = arith.constant 65535 : i32
      %and3A_856 = vector.broadcast %and3A_855 : i32 to vector<16xi32>
      %and3A_857 = arith.andi %gather3A_854, %and3A_856 : vector<16xi32>
      %shift_right_logical3A_858 = arith.constant 16 : i32
      %shift_right_logical3A_859 = vector.broadcast %shift_right_logical3A_858 : i32 to vector<16xi32>
      %shift_right_logical3A_860 = arith.shrui %gather3A_854, %shift_right_logical3A_859 : vector<16xi32>
      %shift_right_logical3A_861 = arith.constant 4 : i32
      %shift_right_logical3A_862 = vector.broadcast %shift_right_logical3A_861 : i32 to vector<16xi32>
      %shift_right_logical3A_863 = arith.shrui %get3A_43, %shift_right_logical3A_862 : vector<16xi32>
      %and3A_864 = arith.constant 1 : i32
      %and3A_865 = vector.broadcast %and3A_864 : i32 to vector<16xi32>
      %and3A_866 = arith.andi %shift_right_logical3A_863, %and3A_865 : vector<16xi32>
      %shift_right_logical3A_867 = arith.constant 20 : i32
      %shift_right_logical3A_868 = vector.broadcast %shift_right_logical3A_867 : i32 to vector<16xi32>
      %shift_right_logical3A_869 = arith.shrui %get3A_43, %shift_right_logical3A_868 : vector<16xi32>
      %and3A_870 = arith.constant 1 : i32
      %and3A_871 = vector.broadcast %and3A_870 : i32 to vector<16xi32>
      %and3A_872 = arith.andi %shift_right_logical3A_869, %and3A_871 : vector<16xi32>
      %gather3A_873 = tpu.vector_load_idx %arg6[%and3A_857] : memref<4096xf32, #tpu.memory_space<vmem>>[vector<16xi32>], vector<16xf32>,
      %gather3A_874 = tpu.vector_load_idx %arg7[%and3A_857] : memref<4096xf32, #tpu.memory_space<vmem>>[vector<16xi32>], vector<16xf32>,
      %gather3A_875 = tpu.vector_load_idx %arg8[%and3A_857] : memref<4096xf32, #tpu.memory_space<vmem>>[vector<16xi32>], vector<16xf32>,
      %sub3A_876 = arith.subf %gather3A_873, %get3A_37 : vector<16xf32>
      %sub3A_877 = arith.subf %gather3A_874, %get3A_39 : vector<16xf32>
      %sub3A_878 = arith.subf %gather3A_875, %get3A_41 : vector<16xf32>
      %mul3A_879 = arith.mulf %sub3A_876, %sub3A_876 : vector<16xf32>
      %mul3A_880 = arith.mulf %sub3A_877, %sub3A_877 : vector<16xf32>
      %add3A_881 = arith.addf %mul3A_879, %mul3A_880 : vector<16xf32>
      %mul3A_882 = arith.mulf %sub3A_878, %sub3A_878 : vector<16xf32>
      %add3A_883 = arith.addf %add3A_881, %mul3A_882 : vector<16xf32>
      %bitcast_convert_type3A_884 = tpu.bitcast %add3A_883 : vector<16xf32> -> vector<16xi32>
      %shift_right_arithmetic3A_885 = arith.constant 1 : i32
      %shift_right_arithmetic3A_886 = vector.broadcast %shift_right_arithmetic3A_885 : i32 to vector<16xi32>
      %shift_right_arithmetic3A_887 = arith.shrsi %bitcast_convert_type3A_884, %shift_right_arithmetic3A_886 : vector<16xi32>
      %sub3A_888 = arith.constant 1597463007 : i32
      %sub3A_889 = vector.broadcast %sub3A_888 : i32 to vector<16xi32>
      %sub3A_890 = arith.subi %sub3A_889, %shift_right_arithmetic3A_887 : vector<16xi32>
      %bitcast_convert_type3A_891 = tpu.bitcast %sub3A_890 : vector<16xi32> -> vector<16xf32>
      %mul3A_892 = arith.constant 5.000000e-01 : f32
      %mul3A_893 = vector.broadcast %mul3A_892 : f32 to vector<16xf32>
      %mul3A_894 = arith.mulf %mul3A_893, %add3A_883 : vector<16xf32>
      %mul3A_895 = arith.mulf %mul3A_894, %bitcast_convert_type3A_891 : vector<16xf32>
      %mul3A_896 = arith.mulf %mul3A_895, %bitcast_convert_type3A_891 : vector<16xf32>
      %sub3A_897 = arith.constant 1.500000e+00 : f32
      %sub3A_898 = vector.broadcast %sub3A_897 : f32 to vector<16xf32>
      %sub3A_899 = arith.subf %sub3A_898, %mul3A_896 : vector<16xf32>
      %mul3A_900 = arith.mulf %bitcast_convert_type3A_891, %sub3A_899 : vector<16xf32>
      %mul3A_901 = arith.mulf %mul3A_894, %mul3A_900 : vector<16xf32>
      %mul3A_902 = arith.mulf %mul3A_901, %mul3A_900 : vector<16xf32>
      %sub3A_903 = arith.constant 1.500000e+00 : f32
      %sub3A_904 = vector.broadcast %sub3A_903 : f32 to vector<16xf32>
      %sub3A_905 = arith.subf %sub3A_904, %mul3A_902 : vector<16xf32>
      %mul3A_906 = arith.mulf %mul3A_900, %sub3A_905 : vector<16xf32>
      %mul3A_907 = arith.mulf %add3A_883, %mul3A_906 : vector<16xf32>
      %min3A_908 = arith.constant 1.200000e+01 : f32
      %min3A_909 = vector.broadcast %min3A_908 : f32 to vector<16xf32>
      %min3A_910 = arith.minimumf %mul3A_907, %min3A_909 : vector<16xf32>
      %mul3A_911 = arith.constant 0.261799395 : f32
      %mul3A_912 = vector.broadcast %mul3A_911 : f32 to vector<16xf32>
      %mul3A_913 = arith.mulf %min3A_910, %mul3A_912 : vector<16xf32>
      %sub3A_914 = arith.constant 1.57079637 : f32
      %sub3A_915 = vector.broadcast %sub3A_914 : f32 to vector<16xf32>
      %sub3A_916 = arith.subf %mul3A_913, %sub3A_915 : vector<16xf32>
      %mul3A_917 = arith.mulf %sub3A_916, %sub3A_916 : vector<16xf32>
      %mul3A_918 = arith.constant -9.26172433E-5 : f32
      %mul3A_919 = vector.broadcast %mul3A_918 : f32 to vector<16xf32>
      %mul3A_920 = arith.mulf %mul3A_917, %mul3A_919 : vector<16xf32>
      %add3A_921 = arith.constant 0.00415661279 : f32
      %add3A_922 = vector.broadcast %add3A_921 : f32 to vector<16xf32>
      %add3A_923 = arith.addf %add3A_922, %mul3A_920 : vector<16xf32>
      %mul3A_924 = arith.mulf %mul3A_917, %add3A_923 : vector<16xf32>
      %add3A_925 = arith.constant -0.083328396 : f32
      %add3A_926 = vector.broadcast %add3A_925 : f32 to vector<16xf32>
      %add3A_927 = arith.addf %add3A_926, %mul3A_924 : vector<16xf32>
      %mul3A_928 = arith.mulf %mul3A_917, %add3A_927 : vector<16xf32>
      %add3A_929 = arith.constant 0.499999613 : f32
      %add3A_930 = vector.broadcast %add3A_929 : f32 to vector<16xf32>
      %add3A_931 = arith.addf %add3A_930, %mul3A_928 : vector<16xf32>
      %mul3A_932 = arith.mulf %sub3A_916, %add3A_931 : vector<16xf32>
      %sub3A_933 = arith.constant 5.000000e-01 : f32
      %sub3A_934 = vector.broadcast %sub3A_933 : f32 to vector<16xf32>
      %sub3A_935 = arith.subf %sub3A_934, %mul3A_932 : vector<16xf32>
      %mul3A_936 = arith.mulf %min3A_910, %min3A_910 : vector<16xf32>
      %mul3A_937 = arith.constant -4.000000e-02 : f32
      %mul3A_938 = vector.broadcast %mul3A_937 : f32 to vector<16xf32>
      %mul3A_939 = arith.mulf %mul3A_938, %mul3A_936 : vector<16xf32>
      %exp3A_940 = math.exp %mul3A_939 : vector<16xf32>
      %mul3A_941 = arith.constant 1.200000e-01 : f32
      %mul3A_942 = vector.broadcast %mul3A_941 : f32 to vector<16xf32>
      %mul3A_943 = arith.mulf %mul3A_942, %min3A_910 : vector<16xf32>
      %exp3A_944 = math.exp %mul3A_943 : vector<16xf32>
      %mul3A_945 = arith.mulf %sub3A_935, %exp3A_940 : vector<16xf32>
      %convert_element_type3A_946 = arith.sitofp %and3A_866 : vector<16xi32> to vector<16xf32>
      %mul3A_947 = arith.mulf %mul3A_945, %convert_element_type3A_946 : vector<16xf32>
      %add3A_948 = arith.addf %add3A_835, %mul3A_947 : vector<16xf32>
      %mul3A_949 = arith.mulf %mul3A_947, %exp3A_944 : vector<16xf32>
      %add3A_950 = arith.addf %add3A_837, %mul3A_949 : vector<16xf32>
      %mul3A_951 = arith.mulf %mul3A_949, %exp3A_944 : vector<16xf32>
      %add3A_952 = arith.addf %add3A_839, %mul3A_951 : vector<16xf32>
      %mul3A_953 = arith.mulf %mul3A_951, %exp3A_944 : vector<16xf32>
      %add3A_954 = arith.addf %add3A_841, %mul3A_953 : vector<16xf32>
      %mul3A_955 = arith.mulf %mul3A_953, %exp3A_944 : vector<16xf32>
      %add3A_956 = arith.addf %add3A_843, %mul3A_955 : vector<16xf32>
      %mul3A_957 = arith.mulf %mul3A_955, %exp3A_944 : vector<16xf32>
      %add3A_958 = arith.addf %add3A_845, %mul3A_957 : vector<16xf32>
      %mul3A_959 = arith.mulf %mul3A_957, %exp3A_944 : vector<16xf32>
      %add3A_960 = arith.addf %add3A_847, %mul3A_959 : vector<16xf32>
      %mul3A_961 = arith.mulf %mul3A_959, %exp3A_944 : vector<16xf32>
      %add3A_962 = arith.addf %add3A_849, %mul3A_961 : vector<16xf32>
      %gather3A_963 = tpu.vector_load_idx %arg6[%shift_right_logical3A_860] : memref<4096xf32, #tpu.memory_space<vmem>>[vector<16xi32>], vector<16xf32>,
      %gather3A_964 = tpu.vector_load_idx %arg7[%shift_right_logical3A_860] : memref<4096xf32, #tpu.memory_space<vmem>>[vector<16xi32>], vector<16xf32>,
      %gather3A_965 = tpu.vector_load_idx %arg8[%shift_right_logical3A_860] : memref<4096xf32, #tpu.memory_space<vmem>>[vector<16xi32>], vector<16xf32>,
      %sub3A_966 = arith.subf %gather3A_963, %get3A_37 : vector<16xf32>
      %sub3A_967 = arith.subf %gather3A_964, %get3A_39 : vector<16xf32>
      %sub3A_968 = arith.subf %gather3A_965, %get3A_41 : vector<16xf32>
      %mul3A_969 = arith.mulf %sub3A_966, %sub3A_966 : vector<16xf32>
      %mul3A_970 = arith.mulf %sub3A_967, %sub3A_967 : vector<16xf32>
      %add3A_971 = arith.addf %mul3A_969, %mul3A_970 : vector<16xf32>
      %mul3A_972 = arith.mulf %sub3A_968, %sub3A_968 : vector<16xf32>
      %add3A_973 = arith.addf %add3A_971, %mul3A_972 : vector<16xf32>
      %bitcast_convert_type3A_974 = tpu.bitcast %add3A_973 : vector<16xf32> -> vector<16xi32>
      %shift_right_arithmetic3A_975 = arith.constant 1 : i32
      %shift_right_arithmetic3A_976 = vector.broadcast %shift_right_arithmetic3A_975 : i32 to vector<16xi32>
      %shift_right_arithmetic3A_977 = arith.shrsi %bitcast_convert_type3A_974, %shift_right_arithmetic3A_976 : vector<16xi32>
      %sub3A_978 = arith.constant 1597463007 : i32
      %sub3A_979 = vector.broadcast %sub3A_978 : i32 to vector<16xi32>
      %sub3A_980 = arith.subi %sub3A_979, %shift_right_arithmetic3A_977 : vector<16xi32>
      %bitcast_convert_type3A_981 = tpu.bitcast %sub3A_980 : vector<16xi32> -> vector<16xf32>
      %mul3A_982 = arith.constant 5.000000e-01 : f32
      %mul3A_983 = vector.broadcast %mul3A_982 : f32 to vector<16xf32>
      %mul3A_984 = arith.mulf %mul3A_983, %add3A_973 : vector<16xf32>
      %mul3A_985 = arith.mulf %mul3A_984, %bitcast_convert_type3A_981 : vector<16xf32>
      %mul3A_986 = arith.mulf %mul3A_985, %bitcast_convert_type3A_981 : vector<16xf32>
      %sub3A_987 = arith.constant 1.500000e+00 : f32
      %sub3A_988 = vector.broadcast %sub3A_987 : f32 to vector<16xf32>
      %sub3A_989 = arith.subf %sub3A_988, %mul3A_986 : vector<16xf32>
      %mul3A_990 = arith.mulf %bitcast_convert_type3A_981, %sub3A_989 : vector<16xf32>
      %mul3A_991 = arith.mulf %mul3A_984, %mul3A_990 : vector<16xf32>
      %mul3A_992 = arith.mulf %mul3A_991, %mul3A_990 : vector<16xf32>
      %sub3A_993 = arith.constant 1.500000e+00 : f32
      %sub3A_994 = vector.broadcast %sub3A_993 : f32 to vector<16xf32>
      %sub3A_995 = arith.subf %sub3A_994, %mul3A_992 : vector<16xf32>
      %mul3A_996 = arith.mulf %mul3A_990, %sub3A_995 : vector<16xf32>
      %mul3A_997 = arith.mulf %add3A_973, %mul3A_996 : vector<16xf32>
      %min3A_998 = arith.constant 1.200000e+01 : f32
      %min3A_999 = vector.broadcast %min3A_998 : f32 to vector<16xf32>
      %min3A_1000 = arith.minimumf %mul3A_997, %min3A_999 : vector<16xf32>
      %mul3A_1001 = arith.constant 0.261799395 : f32
      %mul3A_1002 = vector.broadcast %mul3A_1001 : f32 to vector<16xf32>
      %mul3A_1003 = arith.mulf %min3A_1000, %mul3A_1002 : vector<16xf32>
      %sub3A_1004 = arith.constant 1.57079637 : f32
      %sub3A_1005 = vector.broadcast %sub3A_1004 : f32 to vector<16xf32>
      %sub3A_1006 = arith.subf %mul3A_1003, %sub3A_1005 : vector<16xf32>
      %mul3A_1007 = arith.mulf %sub3A_1006, %sub3A_1006 : vector<16xf32>
      %mul3A_1008 = arith.constant -9.26172433E-5 : f32
      %mul3A_1009 = vector.broadcast %mul3A_1008 : f32 to vector<16xf32>
      %mul3A_1010 = arith.mulf %mul3A_1007, %mul3A_1009 : vector<16xf32>
      %add3A_1011 = arith.constant 0.00415661279 : f32
      %add3A_1012 = vector.broadcast %add3A_1011 : f32 to vector<16xf32>
      %add3A_1013 = arith.addf %add3A_1012, %mul3A_1010 : vector<16xf32>
      %mul3A_1014 = arith.mulf %mul3A_1007, %add3A_1013 : vector<16xf32>
      %add3A_1015 = arith.constant -0.083328396 : f32
      %add3A_1016 = vector.broadcast %add3A_1015 : f32 to vector<16xf32>
      %add3A_1017 = arith.addf %add3A_1016, %mul3A_1014 : vector<16xf32>
      %mul3A_1018 = arith.mulf %mul3A_1007, %add3A_1017 : vector<16xf32>
      %add3A_1019 = arith.constant 0.499999613 : f32
      %add3A_1020 = vector.broadcast %add3A_1019 : f32 to vector<16xf32>
      %add3A_1021 = arith.addf %add3A_1020, %mul3A_1018 : vector<16xf32>
      %mul3A_1022 = arith.mulf %sub3A_1006, %add3A_1021 : vector<16xf32>
      %sub3A_1023 = arith.constant 5.000000e-01 : f32
      %sub3A_1024 = vector.broadcast %sub3A_1023 : f32 to vector<16xf32>
      %sub3A_1025 = arith.subf %sub3A_1024, %mul3A_1022 : vector<16xf32>
      %mul3A_1026 = arith.mulf %min3A_1000, %min3A_1000 : vector<16xf32>
      %mul3A_1027 = arith.constant -4.000000e-02 : f32
      %mul3A_1028 = vector.broadcast %mul3A_1027 : f32 to vector<16xf32>
      %mul3A_1029 = arith.mulf %mul3A_1028, %mul3A_1026 : vector<16xf32>
      %exp3A_1030 = math.exp %mul3A_1029 : vector<16xf32>
      %mul3A_1031 = arith.constant 1.200000e-01 : f32
      %mul3A_1032 = vector.broadcast %mul3A_1031 : f32 to vector<16xf32>
      %mul3A_1033 = arith.mulf %mul3A_1032, %min3A_1000 : vector<16xf32>
      %exp3A_1034 = math.exp %mul3A_1033 : vector<16xf32>
      %mul3A_1035 = arith.mulf %sub3A_1025, %exp3A_1030 : vector<16xf32>
      %convert_element_type3A_1036 = arith.sitofp %and3A_872 : vector<16xi32> to vector<16xf32>
      %mul3A_1037 = arith.mulf %mul3A_1035, %convert_element_type3A_1036 : vector<16xf32>
      %add3A_1038 = arith.addf %add3A_948, %mul3A_1037 : vector<16xf32>
      %mul3A_1039 = arith.mulf %mul3A_1037, %exp3A_1034 : vector<16xf32>
      %add3A_1040 = arith.addf %add3A_950, %mul3A_1039 : vector<16xf32>
      %mul3A_1041 = arith.mulf %mul3A_1039, %exp3A_1034 : vector<16xf32>
      %add3A_1042 = arith.addf %add3A_952, %mul3A_1041 : vector<16xf32>
      %mul3A_1043 = arith.mulf %mul3A_1041, %exp3A_1034 : vector<16xf32>
      %add3A_1044 = arith.addf %add3A_954, %mul3A_1043 : vector<16xf32>
      %mul3A_1045 = arith.mulf %mul3A_1043, %exp3A_1034 : vector<16xf32>
      %add3A_1046 = arith.addf %add3A_956, %mul3A_1045 : vector<16xf32>
      %mul3A_1047 = arith.mulf %mul3A_1045, %exp3A_1034 : vector<16xf32>
      %add3A_1048 = arith.addf %add3A_958, %mul3A_1047 : vector<16xf32>
      %mul3A_1049 = arith.mulf %mul3A_1047, %exp3A_1034 : vector<16xf32>
      %add3A_1050 = arith.addf %add3A_960, %mul3A_1049 : vector<16xf32>
      %mul3A_1051 = arith.mulf %mul3A_1049, %exp3A_1034 : vector<16xf32>
      %add3A_1052 = arith.addf %add3A_962, %mul3A_1051 : vector<16xf32>
      %add3A_1053 = arith.constant 5 : i32
      %add3A_1054 = arith.addi %mul3A_45, %add3A_1053 : i32
      %add3A_1055 = vector.broadcast %add3A_1054 : i32 to vector<16xi32>
      %add3A_1056 = arith.addi %mul3A_23, %add3A_1055 : vector<16xi32>
      %gather3A_1057 = tpu.vector_load_idx %arg9[%add3A_1056] : memref<65536xi32, #tpu.memory_space<vmem>>[vector<16xi32>], vector<16xi32>,
      %and3A_1058 = arith.constant 65535 : i32
      %and3A_1059 = vector.broadcast %and3A_1058 : i32 to vector<16xi32>
      %and3A_1060 = arith.andi %gather3A_1057, %and3A_1059 : vector<16xi32>
      %shift_right_logical3A_1061 = arith.constant 16 : i32
      %shift_right_logical3A_1062 = vector.broadcast %shift_right_logical3A_1061 : i32 to vector<16xi32>
      %shift_right_logical3A_1063 = arith.shrui %gather3A_1057, %shift_right_logical3A_1062 : vector<16xi32>
      %shift_right_logical3A_1064 = arith.constant 5 : i32
      %shift_right_logical3A_1065 = vector.broadcast %shift_right_logical3A_1064 : i32 to vector<16xi32>
      %shift_right_logical3A_1066 = arith.shrui %get3A_43, %shift_right_logical3A_1065 : vector<16xi32>
      %and3A_1067 = arith.constant 1 : i32
      %and3A_1068 = vector.broadcast %and3A_1067 : i32 to vector<16xi32>
      %and3A_1069 = arith.andi %shift_right_logical3A_1066, %and3A_1068 : vector<16xi32>
      %shift_right_logical3A_1070 = arith.constant 21 : i32
      %shift_right_logical3A_1071 = vector.broadcast %shift_right_logical3A_1070 : i32 to vector<16xi32>
      %shift_right_logical3A_1072 = arith.shrui %get3A_43, %shift_right_logical3A_1071 : vector<16xi32>
      %and3A_1073 = arith.constant 1 : i32
      %and3A_1074 = vector.broadcast %and3A_1073 : i32 to vector<16xi32>
      %and3A_1075 = arith.andi %shift_right_logical3A_1072, %and3A_1074 : vector<16xi32>
      %gather3A_1076 = tpu.vector_load_idx %arg6[%and3A_1060] : memref<4096xf32, #tpu.memory_space<vmem>>[vector<16xi32>], vector<16xf32>,
      %gather3A_1077 = tpu.vector_load_idx %arg7[%and3A_1060] : memref<4096xf32, #tpu.memory_space<vmem>>[vector<16xi32>], vector<16xf32>,
      %gather3A_1078 = tpu.vector_load_idx %arg8[%and3A_1060] : memref<4096xf32, #tpu.memory_space<vmem>>[vector<16xi32>], vector<16xf32>,
      %sub3A_1079 = arith.subf %gather3A_1076, %get3A_37 : vector<16xf32>
      %sub3A_1080 = arith.subf %gather3A_1077, %get3A_39 : vector<16xf32>
      %sub3A_1081 = arith.subf %gather3A_1078, %get3A_41 : vector<16xf32>
      %mul3A_1082 = arith.mulf %sub3A_1079, %sub3A_1079 : vector<16xf32>
      %mul3A_1083 = arith.mulf %sub3A_1080, %sub3A_1080 : vector<16xf32>
      %add3A_1084 = arith.addf %mul3A_1082, %mul3A_1083 : vector<16xf32>
      %mul3A_1085 = arith.mulf %sub3A_1081, %sub3A_1081 : vector<16xf32>
      %add3A_1086 = arith.addf %add3A_1084, %mul3A_1085 : vector<16xf32>
      %bitcast_convert_type3A_1087 = tpu.bitcast %add3A_1086 : vector<16xf32> -> vector<16xi32>
      %shift_right_arithmetic3A_1088 = arith.constant 1 : i32
      %shift_right_arithmetic3A_1089 = vector.broadcast %shift_right_arithmetic3A_1088 : i32 to vector<16xi32>
      %shift_right_arithmetic3A_1090 = arith.shrsi %bitcast_convert_type3A_1087, %shift_right_arithmetic3A_1089 : vector<16xi32>
      %sub3A_1091 = arith.constant 1597463007 : i32
      %sub3A_1092 = vector.broadcast %sub3A_1091 : i32 to vector<16xi32>
      %sub3A_1093 = arith.subi %sub3A_1092, %shift_right_arithmetic3A_1090 : vector<16xi32>
      %bitcast_convert_type3A_1094 = tpu.bitcast %sub3A_1093 : vector<16xi32> -> vector<16xf32>
      %mul3A_1095 = arith.constant 5.000000e-01 : f32
      %mul3A_1096 = vector.broadcast %mul3A_1095 : f32 to vector<16xf32>
      %mul3A_1097 = arith.mulf %mul3A_1096, %add3A_1086 : vector<16xf32>
      %mul3A_1098 = arith.mulf %mul3A_1097, %bitcast_convert_type3A_1094 : vector<16xf32>
      %mul3A_1099 = arith.mulf %mul3A_1098, %bitcast_convert_type3A_1094 : vector<16xf32>
      %sub3A_1100 = arith.constant 1.500000e+00 : f32
      %sub3A_1101 = vector.broadcast %sub3A_1100 : f32 to vector<16xf32>
      %sub3A_1102 = arith.subf %sub3A_1101, %mul3A_1099 : vector<16xf32>
      %mul3A_1103 = arith.mulf %bitcast_convert_type3A_1094, %sub3A_1102 : vector<16xf32>
      %mul3A_1104 = arith.mulf %mul3A_1097, %mul3A_1103 : vector<16xf32>
      %mul3A_1105 = arith.mulf %mul3A_1104, %mul3A_1103 : vector<16xf32>
      %sub3A_1106 = arith.constant 1.500000e+00 : f32
      %sub3A_1107 = vector.broadcast %sub3A_1106 : f32 to vector<16xf32>
      %sub3A_1108 = arith.subf %sub3A_1107, %mul3A_1105 : vector<16xf32>
      %mul3A_1109 = arith.mulf %mul3A_1103, %sub3A_1108 : vector<16xf32>
      %mul3A_1110 = arith.mulf %add3A_1086, %mul3A_1109 : vector<16xf32>
      %min3A_1111 = arith.constant 1.200000e+01 : f32
      %min3A_1112 = vector.broadcast %min3A_1111 : f32 to vector<16xf32>
      %min3A_1113 = arith.minimumf %mul3A_1110, %min3A_1112 : vector<16xf32>
      %mul3A_1114 = arith.constant 0.261799395 : f32
      %mul3A_1115 = vector.broadcast %mul3A_1114 : f32 to vector<16xf32>
      %mul3A_1116 = arith.mulf %min3A_1113, %mul3A_1115 : vector<16xf32>
      %sub3A_1117 = arith.constant 1.57079637 : f32
      %sub3A_1118 = vector.broadcast %sub3A_1117 : f32 to vector<16xf32>
      %sub3A_1119 = arith.subf %mul3A_1116, %sub3A_1118 : vector<16xf32>
      %mul3A_1120 = arith.mulf %sub3A_1119, %sub3A_1119 : vector<16xf32>
      %mul3A_1121 = arith.constant -9.26172433E-5 : f32
      %mul3A_1122 = vector.broadcast %mul3A_1121 : f32 to vector<16xf32>
      %mul3A_1123 = arith.mulf %mul3A_1120, %mul3A_1122 : vector<16xf32>
      %add3A_1124 = arith.constant 0.00415661279 : f32
      %add3A_1125 = vector.broadcast %add3A_1124 : f32 to vector<16xf32>
      %add3A_1126 = arith.addf %add3A_1125, %mul3A_1123 : vector<16xf32>
      %mul3A_1127 = arith.mulf %mul3A_1120, %add3A_1126 : vector<16xf32>
      %add3A_1128 = arith.constant -0.083328396 : f32
      %add3A_1129 = vector.broadcast %add3A_1128 : f32 to vector<16xf32>
      %add3A_1130 = arith.addf %add3A_1129, %mul3A_1127 : vector<16xf32>
      %mul3A_1131 = arith.mulf %mul3A_1120, %add3A_1130 : vector<16xf32>
      %add3A_1132 = arith.constant 0.499999613 : f32
      %add3A_1133 = vector.broadcast %add3A_1132 : f32 to vector<16xf32>
      %add3A_1134 = arith.addf %add3A_1133, %mul3A_1131 : vector<16xf32>
      %mul3A_1135 = arith.mulf %sub3A_1119, %add3A_1134 : vector<16xf32>
      %sub3A_1136 = arith.constant 5.000000e-01 : f32
      %sub3A_1137 = vector.broadcast %sub3A_1136 : f32 to vector<16xf32>
      %sub3A_1138 = arith.subf %sub3A_1137, %mul3A_1135 : vector<16xf32>
      %mul3A_1139 = arith.mulf %min3A_1113, %min3A_1113 : vector<16xf32>
      %mul3A_1140 = arith.constant -4.000000e-02 : f32
      %mul3A_1141 = vector.broadcast %mul3A_1140 : f32 to vector<16xf32>
      %mul3A_1142 = arith.mulf %mul3A_1141, %mul3A_1139 : vector<16xf32>
      %exp3A_1143 = math.exp %mul3A_1142 : vector<16xf32>
      %mul3A_1144 = arith.constant 1.200000e-01 : f32
      %mul3A_1145 = vector.broadcast %mul3A_1144 : f32 to vector<16xf32>
      %mul3A_1146 = arith.mulf %mul3A_1145, %min3A_1113 : vector<16xf32>
      %exp3A_1147 = math.exp %mul3A_1146 : vector<16xf32>
      %mul3A_1148 = arith.mulf %sub3A_1138, %exp3A_1143 : vector<16xf32>
      %convert_element_type3A_1149 = arith.sitofp %and3A_1069 : vector<16xi32> to vector<16xf32>
      %mul3A_1150 = arith.mulf %mul3A_1148, %convert_element_type3A_1149 : vector<16xf32>
      %add3A_1151 = arith.addf %add3A_1038, %mul3A_1150 : vector<16xf32>
      %mul3A_1152 = arith.mulf %mul3A_1150, %exp3A_1147 : vector<16xf32>
      %add3A_1153 = arith.addf %add3A_1040, %mul3A_1152 : vector<16xf32>
      %mul3A_1154 = arith.mulf %mul3A_1152, %exp3A_1147 : vector<16xf32>
      %add3A_1155 = arith.addf %add3A_1042, %mul3A_1154 : vector<16xf32>
      %mul3A_1156 = arith.mulf %mul3A_1154, %exp3A_1147 : vector<16xf32>
      %add3A_1157 = arith.addf %add3A_1044, %mul3A_1156 : vector<16xf32>
      %mul3A_1158 = arith.mulf %mul3A_1156, %exp3A_1147 : vector<16xf32>
      %add3A_1159 = arith.addf %add3A_1046, %mul3A_1158 : vector<16xf32>
      %mul3A_1160 = arith.mulf %mul3A_1158, %exp3A_1147 : vector<16xf32>
      %add3A_1161 = arith.addf %add3A_1048, %mul3A_1160 : vector<16xf32>
      %mul3A_1162 = arith.mulf %mul3A_1160, %exp3A_1147 : vector<16xf32>
      %add3A_1163 = arith.addf %add3A_1050, %mul3A_1162 : vector<16xf32>
      %mul3A_1164 = arith.mulf %mul3A_1162, %exp3A_1147 : vector<16xf32>
      %add3A_1165 = arith.addf %add3A_1052, %mul3A_1164 : vector<16xf32>
      %gather3A_1166 = tpu.vector_load_idx %arg6[%shift_right_logical3A_1063] : memref<4096xf32, #tpu.memory_space<vmem>>[vector<16xi32>], vector<16xf32>,
      %gather3A_1167 = tpu.vector_load_idx %arg7[%shift_right_logical3A_1063] : memref<4096xf32, #tpu.memory_space<vmem>>[vector<16xi32>], vector<16xf32>,
      %gather3A_1168 = tpu.vector_load_idx %arg8[%shift_right_logical3A_1063] : memref<4096xf32, #tpu.memory_space<vmem>>[vector<16xi32>], vector<16xf32>,
      %sub3A_1169 = arith.subf %gather3A_1166, %get3A_37 : vector<16xf32>
      %sub3A_1170 = arith.subf %gather3A_1167, %get3A_39 : vector<16xf32>
      %sub3A_1171 = arith.subf %gather3A_1168, %get3A_41 : vector<16xf32>
      %mul3A_1172 = arith.mulf %sub3A_1169, %sub3A_1169 : vector<16xf32>
      %mul3A_1173 = arith.mulf %sub3A_1170, %sub3A_1170 : vector<16xf32>
      %add3A_1174 = arith.addf %mul3A_1172, %mul3A_1173 : vector<16xf32>
      %mul3A_1175 = arith.mulf %sub3A_1171, %sub3A_1171 : vector<16xf32>
      %add3A_1176 = arith.addf %add3A_1174, %mul3A_1175 : vector<16xf32>
      %bitcast_convert_type3A_1177 = tpu.bitcast %add3A_1176 : vector<16xf32> -> vector<16xi32>
      %shift_right_arithmetic3A_1178 = arith.constant 1 : i32
      %shift_right_arithmetic3A_1179 = vector.broadcast %shift_right_arithmetic3A_1178 : i32 to vector<16xi32>
      %shift_right_arithmetic3A_1180 = arith.shrsi %bitcast_convert_type3A_1177, %shift_right_arithmetic3A_1179 : vector<16xi32>
      %sub3A_1181 = arith.constant 1597463007 : i32
      %sub3A_1182 = vector.broadcast %sub3A_1181 : i32 to vector<16xi32>
      %sub3A_1183 = arith.subi %sub3A_1182, %shift_right_arithmetic3A_1180 : vector<16xi32>
      %bitcast_convert_type3A_1184 = tpu.bitcast %sub3A_1183 : vector<16xi32> -> vector<16xf32>
      %mul3A_1185 = arith.constant 5.000000e-01 : f32
      %mul3A_1186 = vector.broadcast %mul3A_1185 : f32 to vector<16xf32>
      %mul3A_1187 = arith.mulf %mul3A_1186, %add3A_1176 : vector<16xf32>
      %mul3A_1188 = arith.mulf %mul3A_1187, %bitcast_convert_type3A_1184 : vector<16xf32>
      %mul3A_1189 = arith.mulf %mul3A_1188, %bitcast_convert_type3A_1184 : vector<16xf32>
      %sub3A_1190 = arith.constant 1.500000e+00 : f32
      %sub3A_1191 = vector.broadcast %sub3A_1190 : f32 to vector<16xf32>
      %sub3A_1192 = arith.subf %sub3A_1191, %mul3A_1189 : vector<16xf32>
      %mul3A_1193 = arith.mulf %bitcast_convert_type3A_1184, %sub3A_1192 : vector<16xf32>
      %mul3A_1194 = arith.mulf %mul3A_1187, %mul3A_1193 : vector<16xf32>
      %mul3A_1195 = arith.mulf %mul3A_1194, %mul3A_1193 : vector<16xf32>
      %sub3A_1196 = arith.constant 1.500000e+00 : f32
      %sub3A_1197 = vector.broadcast %sub3A_1196 : f32 to vector<16xf32>
      %sub3A_1198 = arith.subf %sub3A_1197, %mul3A_1195 : vector<16xf32>
      %mul3A_1199 = arith.mulf %mul3A_1193, %sub3A_1198 : vector<16xf32>
      %mul3A_1200 = arith.mulf %add3A_1176, %mul3A_1199 : vector<16xf32>
      %min3A_1201 = arith.constant 1.200000e+01 : f32
      %min3A_1202 = vector.broadcast %min3A_1201 : f32 to vector<16xf32>
      %min3A_1203 = arith.minimumf %mul3A_1200, %min3A_1202 : vector<16xf32>
      %mul3A_1204 = arith.constant 0.261799395 : f32
      %mul3A_1205 = vector.broadcast %mul3A_1204 : f32 to vector<16xf32>
      %mul3A_1206 = arith.mulf %min3A_1203, %mul3A_1205 : vector<16xf32>
      %sub3A_1207 = arith.constant 1.57079637 : f32
      %sub3A_1208 = vector.broadcast %sub3A_1207 : f32 to vector<16xf32>
      %sub3A_1209 = arith.subf %mul3A_1206, %sub3A_1208 : vector<16xf32>
      %mul3A_1210 = arith.mulf %sub3A_1209, %sub3A_1209 : vector<16xf32>
      %mul3A_1211 = arith.constant -9.26172433E-5 : f32
      %mul3A_1212 = vector.broadcast %mul3A_1211 : f32 to vector<16xf32>
      %mul3A_1213 = arith.mulf %mul3A_1210, %mul3A_1212 : vector<16xf32>
      %add3A_1214 = arith.constant 0.00415661279 : f32
      %add3A_1215 = vector.broadcast %add3A_1214 : f32 to vector<16xf32>
      %add3A_1216 = arith.addf %add3A_1215, %mul3A_1213 : vector<16xf32>
      %mul3A_1217 = arith.mulf %mul3A_1210, %add3A_1216 : vector<16xf32>
      %add3A_1218 = arith.constant -0.083328396 : f32
      %add3A_1219 = vector.broadcast %add3A_1218 : f32 to vector<16xf32>
      %add3A_1220 = arith.addf %add3A_1219, %mul3A_1217 : vector<16xf32>
      %mul3A_1221 = arith.mulf %mul3A_1210, %add3A_1220 : vector<16xf32>
      %add3A_1222 = arith.constant 0.499999613 : f32
      %add3A_1223 = vector.broadcast %add3A_1222 : f32 to vector<16xf32>
      %add3A_1224 = arith.addf %add3A_1223, %mul3A_1221 : vector<16xf32>
      %mul3A_1225 = arith.mulf %sub3A_1209, %add3A_1224 : vector<16xf32>
      %sub3A_1226 = arith.constant 5.000000e-01 : f32
      %sub3A_1227 = vector.broadcast %sub3A_1226 : f32 to vector<16xf32>
      %sub3A_1228 = arith.subf %sub3A_1227, %mul3A_1225 : vector<16xf32>
      %mul3A_1229 = arith.mulf %min3A_1203, %min3A_1203 : vector<16xf32>
      %mul3A_1230 = arith.constant -4.000000e-02 : f32
      %mul3A_1231 = vector.broadcast %mul3A_1230 : f32 to vector<16xf32>
      %mul3A_1232 = arith.mulf %mul3A_1231, %mul3A_1229 : vector<16xf32>
      %exp3A_1233 = math.exp %mul3A_1232 : vector<16xf32>
      %mul3A_1234 = arith.constant 1.200000e-01 : f32
      %mul3A_1235 = vector.broadcast %mul3A_1234 : f32 to vector<16xf32>
      %mul3A_1236 = arith.mulf %mul3A_1235, %min3A_1203 : vector<16xf32>
      %exp3A_1237 = math.exp %mul3A_1236 : vector<16xf32>
      %mul3A_1238 = arith.mulf %sub3A_1228, %exp3A_1233 : vector<16xf32>
      %convert_element_type3A_1239 = arith.sitofp %and3A_1075 : vector<16xi32> to vector<16xf32>
      %mul3A_1240 = arith.mulf %mul3A_1238, %convert_element_type3A_1239 : vector<16xf32>
      %add3A_1241 = arith.addf %add3A_1151, %mul3A_1240 : vector<16xf32>
      %mul3A_1242 = arith.mulf %mul3A_1240, %exp3A_1237 : vector<16xf32>
      %add3A_1243 = arith.addf %add3A_1153, %mul3A_1242 : vector<16xf32>
      %mul3A_1244 = arith.mulf %mul3A_1242, %exp3A_1237 : vector<16xf32>
      %add3A_1245 = arith.addf %add3A_1155, %mul3A_1244 : vector<16xf32>
      %mul3A_1246 = arith.mulf %mul3A_1244, %exp3A_1237 : vector<16xf32>
      %add3A_1247 = arith.addf %add3A_1157, %mul3A_1246 : vector<16xf32>
      %mul3A_1248 = arith.mulf %mul3A_1246, %exp3A_1237 : vector<16xf32>
      %add3A_1249 = arith.addf %add3A_1159, %mul3A_1248 : vector<16xf32>
      %mul3A_1250 = arith.mulf %mul3A_1248, %exp3A_1237 : vector<16xf32>
      %add3A_1251 = arith.addf %add3A_1161, %mul3A_1250 : vector<16xf32>
      %mul3A_1252 = arith.mulf %mul3A_1250, %exp3A_1237 : vector<16xf32>
      %add3A_1253 = arith.addf %add3A_1163, %mul3A_1252 : vector<16xf32>
      %mul3A_1254 = arith.mulf %mul3A_1252, %exp3A_1237 : vector<16xf32>
      %add3A_1255 = arith.addf %add3A_1165, %mul3A_1254 : vector<16xf32>
      %add3A_1256 = arith.constant 6 : i32
      %add3A_1257 = arith.addi %mul3A_45, %add3A_1256 : i32
      %add3A_1258 = vector.broadcast %add3A_1257 : i32 to vector<16xi32>
      %add3A_1259 = arith.addi %mul3A_23, %add3A_1258 : vector<16xi32>
      %gather3A_1260 = tpu.vector_load_idx %arg9[%add3A_1259] : memref<65536xi32, #tpu.memory_space<vmem>>[vector<16xi32>], vector<16xi32>,
      %and3A_1261 = arith.constant 65535 : i32
      %and3A_1262 = vector.broadcast %and3A_1261 : i32 to vector<16xi32>
      %and3A_1263 = arith.andi %gather3A_1260, %and3A_1262 : vector<16xi32>
      %shift_right_logical3A_1264 = arith.constant 16 : i32
      %shift_right_logical3A_1265 = vector.broadcast %shift_right_logical3A_1264 : i32 to vector<16xi32>
      %shift_right_logical3A_1266 = arith.shrui %gather3A_1260, %shift_right_logical3A_1265 : vector<16xi32>
      %shift_right_logical3A_1267 = arith.constant 6 : i32
      %shift_right_logical3A_1268 = vector.broadcast %shift_right_logical3A_1267 : i32 to vector<16xi32>
      %shift_right_logical3A_1269 = arith.shrui %get3A_43, %shift_right_logical3A_1268 : vector<16xi32>
      %and3A_1270 = arith.constant 1 : i32
      %and3A_1271 = vector.broadcast %and3A_1270 : i32 to vector<16xi32>
      %and3A_1272 = arith.andi %shift_right_logical3A_1269, %and3A_1271 : vector<16xi32>
      %shift_right_logical3A_1273 = arith.constant 22 : i32
      %shift_right_logical3A_1274 = vector.broadcast %shift_right_logical3A_1273 : i32 to vector<16xi32>
      %shift_right_logical3A_1275 = arith.shrui %get3A_43, %shift_right_logical3A_1274 : vector<16xi32>
      %and3A_1276 = arith.constant 1 : i32
      %and3A_1277 = vector.broadcast %and3A_1276 : i32 to vector<16xi32>
      %and3A_1278 = arith.andi %shift_right_logical3A_1275, %and3A_1277 : vector<16xi32>
      %gather3A_1279 = tpu.vector_load_idx %arg6[%and3A_1263] : memref<4096xf32, #tpu.memory_space<vmem>>[vector<16xi32>], vector<16xf32>,
      %gather3A_1280 = tpu.vector_load_idx %arg7[%and3A_1263] : memref<4096xf32, #tpu.memory_space<vmem>>[vector<16xi32>], vector<16xf32>,
      %gather3A_1281 = tpu.vector_load_idx %arg8[%and3A_1263] : memref<4096xf32, #tpu.memory_space<vmem>>[vector<16xi32>], vector<16xf32>,
      %sub3A_1282 = arith.subf %gather3A_1279, %get3A_37 : vector<16xf32>
      %sub3A_1283 = arith.subf %gather3A_1280, %get3A_39 : vector<16xf32>
      %sub3A_1284 = arith.subf %gather3A_1281, %get3A_41 : vector<16xf32>
      %mul3A_1285 = arith.mulf %sub3A_1282, %sub3A_1282 : vector<16xf32>
      %mul3A_1286 = arith.mulf %sub3A_1283, %sub3A_1283 : vector<16xf32>
      %add3A_1287 = arith.addf %mul3A_1285, %mul3A_1286 : vector<16xf32>
      %mul3A_1288 = arith.mulf %sub3A_1284, %sub3A_1284 : vector<16xf32>
      %add3A_1289 = arith.addf %add3A_1287, %mul3A_1288 : vector<16xf32>
      %bitcast_convert_type3A_1290 = tpu.bitcast %add3A_1289 : vector<16xf32> -> vector<16xi32>
      %shift_right_arithmetic3A_1291 = arith.constant 1 : i32
      %shift_right_arithmetic3A_1292 = vector.broadcast %shift_right_arithmetic3A_1291 : i32 to vector<16xi32>
      %shift_right_arithmetic3A_1293 = arith.shrsi %bitcast_convert_type3A_1290, %shift_right_arithmetic3A_1292 : vector<16xi32>
      %sub3A_1294 = arith.constant 1597463007 : i32
      %sub3A_1295 = vector.broadcast %sub3A_1294 : i32 to vector<16xi32>
      %sub3A_1296 = arith.subi %sub3A_1295, %shift_right_arithmetic3A_1293 : vector<16xi32>
      %bitcast_convert_type3A_1297 = tpu.bitcast %sub3A_1296 : vector<16xi32> -> vector<16xf32>
      %mul3A_1298 = arith.constant 5.000000e-01 : f32
      %mul3A_1299 = vector.broadcast %mul3A_1298 : f32 to vector<16xf32>
      %mul3A_1300 = arith.mulf %mul3A_1299, %add3A_1289 : vector<16xf32>
      %mul3A_1301 = arith.mulf %mul3A_1300, %bitcast_convert_type3A_1297 : vector<16xf32>
      %mul3A_1302 = arith.mulf %mul3A_1301, %bitcast_convert_type3A_1297 : vector<16xf32>
      %sub3A_1303 = arith.constant 1.500000e+00 : f32
      %sub3A_1304 = vector.broadcast %sub3A_1303 : f32 to vector<16xf32>
      %sub3A_1305 = arith.subf %sub3A_1304, %mul3A_1302 : vector<16xf32>
      %mul3A_1306 = arith.mulf %bitcast_convert_type3A_1297, %sub3A_1305 : vector<16xf32>
      %mul3A_1307 = arith.mulf %mul3A_1300, %mul3A_1306 : vector<16xf32>
      %mul3A_1308 = arith.mulf %mul3A_1307, %mul3A_1306 : vector<16xf32>
      %sub3A_1309 = arith.constant 1.500000e+00 : f32
      %sub3A_1310 = vector.broadcast %sub3A_1309 : f32 to vector<16xf32>
      %sub3A_1311 = arith.subf %sub3A_1310, %mul3A_1308 : vector<16xf32>
      %mul3A_1312 = arith.mulf %mul3A_1306, %sub3A_1311 : vector<16xf32>
      %mul3A_1313 = arith.mulf %add3A_1289, %mul3A_1312 : vector<16xf32>
      %min3A_1314 = arith.constant 1.200000e+01 : f32
      %min3A_1315 = vector.broadcast %min3A_1314 : f32 to vector<16xf32>
      %min3A_1316 = arith.minimumf %mul3A_1313, %min3A_1315 : vector<16xf32>
      %mul3A_1317 = arith.constant 0.261799395 : f32
      %mul3A_1318 = vector.broadcast %mul3A_1317 : f32 to vector<16xf32>
      %mul3A_1319 = arith.mulf %min3A_1316, %mul3A_1318 : vector<16xf32>
      %sub3A_1320 = arith.constant 1.57079637 : f32
      %sub3A_1321 = vector.broadcast %sub3A_1320 : f32 to vector<16xf32>
      %sub3A_1322 = arith.subf %mul3A_1319, %sub3A_1321 : vector<16xf32>
      %mul3A_1323 = arith.mulf %sub3A_1322, %sub3A_1322 : vector<16xf32>
      %mul3A_1324 = arith.constant -9.26172433E-5 : f32
      %mul3A_1325 = vector.broadcast %mul3A_1324 : f32 to vector<16xf32>
      %mul3A_1326 = arith.mulf %mul3A_1323, %mul3A_1325 : vector<16xf32>
      %add3A_1327 = arith.constant 0.00415661279 : f32
      %add3A_1328 = vector.broadcast %add3A_1327 : f32 to vector<16xf32>
      %add3A_1329 = arith.addf %add3A_1328, %mul3A_1326 : vector<16xf32>
      %mul3A_1330 = arith.mulf %mul3A_1323, %add3A_1329 : vector<16xf32>
      %add3A_1331 = arith.constant -0.083328396 : f32
      %add3A_1332 = vector.broadcast %add3A_1331 : f32 to vector<16xf32>
      %add3A_1333 = arith.addf %add3A_1332, %mul3A_1330 : vector<16xf32>
      %mul3A_1334 = arith.mulf %mul3A_1323, %add3A_1333 : vector<16xf32>
      %add3A_1335 = arith.constant 0.499999613 : f32
      %add3A_1336 = vector.broadcast %add3A_1335 : f32 to vector<16xf32>
      %add3A_1337 = arith.addf %add3A_1336, %mul3A_1334 : vector<16xf32>
      %mul3A_1338 = arith.mulf %sub3A_1322, %add3A_1337 : vector<16xf32>
      %sub3A_1339 = arith.constant 5.000000e-01 : f32
      %sub3A_1340 = vector.broadcast %sub3A_1339 : f32 to vector<16xf32>
      %sub3A_1341 = arith.subf %sub3A_1340, %mul3A_1338 : vector<16xf32>
      %mul3A_1342 = arith.mulf %min3A_1316, %min3A_1316 : vector<16xf32>
      %mul3A_1343 = arith.constant -4.000000e-02 : f32
      %mul3A_1344 = vector.broadcast %mul3A_1343 : f32 to vector<16xf32>
      %mul3A_1345 = arith.mulf %mul3A_1344, %mul3A_1342 : vector<16xf32>
      %exp3A_1346 = math.exp %mul3A_1345 : vector<16xf32>
      %mul3A_1347 = arith.constant 1.200000e-01 : f32
      %mul3A_1348 = vector.broadcast %mul3A_1347 : f32 to vector<16xf32>
      %mul3A_1349 = arith.mulf %mul3A_1348, %min3A_1316 : vector<16xf32>
      %exp3A_1350 = math.exp %mul3A_1349 : vector<16xf32>
      %mul3A_1351 = arith.mulf %sub3A_1341, %exp3A_1346 : vector<16xf32>
      %convert_element_type3A_1352 = arith.sitofp %and3A_1272 : vector<16xi32> to vector<16xf32>
      %mul3A_1353 = arith.mulf %mul3A_1351, %convert_element_type3A_1352 : vector<16xf32>
      %add3A_1354 = arith.addf %add3A_1241, %mul3A_1353 : vector<16xf32>
      %mul3A_1355 = arith.mulf %mul3A_1353, %exp3A_1350 : vector<16xf32>
      %add3A_1356 = arith.addf %add3A_1243, %mul3A_1355 : vector<16xf32>
      %mul3A_1357 = arith.mulf %mul3A_1355, %exp3A_1350 : vector<16xf32>
      %add3A_1358 = arith.addf %add3A_1245, %mul3A_1357 : vector<16xf32>
      %mul3A_1359 = arith.mulf %mul3A_1357, %exp3A_1350 : vector<16xf32>
      %add3A_1360 = arith.addf %add3A_1247, %mul3A_1359 : vector<16xf32>
      %mul3A_1361 = arith.mulf %mul3A_1359, %exp3A_1350 : vector<16xf32>
      %add3A_1362 = arith.addf %add3A_1249, %mul3A_1361 : vector<16xf32>
      %mul3A_1363 = arith.mulf %mul3A_1361, %exp3A_1350 : vector<16xf32>
      %add3A_1364 = arith.addf %add3A_1251, %mul3A_1363 : vector<16xf32>
      %mul3A_1365 = arith.mulf %mul3A_1363, %exp3A_1350 : vector<16xf32>
      %add3A_1366 = arith.addf %add3A_1253, %mul3A_1365 : vector<16xf32>
      %mul3A_1367 = arith.mulf %mul3A_1365, %exp3A_1350 : vector<16xf32>
      %add3A_1368 = arith.addf %add3A_1255, %mul3A_1367 : vector<16xf32>
      %gather3A_1369 = tpu.vector_load_idx %arg6[%shift_right_logical3A_1266] : memref<4096xf32, #tpu.memory_space<vmem>>[vector<16xi32>], vector<16xf32>,
      %gather3A_1370 = tpu.vector_load_idx %arg7[%shift_right_logical3A_1266] : memref<4096xf32, #tpu.memory_space<vmem>>[vector<16xi32>], vector<16xf32>,
      %gather3A_1371 = tpu.vector_load_idx %arg8[%shift_right_logical3A_1266] : memref<4096xf32, #tpu.memory_space<vmem>>[vector<16xi32>], vector<16xf32>,
      %sub3A_1372 = arith.subf %gather3A_1369, %get3A_37 : vector<16xf32>
      %sub3A_1373 = arith.subf %gather3A_1370, %get3A_39 : vector<16xf32>
      %sub3A_1374 = arith.subf %gather3A_1371, %get3A_41 : vector<16xf32>
      %mul3A_1375 = arith.mulf %sub3A_1372, %sub3A_1372 : vector<16xf32>
      %mul3A_1376 = arith.mulf %sub3A_1373, %sub3A_1373 : vector<16xf32>
      %add3A_1377 = arith.addf %mul3A_1375, %mul3A_1376 : vector<16xf32>
      %mul3A_1378 = arith.mulf %sub3A_1374, %sub3A_1374 : vector<16xf32>
      %add3A_1379 = arith.addf %add3A_1377, %mul3A_1378 : vector<16xf32>
      %bitcast_convert_type3A_1380 = tpu.bitcast %add3A_1379 : vector<16xf32> -> vector<16xi32>
      %shift_right_arithmetic3A_1381 = arith.constant 1 : i32
      %shift_right_arithmetic3A_1382 = vector.broadcast %shift_right_arithmetic3A_1381 : i32 to vector<16xi32>
      %shift_right_arithmetic3A_1383 = arith.shrsi %bitcast_convert_type3A_1380, %shift_right_arithmetic3A_1382 : vector<16xi32>
      %sub3A_1384 = arith.constant 1597463007 : i32
      %sub3A_1385 = vector.broadcast %sub3A_1384 : i32 to vector<16xi32>
      %sub3A_1386 = arith.subi %sub3A_1385, %shift_right_arithmetic3A_1383 : vector<16xi32>
      %bitcast_convert_type3A_1387 = tpu.bitcast %sub3A_1386 : vector<16xi32> -> vector<16xf32>
      %mul3A_1388 = arith.constant 5.000000e-01 : f32
      %mul3A_1389 = vector.broadcast %mul3A_1388 : f32 to vector<16xf32>
      %mul3A_1390 = arith.mulf %mul3A_1389, %add3A_1379 : vector<16xf32>
      %mul3A_1391 = arith.mulf %mul3A_1390, %bitcast_convert_type3A_1387 : vector<16xf32>
      %mul3A_1392 = arith.mulf %mul3A_1391, %bitcast_convert_type3A_1387 : vector<16xf32>
      %sub3A_1393 = arith.constant 1.500000e+00 : f32
      %sub3A_1394 = vector.broadcast %sub3A_1393 : f32 to vector<16xf32>
      %sub3A_1395 = arith.subf %sub3A_1394, %mul3A_1392 : vector<16xf32>
      %mul3A_1396 = arith.mulf %bitcast_convert_type3A_1387, %sub3A_1395 : vector<16xf32>
      %mul3A_1397 = arith.mulf %mul3A_1390, %mul3A_1396 : vector<16xf32>
      %mul3A_1398 = arith.mulf %mul3A_1397, %mul3A_1396 : vector<16xf32>
      %sub3A_1399 = arith.constant 1.500000e+00 : f32
      %sub3A_1400 = vector.broadcast %sub3A_1399 : f32 to vector<16xf32>
      %sub3A_1401 = arith.subf %sub3A_1400, %mul3A_1398 : vector<16xf32>
      %mul3A_1402 = arith.mulf %mul3A_1396, %sub3A_1401 : vector<16xf32>
      %mul3A_1403 = arith.mulf %add3A_1379, %mul3A_1402 : vector<16xf32>
      %min3A_1404 = arith.constant 1.200000e+01 : f32
      %min3A_1405 = vector.broadcast %min3A_1404 : f32 to vector<16xf32>
      %min3A_1406 = arith.minimumf %mul3A_1403, %min3A_1405 : vector<16xf32>
      %mul3A_1407 = arith.constant 0.261799395 : f32
      %mul3A_1408 = vector.broadcast %mul3A_1407 : f32 to vector<16xf32>
      %mul3A_1409 = arith.mulf %min3A_1406, %mul3A_1408 : vector<16xf32>
      %sub3A_1410 = arith.constant 1.57079637 : f32
      %sub3A_1411 = vector.broadcast %sub3A_1410 : f32 to vector<16xf32>
      %sub3A_1412 = arith.subf %mul3A_1409, %sub3A_1411 : vector<16xf32>
      %mul3A_1413 = arith.mulf %sub3A_1412, %sub3A_1412 : vector<16xf32>
      %mul3A_1414 = arith.constant -9.26172433E-5 : f32
      %mul3A_1415 = vector.broadcast %mul3A_1414 : f32 to vector<16xf32>
      %mul3A_1416 = arith.mulf %mul3A_1413, %mul3A_1415 : vector<16xf32>
      %add3A_1417 = arith.constant 0.00415661279 : f32
      %add3A_1418 = vector.broadcast %add3A_1417 : f32 to vector<16xf32>
      %add3A_1419 = arith.addf %add3A_1418, %mul3A_1416 : vector<16xf32>
      %mul3A_1420 = arith.mulf %mul3A_1413, %add3A_1419 : vector<16xf32>
      %add3A_1421 = arith.constant -0.083328396 : f32
      %add3A_1422 = vector.broadcast %add3A_1421 : f32 to vector<16xf32>
      %add3A_1423 = arith.addf %add3A_1422, %mul3A_1420 : vector<16xf32>
      %mul3A_1424 = arith.mulf %mul3A_1413, %add3A_1423 : vector<16xf32>
      %add3A_1425 = arith.constant 0.499999613 : f32
      %add3A_1426 = vector.broadcast %add3A_1425 : f32 to vector<16xf32>
      %add3A_1427 = arith.addf %add3A_1426, %mul3A_1424 : vector<16xf32>
      %mul3A_1428 = arith.mulf %sub3A_1412, %add3A_1427 : vector<16xf32>
      %sub3A_1429 = arith.constant 5.000000e-01 : f32
      %sub3A_1430 = vector.broadcast %sub3A_1429 : f32 to vector<16xf32>
      %sub3A_1431 = arith.subf %sub3A_1430, %mul3A_1428 : vector<16xf32>
      %mul3A_1432 = arith.mulf %min3A_1406, %min3A_1406 : vector<16xf32>
      %mul3A_1433 = arith.constant -4.000000e-02 : f32
      %mul3A_1434 = vector.broadcast %mul3A_1433 : f32 to vector<16xf32>
      %mul3A_1435 = arith.mulf %mul3A_1434, %mul3A_1432 : vector<16xf32>
      %exp3A_1436 = math.exp %mul3A_1435 : vector<16xf32>
      %mul3A_1437 = arith.constant 1.200000e-01 : f32
      %mul3A_1438 = vector.broadcast %mul3A_1437 : f32 to vector<16xf32>
      %mul3A_1439 = arith.mulf %mul3A_1438, %min3A_1406 : vector<16xf32>
      %exp3A_1440 = math.exp %mul3A_1439 : vector<16xf32>
      %mul3A_1441 = arith.mulf %sub3A_1431, %exp3A_1436 : vector<16xf32>
      %convert_element_type3A_1442 = arith.sitofp %and3A_1278 : vector<16xi32> to vector<16xf32>
      %mul3A_1443 = arith.mulf %mul3A_1441, %convert_element_type3A_1442 : vector<16xf32>
      %add3A_1444 = arith.addf %add3A_1354, %mul3A_1443 : vector<16xf32>
      %mul3A_1445 = arith.mulf %mul3A_1443, %exp3A_1440 : vector<16xf32>
      %add3A_1446 = arith.addf %add3A_1356, %mul3A_1445 : vector<16xf32>
      %mul3A_1447 = arith.mulf %mul3A_1445, %exp3A_1440 : vector<16xf32>
      %add3A_1448 = arith.addf %add3A_1358, %mul3A_1447 : vector<16xf32>
      %mul3A_1449 = arith.mulf %mul3A_1447, %exp3A_1440 : vector<16xf32>
      %add3A_1450 = arith.addf %add3A_1360, %mul3A_1449 : vector<16xf32>
      %mul3A_1451 = arith.mulf %mul3A_1449, %exp3A_1440 : vector<16xf32>
      %add3A_1452 = arith.addf %add3A_1362, %mul3A_1451 : vector<16xf32>
      %mul3A_1453 = arith.mulf %mul3A_1451, %exp3A_1440 : vector<16xf32>
      %add3A_1454 = arith.addf %add3A_1364, %mul3A_1453 : vector<16xf32>
      %mul3A_1455 = arith.mulf %mul3A_1453, %exp3A_1440 : vector<16xf32>
      %add3A_1456 = arith.addf %add3A_1366, %mul3A_1455 : vector<16xf32>
      %mul3A_1457 = arith.mulf %mul3A_1455, %exp3A_1440 : vector<16xf32>
      %add3A_1458 = arith.addf %add3A_1368, %mul3A_1457 : vector<16xf32>
      %add3A_1459 = arith.constant 7 : i32
      %add3A_1460 = arith.addi %mul3A_45, %add3A_1459 : i32
      %add3A_1461 = vector.broadcast %add3A_1460 : i32 to vector<16xi32>
      %add3A_1462 = arith.addi %mul3A_23, %add3A_1461 : vector<16xi32>
      %gather3A_1463 = tpu.vector_load_idx %arg9[%add3A_1462] : memref<65536xi32, #tpu.memory_space<vmem>>[vector<16xi32>], vector<16xi32>,
      %and3A_1464 = arith.constant 65535 : i32
      %and3A_1465 = vector.broadcast %and3A_1464 : i32 to vector<16xi32>
      %and3A_1466 = arith.andi %gather3A_1463, %and3A_1465 : vector<16xi32>
      %shift_right_logical3A_1467 = arith.constant 16 : i32
      %shift_right_logical3A_1468 = vector.broadcast %shift_right_logical3A_1467 : i32 to vector<16xi32>
      %shift_right_logical3A_1469 = arith.shrui %gather3A_1463, %shift_right_logical3A_1468 : vector<16xi32>
      %shift_right_logical3A_1470 = arith.constant 7 : i32
      %shift_right_logical3A_1471 = vector.broadcast %shift_right_logical3A_1470 : i32 to vector<16xi32>
      %shift_right_logical3A_1472 = arith.shrui %get3A_43, %shift_right_logical3A_1471 : vector<16xi32>
      %and3A_1473 = arith.constant 1 : i32
      %and3A_1474 = vector.broadcast %and3A_1473 : i32 to vector<16xi32>
      %and3A_1475 = arith.andi %shift_right_logical3A_1472, %and3A_1474 : vector<16xi32>
      %shift_right_logical3A_1476 = arith.constant 23 : i32
      %shift_right_logical3A_1477 = vector.broadcast %shift_right_logical3A_1476 : i32 to vector<16xi32>
      %shift_right_logical3A_1478 = arith.shrui %get3A_43, %shift_right_logical3A_1477 : vector<16xi32>
      %and3A_1479 = arith.constant 1 : i32
      %and3A_1480 = vector.broadcast %and3A_1479 : i32 to vector<16xi32>
      %and3A_1481 = arith.andi %shift_right_logical3A_1478, %and3A_1480 : vector<16xi32>
      %gather3A_1482 = tpu.vector_load_idx %arg6[%and3A_1466] : memref<4096xf32, #tpu.memory_space<vmem>>[vector<16xi32>], vector<16xf32>,
      %gather3A_1483 = tpu.vector_load_idx %arg7[%and3A_1466] : memref<4096xf32, #tpu.memory_space<vmem>>[vector<16xi32>], vector<16xf32>,
      %gather3A_1484 = tpu.vector_load_idx %arg8[%and3A_1466] : memref<4096xf32, #tpu.memory_space<vmem>>[vector<16xi32>], vector<16xf32>,
      %sub3A_1485 = arith.subf %gather3A_1482, %get3A_37 : vector<16xf32>
      %sub3A_1486 = arith.subf %gather3A_1483, %get3A_39 : vector<16xf32>
      %sub3A_1487 = arith.subf %gather3A_1484, %get3A_41 : vector<16xf32>
      %mul3A_1488 = arith.mulf %sub3A_1485, %sub3A_1485 : vector<16xf32>
      %mul3A_1489 = arith.mulf %sub3A_1486, %sub3A_1486 : vector<16xf32>
      %add3A_1490 = arith.addf %mul3A_1488, %mul3A_1489 : vector<16xf32>
      %mul3A_1491 = arith.mulf %sub3A_1487, %sub3A_1487 : vector<16xf32>
      %add3A_1492 = arith.addf %add3A_1490, %mul3A_1491 : vector<16xf32>
      %bitcast_convert_type3A_1493 = tpu.bitcast %add3A_1492 : vector<16xf32> -> vector<16xi32>
      %shift_right_arithmetic3A_1494 = arith.constant 1 : i32
      %shift_right_arithmetic3A_1495 = vector.broadcast %shift_right_arithmetic3A_1494 : i32 to vector<16xi32>
      %shift_right_arithmetic3A_1496 = arith.shrsi %bitcast_convert_type3A_1493, %shift_right_arithmetic3A_1495 : vector<16xi32>
      %sub3A_1497 = arith.constant 1597463007 : i32
      %sub3A_1498 = vector.broadcast %sub3A_1497 : i32 to vector<16xi32>
      %sub3A_1499 = arith.subi %sub3A_1498, %shift_right_arithmetic3A_1496 : vector<16xi32>
      %bitcast_convert_type3A_1500 = tpu.bitcast %sub3A_1499 : vector<16xi32> -> vector<16xf32>
      %mul3A_1501 = arith.constant 5.000000e-01 : f32
      %mul3A_1502 = vector.broadcast %mul3A_1501 : f32 to vector<16xf32>
      %mul3A_1503 = arith.mulf %mul3A_1502, %add3A_1492 : vector<16xf32>
      %mul3A_1504 = arith.mulf %mul3A_1503, %bitcast_convert_type3A_1500 : vector<16xf32>
      %mul3A_1505 = arith.mulf %mul3A_1504, %bitcast_convert_type3A_1500 : vector<16xf32>
      %sub3A_1506 = arith.constant 1.500000e+00 : f32
      %sub3A_1507 = vector.broadcast %sub3A_1506 : f32 to vector<16xf32>
      %sub3A_1508 = arith.subf %sub3A_1507, %mul3A_1505 : vector<16xf32>
      %mul3A_1509 = arith.mulf %bitcast_convert_type3A_1500, %sub3A_1508 : vector<16xf32>
      %mul3A_1510 = arith.mulf %mul3A_1503, %mul3A_1509 : vector<16xf32>
      %mul3A_1511 = arith.mulf %mul3A_1510, %mul3A_1509 : vector<16xf32>
      %sub3A_1512 = arith.constant 1.500000e+00 : f32
      %sub3A_1513 = vector.broadcast %sub3A_1512 : f32 to vector<16xf32>
      %sub3A_1514 = arith.subf %sub3A_1513, %mul3A_1511 : vector<16xf32>
      %mul3A_1515 = arith.mulf %mul3A_1509, %sub3A_1514 : vector<16xf32>
      %mul3A_1516 = arith.mulf %add3A_1492, %mul3A_1515 : vector<16xf32>
      %min3A_1517 = arith.constant 1.200000e+01 : f32
      %min3A_1518 = vector.broadcast %min3A_1517 : f32 to vector<16xf32>
      %min3A_1519 = arith.minimumf %mul3A_1516, %min3A_1518 : vector<16xf32>
      %mul3A_1520 = arith.constant 0.261799395 : f32
      %mul3A_1521 = vector.broadcast %mul3A_1520 : f32 to vector<16xf32>
      %mul3A_1522 = arith.mulf %min3A_1519, %mul3A_1521 : vector<16xf32>
      %sub3A_1523 = arith.constant 1.57079637 : f32
      %sub3A_1524 = vector.broadcast %sub3A_1523 : f32 to vector<16xf32>
      %sub3A_1525 = arith.subf %mul3A_1522, %sub3A_1524 : vector<16xf32>
      %mul3A_1526 = arith.mulf %sub3A_1525, %sub3A_1525 : vector<16xf32>
      %mul3A_1527 = arith.constant -9.26172433E-5 : f32
      %mul3A_1528 = vector.broadcast %mul3A_1527 : f32 to vector<16xf32>
      %mul3A_1529 = arith.mulf %mul3A_1526, %mul3A_1528 : vector<16xf32>
      %add3A_1530 = arith.constant 0.00415661279 : f32
      %add3A_1531 = vector.broadcast %add3A_1530 : f32 to vector<16xf32>
      %add3A_1532 = arith.addf %add3A_1531, %mul3A_1529 : vector<16xf32>
      %mul3A_1533 = arith.mulf %mul3A_1526, %add3A_1532 : vector<16xf32>
      %add3A_1534 = arith.constant -0.083328396 : f32
      %add3A_1535 = vector.broadcast %add3A_1534 : f32 to vector<16xf32>
      %add3A_1536 = arith.addf %add3A_1535, %mul3A_1533 : vector<16xf32>
      %mul3A_1537 = arith.mulf %mul3A_1526, %add3A_1536 : vector<16xf32>
      %add3A_1538 = arith.constant 0.499999613 : f32
      %add3A_1539 = vector.broadcast %add3A_1538 : f32 to vector<16xf32>
      %add3A_1540 = arith.addf %add3A_1539, %mul3A_1537 : vector<16xf32>
      %mul3A_1541 = arith.mulf %sub3A_1525, %add3A_1540 : vector<16xf32>
      %sub3A_1542 = arith.constant 5.000000e-01 : f32
      %sub3A_1543 = vector.broadcast %sub3A_1542 : f32 to vector<16xf32>
      %sub3A_1544 = arith.subf %sub3A_1543, %mul3A_1541 : vector<16xf32>
      %mul3A_1545 = arith.mulf %min3A_1519, %min3A_1519 : vector<16xf32>
      %mul3A_1546 = arith.constant -4.000000e-02 : f32
      %mul3A_1547 = vector.broadcast %mul3A_1546 : f32 to vector<16xf32>
      %mul3A_1548 = arith.mulf %mul3A_1547, %mul3A_1545 : vector<16xf32>
      %exp3A_1549 = math.exp %mul3A_1548 : vector<16xf32>
      %mul3A_1550 = arith.constant 1.200000e-01 : f32
      %mul3A_1551 = vector.broadcast %mul3A_1550 : f32 to vector<16xf32>
      %mul3A_1552 = arith.mulf %mul3A_1551, %min3A_1519 : vector<16xf32>
      %exp3A_1553 = math.exp %mul3A_1552 : vector<16xf32>
      %mul3A_1554 = arith.mulf %sub3A_1544, %exp3A_1549 : vector<16xf32>
      %convert_element_type3A_1555 = arith.sitofp %and3A_1475 : vector<16xi32> to vector<16xf32>
      %mul3A_1556 = arith.mulf %mul3A_1554, %convert_element_type3A_1555 : vector<16xf32>
      %add3A_1557 = arith.addf %add3A_1444, %mul3A_1556 : vector<16xf32>
      %mul3A_1558 = arith.mulf %mul3A_1556, %exp3A_1553 : vector<16xf32>
      %add3A_1559 = arith.addf %add3A_1446, %mul3A_1558 : vector<16xf32>
      %mul3A_1560 = arith.mulf %mul3A_1558, %exp3A_1553 : vector<16xf32>
      %add3A_1561 = arith.addf %add3A_1448, %mul3A_1560 : vector<16xf32>
      %mul3A_1562 = arith.mulf %mul3A_1560, %exp3A_1553 : vector<16xf32>
      %add3A_1563 = arith.addf %add3A_1450, %mul3A_1562 : vector<16xf32>
      %mul3A_1564 = arith.mulf %mul3A_1562, %exp3A_1553 : vector<16xf32>
      %add3A_1565 = arith.addf %add3A_1452, %mul3A_1564 : vector<16xf32>
      %mul3A_1566 = arith.mulf %mul3A_1564, %exp3A_1553 : vector<16xf32>
      %add3A_1567 = arith.addf %add3A_1454, %mul3A_1566 : vector<16xf32>
      %mul3A_1568 = arith.mulf %mul3A_1566, %exp3A_1553 : vector<16xf32>
      %add3A_1569 = arith.addf %add3A_1456, %mul3A_1568 : vector<16xf32>
      %mul3A_1570 = arith.mulf %mul3A_1568, %exp3A_1553 : vector<16xf32>
      %add3A_1571 = arith.addf %add3A_1458, %mul3A_1570 : vector<16xf32>
      %gather3A_1572 = tpu.vector_load_idx %arg6[%shift_right_logical3A_1469] : memref<4096xf32, #tpu.memory_space<vmem>>[vector<16xi32>], vector<16xf32>,
      %gather3A_1573 = tpu.vector_load_idx %arg7[%shift_right_logical3A_1469] : memref<4096xf32, #tpu.memory_space<vmem>>[vector<16xi32>], vector<16xf32>,
      %gather3A_1574 = tpu.vector_load_idx %arg8[%shift_right_logical3A_1469] : memref<4096xf32, #tpu.memory_space<vmem>>[vector<16xi32>], vector<16xf32>,
      %sub3A_1575 = arith.subf %gather3A_1572, %get3A_37 : vector<16xf32>
      %sub3A_1576 = arith.subf %gather3A_1573, %get3A_39 : vector<16xf32>
      %sub3A_1577 = arith.subf %gather3A_1574, %get3A_41 : vector<16xf32>
      %mul3A_1578 = arith.mulf %sub3A_1575, %sub3A_1575 : vector<16xf32>
      %mul3A_1579 = arith.mulf %sub3A_1576, %sub3A_1576 : vector<16xf32>
      %add3A_1580 = arith.addf %mul3A_1578, %mul3A_1579 : vector<16xf32>
      %mul3A_1581 = arith.mulf %sub3A_1577, %sub3A_1577 : vector<16xf32>
      %add3A_1582 = arith.addf %add3A_1580, %mul3A_1581 : vector<16xf32>
      %bitcast_convert_type3A_1583 = tpu.bitcast %add3A_1582 : vector<16xf32> -> vector<16xi32>
      %shift_right_arithmetic3A_1584 = arith.constant 1 : i32
      %shift_right_arithmetic3A_1585 = vector.broadcast %shift_right_arithmetic3A_1584 : i32 to vector<16xi32>
      %shift_right_arithmetic3A_1586 = arith.shrsi %bitcast_convert_type3A_1583, %shift_right_arithmetic3A_1585 : vector<16xi32>
      %sub3A_1587 = arith.constant 1597463007 : i32
      %sub3A_1588 = vector.broadcast %sub3A_1587 : i32 to vector<16xi32>
      %sub3A_1589 = arith.subi %sub3A_1588, %shift_right_arithmetic3A_1586 : vector<16xi32>
      %bitcast_convert_type3A_1590 = tpu.bitcast %sub3A_1589 : vector<16xi32> -> vector<16xf32>
      %mul3A_1591 = arith.constant 5.000000e-01 : f32
      %mul3A_1592 = vector.broadcast %mul3A_1591 : f32 to vector<16xf32>
      %mul3A_1593 = arith.mulf %mul3A_1592, %add3A_1582 : vector<16xf32>
      %mul3A_1594 = arith.mulf %mul3A_1593, %bitcast_convert_type3A_1590 : vector<16xf32>
      %mul3A_1595 = arith.mulf %mul3A_1594, %bitcast_convert_type3A_1590 : vector<16xf32>
      %sub3A_1596 = arith.constant 1.500000e+00 : f32
      %sub3A_1597 = vector.broadcast %sub3A_1596 : f32 to vector<16xf32>
      %sub3A_1598 = arith.subf %sub3A_1597, %mul3A_1595 : vector<16xf32>
      %mul3A_1599 = arith.mulf %bitcast_convert_type3A_1590, %sub3A_1598 : vector<16xf32>
      %mul3A_1600 = arith.mulf %mul3A_1593, %mul3A_1599 : vector<16xf32>
      %mul3A_1601 = arith.mulf %mul3A_1600, %mul3A_1599 : vector<16xf32>
      %sub3A_1602 = arith.constant 1.500000e+00 : f32
      %sub3A_1603 = vector.broadcast %sub3A_1602 : f32 to vector<16xf32>
      %sub3A_1604 = arith.subf %sub3A_1603, %mul3A_1601 : vector<16xf32>
      %mul3A_1605 = arith.mulf %mul3A_1599, %sub3A_1604 : vector<16xf32>
      %mul3A_1606 = arith.mulf %add3A_1582, %mul3A_1605 : vector<16xf32>
      %min3A_1607 = arith.constant 1.200000e+01 : f32
      %min3A_1608 = vector.broadcast %min3A_1607 : f32 to vector<16xf32>
      %min3A_1609 = arith.minimumf %mul3A_1606, %min3A_1608 : vector<16xf32>
      %mul3A_1610 = arith.constant 0.261799395 : f32
      %mul3A_1611 = vector.broadcast %mul3A_1610 : f32 to vector<16xf32>
      %mul3A_1612 = arith.mulf %min3A_1609, %mul3A_1611 : vector<16xf32>
      %sub3A_1613 = arith.constant 1.57079637 : f32
      %sub3A_1614 = vector.broadcast %sub3A_1613 : f32 to vector<16xf32>
      %sub3A_1615 = arith.subf %mul3A_1612, %sub3A_1614 : vector<16xf32>
      %mul3A_1616 = arith.mulf %sub3A_1615, %sub3A_1615 : vector<16xf32>
      %mul3A_1617 = arith.constant -9.26172433E-5 : f32
      %mul3A_1618 = vector.broadcast %mul3A_1617 : f32 to vector<16xf32>
      %mul3A_1619 = arith.mulf %mul3A_1616, %mul3A_1618 : vector<16xf32>
      %add3A_1620 = arith.constant 0.00415661279 : f32
      %add3A_1621 = vector.broadcast %add3A_1620 : f32 to vector<16xf32>
      %add3A_1622 = arith.addf %add3A_1621, %mul3A_1619 : vector<16xf32>
      %mul3A_1623 = arith.mulf %mul3A_1616, %add3A_1622 : vector<16xf32>
      %add3A_1624 = arith.constant -0.083328396 : f32
      %add3A_1625 = vector.broadcast %add3A_1624 : f32 to vector<16xf32>
      %add3A_1626 = arith.addf %add3A_1625, %mul3A_1623 : vector<16xf32>
      %mul3A_1627 = arith.mulf %mul3A_1616, %add3A_1626 : vector<16xf32>
      %add3A_1628 = arith.constant 0.499999613 : f32
      %add3A_1629 = vector.broadcast %add3A_1628 : f32 to vector<16xf32>
      %add3A_1630 = arith.addf %add3A_1629, %mul3A_1627 : vector<16xf32>
      %mul3A_1631 = arith.mulf %sub3A_1615, %add3A_1630 : vector<16xf32>
      %sub3A_1632 = arith.constant 5.000000e-01 : f32
      %sub3A_1633 = vector.broadcast %sub3A_1632 : f32 to vector<16xf32>
      %sub3A_1634 = arith.subf %sub3A_1633, %mul3A_1631 : vector<16xf32>
      %mul3A_1635 = arith.mulf %min3A_1609, %min3A_1609 : vector<16xf32>
      %mul3A_1636 = arith.constant -4.000000e-02 : f32
      %mul3A_1637 = vector.broadcast %mul3A_1636 : f32 to vector<16xf32>
      %mul3A_1638 = arith.mulf %mul3A_1637, %mul3A_1635 : vector<16xf32>
      %exp3A_1639 = math.exp %mul3A_1638 : vector<16xf32>
      %mul3A_1640 = arith.constant 1.200000e-01 : f32
      %mul3A_1641 = vector.broadcast %mul3A_1640 : f32 to vector<16xf32>
      %mul3A_1642 = arith.mulf %mul3A_1641, %min3A_1609 : vector<16xf32>
      %exp3A_1643 = math.exp %mul3A_1642 : vector<16xf32>
      %mul3A_1644 = arith.mulf %sub3A_1634, %exp3A_1639 : vector<16xf32>
      %convert_element_type3A_1645 = arith.sitofp %and3A_1481 : vector<16xi32> to vector<16xf32>
      %mul3A_1646 = arith.mulf %mul3A_1644, %convert_element_type3A_1645 : vector<16xf32>
      %add3A_1647 = arith.addf %add3A_1557, %mul3A_1646 : vector<16xf32>
      %mul3A_1648 = arith.mulf %mul3A_1646, %exp3A_1643 : vector<16xf32>
      %add3A_1649 = arith.addf %add3A_1559, %mul3A_1648 : vector<16xf32>
      %mul3A_1650 = arith.mulf %mul3A_1648, %exp3A_1643 : vector<16xf32>
      %add3A_1651 = arith.addf %add3A_1561, %mul3A_1650 : vector<16xf32>
      %mul3A_1652 = arith.mulf %mul3A_1650, %exp3A_1643 : vector<16xf32>
      %add3A_1653 = arith.addf %add3A_1563, %mul3A_1652 : vector<16xf32>
      %mul3A_1654 = arith.mulf %mul3A_1652, %exp3A_1643 : vector<16xf32>
      %add3A_1655 = arith.addf %add3A_1565, %mul3A_1654 : vector<16xf32>
      %mul3A_1656 = arith.mulf %mul3A_1654, %exp3A_1643 : vector<16xf32>
      %add3A_1657 = arith.addf %add3A_1567, %mul3A_1656 : vector<16xf32>
      %mul3A_1658 = arith.mulf %mul3A_1656, %exp3A_1643 : vector<16xf32>
      %add3A_1659 = arith.addf %add3A_1569, %mul3A_1658 : vector<16xf32>
      %mul3A_1660 = arith.mulf %mul3A_1658, %exp3A_1643 : vector<16xf32>
      %add3A_1661 = arith.addf %add3A_1571, %mul3A_1660 : vector<16xf32>
      %add3A_1662 = arith.constant 8 : i32
      %add3A_1663 = arith.addi %mul3A_45, %add3A_1662 : i32
      %add3A_1664 = vector.broadcast %add3A_1663 : i32 to vector<16xi32>
      %add3A_1665 = arith.addi %mul3A_23, %add3A_1664 : vector<16xi32>
      %gather3A_1666 = tpu.vector_load_idx %arg9[%add3A_1665] : memref<65536xi32, #tpu.memory_space<vmem>>[vector<16xi32>], vector<16xi32>,
      %and3A_1667 = arith.constant 65535 : i32
      %and3A_1668 = vector.broadcast %and3A_1667 : i32 to vector<16xi32>
      %and3A_1669 = arith.andi %gather3A_1666, %and3A_1668 : vector<16xi32>
      %shift_right_logical3A_1670 = arith.constant 16 : i32
      %shift_right_logical3A_1671 = vector.broadcast %shift_right_logical3A_1670 : i32 to vector<16xi32>
      %shift_right_logical3A_1672 = arith.shrui %gather3A_1666, %shift_right_logical3A_1671 : vector<16xi32>
      %shift_right_logical3A_1673 = arith.constant 8 : i32
      %shift_right_logical3A_1674 = vector.broadcast %shift_right_logical3A_1673 : i32 to vector<16xi32>
      %shift_right_logical3A_1675 = arith.shrui %get3A_43, %shift_right_logical3A_1674 : vector<16xi32>
      %and3A_1676 = arith.constant 1 : i32
      %and3A_1677 = vector.broadcast %and3A_1676 : i32 to vector<16xi32>
      %and3A_1678 = arith.andi %shift_right_logical3A_1675, %and3A_1677 : vector<16xi32>
      %shift_right_logical3A_1679 = arith.constant 24 : i32
      %shift_right_logical3A_1680 = vector.broadcast %shift_right_logical3A_1679 : i32 to vector<16xi32>
      %shift_right_logical3A_1681 = arith.shrui %get3A_43, %shift_right_logical3A_1680 : vector<16xi32>
      %and3A_1682 = arith.constant 1 : i32
      %and3A_1683 = vector.broadcast %and3A_1682 : i32 to vector<16xi32>
      %and3A_1684 = arith.andi %shift_right_logical3A_1681, %and3A_1683 : vector<16xi32>
      %gather3A_1685 = tpu.vector_load_idx %arg6[%and3A_1669] : memref<4096xf32, #tpu.memory_space<vmem>>[vector<16xi32>], vector<16xf32>,
      %gather3A_1686 = tpu.vector_load_idx %arg7[%and3A_1669] : memref<4096xf32, #tpu.memory_space<vmem>>[vector<16xi32>], vector<16xf32>,
      %gather3A_1687 = tpu.vector_load_idx %arg8[%and3A_1669] : memref<4096xf32, #tpu.memory_space<vmem>>[vector<16xi32>], vector<16xf32>,
      %sub3A_1688 = arith.subf %gather3A_1685, %get3A_37 : vector<16xf32>
      %sub3A_1689 = arith.subf %gather3A_1686, %get3A_39 : vector<16xf32>
      %sub3A_1690 = arith.subf %gather3A_1687, %get3A_41 : vector<16xf32>
      %mul3A_1691 = arith.mulf %sub3A_1688, %sub3A_1688 : vector<16xf32>
      %mul3A_1692 = arith.mulf %sub3A_1689, %sub3A_1689 : vector<16xf32>
      %add3A_1693 = arith.addf %mul3A_1691, %mul3A_1692 : vector<16xf32>
      %mul3A_1694 = arith.mulf %sub3A_1690, %sub3A_1690 : vector<16xf32>
      %add3A_1695 = arith.addf %add3A_1693, %mul3A_1694 : vector<16xf32>
      %bitcast_convert_type3A_1696 = tpu.bitcast %add3A_1695 : vector<16xf32> -> vector<16xi32>
      %shift_right_arithmetic3A_1697 = arith.constant 1 : i32
      %shift_right_arithmetic3A_1698 = vector.broadcast %shift_right_arithmetic3A_1697 : i32 to vector<16xi32>
      %shift_right_arithmetic3A_1699 = arith.shrsi %bitcast_convert_type3A_1696, %shift_right_arithmetic3A_1698 : vector<16xi32>
      %sub3A_1700 = arith.constant 1597463007 : i32
      %sub3A_1701 = vector.broadcast %sub3A_1700 : i32 to vector<16xi32>
      %sub3A_1702 = arith.subi %sub3A_1701, %shift_right_arithmetic3A_1699 : vector<16xi32>
      %bitcast_convert_type3A_1703 = tpu.bitcast %sub3A_1702 : vector<16xi32> -> vector<16xf32>
      %mul3A_1704 = arith.constant 5.000000e-01 : f32
      %mul3A_1705 = vector.broadcast %mul3A_1704 : f32 to vector<16xf32>
      %mul3A_1706 = arith.mulf %mul3A_1705, %add3A_1695 : vector<16xf32>
      %mul3A_1707 = arith.mulf %mul3A_1706, %bitcast_convert_type3A_1703 : vector<16xf32>
      %mul3A_1708 = arith.mulf %mul3A_1707, %bitcast_convert_type3A_1703 : vector<16xf32>
      %sub3A_1709 = arith.constant 1.500000e+00 : f32
      %sub3A_1710 = vector.broadcast %sub3A_1709 : f32 to vector<16xf32>
      %sub3A_1711 = arith.subf %sub3A_1710, %mul3A_1708 : vector<16xf32>
      %mul3A_1712 = arith.mulf %bitcast_convert_type3A_1703, %sub3A_1711 : vector<16xf32>
      %mul3A_1713 = arith.mulf %mul3A_1706, %mul3A_1712 : vector<16xf32>
      %mul3A_1714 = arith.mulf %mul3A_1713, %mul3A_1712 : vector<16xf32>
      %sub3A_1715 = arith.constant 1.500000e+00 : f32
      %sub3A_1716 = vector.broadcast %sub3A_1715 : f32 to vector<16xf32>
      %sub3A_1717 = arith.subf %sub3A_1716, %mul3A_1714 : vector<16xf32>
      %mul3A_1718 = arith.mulf %mul3A_1712, %sub3A_1717 : vector<16xf32>
      %mul3A_1719 = arith.mulf %add3A_1695, %mul3A_1718 : vector<16xf32>
      %min3A_1720 = arith.constant 1.200000e+01 : f32
      %min3A_1721 = vector.broadcast %min3A_1720 : f32 to vector<16xf32>
      %min3A_1722 = arith.minimumf %mul3A_1719, %min3A_1721 : vector<16xf32>
      %mul3A_1723 = arith.constant 0.261799395 : f32
      %mul3A_1724 = vector.broadcast %mul3A_1723 : f32 to vector<16xf32>
      %mul3A_1725 = arith.mulf %min3A_1722, %mul3A_1724 : vector<16xf32>
      %sub3A_1726 = arith.constant 1.57079637 : f32
      %sub3A_1727 = vector.broadcast %sub3A_1726 : f32 to vector<16xf32>
      %sub3A_1728 = arith.subf %mul3A_1725, %sub3A_1727 : vector<16xf32>
      %mul3A_1729 = arith.mulf %sub3A_1728, %sub3A_1728 : vector<16xf32>
      %mul3A_1730 = arith.constant -9.26172433E-5 : f32
      %mul3A_1731 = vector.broadcast %mul3A_1730 : f32 to vector<16xf32>
      %mul3A_1732 = arith.mulf %mul3A_1729, %mul3A_1731 : vector<16xf32>
      %add3A_1733 = arith.constant 0.00415661279 : f32
      %add3A_1734 = vector.broadcast %add3A_1733 : f32 to vector<16xf32>
      %add3A_1735 = arith.addf %add3A_1734, %mul3A_1732 : vector<16xf32>
      %mul3A_1736 = arith.mulf %mul3A_1729, %add3A_1735 : vector<16xf32>
      %add3A_1737 = arith.constant -0.083328396 : f32
      %add3A_1738 = vector.broadcast %add3A_1737 : f32 to vector<16xf32>
      %add3A_1739 = arith.addf %add3A_1738, %mul3A_1736 : vector<16xf32>
      %mul3A_1740 = arith.mulf %mul3A_1729, %add3A_1739 : vector<16xf32>
      %add3A_1741 = arith.constant 0.499999613 : f32
      %add3A_1742 = vector.broadcast %add3A_1741 : f32 to vector<16xf32>
      %add3A_1743 = arith.addf %add3A_1742, %mul3A_1740 : vector<16xf32>
      %mul3A_1744 = arith.mulf %sub3A_1728, %add3A_1743 : vector<16xf32>
      %sub3A_1745 = arith.constant 5.000000e-01 : f32
      %sub3A_1746 = vector.broadcast %sub3A_1745 : f32 to vector<16xf32>
      %sub3A_1747 = arith.subf %sub3A_1746, %mul3A_1744 : vector<16xf32>
      %mul3A_1748 = arith.mulf %min3A_1722, %min3A_1722 : vector<16xf32>
      %mul3A_1749 = arith.constant -4.000000e-02 : f32
      %mul3A_1750 = vector.broadcast %mul3A_1749 : f32 to vector<16xf32>
      %mul3A_1751 = arith.mulf %mul3A_1750, %mul3A_1748 : vector<16xf32>
      %exp3A_1752 = math.exp %mul3A_1751 : vector<16xf32>
      %mul3A_1753 = arith.constant 1.200000e-01 : f32
      %mul3A_1754 = vector.broadcast %mul3A_1753 : f32 to vector<16xf32>
      %mul3A_1755 = arith.mulf %mul3A_1754, %min3A_1722 : vector<16xf32>
      %exp3A_1756 = math.exp %mul3A_1755 : vector<16xf32>
      %mul3A_1757 = arith.mulf %sub3A_1747, %exp3A_1752 : vector<16xf32>
      %convert_element_type3A_1758 = arith.sitofp %and3A_1678 : vector<16xi32> to vector<16xf32>
      %mul3A_1759 = arith.mulf %mul3A_1757, %convert_element_type3A_1758 : vector<16xf32>
      %add3A_1760 = arith.addf %add3A_1647, %mul3A_1759 : vector<16xf32>
      %mul3A_1761 = arith.mulf %mul3A_1759, %exp3A_1756 : vector<16xf32>
      %add3A_1762 = arith.addf %add3A_1649, %mul3A_1761 : vector<16xf32>
      %mul3A_1763 = arith.mulf %mul3A_1761, %exp3A_1756 : vector<16xf32>
      %add3A_1764 = arith.addf %add3A_1651, %mul3A_1763 : vector<16xf32>
      %mul3A_1765 = arith.mulf %mul3A_1763, %exp3A_1756 : vector<16xf32>
      %add3A_1766 = arith.addf %add3A_1653, %mul3A_1765 : vector<16xf32>
      %mul3A_1767 = arith.mulf %mul3A_1765, %exp3A_1756 : vector<16xf32>
      %add3A_1768 = arith.addf %add3A_1655, %mul3A_1767 : vector<16xf32>
      %mul3A_1769 = arith.mulf %mul3A_1767, %exp3A_1756 : vector<16xf32>
      %add3A_1770 = arith.addf %add3A_1657, %mul3A_1769 : vector<16xf32>
      %mul3A_1771 = arith.mulf %mul3A_1769, %exp3A_1756 : vector<16xf32>
      %add3A_1772 = arith.addf %add3A_1659, %mul3A_1771 : vector<16xf32>
      %mul3A_1773 = arith.mulf %mul3A_1771, %exp3A_1756 : vector<16xf32>
      %add3A_1774 = arith.addf %add3A_1661, %mul3A_1773 : vector<16xf32>
      %gather3A_1775 = tpu.vector_load_idx %arg6[%shift_right_logical3A_1672] : memref<4096xf32, #tpu.memory_space<vmem>>[vector<16xi32>], vector<16xf32>,
      %gather3A_1776 = tpu.vector_load_idx %arg7[%shift_right_logical3A_1672] : memref<4096xf32, #tpu.memory_space<vmem>>[vector<16xi32>], vector<16xf32>,
      %gather3A_1777 = tpu.vector_load_idx %arg8[%shift_right_logical3A_1672] : memref<4096xf32, #tpu.memory_space<vmem>>[vector<16xi32>], vector<16xf32>,
      %sub3A_1778 = arith.subf %gather3A_1775, %get3A_37 : vector<16xf32>
      %sub3A_1779 = arith.subf %gather3A_1776, %get3A_39 : vector<16xf32>
      %sub3A_1780 = arith.subf %gather3A_1777, %get3A_41 : vector<16xf32>
      %mul3A_1781 = arith.mulf %sub3A_1778, %sub3A_1778 : vector<16xf32>
      %mul3A_1782 = arith.mulf %sub3A_1779, %sub3A_1779 : vector<16xf32>
      %add3A_1783 = arith.addf %mul3A_1781, %mul3A_1782 : vector<16xf32>
      %mul3A_1784 = arith.mulf %sub3A_1780, %sub3A_1780 : vector<16xf32>
      %add3A_1785 = arith.addf %add3A_1783, %mul3A_1784 : vector<16xf32>
      %bitcast_convert_type3A_1786 = tpu.bitcast %add3A_1785 : vector<16xf32> -> vector<16xi32>
      %shift_right_arithmetic3A_1787 = arith.constant 1 : i32
      %shift_right_arithmetic3A_1788 = vector.broadcast %shift_right_arithmetic3A_1787 : i32 to vector<16xi32>
      %shift_right_arithmetic3A_1789 = arith.shrsi %bitcast_convert_type3A_1786, %shift_right_arithmetic3A_1788 : vector<16xi32>
      %sub3A_1790 = arith.constant 1597463007 : i32
      %sub3A_1791 = vector.broadcast %sub3A_1790 : i32 to vector<16xi32>
      %sub3A_1792 = arith.subi %sub3A_1791, %shift_right_arithmetic3A_1789 : vector<16xi32>
      %bitcast_convert_type3A_1793 = tpu.bitcast %sub3A_1792 : vector<16xi32> -> vector<16xf32>
      %mul3A_1794 = arith.constant 5.000000e-01 : f32
      %mul3A_1795 = vector.broadcast %mul3A_1794 : f32 to vector<16xf32>
      %mul3A_1796 = arith.mulf %mul3A_1795, %add3A_1785 : vector<16xf32>
      %mul3A_1797 = arith.mulf %mul3A_1796, %bitcast_convert_type3A_1793 : vector<16xf32>
      %mul3A_1798 = arith.mulf %mul3A_1797, %bitcast_convert_type3A_1793 : vector<16xf32>
      %sub3A_1799 = arith.constant 1.500000e+00 : f32
      %sub3A_1800 = vector.broadcast %sub3A_1799 : f32 to vector<16xf32>
      %sub3A_1801 = arith.subf %sub3A_1800, %mul3A_1798 : vector<16xf32>
      %mul3A_1802 = arith.mulf %bitcast_convert_type3A_1793, %sub3A_1801 : vector<16xf32>
      %mul3A_1803 = arith.mulf %mul3A_1796, %mul3A_1802 : vector<16xf32>
      %mul3A_1804 = arith.mulf %mul3A_1803, %mul3A_1802 : vector<16xf32>
      %sub3A_1805 = arith.constant 1.500000e+00 : f32
      %sub3A_1806 = vector.broadcast %sub3A_1805 : f32 to vector<16xf32>
      %sub3A_1807 = arith.subf %sub3A_1806, %mul3A_1804 : vector<16xf32>
      %mul3A_1808 = arith.mulf %mul3A_1802, %sub3A_1807 : vector<16xf32>
      %mul3A_1809 = arith.mulf %add3A_1785, %mul3A_1808 : vector<16xf32>
      %min3A_1810 = arith.constant 1.200000e+01 : f32
      %min3A_1811 = vector.broadcast %min3A_1810 : f32 to vector<16xf32>
      %min3A_1812 = arith.minimumf %mul3A_1809, %min3A_1811 : vector<16xf32>
      %mul3A_1813 = arith.constant 0.261799395 : f32
      %mul3A_1814 = vector.broadcast %mul3A_1813 : f32 to vector<16xf32>
      %mul3A_1815 = arith.mulf %min3A_1812, %mul3A_1814 : vector<16xf32>
      %sub3A_1816 = arith.constant 1.57079637 : f32
      %sub3A_1817 = vector.broadcast %sub3A_1816 : f32 to vector<16xf32>
      %sub3A_1818 = arith.subf %mul3A_1815, %sub3A_1817 : vector<16xf32>
      %mul3A_1819 = arith.mulf %sub3A_1818, %sub3A_1818 : vector<16xf32>
      %mul3A_1820 = arith.constant -9.26172433E-5 : f32
      %mul3A_1821 = vector.broadcast %mul3A_1820 : f32 to vector<16xf32>
      %mul3A_1822 = arith.mulf %mul3A_1819, %mul3A_1821 : vector<16xf32>
      %add3A_1823 = arith.constant 0.00415661279 : f32
      %add3A_1824 = vector.broadcast %add3A_1823 : f32 to vector<16xf32>
      %add3A_1825 = arith.addf %add3A_1824, %mul3A_1822 : vector<16xf32>
      %mul3A_1826 = arith.mulf %mul3A_1819, %add3A_1825 : vector<16xf32>
      %add3A_1827 = arith.constant -0.083328396 : f32
      %add3A_1828 = vector.broadcast %add3A_1827 : f32 to vector<16xf32>
      %add3A_1829 = arith.addf %add3A_1828, %mul3A_1826 : vector<16xf32>
      %mul3A_1830 = arith.mulf %mul3A_1819, %add3A_1829 : vector<16xf32>
      %add3A_1831 = arith.constant 0.499999613 : f32
      %add3A_1832 = vector.broadcast %add3A_1831 : f32 to vector<16xf32>
      %add3A_1833 = arith.addf %add3A_1832, %mul3A_1830 : vector<16xf32>
      %mul3A_1834 = arith.mulf %sub3A_1818, %add3A_1833 : vector<16xf32>
      %sub3A_1835 = arith.constant 5.000000e-01 : f32
      %sub3A_1836 = vector.broadcast %sub3A_1835 : f32 to vector<16xf32>
      %sub3A_1837 = arith.subf %sub3A_1836, %mul3A_1834 : vector<16xf32>
      %mul3A_1838 = arith.mulf %min3A_1812, %min3A_1812 : vector<16xf32>
      %mul3A_1839 = arith.constant -4.000000e-02 : f32
      %mul3A_1840 = vector.broadcast %mul3A_1839 : f32 to vector<16xf32>
      %mul3A_1841 = arith.mulf %mul3A_1840, %mul3A_1838 : vector<16xf32>
      %exp3A_1842 = math.exp %mul3A_1841 : vector<16xf32>
      %mul3A_1843 = arith.constant 1.200000e-01 : f32
      %mul3A_1844 = vector.broadcast %mul3A_1843 : f32 to vector<16xf32>
      %mul3A_1845 = arith.mulf %mul3A_1844, %min3A_1812 : vector<16xf32>
      %exp3A_1846 = math.exp %mul3A_1845 : vector<16xf32>
      %mul3A_1847 = arith.mulf %sub3A_1837, %exp3A_1842 : vector<16xf32>
      %convert_element_type3A_1848 = arith.sitofp %and3A_1684 : vector<16xi32> to vector<16xf32>
      %mul3A_1849 = arith.mulf %mul3A_1847, %convert_element_type3A_1848 : vector<16xf32>
      %add3A_1850 = arith.addf %add3A_1760, %mul3A_1849 : vector<16xf32>
      %mul3A_1851 = arith.mulf %mul3A_1849, %exp3A_1846 : vector<16xf32>
      %add3A_1852 = arith.addf %add3A_1762, %mul3A_1851 : vector<16xf32>
      %mul3A_1853 = arith.mulf %mul3A_1851, %exp3A_1846 : vector<16xf32>
      %add3A_1854 = arith.addf %add3A_1764, %mul3A_1853 : vector<16xf32>
      %mul3A_1855 = arith.mulf %mul3A_1853, %exp3A_1846 : vector<16xf32>
      %add3A_1856 = arith.addf %add3A_1766, %mul3A_1855 : vector<16xf32>
      %mul3A_1857 = arith.mulf %mul3A_1855, %exp3A_1846 : vector<16xf32>
      %add3A_1858 = arith.addf %add3A_1768, %mul3A_1857 : vector<16xf32>
      %mul3A_1859 = arith.mulf %mul3A_1857, %exp3A_1846 : vector<16xf32>
      %add3A_1860 = arith.addf %add3A_1770, %mul3A_1859 : vector<16xf32>
      %mul3A_1861 = arith.mulf %mul3A_1859, %exp3A_1846 : vector<16xf32>
      %add3A_1862 = arith.addf %add3A_1772, %mul3A_1861 : vector<16xf32>
      %mul3A_1863 = arith.mulf %mul3A_1861, %exp3A_1846 : vector<16xf32>
      %add3A_1864 = arith.addf %add3A_1774, %mul3A_1863 : vector<16xf32>
      %add3A_1865 = arith.constant 9 : i32
      %add3A_1866 = arith.addi %mul3A_45, %add3A_1865 : i32
      %add3A_1867 = vector.broadcast %add3A_1866 : i32 to vector<16xi32>
      %add3A_1868 = arith.addi %mul3A_23, %add3A_1867 : vector<16xi32>
      %gather3A_1869 = tpu.vector_load_idx %arg9[%add3A_1868] : memref<65536xi32, #tpu.memory_space<vmem>>[vector<16xi32>], vector<16xi32>,
      %and3A_1870 = arith.constant 65535 : i32
      %and3A_1871 = vector.broadcast %and3A_1870 : i32 to vector<16xi32>
      %and3A_1872 = arith.andi %gather3A_1869, %and3A_1871 : vector<16xi32>
      %shift_right_logical3A_1873 = arith.constant 16 : i32
      %shift_right_logical3A_1874 = vector.broadcast %shift_right_logical3A_1873 : i32 to vector<16xi32>
      %shift_right_logical3A_1875 = arith.shrui %gather3A_1869, %shift_right_logical3A_1874 : vector<16xi32>
      %shift_right_logical3A_1876 = arith.constant 9 : i32
      %shift_right_logical3A_1877 = vector.broadcast %shift_right_logical3A_1876 : i32 to vector<16xi32>
      %shift_right_logical3A_1878 = arith.shrui %get3A_43, %shift_right_logical3A_1877 : vector<16xi32>
      %and3A_1879 = arith.constant 1 : i32
      %and3A_1880 = vector.broadcast %and3A_1879 : i32 to vector<16xi32>
      %and3A_1881 = arith.andi %shift_right_logical3A_1878, %and3A_1880 : vector<16xi32>
      %shift_right_logical3A_1882 = arith.constant 25 : i32
      %shift_right_logical3A_1883 = vector.broadcast %shift_right_logical3A_1882 : i32 to vector<16xi32>
      %shift_right_logical3A_1884 = arith.shrui %get3A_43, %shift_right_logical3A_1883 : vector<16xi32>
      %and3A_1885 = arith.constant 1 : i32
      %and3A_1886 = vector.broadcast %and3A_1885 : i32 to vector<16xi32>
      %and3A_1887 = arith.andi %shift_right_logical3A_1884, %and3A_1886 : vector<16xi32>
      %gather3A_1888 = tpu.vector_load_idx %arg6[%and3A_1872] : memref<4096xf32, #tpu.memory_space<vmem>>[vector<16xi32>], vector<16xf32>,
      %gather3A_1889 = tpu.vector_load_idx %arg7[%and3A_1872] : memref<4096xf32, #tpu.memory_space<vmem>>[vector<16xi32>], vector<16xf32>,
      %gather3A_1890 = tpu.vector_load_idx %arg8[%and3A_1872] : memref<4096xf32, #tpu.memory_space<vmem>>[vector<16xi32>], vector<16xf32>,
      %sub3A_1891 = arith.subf %gather3A_1888, %get3A_37 : vector<16xf32>
      %sub3A_1892 = arith.subf %gather3A_1889, %get3A_39 : vector<16xf32>
      %sub3A_1893 = arith.subf %gather3A_1890, %get3A_41 : vector<16xf32>
      %mul3A_1894 = arith.mulf %sub3A_1891, %sub3A_1891 : vector<16xf32>
      %mul3A_1895 = arith.mulf %sub3A_1892, %sub3A_1892 : vector<16xf32>
      %add3A_1896 = arith.addf %mul3A_1894, %mul3A_1895 : vector<16xf32>
      %mul3A_1897 = arith.mulf %sub3A_1893, %sub3A_1893 : vector<16xf32>
      %add3A_1898 = arith.addf %add3A_1896, %mul3A_1897 : vector<16xf32>
      %bitcast_convert_type3A_1899 = tpu.bitcast %add3A_1898 : vector<16xf32> -> vector<16xi32>
      %shift_right_arithmetic3A_1900 = arith.constant 1 : i32
      %shift_right_arithmetic3A_1901 = vector.broadcast %shift_right_arithmetic3A_1900 : i32 to vector<16xi32>
      %shift_right_arithmetic3A_1902 = arith.shrsi %bitcast_convert_type3A_1899, %shift_right_arithmetic3A_1901 : vector<16xi32>
      %sub3A_1903 = arith.constant 1597463007 : i32
      %sub3A_1904 = vector.broadcast %sub3A_1903 : i32 to vector<16xi32>
      %sub3A_1905 = arith.subi %sub3A_1904, %shift_right_arithmetic3A_1902 : vector<16xi32>
      %bitcast_convert_type3A_1906 = tpu.bitcast %sub3A_1905 : vector<16xi32> -> vector<16xf32>
      %mul3A_1907 = arith.constant 5.000000e-01 : f32
      %mul3A_1908 = vector.broadcast %mul3A_1907 : f32 to vector<16xf32>
      %mul3A_1909 = arith.mulf %mul3A_1908, %add3A_1898 : vector<16xf32>
      %mul3A_1910 = arith.mulf %mul3A_1909, %bitcast_convert_type3A_1906 : vector<16xf32>
      %mul3A_1911 = arith.mulf %mul3A_1910, %bitcast_convert_type3A_1906 : vector<16xf32>
      %sub3A_1912 = arith.constant 1.500000e+00 : f32
      %sub3A_1913 = vector.broadcast %sub3A_1912 : f32 to vector<16xf32>
      %sub3A_1914 = arith.subf %sub3A_1913, %mul3A_1911 : vector<16xf32>
      %mul3A_1915 = arith.mulf %bitcast_convert_type3A_1906, %sub3A_1914 : vector<16xf32>
      %mul3A_1916 = arith.mulf %mul3A_1909, %mul3A_1915 : vector<16xf32>
      %mul3A_1917 = arith.mulf %mul3A_1916, %mul3A_1915 : vector<16xf32>
      %sub3A_1918 = arith.constant 1.500000e+00 : f32
      %sub3A_1919 = vector.broadcast %sub3A_1918 : f32 to vector<16xf32>
      %sub3A_1920 = arith.subf %sub3A_1919, %mul3A_1917 : vector<16xf32>
      %mul3A_1921 = arith.mulf %mul3A_1915, %sub3A_1920 : vector<16xf32>
      %mul3A_1922 = arith.mulf %add3A_1898, %mul3A_1921 : vector<16xf32>
      %min3A_1923 = arith.constant 1.200000e+01 : f32
      %min3A_1924 = vector.broadcast %min3A_1923 : f32 to vector<16xf32>
      %min3A_1925 = arith.minimumf %mul3A_1922, %min3A_1924 : vector<16xf32>
      %mul3A_1926 = arith.constant 0.261799395 : f32
      %mul3A_1927 = vector.broadcast %mul3A_1926 : f32 to vector<16xf32>
      %mul3A_1928 = arith.mulf %min3A_1925, %mul3A_1927 : vector<16xf32>
      %sub3A_1929 = arith.constant 1.57079637 : f32
      %sub3A_1930 = vector.broadcast %sub3A_1929 : f32 to vector<16xf32>
      %sub3A_1931 = arith.subf %mul3A_1928, %sub3A_1930 : vector<16xf32>
      %mul3A_1932 = arith.mulf %sub3A_1931, %sub3A_1931 : vector<16xf32>
      %mul3A_1933 = arith.constant -9.26172433E-5 : f32
      %mul3A_1934 = vector.broadcast %mul3A_1933 : f32 to vector<16xf32>
      %mul3A_1935 = arith.mulf %mul3A_1932, %mul3A_1934 : vector<16xf32>
      %add3A_1936 = arith.constant 0.00415661279 : f32
      %add3A_1937 = vector.broadcast %add3A_1936 : f32 to vector<16xf32>
      %add3A_1938 = arith.addf %add3A_1937, %mul3A_1935 : vector<16xf32>
      %mul3A_1939 = arith.mulf %mul3A_1932, %add3A_1938 : vector<16xf32>
      %add3A_1940 = arith.constant -0.083328396 : f32
      %add3A_1941 = vector.broadcast %add3A_1940 : f32 to vector<16xf32>
      %add3A_1942 = arith.addf %add3A_1941, %mul3A_1939 : vector<16xf32>
      %mul3A_1943 = arith.mulf %mul3A_1932, %add3A_1942 : vector<16xf32>
      %add3A_1944 = arith.constant 0.499999613 : f32
      %add3A_1945 = vector.broadcast %add3A_1944 : f32 to vector<16xf32>
      %add3A_1946 = arith.addf %add3A_1945, %mul3A_1943 : vector<16xf32>
      %mul3A_1947 = arith.mulf %sub3A_1931, %add3A_1946 : vector<16xf32>
      %sub3A_1948 = arith.constant 5.000000e-01 : f32
      %sub3A_1949 = vector.broadcast %sub3A_1948 : f32 to vector<16xf32>
      %sub3A_1950 = arith.subf %sub3A_1949, %mul3A_1947 : vector<16xf32>
      %mul3A_1951 = arith.mulf %min3A_1925, %min3A_1925 : vector<16xf32>
      %mul3A_1952 = arith.constant -4.000000e-02 : f32
      %mul3A_1953 = vector.broadcast %mul3A_1952 : f32 to vector<16xf32>
      %mul3A_1954 = arith.mulf %mul3A_1953, %mul3A_1951 : vector<16xf32>
      %exp3A_1955 = math.exp %mul3A_1954 : vector<16xf32>
      %mul3A_1956 = arith.constant 1.200000e-01 : f32
      %mul3A_1957 = vector.broadcast %mul3A_1956 : f32 to vector<16xf32>
      %mul3A_1958 = arith.mulf %mul3A_1957, %min3A_1925 : vector<16xf32>
      %exp3A_1959 = math.exp %mul3A_1958 : vector<16xf32>
      %mul3A_1960 = arith.mulf %sub3A_1950, %exp3A_1955 : vector<16xf32>
      %convert_element_type3A_1961 = arith.sitofp %and3A_1881 : vector<16xi32> to vector<16xf32>
      %mul3A_1962 = arith.mulf %mul3A_1960, %convert_element_type3A_1961 : vector<16xf32>
      %add3A_1963 = arith.addf %add3A_1850, %mul3A_1962 : vector<16xf32>
      %mul3A_1964 = arith.mulf %mul3A_1962, %exp3A_1959 : vector<16xf32>
      %add3A_1965 = arith.addf %add3A_1852, %mul3A_1964 : vector<16xf32>
      %mul3A_1966 = arith.mulf %mul3A_1964, %exp3A_1959 : vector<16xf32>
      %add3A_1967 = arith.addf %add3A_1854, %mul3A_1966 : vector<16xf32>
      %mul3A_1968 = arith.mulf %mul3A_1966, %exp3A_1959 : vector<16xf32>
      %add3A_1969 = arith.addf %add3A_1856, %mul3A_1968 : vector<16xf32>
      %mul3A_1970 = arith.mulf %mul3A_1968, %exp3A_1959 : vector<16xf32>
      %add3A_1971 = arith.addf %add3A_1858, %mul3A_1970 : vector<16xf32>
      %mul3A_1972 = arith.mulf %mul3A_1970, %exp3A_1959 : vector<16xf32>
      %add3A_1973 = arith.addf %add3A_1860, %mul3A_1972 : vector<16xf32>
      %mul3A_1974 = arith.mulf %mul3A_1972, %exp3A_1959 : vector<16xf32>
      %add3A_1975 = arith.addf %add3A_1862, %mul3A_1974 : vector<16xf32>
      %mul3A_1976 = arith.mulf %mul3A_1974, %exp3A_1959 : vector<16xf32>
      %add3A_1977 = arith.addf %add3A_1864, %mul3A_1976 : vector<16xf32>
      %gather3A_1978 = tpu.vector_load_idx %arg6[%shift_right_logical3A_1875] : memref<4096xf32, #tpu.memory_space<vmem>>[vector<16xi32>], vector<16xf32>,
      %gather3A_1979 = tpu.vector_load_idx %arg7[%shift_right_logical3A_1875] : memref<4096xf32, #tpu.memory_space<vmem>>[vector<16xi32>], vector<16xf32>,
      %gather3A_1980 = tpu.vector_load_idx %arg8[%shift_right_logical3A_1875] : memref<4096xf32, #tpu.memory_space<vmem>>[vector<16xi32>], vector<16xf32>,
      %sub3A_1981 = arith.subf %gather3A_1978, %get3A_37 : vector<16xf32>
      %sub3A_1982 = arith.subf %gather3A_1979, %get3A_39 : vector<16xf32>
      %sub3A_1983 = arith.subf %gather3A_1980, %get3A_41 : vector<16xf32>
      %mul3A_1984 = arith.mulf %sub3A_1981, %sub3A_1981 : vector<16xf32>
      %mul3A_1985 = arith.mulf %sub3A_1982, %sub3A_1982 : vector<16xf32>
      %add3A_1986 = arith.addf %mul3A_1984, %mul3A_1985 : vector<16xf32>
      %mul3A_1987 = arith.mulf %sub3A_1983, %sub3A_1983 : vector<16xf32>
      %add3A_1988 = arith.addf %add3A_1986, %mul3A_1987 : vector<16xf32>
      %bitcast_convert_type3A_1989 = tpu.bitcast %add3A_1988 : vector<16xf32> -> vector<16xi32>
      %shift_right_arithmetic3A_1990 = arith.constant 1 : i32
      %shift_right_arithmetic3A_1991 = vector.broadcast %shift_right_arithmetic3A_1990 : i32 to vector<16xi32>
      %shift_right_arithmetic3A_1992 = arith.shrsi %bitcast_convert_type3A_1989, %shift_right_arithmetic3A_1991 : vector<16xi32>
      %sub3A_1993 = arith.constant 1597463007 : i32
      %sub3A_1994 = vector.broadcast %sub3A_1993 : i32 to vector<16xi32>
      %sub3A_1995 = arith.subi %sub3A_1994, %shift_right_arithmetic3A_1992 : vector<16xi32>
      %bitcast_convert_type3A_1996 = tpu.bitcast %sub3A_1995 : vector<16xi32> -> vector<16xf32>
      %mul3A_1997 = arith.constant 5.000000e-01 : f32
      %mul3A_1998 = vector.broadcast %mul3A_1997 : f32 to vector<16xf32>
      %mul3A_1999 = arith.mulf %mul3A_1998, %add3A_1988 : vector<16xf32>
      %mul3A_2000 = arith.mulf %mul3A_1999, %bitcast_convert_type3A_1996 : vector<16xf32>
      %mul3A_2001 = arith.mulf %mul3A_2000, %bitcast_convert_type3A_1996 : vector<16xf32>
      %sub3A_2002 = arith.constant 1.500000e+00 : f32
      %sub3A_2003 = vector.broadcast %sub3A_2002 : f32 to vector<16xf32>
      %sub3A_2004 = arith.subf %sub3A_2003, %mul3A_2001 : vector<16xf32>
      %mul3A_2005 = arith.mulf %bitcast_convert_type3A_1996, %sub3A_2004 : vector<16xf32>
      %mul3A_2006 = arith.mulf %mul3A_1999, %mul3A_2005 : vector<16xf32>
      %mul3A_2007 = arith.mulf %mul3A_2006, %mul3A_2005 : vector<16xf32>
      %sub3A_2008 = arith.constant 1.500000e+00 : f32
      %sub3A_2009 = vector.broadcast %sub3A_2008 : f32 to vector<16xf32>
      %sub3A_2010 = arith.subf %sub3A_2009, %mul3A_2007 : vector<16xf32>
      %mul3A_2011 = arith.mulf %mul3A_2005, %sub3A_2010 : vector<16xf32>
      %mul3A_2012 = arith.mulf %add3A_1988, %mul3A_2011 : vector<16xf32>
      %min3A_2013 = arith.constant 1.200000e+01 : f32
      %min3A_2014 = vector.broadcast %min3A_2013 : f32 to vector<16xf32>
      %min3A_2015 = arith.minimumf %mul3A_2012, %min3A_2014 : vector<16xf32>
      %mul3A_2016 = arith.constant 0.261799395 : f32
      %mul3A_2017 = vector.broadcast %mul3A_2016 : f32 to vector<16xf32>
      %mul3A_2018 = arith.mulf %min3A_2015, %mul3A_2017 : vector<16xf32>
      %sub3A_2019 = arith.constant 1.57079637 : f32
      %sub3A_2020 = vector.broadcast %sub3A_2019 : f32 to vector<16xf32>
      %sub3A_2021 = arith.subf %mul3A_2018, %sub3A_2020 : vector<16xf32>
      %mul3A_2022 = arith.mulf %sub3A_2021, %sub3A_2021 : vector<16xf32>
      %mul3A_2023 = arith.constant -9.26172433E-5 : f32
      %mul3A_2024 = vector.broadcast %mul3A_2023 : f32 to vector<16xf32>
      %mul3A_2025 = arith.mulf %mul3A_2022, %mul3A_2024 : vector<16xf32>
      %add3A_2026 = arith.constant 0.00415661279 : f32
      %add3A_2027 = vector.broadcast %add3A_2026 : f32 to vector<16xf32>
      %add3A_2028 = arith.addf %add3A_2027, %mul3A_2025 : vector<16xf32>
      %mul3A_2029 = arith.mulf %mul3A_2022, %add3A_2028 : vector<16xf32>
      %add3A_2030 = arith.constant -0.083328396 : f32
      %add3A_2031 = vector.broadcast %add3A_2030 : f32 to vector<16xf32>
      %add3A_2032 = arith.addf %add3A_2031, %mul3A_2029 : vector<16xf32>
      %mul3A_2033 = arith.mulf %mul3A_2022, %add3A_2032 : vector<16xf32>
      %add3A_2034 = arith.constant 0.499999613 : f32
      %add3A_2035 = vector.broadcast %add3A_2034 : f32 to vector<16xf32>
      %add3A_2036 = arith.addf %add3A_2035, %mul3A_2033 : vector<16xf32>
      %mul3A_2037 = arith.mulf %sub3A_2021, %add3A_2036 : vector<16xf32>
      %sub3A_2038 = arith.constant 5.000000e-01 : f32
      %sub3A_2039 = vector.broadcast %sub3A_2038 : f32 to vector<16xf32>
      %sub3A_2040 = arith.subf %sub3A_2039, %mul3A_2037 : vector<16xf32>
      %mul3A_2041 = arith.mulf %min3A_2015, %min3A_2015 : vector<16xf32>
      %mul3A_2042 = arith.constant -4.000000e-02 : f32
      %mul3A_2043 = vector.broadcast %mul3A_2042 : f32 to vector<16xf32>
      %mul3A_2044 = arith.mulf %mul3A_2043, %mul3A_2041 : vector<16xf32>
      %exp3A_2045 = math.exp %mul3A_2044 : vector<16xf32>
      %mul3A_2046 = arith.constant 1.200000e-01 : f32
      %mul3A_2047 = vector.broadcast %mul3A_2046 : f32 to vector<16xf32>
      %mul3A_2048 = arith.mulf %mul3A_2047, %min3A_2015 : vector<16xf32>
      %exp3A_2049 = math.exp %mul3A_2048 : vector<16xf32>
      %mul3A_2050 = arith.mulf %sub3A_2040, %exp3A_2045 : vector<16xf32>
      %convert_element_type3A_2051 = arith.sitofp %and3A_1887 : vector<16xi32> to vector<16xf32>
      %mul3A_2052 = arith.mulf %mul3A_2050, %convert_element_type3A_2051 : vector<16xf32>
      %add3A_2053 = arith.addf %add3A_1963, %mul3A_2052 : vector<16xf32>
      %mul3A_2054 = arith.mulf %mul3A_2052, %exp3A_2049 : vector<16xf32>
      %add3A_2055 = arith.addf %add3A_1965, %mul3A_2054 : vector<16xf32>
      %mul3A_2056 = arith.mulf %mul3A_2054, %exp3A_2049 : vector<16xf32>
      %add3A_2057 = arith.addf %add3A_1967, %mul3A_2056 : vector<16xf32>
      %mul3A_2058 = arith.mulf %mul3A_2056, %exp3A_2049 : vector<16xf32>
      %add3A_2059 = arith.addf %add3A_1969, %mul3A_2058 : vector<16xf32>
      %mul3A_2060 = arith.mulf %mul3A_2058, %exp3A_2049 : vector<16xf32>
      %add3A_2061 = arith.addf %add3A_1971, %mul3A_2060 : vector<16xf32>
      %mul3A_2062 = arith.mulf %mul3A_2060, %exp3A_2049 : vector<16xf32>
      %add3A_2063 = arith.addf %add3A_1973, %mul3A_2062 : vector<16xf32>
      %mul3A_2064 = arith.mulf %mul3A_2062, %exp3A_2049 : vector<16xf32>
      %add3A_2065 = arith.addf %add3A_1975, %mul3A_2064 : vector<16xf32>
      %mul3A_2066 = arith.mulf %mul3A_2064, %exp3A_2049 : vector<16xf32>
      %add3A_2067 = arith.addf %add3A_1977, %mul3A_2066 : vector<16xf32>
      %add3A_2068 = arith.constant 10 : i32
      %add3A_2069 = arith.addi %mul3A_45, %add3A_2068 : i32
      %add3A_2070 = vector.broadcast %add3A_2069 : i32 to vector<16xi32>
      %add3A_2071 = arith.addi %mul3A_23, %add3A_2070 : vector<16xi32>
      %gather3A_2072 = tpu.vector_load_idx %arg9[%add3A_2071] : memref<65536xi32, #tpu.memory_space<vmem>>[vector<16xi32>], vector<16xi32>,
      %and3A_2073 = arith.constant 65535 : i32
      %and3A_2074 = vector.broadcast %and3A_2073 : i32 to vector<16xi32>
      %and3A_2075 = arith.andi %gather3A_2072, %and3A_2074 : vector<16xi32>
      %shift_right_logical3A_2076 = arith.constant 16 : i32
      %shift_right_logical3A_2077 = vector.broadcast %shift_right_logical3A_2076 : i32 to vector<16xi32>
      %shift_right_logical3A_2078 = arith.shrui %gather3A_2072, %shift_right_logical3A_2077 : vector<16xi32>
      %shift_right_logical3A_2079 = arith.constant 10 : i32
      %shift_right_logical3A_2080 = vector.broadcast %shift_right_logical3A_2079 : i32 to vector<16xi32>
      %shift_right_logical3A_2081 = arith.shrui %get3A_43, %shift_right_logical3A_2080 : vector<16xi32>
      %and3A_2082 = arith.constant 1 : i32
      %and3A_2083 = vector.broadcast %and3A_2082 : i32 to vector<16xi32>
      %and3A_2084 = arith.andi %shift_right_logical3A_2081, %and3A_2083 : vector<16xi32>
      %shift_right_logical3A_2085 = arith.constant 26 : i32
      %shift_right_logical3A_2086 = vector.broadcast %shift_right_logical3A_2085 : i32 to vector<16xi32>
      %shift_right_logical3A_2087 = arith.shrui %get3A_43, %shift_right_logical3A_2086 : vector<16xi32>
      %and3A_2088 = arith.constant 1 : i32
      %and3A_2089 = vector.broadcast %and3A_2088 : i32 to vector<16xi32>
      %and3A_2090 = arith.andi %shift_right_logical3A_2087, %and3A_2089 : vector<16xi32>
      %gather3A_2091 = tpu.vector_load_idx %arg6[%and3A_2075] : memref<4096xf32, #tpu.memory_space<vmem>>[vector<16xi32>], vector<16xf32>,
      %gather3A_2092 = tpu.vector_load_idx %arg7[%and3A_2075] : memref<4096xf32, #tpu.memory_space<vmem>>[vector<16xi32>], vector<16xf32>,
      %gather3A_2093 = tpu.vector_load_idx %arg8[%and3A_2075] : memref<4096xf32, #tpu.memory_space<vmem>>[vector<16xi32>], vector<16xf32>,
      %sub3A_2094 = arith.subf %gather3A_2091, %get3A_37 : vector<16xf32>
      %sub3A_2095 = arith.subf %gather3A_2092, %get3A_39 : vector<16xf32>
      %sub3A_2096 = arith.subf %gather3A_2093, %get3A_41 : vector<16xf32>
      %mul3A_2097 = arith.mulf %sub3A_2094, %sub3A_2094 : vector<16xf32>
      %mul3A_2098 = arith.mulf %sub3A_2095, %sub3A_2095 : vector<16xf32>
      %add3A_2099 = arith.addf %mul3A_2097, %mul3A_2098 : vector<16xf32>
      %mul3A_2100 = arith.mulf %sub3A_2096, %sub3A_2096 : vector<16xf32>
      %add3A_2101 = arith.addf %add3A_2099, %mul3A_2100 : vector<16xf32>
      %bitcast_convert_type3A_2102 = tpu.bitcast %add3A_2101 : vector<16xf32> -> vector<16xi32>
      %shift_right_arithmetic3A_2103 = arith.constant 1 : i32
      %shift_right_arithmetic3A_2104 = vector.broadcast %shift_right_arithmetic3A_2103 : i32 to vector<16xi32>
      %shift_right_arithmetic3A_2105 = arith.shrsi %bitcast_convert_type3A_2102, %shift_right_arithmetic3A_2104 : vector<16xi32>
      %sub3A_2106 = arith.constant 1597463007 : i32
      %sub3A_2107 = vector.broadcast %sub3A_2106 : i32 to vector<16xi32>
      %sub3A_2108 = arith.subi %sub3A_2107, %shift_right_arithmetic3A_2105 : vector<16xi32>
      %bitcast_convert_type3A_2109 = tpu.bitcast %sub3A_2108 : vector<16xi32> -> vector<16xf32>
      %mul3A_2110 = arith.constant 5.000000e-01 : f32
      %mul3A_2111 = vector.broadcast %mul3A_2110 : f32 to vector<16xf32>
      %mul3A_2112 = arith.mulf %mul3A_2111, %add3A_2101 : vector<16xf32>
      %mul3A_2113 = arith.mulf %mul3A_2112, %bitcast_convert_type3A_2109 : vector<16xf32>
      %mul3A_2114 = arith.mulf %mul3A_2113, %bitcast_convert_type3A_2109 : vector<16xf32>
      %sub3A_2115 = arith.constant 1.500000e+00 : f32
      %sub3A_2116 = vector.broadcast %sub3A_2115 : f32 to vector<16xf32>
      %sub3A_2117 = arith.subf %sub3A_2116, %mul3A_2114 : vector<16xf32>
      %mul3A_2118 = arith.mulf %bitcast_convert_type3A_2109, %sub3A_2117 : vector<16xf32>
      %mul3A_2119 = arith.mulf %mul3A_2112, %mul3A_2118 : vector<16xf32>
      %mul3A_2120 = arith.mulf %mul3A_2119, %mul3A_2118 : vector<16xf32>
      %sub3A_2121 = arith.constant 1.500000e+00 : f32
      %sub3A_2122 = vector.broadcast %sub3A_2121 : f32 to vector<16xf32>
      %sub3A_2123 = arith.subf %sub3A_2122, %mul3A_2120 : vector<16xf32>
      %mul3A_2124 = arith.mulf %mul3A_2118, %sub3A_2123 : vector<16xf32>
      %mul3A_2125 = arith.mulf %add3A_2101, %mul3A_2124 : vector<16xf32>
      %min3A_2126 = arith.constant 1.200000e+01 : f32
      %min3A_2127 = vector.broadcast %min3A_2126 : f32 to vector<16xf32>
      %min3A_2128 = arith.minimumf %mul3A_2125, %min3A_2127 : vector<16xf32>
      %mul3A_2129 = arith.constant 0.261799395 : f32
      %mul3A_2130 = vector.broadcast %mul3A_2129 : f32 to vector<16xf32>
      %mul3A_2131 = arith.mulf %min3A_2128, %mul3A_2130 : vector<16xf32>
      %sub3A_2132 = arith.constant 1.57079637 : f32
      %sub3A_2133 = vector.broadcast %sub3A_2132 : f32 to vector<16xf32>
      %sub3A_2134 = arith.subf %mul3A_2131, %sub3A_2133 : vector<16xf32>
      %mul3A_2135 = arith.mulf %sub3A_2134, %sub3A_2134 : vector<16xf32>
      %mul3A_2136 = arith.constant -9.26172433E-5 : f32
      %mul3A_2137 = vector.broadcast %mul3A_2136 : f32 to vector<16xf32>
      %mul3A_2138 = arith.mulf %mul3A_2135, %mul3A_2137 : vector<16xf32>
      %add3A_2139 = arith.constant 0.00415661279 : f32
      %add3A_2140 = vector.broadcast %add3A_2139 : f32 to vector<16xf32>
      %add3A_2141 = arith.addf %add3A_2140, %mul3A_2138 : vector<16xf32>
      %mul3A_2142 = arith.mulf %mul3A_2135, %add3A_2141 : vector<16xf32>
      %add3A_2143 = arith.constant -0.083328396 : f32
      %add3A_2144 = vector.broadcast %add3A_2143 : f32 to vector<16xf32>
      %add3A_2145 = arith.addf %add3A_2144, %mul3A_2142 : vector<16xf32>
      %mul3A_2146 = arith.mulf %mul3A_2135, %add3A_2145 : vector<16xf32>
      %add3A_2147 = arith.constant 0.499999613 : f32
      %add3A_2148 = vector.broadcast %add3A_2147 : f32 to vector<16xf32>
      %add3A_2149 = arith.addf %add3A_2148, %mul3A_2146 : vector<16xf32>
      %mul3A_2150 = arith.mulf %sub3A_2134, %add3A_2149 : vector<16xf32>
      %sub3A_2151 = arith.constant 5.000000e-01 : f32
      %sub3A_2152 = vector.broadcast %sub3A_2151 : f32 to vector<16xf32>
      %sub3A_2153 = arith.subf %sub3A_2152, %mul3A_2150 : vector<16xf32>
      %mul3A_2154 = arith.mulf %min3A_2128, %min3A_2128 : vector<16xf32>
      %mul3A_2155 = arith.constant -4.000000e-02 : f32
      %mul3A_2156 = vector.broadcast %mul3A_2155 : f32 to vector<16xf32>
      %mul3A_2157 = arith.mulf %mul3A_2156, %mul3A_2154 : vector<16xf32>
      %exp3A_2158 = math.exp %mul3A_2157 : vector<16xf32>
      %mul3A_2159 = arith.constant 1.200000e-01 : f32
      %mul3A_2160 = vector.broadcast %mul3A_2159 : f32 to vector<16xf32>
      %mul3A_2161 = arith.mulf %mul3A_2160, %min3A_2128 : vector<16xf32>
      %exp3A_2162 = math.exp %mul3A_2161 : vector<16xf32>
      %mul3A_2163 = arith.mulf %sub3A_2153, %exp3A_2158 : vector<16xf32>
      %convert_element_type3A_2164 = arith.sitofp %and3A_2084 : vector<16xi32> to vector<16xf32>
      %mul3A_2165 = arith.mulf %mul3A_2163, %convert_element_type3A_2164 : vector<16xf32>
      %add3A_2166 = arith.addf %add3A_2053, %mul3A_2165 : vector<16xf32>
      %mul3A_2167 = arith.mulf %mul3A_2165, %exp3A_2162 : vector<16xf32>
      %add3A_2168 = arith.addf %add3A_2055, %mul3A_2167 : vector<16xf32>
      %mul3A_2169 = arith.mulf %mul3A_2167, %exp3A_2162 : vector<16xf32>
      %add3A_2170 = arith.addf %add3A_2057, %mul3A_2169 : vector<16xf32>
      %mul3A_2171 = arith.mulf %mul3A_2169, %exp3A_2162 : vector<16xf32>
      %add3A_2172 = arith.addf %add3A_2059, %mul3A_2171 : vector<16xf32>
      %mul3A_2173 = arith.mulf %mul3A_2171, %exp3A_2162 : vector<16xf32>
      %add3A_2174 = arith.addf %add3A_2061, %mul3A_2173 : vector<16xf32>
      %mul3A_2175 = arith.mulf %mul3A_2173, %exp3A_2162 : vector<16xf32>
      %add3A_2176 = arith.addf %add3A_2063, %mul3A_2175 : vector<16xf32>
      %mul3A_2177 = arith.mulf %mul3A_2175, %exp3A_2162 : vector<16xf32>
      %add3A_2178 = arith.addf %add3A_2065, %mul3A_2177 : vector<16xf32>
      %mul3A_2179 = arith.mulf %mul3A_2177, %exp3A_2162 : vector<16xf32>
      %add3A_2180 = arith.addf %add3A_2067, %mul3A_2179 : vector<16xf32>
      %gather3A_2181 = tpu.vector_load_idx %arg6[%shift_right_logical3A_2078] : memref<4096xf32, #tpu.memory_space<vmem>>[vector<16xi32>], vector<16xf32>,
      %gather3A_2182 = tpu.vector_load_idx %arg7[%shift_right_logical3A_2078] : memref<4096xf32, #tpu.memory_space<vmem>>[vector<16xi32>], vector<16xf32>,
      %gather3A_2183 = tpu.vector_load_idx %arg8[%shift_right_logical3A_2078] : memref<4096xf32, #tpu.memory_space<vmem>>[vector<16xi32>], vector<16xf32>,
      %sub3A_2184 = arith.subf %gather3A_2181, %get3A_37 : vector<16xf32>
      %sub3A_2185 = arith.subf %gather3A_2182, %get3A_39 : vector<16xf32>
      %sub3A_2186 = arith.subf %gather3A_2183, %get3A_41 : vector<16xf32>
      %mul3A_2187 = arith.mulf %sub3A_2184, %sub3A_2184 : vector<16xf32>
      %mul3A_2188 = arith.mulf %sub3A_2185, %sub3A_2185 : vector<16xf32>
      %add3A_2189 = arith.addf %mul3A_2187, %mul3A_2188 : vector<16xf32>
      %mul3A_2190 = arith.mulf %sub3A_2186, %sub3A_2186 : vector<16xf32>
      %add3A_2191 = arith.addf %add3A_2189, %mul3A_2190 : vector<16xf32>
      %bitcast_convert_type3A_2192 = tpu.bitcast %add3A_2191 : vector<16xf32> -> vector<16xi32>
      %shift_right_arithmetic3A_2193 = arith.constant 1 : i32
      %shift_right_arithmetic3A_2194 = vector.broadcast %shift_right_arithmetic3A_2193 : i32 to vector<16xi32>
      %shift_right_arithmetic3A_2195 = arith.shrsi %bitcast_convert_type3A_2192, %shift_right_arithmetic3A_2194 : vector<16xi32>
      %sub3A_2196 = arith.constant 1597463007 : i32
      %sub3A_2197 = vector.broadcast %sub3A_2196 : i32 to vector<16xi32>
      %sub3A_2198 = arith.subi %sub3A_2197, %shift_right_arithmetic3A_2195 : vector<16xi32>
      %bitcast_convert_type3A_2199 = tpu.bitcast %sub3A_2198 : vector<16xi32> -> vector<16xf32>
      %mul3A_2200 = arith.constant 5.000000e-01 : f32
      %mul3A_2201 = vector.broadcast %mul3A_2200 : f32 to vector<16xf32>
      %mul3A_2202 = arith.mulf %mul3A_2201, %add3A_2191 : vector<16xf32>
      %mul3A_2203 = arith.mulf %mul3A_2202, %bitcast_convert_type3A_2199 : vector<16xf32>
      %mul3A_2204 = arith.mulf %mul3A_2203, %bitcast_convert_type3A_2199 : vector<16xf32>
      %sub3A_2205 = arith.constant 1.500000e+00 : f32
      %sub3A_2206 = vector.broadcast %sub3A_2205 : f32 to vector<16xf32>
      %sub3A_2207 = arith.subf %sub3A_2206, %mul3A_2204 : vector<16xf32>
      %mul3A_2208 = arith.mulf %bitcast_convert_type3A_2199, %sub3A_2207 : vector<16xf32>
      %mul3A_2209 = arith.mulf %mul3A_2202, %mul3A_2208 : vector<16xf32>
      %mul3A_2210 = arith.mulf %mul3A_2209, %mul3A_2208 : vector<16xf32>
      %sub3A_2211 = arith.constant 1.500000e+00 : f32
      %sub3A_2212 = vector.broadcast %sub3A_2211 : f32 to vector<16xf32>
      %sub3A_2213 = arith.subf %sub3A_2212, %mul3A_2210 : vector<16xf32>
      %mul3A_2214 = arith.mulf %mul3A_2208, %sub3A_2213 : vector<16xf32>
      %mul3A_2215 = arith.mulf %add3A_2191, %mul3A_2214 : vector<16xf32>
      %min3A_2216 = arith.constant 1.200000e+01 : f32
      %min3A_2217 = vector.broadcast %min3A_2216 : f32 to vector<16xf32>
      %min3A_2218 = arith.minimumf %mul3A_2215, %min3A_2217 : vector<16xf32>
      %mul3A_2219 = arith.constant 0.261799395 : f32
      %mul3A_2220 = vector.broadcast %mul3A_2219 : f32 to vector<16xf32>
      %mul3A_2221 = arith.mulf %min3A_2218, %mul3A_2220 : vector<16xf32>
      %sub3A_2222 = arith.constant 1.57079637 : f32
      %sub3A_2223 = vector.broadcast %sub3A_2222 : f32 to vector<16xf32>
      %sub3A_2224 = arith.subf %mul3A_2221, %sub3A_2223 : vector<16xf32>
      %mul3A_2225 = arith.mulf %sub3A_2224, %sub3A_2224 : vector<16xf32>
      %mul3A_2226 = arith.constant -9.26172433E-5 : f32
      %mul3A_2227 = vector.broadcast %mul3A_2226 : f32 to vector<16xf32>
      %mul3A_2228 = arith.mulf %mul3A_2225, %mul3A_2227 : vector<16xf32>
      %add3A_2229 = arith.constant 0.00415661279 : f32
      %add3A_2230 = vector.broadcast %add3A_2229 : f32 to vector<16xf32>
      %add3A_2231 = arith.addf %add3A_2230, %mul3A_2228 : vector<16xf32>
      %mul3A_2232 = arith.mulf %mul3A_2225, %add3A_2231 : vector<16xf32>
      %add3A_2233 = arith.constant -0.083328396 : f32
      %add3A_2234 = vector.broadcast %add3A_2233 : f32 to vector<16xf32>
      %add3A_2235 = arith.addf %add3A_2234, %mul3A_2232 : vector<16xf32>
      %mul3A_2236 = arith.mulf %mul3A_2225, %add3A_2235 : vector<16xf32>
      %add3A_2237 = arith.constant 0.499999613 : f32
      %add3A_2238 = vector.broadcast %add3A_2237 : f32 to vector<16xf32>
      %add3A_2239 = arith.addf %add3A_2238, %mul3A_2236 : vector<16xf32>
      %mul3A_2240 = arith.mulf %sub3A_2224, %add3A_2239 : vector<16xf32>
      %sub3A_2241 = arith.constant 5.000000e-01 : f32
      %sub3A_2242 = vector.broadcast %sub3A_2241 : f32 to vector<16xf32>
      %sub3A_2243 = arith.subf %sub3A_2242, %mul3A_2240 : vector<16xf32>
      %mul3A_2244 = arith.mulf %min3A_2218, %min3A_2218 : vector<16xf32>
      %mul3A_2245 = arith.constant -4.000000e-02 : f32
      %mul3A_2246 = vector.broadcast %mul3A_2245 : f32 to vector<16xf32>
      %mul3A_2247 = arith.mulf %mul3A_2246, %mul3A_2244 : vector<16xf32>
      %exp3A_2248 = math.exp %mul3A_2247 : vector<16xf32>
      %mul3A_2249 = arith.constant 1.200000e-01 : f32
      %mul3A_2250 = vector.broadcast %mul3A_2249 : f32 to vector<16xf32>
      %mul3A_2251 = arith.mulf %mul3A_2250, %min3A_2218 : vector<16xf32>
      %exp3A_2252 = math.exp %mul3A_2251 : vector<16xf32>
      %mul3A_2253 = arith.mulf %sub3A_2243, %exp3A_2248 : vector<16xf32>
      %convert_element_type3A_2254 = arith.sitofp %and3A_2090 : vector<16xi32> to vector<16xf32>
      %mul3A_2255 = arith.mulf %mul3A_2253, %convert_element_type3A_2254 : vector<16xf32>
      %add3A_2256 = arith.addf %add3A_2166, %mul3A_2255 : vector<16xf32>
      %mul3A_2257 = arith.mulf %mul3A_2255, %exp3A_2252 : vector<16xf32>
      %add3A_2258 = arith.addf %add3A_2168, %mul3A_2257 : vector<16xf32>
      %mul3A_2259 = arith.mulf %mul3A_2257, %exp3A_2252 : vector<16xf32>
      %add3A_2260 = arith.addf %add3A_2170, %mul3A_2259 : vector<16xf32>
      %mul3A_2261 = arith.mulf %mul3A_2259, %exp3A_2252 : vector<16xf32>
      %add3A_2262 = arith.addf %add3A_2172, %mul3A_2261 : vector<16xf32>
      %mul3A_2263 = arith.mulf %mul3A_2261, %exp3A_2252 : vector<16xf32>
      %add3A_2264 = arith.addf %add3A_2174, %mul3A_2263 : vector<16xf32>
      %mul3A_2265 = arith.mulf %mul3A_2263, %exp3A_2252 : vector<16xf32>
      %add3A_2266 = arith.addf %add3A_2176, %mul3A_2265 : vector<16xf32>
      %mul3A_2267 = arith.mulf %mul3A_2265, %exp3A_2252 : vector<16xf32>
      %add3A_2268 = arith.addf %add3A_2178, %mul3A_2267 : vector<16xf32>
      %mul3A_2269 = arith.mulf %mul3A_2267, %exp3A_2252 : vector<16xf32>
      %add3A_2270 = arith.addf %add3A_2180, %mul3A_2269 : vector<16xf32>
      %add3A_2271 = arith.constant 11 : i32
      %add3A_2272 = arith.addi %mul3A_45, %add3A_2271 : i32
      %add3A_2273 = vector.broadcast %add3A_2272 : i32 to vector<16xi32>
      %add3A_2274 = arith.addi %mul3A_23, %add3A_2273 : vector<16xi32>
      %gather3A_2275 = tpu.vector_load_idx %arg9[%add3A_2274] : memref<65536xi32, #tpu.memory_space<vmem>>[vector<16xi32>], vector<16xi32>,
      %and3A_2276 = arith.constant 65535 : i32
      %and3A_2277 = vector.broadcast %and3A_2276 : i32 to vector<16xi32>
      %and3A_2278 = arith.andi %gather3A_2275, %and3A_2277 : vector<16xi32>
      %shift_right_logical3A_2279 = arith.constant 16 : i32
      %shift_right_logical3A_2280 = vector.broadcast %shift_right_logical3A_2279 : i32 to vector<16xi32>
      %shift_right_logical3A_2281 = arith.shrui %gather3A_2275, %shift_right_logical3A_2280 : vector<16xi32>
      %shift_right_logical3A_2282 = arith.constant 11 : i32
      %shift_right_logical3A_2283 = vector.broadcast %shift_right_logical3A_2282 : i32 to vector<16xi32>
      %shift_right_logical3A_2284 = arith.shrui %get3A_43, %shift_right_logical3A_2283 : vector<16xi32>
      %and3A_2285 = arith.constant 1 : i32
      %and3A_2286 = vector.broadcast %and3A_2285 : i32 to vector<16xi32>
      %and3A_2287 = arith.andi %shift_right_logical3A_2284, %and3A_2286 : vector<16xi32>
      %shift_right_logical3A_2288 = arith.constant 27 : i32
      %shift_right_logical3A_2289 = vector.broadcast %shift_right_logical3A_2288 : i32 to vector<16xi32>
      %shift_right_logical3A_2290 = arith.shrui %get3A_43, %shift_right_logical3A_2289 : vector<16xi32>
      %and3A_2291 = arith.constant 1 : i32
      %and3A_2292 = vector.broadcast %and3A_2291 : i32 to vector<16xi32>
      %and3A_2293 = arith.andi %shift_right_logical3A_2290, %and3A_2292 : vector<16xi32>
      %gather3A_2294 = tpu.vector_load_idx %arg6[%and3A_2278] : memref<4096xf32, #tpu.memory_space<vmem>>[vector<16xi32>], vector<16xf32>,
      %gather3A_2295 = tpu.vector_load_idx %arg7[%and3A_2278] : memref<4096xf32, #tpu.memory_space<vmem>>[vector<16xi32>], vector<16xf32>,
      %gather3A_2296 = tpu.vector_load_idx %arg8[%and3A_2278] : memref<4096xf32, #tpu.memory_space<vmem>>[vector<16xi32>], vector<16xf32>,
      %sub3A_2297 = arith.subf %gather3A_2294, %get3A_37 : vector<16xf32>
      %sub3A_2298 = arith.subf %gather3A_2295, %get3A_39 : vector<16xf32>
      %sub3A_2299 = arith.subf %gather3A_2296, %get3A_41 : vector<16xf32>
      %mul3A_2300 = arith.mulf %sub3A_2297, %sub3A_2297 : vector<16xf32>
      %mul3A_2301 = arith.mulf %sub3A_2298, %sub3A_2298 : vector<16xf32>
      %add3A_2302 = arith.addf %mul3A_2300, %mul3A_2301 : vector<16xf32>
      %mul3A_2303 = arith.mulf %sub3A_2299, %sub3A_2299 : vector<16xf32>
      %add3A_2304 = arith.addf %add3A_2302, %mul3A_2303 : vector<16xf32>
      %bitcast_convert_type3A_2305 = tpu.bitcast %add3A_2304 : vector<16xf32> -> vector<16xi32>
      %shift_right_arithmetic3A_2306 = arith.constant 1 : i32
      %shift_right_arithmetic3A_2307 = vector.broadcast %shift_right_arithmetic3A_2306 : i32 to vector<16xi32>
      %shift_right_arithmetic3A_2308 = arith.shrsi %bitcast_convert_type3A_2305, %shift_right_arithmetic3A_2307 : vector<16xi32>
      %sub3A_2309 = arith.constant 1597463007 : i32
      %sub3A_2310 = vector.broadcast %sub3A_2309 : i32 to vector<16xi32>
      %sub3A_2311 = arith.subi %sub3A_2310, %shift_right_arithmetic3A_2308 : vector<16xi32>
      %bitcast_convert_type3A_2312 = tpu.bitcast %sub3A_2311 : vector<16xi32> -> vector<16xf32>
      %mul3A_2313 = arith.constant 5.000000e-01 : f32
      %mul3A_2314 = vector.broadcast %mul3A_2313 : f32 to vector<16xf32>
      %mul3A_2315 = arith.mulf %mul3A_2314, %add3A_2304 : vector<16xf32>
      %mul3A_2316 = arith.mulf %mul3A_2315, %bitcast_convert_type3A_2312 : vector<16xf32>
      %mul3A_2317 = arith.mulf %mul3A_2316, %bitcast_convert_type3A_2312 : vector<16xf32>
      %sub3A_2318 = arith.constant 1.500000e+00 : f32
      %sub3A_2319 = vector.broadcast %sub3A_2318 : f32 to vector<16xf32>
      %sub3A_2320 = arith.subf %sub3A_2319, %mul3A_2317 : vector<16xf32>
      %mul3A_2321 = arith.mulf %bitcast_convert_type3A_2312, %sub3A_2320 : vector<16xf32>
      %mul3A_2322 = arith.mulf %mul3A_2315, %mul3A_2321 : vector<16xf32>
      %mul3A_2323 = arith.mulf %mul3A_2322, %mul3A_2321 : vector<16xf32>
      %sub3A_2324 = arith.constant 1.500000e+00 : f32
      %sub3A_2325 = vector.broadcast %sub3A_2324 : f32 to vector<16xf32>
      %sub3A_2326 = arith.subf %sub3A_2325, %mul3A_2323 : vector<16xf32>
      %mul3A_2327 = arith.mulf %mul3A_2321, %sub3A_2326 : vector<16xf32>
      %mul3A_2328 = arith.mulf %add3A_2304, %mul3A_2327 : vector<16xf32>
      %min3A_2329 = arith.constant 1.200000e+01 : f32
      %min3A_2330 = vector.broadcast %min3A_2329 : f32 to vector<16xf32>
      %min3A_2331 = arith.minimumf %mul3A_2328, %min3A_2330 : vector<16xf32>
      %mul3A_2332 = arith.constant 0.261799395 : f32
      %mul3A_2333 = vector.broadcast %mul3A_2332 : f32 to vector<16xf32>
      %mul3A_2334 = arith.mulf %min3A_2331, %mul3A_2333 : vector<16xf32>
      %sub3A_2335 = arith.constant 1.57079637 : f32
      %sub3A_2336 = vector.broadcast %sub3A_2335 : f32 to vector<16xf32>
      %sub3A_2337 = arith.subf %mul3A_2334, %sub3A_2336 : vector<16xf32>
      %mul3A_2338 = arith.mulf %sub3A_2337, %sub3A_2337 : vector<16xf32>
      %mul3A_2339 = arith.constant -9.26172433E-5 : f32
      %mul3A_2340 = vector.broadcast %mul3A_2339 : f32 to vector<16xf32>
      %mul3A_2341 = arith.mulf %mul3A_2338, %mul3A_2340 : vector<16xf32>
      %add3A_2342 = arith.constant 0.00415661279 : f32
      %add3A_2343 = vector.broadcast %add3A_2342 : f32 to vector<16xf32>
      %add3A_2344 = arith.addf %add3A_2343, %mul3A_2341 : vector<16xf32>
      %mul3A_2345 = arith.mulf %mul3A_2338, %add3A_2344 : vector<16xf32>
      %add3A_2346 = arith.constant -0.083328396 : f32
      %add3A_2347 = vector.broadcast %add3A_2346 : f32 to vector<16xf32>
      %add3A_2348 = arith.addf %add3A_2347, %mul3A_2345 : vector<16xf32>
      %mul3A_2349 = arith.mulf %mul3A_2338, %add3A_2348 : vector<16xf32>
      %add3A_2350 = arith.constant 0.499999613 : f32
      %add3A_2351 = vector.broadcast %add3A_2350 : f32 to vector<16xf32>
      %add3A_2352 = arith.addf %add3A_2351, %mul3A_2349 : vector<16xf32>
      %mul3A_2353 = arith.mulf %sub3A_2337, %add3A_2352 : vector<16xf32>
      %sub3A_2354 = arith.constant 5.000000e-01 : f32
      %sub3A_2355 = vector.broadcast %sub3A_2354 : f32 to vector<16xf32>
      %sub3A_2356 = arith.subf %sub3A_2355, %mul3A_2353 : vector<16xf32>
      %mul3A_2357 = arith.mulf %min3A_2331, %min3A_2331 : vector<16xf32>
      %mul3A_2358 = arith.constant -4.000000e-02 : f32
      %mul3A_2359 = vector.broadcast %mul3A_2358 : f32 to vector<16xf32>
      %mul3A_2360 = arith.mulf %mul3A_2359, %mul3A_2357 : vector<16xf32>
      %exp3A_2361 = math.exp %mul3A_2360 : vector<16xf32>
      %mul3A_2362 = arith.constant 1.200000e-01 : f32
      %mul3A_2363 = vector.broadcast %mul3A_2362 : f32 to vector<16xf32>
      %mul3A_2364 = arith.mulf %mul3A_2363, %min3A_2331 : vector<16xf32>
      %exp3A_2365 = math.exp %mul3A_2364 : vector<16xf32>
      %mul3A_2366 = arith.mulf %sub3A_2356, %exp3A_2361 : vector<16xf32>
      %convert_element_type3A_2367 = arith.sitofp %and3A_2287 : vector<16xi32> to vector<16xf32>
      %mul3A_2368 = arith.mulf %mul3A_2366, %convert_element_type3A_2367 : vector<16xf32>
      %add3A_2369 = arith.addf %add3A_2256, %mul3A_2368 : vector<16xf32>
      %mul3A_2370 = arith.mulf %mul3A_2368, %exp3A_2365 : vector<16xf32>
      %add3A_2371 = arith.addf %add3A_2258, %mul3A_2370 : vector<16xf32>
      %mul3A_2372 = arith.mulf %mul3A_2370, %exp3A_2365 : vector<16xf32>
      %add3A_2373 = arith.addf %add3A_2260, %mul3A_2372 : vector<16xf32>
      %mul3A_2374 = arith.mulf %mul3A_2372, %exp3A_2365 : vector<16xf32>
      %add3A_2375 = arith.addf %add3A_2262, %mul3A_2374 : vector<16xf32>
      %mul3A_2376 = arith.mulf %mul3A_2374, %exp3A_2365 : vector<16xf32>
      %add3A_2377 = arith.addf %add3A_2264, %mul3A_2376 : vector<16xf32>
      %mul3A_2378 = arith.mulf %mul3A_2376, %exp3A_2365 : vector<16xf32>
      %add3A_2379 = arith.addf %add3A_2266, %mul3A_2378 : vector<16xf32>
      %mul3A_2380 = arith.mulf %mul3A_2378, %exp3A_2365 : vector<16xf32>
      %add3A_2381 = arith.addf %add3A_2268, %mul3A_2380 : vector<16xf32>
      %mul3A_2382 = arith.mulf %mul3A_2380, %exp3A_2365 : vector<16xf32>
      %add3A_2383 = arith.addf %add3A_2270, %mul3A_2382 : vector<16xf32>
      %gather3A_2384 = tpu.vector_load_idx %arg6[%shift_right_logical3A_2281] : memref<4096xf32, #tpu.memory_space<vmem>>[vector<16xi32>], vector<16xf32>,
      %gather3A_2385 = tpu.vector_load_idx %arg7[%shift_right_logical3A_2281] : memref<4096xf32, #tpu.memory_space<vmem>>[vector<16xi32>], vector<16xf32>,
      %gather3A_2386 = tpu.vector_load_idx %arg8[%shift_right_logical3A_2281] : memref<4096xf32, #tpu.memory_space<vmem>>[vector<16xi32>], vector<16xf32>,
      %sub3A_2387 = arith.subf %gather3A_2384, %get3A_37 : vector<16xf32>
      %sub3A_2388 = arith.subf %gather3A_2385, %get3A_39 : vector<16xf32>
      %sub3A_2389 = arith.subf %gather3A_2386, %get3A_41 : vector<16xf32>
      %mul3A_2390 = arith.mulf %sub3A_2387, %sub3A_2387 : vector<16xf32>
      %mul3A_2391 = arith.mulf %sub3A_2388, %sub3A_2388 : vector<16xf32>
      %add3A_2392 = arith.addf %mul3A_2390, %mul3A_2391 : vector<16xf32>
      %mul3A_2393 = arith.mulf %sub3A_2389, %sub3A_2389 : vector<16xf32>
      %add3A_2394 = arith.addf %add3A_2392, %mul3A_2393 : vector<16xf32>
      %bitcast_convert_type3A_2395 = tpu.bitcast %add3A_2394 : vector<16xf32> -> vector<16xi32>
      %shift_right_arithmetic3A_2396 = arith.constant 1 : i32
      %shift_right_arithmetic3A_2397 = vector.broadcast %shift_right_arithmetic3A_2396 : i32 to vector<16xi32>
      %shift_right_arithmetic3A_2398 = arith.shrsi %bitcast_convert_type3A_2395, %shift_right_arithmetic3A_2397 : vector<16xi32>
      %sub3A_2399 = arith.constant 1597463007 : i32
      %sub3A_2400 = vector.broadcast %sub3A_2399 : i32 to vector<16xi32>
      %sub3A_2401 = arith.subi %sub3A_2400, %shift_right_arithmetic3A_2398 : vector<16xi32>
      %bitcast_convert_type3A_2402 = tpu.bitcast %sub3A_2401 : vector<16xi32> -> vector<16xf32>
      %mul3A_2403 = arith.constant 5.000000e-01 : f32
      %mul3A_2404 = vector.broadcast %mul3A_2403 : f32 to vector<16xf32>
      %mul3A_2405 = arith.mulf %mul3A_2404, %add3A_2394 : vector<16xf32>
      %mul3A_2406 = arith.mulf %mul3A_2405, %bitcast_convert_type3A_2402 : vector<16xf32>
      %mul3A_2407 = arith.mulf %mul3A_2406, %bitcast_convert_type3A_2402 : vector<16xf32>
      %sub3A_2408 = arith.constant 1.500000e+00 : f32
      %sub3A_2409 = vector.broadcast %sub3A_2408 : f32 to vector<16xf32>
      %sub3A_2410 = arith.subf %sub3A_2409, %mul3A_2407 : vector<16xf32>
      %mul3A_2411 = arith.mulf %bitcast_convert_type3A_2402, %sub3A_2410 : vector<16xf32>
      %mul3A_2412 = arith.mulf %mul3A_2405, %mul3A_2411 : vector<16xf32>
      %mul3A_2413 = arith.mulf %mul3A_2412, %mul3A_2411 : vector<16xf32>
      %sub3A_2414 = arith.constant 1.500000e+00 : f32
      %sub3A_2415 = vector.broadcast %sub3A_2414 : f32 to vector<16xf32>
      %sub3A_2416 = arith.subf %sub3A_2415, %mul3A_2413 : vector<16xf32>
      %mul3A_2417 = arith.mulf %mul3A_2411, %sub3A_2416 : vector<16xf32>
      %mul3A_2418 = arith.mulf %add3A_2394, %mul3A_2417 : vector<16xf32>
      %min3A_2419 = arith.constant 1.200000e+01 : f32
      %min3A_2420 = vector.broadcast %min3A_2419 : f32 to vector<16xf32>
      %min3A_2421 = arith.minimumf %mul3A_2418, %min3A_2420 : vector<16xf32>
      %mul3A_2422 = arith.constant 0.261799395 : f32
      %mul3A_2423 = vector.broadcast %mul3A_2422 : f32 to vector<16xf32>
      %mul3A_2424 = arith.mulf %min3A_2421, %mul3A_2423 : vector<16xf32>
      %sub3A_2425 = arith.constant 1.57079637 : f32
      %sub3A_2426 = vector.broadcast %sub3A_2425 : f32 to vector<16xf32>
      %sub3A_2427 = arith.subf %mul3A_2424, %sub3A_2426 : vector<16xf32>
      %mul3A_2428 = arith.mulf %sub3A_2427, %sub3A_2427 : vector<16xf32>
      %mul3A_2429 = arith.constant -9.26172433E-5 : f32
      %mul3A_2430 = vector.broadcast %mul3A_2429 : f32 to vector<16xf32>
      %mul3A_2431 = arith.mulf %mul3A_2428, %mul3A_2430 : vector<16xf32>
      %add3A_2432 = arith.constant 0.00415661279 : f32
      %add3A_2433 = vector.broadcast %add3A_2432 : f32 to vector<16xf32>
      %add3A_2434 = arith.addf %add3A_2433, %mul3A_2431 : vector<16xf32>
      %mul3A_2435 = arith.mulf %mul3A_2428, %add3A_2434 : vector<16xf32>
      %add3A_2436 = arith.constant -0.083328396 : f32
      %add3A_2437 = vector.broadcast %add3A_2436 : f32 to vector<16xf32>
      %add3A_2438 = arith.addf %add3A_2437, %mul3A_2435 : vector<16xf32>
      %mul3A_2439 = arith.mulf %mul3A_2428, %add3A_2438 : vector<16xf32>
      %add3A_2440 = arith.constant 0.499999613 : f32
      %add3A_2441 = vector.broadcast %add3A_2440 : f32 to vector<16xf32>
      %add3A_2442 = arith.addf %add3A_2441, %mul3A_2439 : vector<16xf32>
      %mul3A_2443 = arith.mulf %sub3A_2427, %add3A_2442 : vector<16xf32>
      %sub3A_2444 = arith.constant 5.000000e-01 : f32
      %sub3A_2445 = vector.broadcast %sub3A_2444 : f32 to vector<16xf32>
      %sub3A_2446 = arith.subf %sub3A_2445, %mul3A_2443 : vector<16xf32>
      %mul3A_2447 = arith.mulf %min3A_2421, %min3A_2421 : vector<16xf32>
      %mul3A_2448 = arith.constant -4.000000e-02 : f32
      %mul3A_2449 = vector.broadcast %mul3A_2448 : f32 to vector<16xf32>
      %mul3A_2450 = arith.mulf %mul3A_2449, %mul3A_2447 : vector<16xf32>
      %exp3A_2451 = math.exp %mul3A_2450 : vector<16xf32>
      %mul3A_2452 = arith.constant 1.200000e-01 : f32
      %mul3A_2453 = vector.broadcast %mul3A_2452 : f32 to vector<16xf32>
      %mul3A_2454 = arith.mulf %mul3A_2453, %min3A_2421 : vector<16xf32>
      %exp3A_2455 = math.exp %mul3A_2454 : vector<16xf32>
      %mul3A_2456 = arith.mulf %sub3A_2446, %exp3A_2451 : vector<16xf32>
      %convert_element_type3A_2457 = arith.sitofp %and3A_2293 : vector<16xi32> to vector<16xf32>
      %mul3A_2458 = arith.mulf %mul3A_2456, %convert_element_type3A_2457 : vector<16xf32>
      %add3A_2459 = arith.addf %add3A_2369, %mul3A_2458 : vector<16xf32>
      %mul3A_2460 = arith.mulf %mul3A_2458, %exp3A_2455 : vector<16xf32>
      %add3A_2461 = arith.addf %add3A_2371, %mul3A_2460 : vector<16xf32>
      %mul3A_2462 = arith.mulf %mul3A_2460, %exp3A_2455 : vector<16xf32>
      %add3A_2463 = arith.addf %add3A_2373, %mul3A_2462 : vector<16xf32>
      %mul3A_2464 = arith.mulf %mul3A_2462, %exp3A_2455 : vector<16xf32>
      %add3A_2465 = arith.addf %add3A_2375, %mul3A_2464 : vector<16xf32>
      %mul3A_2466 = arith.mulf %mul3A_2464, %exp3A_2455 : vector<16xf32>
      %add3A_2467 = arith.addf %add3A_2377, %mul3A_2466 : vector<16xf32>
      %mul3A_2468 = arith.mulf %mul3A_2466, %exp3A_2455 : vector<16xf32>
      %add3A_2469 = arith.addf %add3A_2379, %mul3A_2468 : vector<16xf32>
      %mul3A_2470 = arith.mulf %mul3A_2468, %exp3A_2455 : vector<16xf32>
      %add3A_2471 = arith.addf %add3A_2381, %mul3A_2470 : vector<16xf32>
      %mul3A_2472 = arith.mulf %mul3A_2470, %exp3A_2455 : vector<16xf32>
      %add3A_2473 = arith.addf %add3A_2383, %mul3A_2472 : vector<16xf32>
      %add3A_2474 = arith.constant 12 : i32
      %add3A_2475 = arith.addi %mul3A_45, %add3A_2474 : i32
      %add3A_2476 = vector.broadcast %add3A_2475 : i32 to vector<16xi32>
      %add3A_2477 = arith.addi %mul3A_23, %add3A_2476 : vector<16xi32>
      %gather3A_2478 = tpu.vector_load_idx %arg9[%add3A_2477] : memref<65536xi32, #tpu.memory_space<vmem>>[vector<16xi32>], vector<16xi32>,
      %and3A_2479 = arith.constant 65535 : i32
      %and3A_2480 = vector.broadcast %and3A_2479 : i32 to vector<16xi32>
      %and3A_2481 = arith.andi %gather3A_2478, %and3A_2480 : vector<16xi32>
      %shift_right_logical3A_2482 = arith.constant 16 : i32
      %shift_right_logical3A_2483 = vector.broadcast %shift_right_logical3A_2482 : i32 to vector<16xi32>
      %shift_right_logical3A_2484 = arith.shrui %gather3A_2478, %shift_right_logical3A_2483 : vector<16xi32>
      %shift_right_logical3A_2485 = arith.constant 12 : i32
      %shift_right_logical3A_2486 = vector.broadcast %shift_right_logical3A_2485 : i32 to vector<16xi32>
      %shift_right_logical3A_2487 = arith.shrui %get3A_43, %shift_right_logical3A_2486 : vector<16xi32>
      %and3A_2488 = arith.constant 1 : i32
      %and3A_2489 = vector.broadcast %and3A_2488 : i32 to vector<16xi32>
      %and3A_2490 = arith.andi %shift_right_logical3A_2487, %and3A_2489 : vector<16xi32>
      %shift_right_logical3A_2491 = arith.constant 28 : i32
      %shift_right_logical3A_2492 = vector.broadcast %shift_right_logical3A_2491 : i32 to vector<16xi32>
      %shift_right_logical3A_2493 = arith.shrui %get3A_43, %shift_right_logical3A_2492 : vector<16xi32>
      %and3A_2494 = arith.constant 1 : i32
      %and3A_2495 = vector.broadcast %and3A_2494 : i32 to vector<16xi32>
      %and3A_2496 = arith.andi %shift_right_logical3A_2493, %and3A_2495 : vector<16xi32>
      %gather3A_2497 = tpu.vector_load_idx %arg6[%and3A_2481] : memref<4096xf32, #tpu.memory_space<vmem>>[vector<16xi32>], vector<16xf32>,
      %gather3A_2498 = tpu.vector_load_idx %arg7[%and3A_2481] : memref<4096xf32, #tpu.memory_space<vmem>>[vector<16xi32>], vector<16xf32>,
      %gather3A_2499 = tpu.vector_load_idx %arg8[%and3A_2481] : memref<4096xf32, #tpu.memory_space<vmem>>[vector<16xi32>], vector<16xf32>,
      %sub3A_2500 = arith.subf %gather3A_2497, %get3A_37 : vector<16xf32>
      %sub3A_2501 = arith.subf %gather3A_2498, %get3A_39 : vector<16xf32>
      %sub3A_2502 = arith.subf %gather3A_2499, %get3A_41 : vector<16xf32>
      %mul3A_2503 = arith.mulf %sub3A_2500, %sub3A_2500 : vector<16xf32>
      %mul3A_2504 = arith.mulf %sub3A_2501, %sub3A_2501 : vector<16xf32>
      %add3A_2505 = arith.addf %mul3A_2503, %mul3A_2504 : vector<16xf32>
      %mul3A_2506 = arith.mulf %sub3A_2502, %sub3A_2502 : vector<16xf32>
      %add3A_2507 = arith.addf %add3A_2505, %mul3A_2506 : vector<16xf32>
      %bitcast_convert_type3A_2508 = tpu.bitcast %add3A_2507 : vector<16xf32> -> vector<16xi32>
      %shift_right_arithmetic3A_2509 = arith.constant 1 : i32
      %shift_right_arithmetic3A_2510 = vector.broadcast %shift_right_arithmetic3A_2509 : i32 to vector<16xi32>
      %shift_right_arithmetic3A_2511 = arith.shrsi %bitcast_convert_type3A_2508, %shift_right_arithmetic3A_2510 : vector<16xi32>
      %sub3A_2512 = arith.constant 1597463007 : i32
      %sub3A_2513 = vector.broadcast %sub3A_2512 : i32 to vector<16xi32>
      %sub3A_2514 = arith.subi %sub3A_2513, %shift_right_arithmetic3A_2511 : vector<16xi32>
      %bitcast_convert_type3A_2515 = tpu.bitcast %sub3A_2514 : vector<16xi32> -> vector<16xf32>
      %mul3A_2516 = arith.constant 5.000000e-01 : f32
      %mul3A_2517 = vector.broadcast %mul3A_2516 : f32 to vector<16xf32>
      %mul3A_2518 = arith.mulf %mul3A_2517, %add3A_2507 : vector<16xf32>
      %mul3A_2519 = arith.mulf %mul3A_2518, %bitcast_convert_type3A_2515 : vector<16xf32>
      %mul3A_2520 = arith.mulf %mul3A_2519, %bitcast_convert_type3A_2515 : vector<16xf32>
      %sub3A_2521 = arith.constant 1.500000e+00 : f32
      %sub3A_2522 = vector.broadcast %sub3A_2521 : f32 to vector<16xf32>
      %sub3A_2523 = arith.subf %sub3A_2522, %mul3A_2520 : vector<16xf32>
      %mul3A_2524 = arith.mulf %bitcast_convert_type3A_2515, %sub3A_2523 : vector<16xf32>
      %mul3A_2525 = arith.mulf %mul3A_2518, %mul3A_2524 : vector<16xf32>
      %mul3A_2526 = arith.mulf %mul3A_2525, %mul3A_2524 : vector<16xf32>
      %sub3A_2527 = arith.constant 1.500000e+00 : f32
      %sub3A_2528 = vector.broadcast %sub3A_2527 : f32 to vector<16xf32>
      %sub3A_2529 = arith.subf %sub3A_2528, %mul3A_2526 : vector<16xf32>
      %mul3A_2530 = arith.mulf %mul3A_2524, %sub3A_2529 : vector<16xf32>
      %mul3A_2531 = arith.mulf %add3A_2507, %mul3A_2530 : vector<16xf32>
      %min3A_2532 = arith.constant 1.200000e+01 : f32
      %min3A_2533 = vector.broadcast %min3A_2532 : f32 to vector<16xf32>
      %min3A_2534 = arith.minimumf %mul3A_2531, %min3A_2533 : vector<16xf32>
      %mul3A_2535 = arith.constant 0.261799395 : f32
      %mul3A_2536 = vector.broadcast %mul3A_2535 : f32 to vector<16xf32>
      %mul3A_2537 = arith.mulf %min3A_2534, %mul3A_2536 : vector<16xf32>
      %sub3A_2538 = arith.constant 1.57079637 : f32
      %sub3A_2539 = vector.broadcast %sub3A_2538 : f32 to vector<16xf32>
      %sub3A_2540 = arith.subf %mul3A_2537, %sub3A_2539 : vector<16xf32>
      %mul3A_2541 = arith.mulf %sub3A_2540, %sub3A_2540 : vector<16xf32>
      %mul3A_2542 = arith.constant -9.26172433E-5 : f32
      %mul3A_2543 = vector.broadcast %mul3A_2542 : f32 to vector<16xf32>
      %mul3A_2544 = arith.mulf %mul3A_2541, %mul3A_2543 : vector<16xf32>
      %add3A_2545 = arith.constant 0.00415661279 : f32
      %add3A_2546 = vector.broadcast %add3A_2545 : f32 to vector<16xf32>
      %add3A_2547 = arith.addf %add3A_2546, %mul3A_2544 : vector<16xf32>
      %mul3A_2548 = arith.mulf %mul3A_2541, %add3A_2547 : vector<16xf32>
      %add3A_2549 = arith.constant -0.083328396 : f32
      %add3A_2550 = vector.broadcast %add3A_2549 : f32 to vector<16xf32>
      %add3A_2551 = arith.addf %add3A_2550, %mul3A_2548 : vector<16xf32>
      %mul3A_2552 = arith.mulf %mul3A_2541, %add3A_2551 : vector<16xf32>
      %add3A_2553 = arith.constant 0.499999613 : f32
      %add3A_2554 = vector.broadcast %add3A_2553 : f32 to vector<16xf32>
      %add3A_2555 = arith.addf %add3A_2554, %mul3A_2552 : vector<16xf32>
      %mul3A_2556 = arith.mulf %sub3A_2540, %add3A_2555 : vector<16xf32>
      %sub3A_2557 = arith.constant 5.000000e-01 : f32
      %sub3A_2558 = vector.broadcast %sub3A_2557 : f32 to vector<16xf32>
      %sub3A_2559 = arith.subf %sub3A_2558, %mul3A_2556 : vector<16xf32>
      %mul3A_2560 = arith.mulf %min3A_2534, %min3A_2534 : vector<16xf32>
      %mul3A_2561 = arith.constant -4.000000e-02 : f32
      %mul3A_2562 = vector.broadcast %mul3A_2561 : f32 to vector<16xf32>
      %mul3A_2563 = arith.mulf %mul3A_2562, %mul3A_2560 : vector<16xf32>
      %exp3A_2564 = math.exp %mul3A_2563 : vector<16xf32>
      %mul3A_2565 = arith.constant 1.200000e-01 : f32
      %mul3A_2566 = vector.broadcast %mul3A_2565 : f32 to vector<16xf32>
      %mul3A_2567 = arith.mulf %mul3A_2566, %min3A_2534 : vector<16xf32>
      %exp3A_2568 = math.exp %mul3A_2567 : vector<16xf32>
      %mul3A_2569 = arith.mulf %sub3A_2559, %exp3A_2564 : vector<16xf32>
      %convert_element_type3A_2570 = arith.sitofp %and3A_2490 : vector<16xi32> to vector<16xf32>
      %mul3A_2571 = arith.mulf %mul3A_2569, %convert_element_type3A_2570 : vector<16xf32>
      %add3A_2572 = arith.addf %add3A_2459, %mul3A_2571 : vector<16xf32>
      %mul3A_2573 = arith.mulf %mul3A_2571, %exp3A_2568 : vector<16xf32>
      %add3A_2574 = arith.addf %add3A_2461, %mul3A_2573 : vector<16xf32>
      %mul3A_2575 = arith.mulf %mul3A_2573, %exp3A_2568 : vector<16xf32>
      %add3A_2576 = arith.addf %add3A_2463, %mul3A_2575 : vector<16xf32>
      %mul3A_2577 = arith.mulf %mul3A_2575, %exp3A_2568 : vector<16xf32>
      %add3A_2578 = arith.addf %add3A_2465, %mul3A_2577 : vector<16xf32>
      %mul3A_2579 = arith.mulf %mul3A_2577, %exp3A_2568 : vector<16xf32>
      %add3A_2580 = arith.addf %add3A_2467, %mul3A_2579 : vector<16xf32>
      %mul3A_2581 = arith.mulf %mul3A_2579, %exp3A_2568 : vector<16xf32>
      %add3A_2582 = arith.addf %add3A_2469, %mul3A_2581 : vector<16xf32>
      %mul3A_2583 = arith.mulf %mul3A_2581, %exp3A_2568 : vector<16xf32>
      %add3A_2584 = arith.addf %add3A_2471, %mul3A_2583 : vector<16xf32>
      %mul3A_2585 = arith.mulf %mul3A_2583, %exp3A_2568 : vector<16xf32>
      %add3A_2586 = arith.addf %add3A_2473, %mul3A_2585 : vector<16xf32>
      %gather3A_2587 = tpu.vector_load_idx %arg6[%shift_right_logical3A_2484] : memref<4096xf32, #tpu.memory_space<vmem>>[vector<16xi32>], vector<16xf32>,
      %gather3A_2588 = tpu.vector_load_idx %arg7[%shift_right_logical3A_2484] : memref<4096xf32, #tpu.memory_space<vmem>>[vector<16xi32>], vector<16xf32>,
      %gather3A_2589 = tpu.vector_load_idx %arg8[%shift_right_logical3A_2484] : memref<4096xf32, #tpu.memory_space<vmem>>[vector<16xi32>], vector<16xf32>,
      %sub3A_2590 = arith.subf %gather3A_2587, %get3A_37 : vector<16xf32>
      %sub3A_2591 = arith.subf %gather3A_2588, %get3A_39 : vector<16xf32>
      %sub3A_2592 = arith.subf %gather3A_2589, %get3A_41 : vector<16xf32>
      %mul3A_2593 = arith.mulf %sub3A_2590, %sub3A_2590 : vector<16xf32>
      %mul3A_2594 = arith.mulf %sub3A_2591, %sub3A_2591 : vector<16xf32>
      %add3A_2595 = arith.addf %mul3A_2593, %mul3A_2594 : vector<16xf32>
      %mul3A_2596 = arith.mulf %sub3A_2592, %sub3A_2592 : vector<16xf32>
      %add3A_2597 = arith.addf %add3A_2595, %mul3A_2596 : vector<16xf32>
      %bitcast_convert_type3A_2598 = tpu.bitcast %add3A_2597 : vector<16xf32> -> vector<16xi32>
      %shift_right_arithmetic3A_2599 = arith.constant 1 : i32
      %shift_right_arithmetic3A_2600 = vector.broadcast %shift_right_arithmetic3A_2599 : i32 to vector<16xi32>
      %shift_right_arithmetic3A_2601 = arith.shrsi %bitcast_convert_type3A_2598, %shift_right_arithmetic3A_2600 : vector<16xi32>
      %sub3A_2602 = arith.constant 1597463007 : i32
      %sub3A_2603 = vector.broadcast %sub3A_2602 : i32 to vector<16xi32>
      %sub3A_2604 = arith.subi %sub3A_2603, %shift_right_arithmetic3A_2601 : vector<16xi32>
      %bitcast_convert_type3A_2605 = tpu.bitcast %sub3A_2604 : vector<16xi32> -> vector<16xf32>
      %mul3A_2606 = arith.constant 5.000000e-01 : f32
      %mul3A_2607 = vector.broadcast %mul3A_2606 : f32 to vector<16xf32>
      %mul3A_2608 = arith.mulf %mul3A_2607, %add3A_2597 : vector<16xf32>
      %mul3A_2609 = arith.mulf %mul3A_2608, %bitcast_convert_type3A_2605 : vector<16xf32>
      %mul3A_2610 = arith.mulf %mul3A_2609, %bitcast_convert_type3A_2605 : vector<16xf32>
      %sub3A_2611 = arith.constant 1.500000e+00 : f32
      %sub3A_2612 = vector.broadcast %sub3A_2611 : f32 to vector<16xf32>
      %sub3A_2613 = arith.subf %sub3A_2612, %mul3A_2610 : vector<16xf32>
      %mul3A_2614 = arith.mulf %bitcast_convert_type3A_2605, %sub3A_2613 : vector<16xf32>
      %mul3A_2615 = arith.mulf %mul3A_2608, %mul3A_2614 : vector<16xf32>
      %mul3A_2616 = arith.mulf %mul3A_2615, %mul3A_2614 : vector<16xf32>
      %sub3A_2617 = arith.constant 1.500000e+00 : f32
      %sub3A_2618 = vector.broadcast %sub3A_2617 : f32 to vector<16xf32>
      %sub3A_2619 = arith.subf %sub3A_2618, %mul3A_2616 : vector<16xf32>
      %mul3A_2620 = arith.mulf %mul3A_2614, %sub3A_2619 : vector<16xf32>
      %mul3A_2621 = arith.mulf %add3A_2597, %mul3A_2620 : vector<16xf32>
      %min3A_2622 = arith.constant 1.200000e+01 : f32
      %min3A_2623 = vector.broadcast %min3A_2622 : f32 to vector<16xf32>
      %min3A_2624 = arith.minimumf %mul3A_2621, %min3A_2623 : vector<16xf32>
      %mul3A_2625 = arith.constant 0.261799395 : f32
      %mul3A_2626 = vector.broadcast %mul3A_2625 : f32 to vector<16xf32>
      %mul3A_2627 = arith.mulf %min3A_2624, %mul3A_2626 : vector<16xf32>
      %sub3A_2628 = arith.constant 1.57079637 : f32
      %sub3A_2629 = vector.broadcast %sub3A_2628 : f32 to vector<16xf32>
      %sub3A_2630 = arith.subf %mul3A_2627, %sub3A_2629 : vector<16xf32>
      %mul3A_2631 = arith.mulf %sub3A_2630, %sub3A_2630 : vector<16xf32>
      %mul3A_2632 = arith.constant -9.26172433E-5 : f32
      %mul3A_2633 = vector.broadcast %mul3A_2632 : f32 to vector<16xf32>
      %mul3A_2634 = arith.mulf %mul3A_2631, %mul3A_2633 : vector<16xf32>
      %add3A_2635 = arith.constant 0.00415661279 : f32
      %add3A_2636 = vector.broadcast %add3A_2635 : f32 to vector<16xf32>
      %add3A_2637 = arith.addf %add3A_2636, %mul3A_2634 : vector<16xf32>
      %mul3A_2638 = arith.mulf %mul3A_2631, %add3A_2637 : vector<16xf32>
      %add3A_2639 = arith.constant -0.083328396 : f32
      %add3A_2640 = vector.broadcast %add3A_2639 : f32 to vector<16xf32>
      %add3A_2641 = arith.addf %add3A_2640, %mul3A_2638 : vector<16xf32>
      %mul3A_2642 = arith.mulf %mul3A_2631, %add3A_2641 : vector<16xf32>
      %add3A_2643 = arith.constant 0.499999613 : f32
      %add3A_2644 = vector.broadcast %add3A_2643 : f32 to vector<16xf32>
      %add3A_2645 = arith.addf %add3A_2644, %mul3A_2642 : vector<16xf32>
      %mul3A_2646 = arith.mulf %sub3A_2630, %add3A_2645 : vector<16xf32>
      %sub3A_2647 = arith.constant 5.000000e-01 : f32
      %sub3A_2648 = vector.broadcast %sub3A_2647 : f32 to vector<16xf32>
      %sub3A_2649 = arith.subf %sub3A_2648, %mul3A_2646 : vector<16xf32>
      %mul3A_2650 = arith.mulf %min3A_2624, %min3A_2624 : vector<16xf32>
      %mul3A_2651 = arith.constant -4.000000e-02 : f32
      %mul3A_2652 = vector.broadcast %mul3A_2651 : f32 to vector<16xf32>
      %mul3A_2653 = arith.mulf %mul3A_2652, %mul3A_2650 : vector<16xf32>
      %exp3A_2654 = math.exp %mul3A_2653 : vector<16xf32>
      %mul3A_2655 = arith.constant 1.200000e-01 : f32
      %mul3A_2656 = vector.broadcast %mul3A_2655 : f32 to vector<16xf32>
      %mul3A_2657 = arith.mulf %mul3A_2656, %min3A_2624 : vector<16xf32>
      %exp3A_2658 = math.exp %mul3A_2657 : vector<16xf32>
      %mul3A_2659 = arith.mulf %sub3A_2649, %exp3A_2654 : vector<16xf32>
      %convert_element_type3A_2660 = arith.sitofp %and3A_2496 : vector<16xi32> to vector<16xf32>
      %mul3A_2661 = arith.mulf %mul3A_2659, %convert_element_type3A_2660 : vector<16xf32>
      %add3A_2662 = arith.addf %add3A_2572, %mul3A_2661 : vector<16xf32>
      %mul3A_2663 = arith.mulf %mul3A_2661, %exp3A_2658 : vector<16xf32>
      %add3A_2664 = arith.addf %add3A_2574, %mul3A_2663 : vector<16xf32>
      %mul3A_2665 = arith.mulf %mul3A_2663, %exp3A_2658 : vector<16xf32>
      %add3A_2666 = arith.addf %add3A_2576, %mul3A_2665 : vector<16xf32>
      %mul3A_2667 = arith.mulf %mul3A_2665, %exp3A_2658 : vector<16xf32>
      %add3A_2668 = arith.addf %add3A_2578, %mul3A_2667 : vector<16xf32>
      %mul3A_2669 = arith.mulf %mul3A_2667, %exp3A_2658 : vector<16xf32>
      %add3A_2670 = arith.addf %add3A_2580, %mul3A_2669 : vector<16xf32>
      %mul3A_2671 = arith.mulf %mul3A_2669, %exp3A_2658 : vector<16xf32>
      %add3A_2672 = arith.addf %add3A_2582, %mul3A_2671 : vector<16xf32>
      %mul3A_2673 = arith.mulf %mul3A_2671, %exp3A_2658 : vector<16xf32>
      %add3A_2674 = arith.addf %add3A_2584, %mul3A_2673 : vector<16xf32>
      %mul3A_2675 = arith.mulf %mul3A_2673, %exp3A_2658 : vector<16xf32>
      %add3A_2676 = arith.addf %add3A_2586, %mul3A_2675 : vector<16xf32>
      %add3A_2677 = arith.constant 13 : i32
      %add3A_2678 = arith.addi %mul3A_45, %add3A_2677 : i32
      %add3A_2679 = vector.broadcast %add3A_2678 : i32 to vector<16xi32>
      %add3A_2680 = arith.addi %mul3A_23, %add3A_2679 : vector<16xi32>
      %gather3A_2681 = tpu.vector_load_idx %arg9[%add3A_2680] : memref<65536xi32, #tpu.memory_space<vmem>>[vector<16xi32>], vector<16xi32>,
      %and3A_2682 = arith.constant 65535 : i32
      %and3A_2683 = vector.broadcast %and3A_2682 : i32 to vector<16xi32>
      %and3A_2684 = arith.andi %gather3A_2681, %and3A_2683 : vector<16xi32>
      %shift_right_logical3A_2685 = arith.constant 16 : i32
      %shift_right_logical3A_2686 = vector.broadcast %shift_right_logical3A_2685 : i32 to vector<16xi32>
      %shift_right_logical3A_2687 = arith.shrui %gather3A_2681, %shift_right_logical3A_2686 : vector<16xi32>
      %shift_right_logical3A_2688 = arith.constant 13 : i32
      %shift_right_logical3A_2689 = vector.broadcast %shift_right_logical3A_2688 : i32 to vector<16xi32>
      %shift_right_logical3A_2690 = arith.shrui %get3A_43, %shift_right_logical3A_2689 : vector<16xi32>
      %and3A_2691 = arith.constant 1 : i32
      %and3A_2692 = vector.broadcast %and3A_2691 : i32 to vector<16xi32>
      %and3A_2693 = arith.andi %shift_right_logical3A_2690, %and3A_2692 : vector<16xi32>
      %shift_right_logical3A_2694 = arith.constant 29 : i32
      %shift_right_logical3A_2695 = vector.broadcast %shift_right_logical3A_2694 : i32 to vector<16xi32>
      %shift_right_logical3A_2696 = arith.shrui %get3A_43, %shift_right_logical3A_2695 : vector<16xi32>
      %and3A_2697 = arith.constant 1 : i32
      %and3A_2698 = vector.broadcast %and3A_2697 : i32 to vector<16xi32>
      %and3A_2699 = arith.andi %shift_right_logical3A_2696, %and3A_2698 : vector<16xi32>
      %gather3A_2700 = tpu.vector_load_idx %arg6[%and3A_2684] : memref<4096xf32, #tpu.memory_space<vmem>>[vector<16xi32>], vector<16xf32>,
      %gather3A_2701 = tpu.vector_load_idx %arg7[%and3A_2684] : memref<4096xf32, #tpu.memory_space<vmem>>[vector<16xi32>], vector<16xf32>,
      %gather3A_2702 = tpu.vector_load_idx %arg8[%and3A_2684] : memref<4096xf32, #tpu.memory_space<vmem>>[vector<16xi32>], vector<16xf32>,
      %sub3A_2703 = arith.subf %gather3A_2700, %get3A_37 : vector<16xf32>
      %sub3A_2704 = arith.subf %gather3A_2701, %get3A_39 : vector<16xf32>
      %sub3A_2705 = arith.subf %gather3A_2702, %get3A_41 : vector<16xf32>
      %mul3A_2706 = arith.mulf %sub3A_2703, %sub3A_2703 : vector<16xf32>
      %mul3A_2707 = arith.mulf %sub3A_2704, %sub3A_2704 : vector<16xf32>
      %add3A_2708 = arith.addf %mul3A_2706, %mul3A_2707 : vector<16xf32>
      %mul3A_2709 = arith.mulf %sub3A_2705, %sub3A_2705 : vector<16xf32>
      %add3A_2710 = arith.addf %add3A_2708, %mul3A_2709 : vector<16xf32>
      %bitcast_convert_type3A_2711 = tpu.bitcast %add3A_2710 : vector<16xf32> -> vector<16xi32>
      %shift_right_arithmetic3A_2712 = arith.constant 1 : i32
      %shift_right_arithmetic3A_2713 = vector.broadcast %shift_right_arithmetic3A_2712 : i32 to vector<16xi32>
      %shift_right_arithmetic3A_2714 = arith.shrsi %bitcast_convert_type3A_2711, %shift_right_arithmetic3A_2713 : vector<16xi32>
      %sub3A_2715 = arith.constant 1597463007 : i32
      %sub3A_2716 = vector.broadcast %sub3A_2715 : i32 to vector<16xi32>
      %sub3A_2717 = arith.subi %sub3A_2716, %shift_right_arithmetic3A_2714 : vector<16xi32>
      %bitcast_convert_type3A_2718 = tpu.bitcast %sub3A_2717 : vector<16xi32> -> vector<16xf32>
      %mul3A_2719 = arith.constant 5.000000e-01 : f32
      %mul3A_2720 = vector.broadcast %mul3A_2719 : f32 to vector<16xf32>
      %mul3A_2721 = arith.mulf %mul3A_2720, %add3A_2710 : vector<16xf32>
      %mul3A_2722 = arith.mulf %mul3A_2721, %bitcast_convert_type3A_2718 : vector<16xf32>
      %mul3A_2723 = arith.mulf %mul3A_2722, %bitcast_convert_type3A_2718 : vector<16xf32>
      %sub3A_2724 = arith.constant 1.500000e+00 : f32
      %sub3A_2725 = vector.broadcast %sub3A_2724 : f32 to vector<16xf32>
      %sub3A_2726 = arith.subf %sub3A_2725, %mul3A_2723 : vector<16xf32>
      %mul3A_2727 = arith.mulf %bitcast_convert_type3A_2718, %sub3A_2726 : vector<16xf32>
      %mul3A_2728 = arith.mulf %mul3A_2721, %mul3A_2727 : vector<16xf32>
      %mul3A_2729 = arith.mulf %mul3A_2728, %mul3A_2727 : vector<16xf32>
      %sub3A_2730 = arith.constant 1.500000e+00 : f32
      %sub3A_2731 = vector.broadcast %sub3A_2730 : f32 to vector<16xf32>
      %sub3A_2732 = arith.subf %sub3A_2731, %mul3A_2729 : vector<16xf32>
      %mul3A_2733 = arith.mulf %mul3A_2727, %sub3A_2732 : vector<16xf32>
      %mul3A_2734 = arith.mulf %add3A_2710, %mul3A_2733 : vector<16xf32>
      %min3A_2735 = arith.constant 1.200000e+01 : f32
      %min3A_2736 = vector.broadcast %min3A_2735 : f32 to vector<16xf32>
      %min3A_2737 = arith.minimumf %mul3A_2734, %min3A_2736 : vector<16xf32>
      %mul3A_2738 = arith.constant 0.261799395 : f32
      %mul3A_2739 = vector.broadcast %mul3A_2738 : f32 to vector<16xf32>
      %mul3A_2740 = arith.mulf %min3A_2737, %mul3A_2739 : vector<16xf32>
      %sub3A_2741 = arith.constant 1.57079637 : f32
      %sub3A_2742 = vector.broadcast %sub3A_2741 : f32 to vector<16xf32>
      %sub3A_2743 = arith.subf %mul3A_2740, %sub3A_2742 : vector<16xf32>
      %mul3A_2744 = arith.mulf %sub3A_2743, %sub3A_2743 : vector<16xf32>
      %mul3A_2745 = arith.constant -9.26172433E-5 : f32
      %mul3A_2746 = vector.broadcast %mul3A_2745 : f32 to vector<16xf32>
      %mul3A_2747 = arith.mulf %mul3A_2744, %mul3A_2746 : vector<16xf32>
      %add3A_2748 = arith.constant 0.00415661279 : f32
      %add3A_2749 = vector.broadcast %add3A_2748 : f32 to vector<16xf32>
      %add3A_2750 = arith.addf %add3A_2749, %mul3A_2747 : vector<16xf32>
      %mul3A_2751 = arith.mulf %mul3A_2744, %add3A_2750 : vector<16xf32>
      %add3A_2752 = arith.constant -0.083328396 : f32
      %add3A_2753 = vector.broadcast %add3A_2752 : f32 to vector<16xf32>
      %add3A_2754 = arith.addf %add3A_2753, %mul3A_2751 : vector<16xf32>
      %mul3A_2755 = arith.mulf %mul3A_2744, %add3A_2754 : vector<16xf32>
      %add3A_2756 = arith.constant 0.499999613 : f32
      %add3A_2757 = vector.broadcast %add3A_2756 : f32 to vector<16xf32>
      %add3A_2758 = arith.addf %add3A_2757, %mul3A_2755 : vector<16xf32>
      %mul3A_2759 = arith.mulf %sub3A_2743, %add3A_2758 : vector<16xf32>
      %sub3A_2760 = arith.constant 5.000000e-01 : f32
      %sub3A_2761 = vector.broadcast %sub3A_2760 : f32 to vector<16xf32>
      %sub3A_2762 = arith.subf %sub3A_2761, %mul3A_2759 : vector<16xf32>
      %mul3A_2763 = arith.mulf %min3A_2737, %min3A_2737 : vector<16xf32>
      %mul3A_2764 = arith.constant -4.000000e-02 : f32
      %mul3A_2765 = vector.broadcast %mul3A_2764 : f32 to vector<16xf32>
      %mul3A_2766 = arith.mulf %mul3A_2765, %mul3A_2763 : vector<16xf32>
      %exp3A_2767 = math.exp %mul3A_2766 : vector<16xf32>
      %mul3A_2768 = arith.constant 1.200000e-01 : f32
      %mul3A_2769 = vector.broadcast %mul3A_2768 : f32 to vector<16xf32>
      %mul3A_2770 = arith.mulf %mul3A_2769, %min3A_2737 : vector<16xf32>
      %exp3A_2771 = math.exp %mul3A_2770 : vector<16xf32>
      %mul3A_2772 = arith.mulf %sub3A_2762, %exp3A_2767 : vector<16xf32>
      %convert_element_type3A_2773 = arith.sitofp %and3A_2693 : vector<16xi32> to vector<16xf32>
      %mul3A_2774 = arith.mulf %mul3A_2772, %convert_element_type3A_2773 : vector<16xf32>
      %add3A_2775 = arith.addf %add3A_2662, %mul3A_2774 : vector<16xf32>
      %mul3A_2776 = arith.mulf %mul3A_2774, %exp3A_2771 : vector<16xf32>
      %add3A_2777 = arith.addf %add3A_2664, %mul3A_2776 : vector<16xf32>
      %mul3A_2778 = arith.mulf %mul3A_2776, %exp3A_2771 : vector<16xf32>
      %add3A_2779 = arith.addf %add3A_2666, %mul3A_2778 : vector<16xf32>
      %mul3A_2780 = arith.mulf %mul3A_2778, %exp3A_2771 : vector<16xf32>
      %add3A_2781 = arith.addf %add3A_2668, %mul3A_2780 : vector<16xf32>
      %mul3A_2782 = arith.mulf %mul3A_2780, %exp3A_2771 : vector<16xf32>
      %add3A_2783 = arith.addf %add3A_2670, %mul3A_2782 : vector<16xf32>
      %mul3A_2784 = arith.mulf %mul3A_2782, %exp3A_2771 : vector<16xf32>
      %add3A_2785 = arith.addf %add3A_2672, %mul3A_2784 : vector<16xf32>
      %mul3A_2786 = arith.mulf %mul3A_2784, %exp3A_2771 : vector<16xf32>
      %add3A_2787 = arith.addf %add3A_2674, %mul3A_2786 : vector<16xf32>
      %mul3A_2788 = arith.mulf %mul3A_2786, %exp3A_2771 : vector<16xf32>
      %add3A_2789 = arith.addf %add3A_2676, %mul3A_2788 : vector<16xf32>
      %gather3A_2790 = tpu.vector_load_idx %arg6[%shift_right_logical3A_2687] : memref<4096xf32, #tpu.memory_space<vmem>>[vector<16xi32>], vector<16xf32>,
      %gather3A_2791 = tpu.vector_load_idx %arg7[%shift_right_logical3A_2687] : memref<4096xf32, #tpu.memory_space<vmem>>[vector<16xi32>], vector<16xf32>,
      %gather3A_2792 = tpu.vector_load_idx %arg8[%shift_right_logical3A_2687] : memref<4096xf32, #tpu.memory_space<vmem>>[vector<16xi32>], vector<16xf32>,
      %sub3A_2793 = arith.subf %gather3A_2790, %get3A_37 : vector<16xf32>
      %sub3A_2794 = arith.subf %gather3A_2791, %get3A_39 : vector<16xf32>
      %sub3A_2795 = arith.subf %gather3A_2792, %get3A_41 : vector<16xf32>
      %mul3A_2796 = arith.mulf %sub3A_2793, %sub3A_2793 : vector<16xf32>
      %mul3A_2797 = arith.mulf %sub3A_2794, %sub3A_2794 : vector<16xf32>
      %add3A_2798 = arith.addf %mul3A_2796, %mul3A_2797 : vector<16xf32>
      %mul3A_2799 = arith.mulf %sub3A_2795, %sub3A_2795 : vector<16xf32>
      %add3A_2800 = arith.addf %add3A_2798, %mul3A_2799 : vector<16xf32>
      %bitcast_convert_type3A_2801 = tpu.bitcast %add3A_2800 : vector<16xf32> -> vector<16xi32>
      %shift_right_arithmetic3A_2802 = arith.constant 1 : i32
      %shift_right_arithmetic3A_2803 = vector.broadcast %shift_right_arithmetic3A_2802 : i32 to vector<16xi32>
      %shift_right_arithmetic3A_2804 = arith.shrsi %bitcast_convert_type3A_2801, %shift_right_arithmetic3A_2803 : vector<16xi32>
      %sub3A_2805 = arith.constant 1597463007 : i32
      %sub3A_2806 = vector.broadcast %sub3A_2805 : i32 to vector<16xi32>
      %sub3A_2807 = arith.subi %sub3A_2806, %shift_right_arithmetic3A_2804 : vector<16xi32>
      %bitcast_convert_type3A_2808 = tpu.bitcast %sub3A_2807 : vector<16xi32> -> vector<16xf32>
      %mul3A_2809 = arith.constant 5.000000e-01 : f32
      %mul3A_2810 = vector.broadcast %mul3A_2809 : f32 to vector<16xf32>
      %mul3A_2811 = arith.mulf %mul3A_2810, %add3A_2800 : vector<16xf32>
      %mul3A_2812 = arith.mulf %mul3A_2811, %bitcast_convert_type3A_2808 : vector<16xf32>
      %mul3A_2813 = arith.mulf %mul3A_2812, %bitcast_convert_type3A_2808 : vector<16xf32>
      %sub3A_2814 = arith.constant 1.500000e+00 : f32
      %sub3A_2815 = vector.broadcast %sub3A_2814 : f32 to vector<16xf32>
      %sub3A_2816 = arith.subf %sub3A_2815, %mul3A_2813 : vector<16xf32>
      %mul3A_2817 = arith.mulf %bitcast_convert_type3A_2808, %sub3A_2816 : vector<16xf32>
      %mul3A_2818 = arith.mulf %mul3A_2811, %mul3A_2817 : vector<16xf32>
      %mul3A_2819 = arith.mulf %mul3A_2818, %mul3A_2817 : vector<16xf32>
      %sub3A_2820 = arith.constant 1.500000e+00 : f32
      %sub3A_2821 = vector.broadcast %sub3A_2820 : f32 to vector<16xf32>
      %sub3A_2822 = arith.subf %sub3A_2821, %mul3A_2819 : vector<16xf32>
      %mul3A_2823 = arith.mulf %mul3A_2817, %sub3A_2822 : vector<16xf32>
      %mul3A_2824 = arith.mulf %add3A_2800, %mul3A_2823 : vector<16xf32>
      %min3A_2825 = arith.constant 1.200000e+01 : f32
      %min3A_2826 = vector.broadcast %min3A_2825 : f32 to vector<16xf32>
      %min3A_2827 = arith.minimumf %mul3A_2824, %min3A_2826 : vector<16xf32>
      %mul3A_2828 = arith.constant 0.261799395 : f32
      %mul3A_2829 = vector.broadcast %mul3A_2828 : f32 to vector<16xf32>
      %mul3A_2830 = arith.mulf %min3A_2827, %mul3A_2829 : vector<16xf32>
      %sub3A_2831 = arith.constant 1.57079637 : f32
      %sub3A_2832 = vector.broadcast %sub3A_2831 : f32 to vector<16xf32>
      %sub3A_2833 = arith.subf %mul3A_2830, %sub3A_2832 : vector<16xf32>
      %mul3A_2834 = arith.mulf %sub3A_2833, %sub3A_2833 : vector<16xf32>
      %mul3A_2835 = arith.constant -9.26172433E-5 : f32
      %mul3A_2836 = vector.broadcast %mul3A_2835 : f32 to vector<16xf32>
      %mul3A_2837 = arith.mulf %mul3A_2834, %mul3A_2836 : vector<16xf32>
      %add3A_2838 = arith.constant 0.00415661279 : f32
      %add3A_2839 = vector.broadcast %add3A_2838 : f32 to vector<16xf32>
      %add3A_2840 = arith.addf %add3A_2839, %mul3A_2837 : vector<16xf32>
      %mul3A_2841 = arith.mulf %mul3A_2834, %add3A_2840 : vector<16xf32>
      %add3A_2842 = arith.constant -0.083328396 : f32
      %add3A_2843 = vector.broadcast %add3A_2842 : f32 to vector<16xf32>
      %add3A_2844 = arith.addf %add3A_2843, %mul3A_2841 : vector<16xf32>
      %mul3A_2845 = arith.mulf %mul3A_2834, %add3A_2844 : vector<16xf32>
      %add3A_2846 = arith.constant 0.499999613 : f32
      %add3A_2847 = vector.broadcast %add3A_2846 : f32 to vector<16xf32>
      %add3A_2848 = arith.addf %add3A_2847, %mul3A_2845 : vector<16xf32>
      %mul3A_2849 = arith.mulf %sub3A_2833, %add3A_2848 : vector<16xf32>
      %sub3A_2850 = arith.constant 5.000000e-01 : f32
      %sub3A_2851 = vector.broadcast %sub3A_2850 : f32 to vector<16xf32>
      %sub3A_2852 = arith.subf %sub3A_2851, %mul3A_2849 : vector<16xf32>
      %mul3A_2853 = arith.mulf %min3A_2827, %min3A_2827 : vector<16xf32>
      %mul3A_2854 = arith.constant -4.000000e-02 : f32
      %mul3A_2855 = vector.broadcast %mul3A_2854 : f32 to vector<16xf32>
      %mul3A_2856 = arith.mulf %mul3A_2855, %mul3A_2853 : vector<16xf32>
      %exp3A_2857 = math.exp %mul3A_2856 : vector<16xf32>
      %mul3A_2858 = arith.constant 1.200000e-01 : f32
      %mul3A_2859 = vector.broadcast %mul3A_2858 : f32 to vector<16xf32>
      %mul3A_2860 = arith.mulf %mul3A_2859, %min3A_2827 : vector<16xf32>
      %exp3A_2861 = math.exp %mul3A_2860 : vector<16xf32>
      %mul3A_2862 = arith.mulf %sub3A_2852, %exp3A_2857 : vector<16xf32>
      %convert_element_type3A_2863 = arith.sitofp %and3A_2699 : vector<16xi32> to vector<16xf32>
      %mul3A_2864 = arith.mulf %mul3A_2862, %convert_element_type3A_2863 : vector<16xf32>
      %add3A_2865 = arith.addf %add3A_2775, %mul3A_2864 : vector<16xf32>
      %mul3A_2866 = arith.mulf %mul3A_2864, %exp3A_2861 : vector<16xf32>
      %add3A_2867 = arith.addf %add3A_2777, %mul3A_2866 : vector<16xf32>
      %mul3A_2868 = arith.mulf %mul3A_2866, %exp3A_2861 : vector<16xf32>
      %add3A_2869 = arith.addf %add3A_2779, %mul3A_2868 : vector<16xf32>
      %mul3A_2870 = arith.mulf %mul3A_2868, %exp3A_2861 : vector<16xf32>
      %add3A_2871 = arith.addf %add3A_2781, %mul3A_2870 : vector<16xf32>
      %mul3A_2872 = arith.mulf %mul3A_2870, %exp3A_2861 : vector<16xf32>
      %add3A_2873 = arith.addf %add3A_2783, %mul3A_2872 : vector<16xf32>
      %mul3A_2874 = arith.mulf %mul3A_2872, %exp3A_2861 : vector<16xf32>
      %add3A_2875 = arith.addf %add3A_2785, %mul3A_2874 : vector<16xf32>
      %mul3A_2876 = arith.mulf %mul3A_2874, %exp3A_2861 : vector<16xf32>
      %add3A_2877 = arith.addf %add3A_2787, %mul3A_2876 : vector<16xf32>
      %mul3A_2878 = arith.mulf %mul3A_2876, %exp3A_2861 : vector<16xf32>
      %add3A_2879 = arith.addf %add3A_2789, %mul3A_2878 : vector<16xf32>
      %add3A_2880 = arith.constant 14 : i32
      %add3A_2881 = arith.addi %mul3A_45, %add3A_2880 : i32
      %add3A_2882 = vector.broadcast %add3A_2881 : i32 to vector<16xi32>
      %add3A_2883 = arith.addi %mul3A_23, %add3A_2882 : vector<16xi32>
      %gather3A_2884 = tpu.vector_load_idx %arg9[%add3A_2883] : memref<65536xi32, #tpu.memory_space<vmem>>[vector<16xi32>], vector<16xi32>,
      %and3A_2885 = arith.constant 65535 : i32
      %and3A_2886 = vector.broadcast %and3A_2885 : i32 to vector<16xi32>
      %and3A_2887 = arith.andi %gather3A_2884, %and3A_2886 : vector<16xi32>
      %shift_right_logical3A_2888 = arith.constant 16 : i32
      %shift_right_logical3A_2889 = vector.broadcast %shift_right_logical3A_2888 : i32 to vector<16xi32>
      %shift_right_logical3A_2890 = arith.shrui %gather3A_2884, %shift_right_logical3A_2889 : vector<16xi32>
      %shift_right_logical3A_2891 = arith.constant 14 : i32
      %shift_right_logical3A_2892 = vector.broadcast %shift_right_logical3A_2891 : i32 to vector<16xi32>
      %shift_right_logical3A_2893 = arith.shrui %get3A_43, %shift_right_logical3A_2892 : vector<16xi32>
      %and3A_2894 = arith.constant 1 : i32
      %and3A_2895 = vector.broadcast %and3A_2894 : i32 to vector<16xi32>
      %and3A_2896 = arith.andi %shift_right_logical3A_2893, %and3A_2895 : vector<16xi32>
      %shift_right_logical3A_2897 = arith.constant 30 : i32
      %shift_right_logical3A_2898 = vector.broadcast %shift_right_logical3A_2897 : i32 to vector<16xi32>
      %shift_right_logical3A_2899 = arith.shrui %get3A_43, %shift_right_logical3A_2898 : vector<16xi32>
      %and3A_2900 = arith.constant 1 : i32
      %and3A_2901 = vector.broadcast %and3A_2900 : i32 to vector<16xi32>
      %and3A_2902 = arith.andi %shift_right_logical3A_2899, %and3A_2901 : vector<16xi32>
      %gather3A_2903 = tpu.vector_load_idx %arg6[%and3A_2887] : memref<4096xf32, #tpu.memory_space<vmem>>[vector<16xi32>], vector<16xf32>,
      %gather3A_2904 = tpu.vector_load_idx %arg7[%and3A_2887] : memref<4096xf32, #tpu.memory_space<vmem>>[vector<16xi32>], vector<16xf32>,
      %gather3A_2905 = tpu.vector_load_idx %arg8[%and3A_2887] : memref<4096xf32, #tpu.memory_space<vmem>>[vector<16xi32>], vector<16xf32>,
      %sub3A_2906 = arith.subf %gather3A_2903, %get3A_37 : vector<16xf32>
      %sub3A_2907 = arith.subf %gather3A_2904, %get3A_39 : vector<16xf32>
      %sub3A_2908 = arith.subf %gather3A_2905, %get3A_41 : vector<16xf32>
      %mul3A_2909 = arith.mulf %sub3A_2906, %sub3A_2906 : vector<16xf32>
      %mul3A_2910 = arith.mulf %sub3A_2907, %sub3A_2907 : vector<16xf32>
      %add3A_2911 = arith.addf %mul3A_2909, %mul3A_2910 : vector<16xf32>
      %mul3A_2912 = arith.mulf %sub3A_2908, %sub3A_2908 : vector<16xf32>
      %add3A_2913 = arith.addf %add3A_2911, %mul3A_2912 : vector<16xf32>
      %bitcast_convert_type3A_2914 = tpu.bitcast %add3A_2913 : vector<16xf32> -> vector<16xi32>
      %shift_right_arithmetic3A_2915 = arith.constant 1 : i32
      %shift_right_arithmetic3A_2916 = vector.broadcast %shift_right_arithmetic3A_2915 : i32 to vector<16xi32>
      %shift_right_arithmetic3A_2917 = arith.shrsi %bitcast_convert_type3A_2914, %shift_right_arithmetic3A_2916 : vector<16xi32>
      %sub3A_2918 = arith.constant 1597463007 : i32
      %sub3A_2919 = vector.broadcast %sub3A_2918 : i32 to vector<16xi32>
      %sub3A_2920 = arith.subi %sub3A_2919, %shift_right_arithmetic3A_2917 : vector<16xi32>
      %bitcast_convert_type3A_2921 = tpu.bitcast %sub3A_2920 : vector<16xi32> -> vector<16xf32>
      %mul3A_2922 = arith.constant 5.000000e-01 : f32
      %mul3A_2923 = vector.broadcast %mul3A_2922 : f32 to vector<16xf32>
      %mul3A_2924 = arith.mulf %mul3A_2923, %add3A_2913 : vector<16xf32>
      %mul3A_2925 = arith.mulf %mul3A_2924, %bitcast_convert_type3A_2921 : vector<16xf32>
      %mul3A_2926 = arith.mulf %mul3A_2925, %bitcast_convert_type3A_2921 : vector<16xf32>
      %sub3A_2927 = arith.constant 1.500000e+00 : f32
      %sub3A_2928 = vector.broadcast %sub3A_2927 : f32 to vector<16xf32>
      %sub3A_2929 = arith.subf %sub3A_2928, %mul3A_2926 : vector<16xf32>
      %mul3A_2930 = arith.mulf %bitcast_convert_type3A_2921, %sub3A_2929 : vector<16xf32>
      %mul3A_2931 = arith.mulf %mul3A_2924, %mul3A_2930 : vector<16xf32>
      %mul3A_2932 = arith.mulf %mul3A_2931, %mul3A_2930 : vector<16xf32>
      %sub3A_2933 = arith.constant 1.500000e+00 : f32
      %sub3A_2934 = vector.broadcast %sub3A_2933 : f32 to vector<16xf32>
      %sub3A_2935 = arith.subf %sub3A_2934, %mul3A_2932 : vector<16xf32>
      %mul3A_2936 = arith.mulf %mul3A_2930, %sub3A_2935 : vector<16xf32>
      %mul3A_2937 = arith.mulf %add3A_2913, %mul3A_2936 : vector<16xf32>
      %min3A_2938 = arith.constant 1.200000e+01 : f32
      %min3A_2939 = vector.broadcast %min3A_2938 : f32 to vector<16xf32>
      %min3A_2940 = arith.minimumf %mul3A_2937, %min3A_2939 : vector<16xf32>
      %mul3A_2941 = arith.constant 0.261799395 : f32
      %mul3A_2942 = vector.broadcast %mul3A_2941 : f32 to vector<16xf32>
      %mul3A_2943 = arith.mulf %min3A_2940, %mul3A_2942 : vector<16xf32>
      %sub3A_2944 = arith.constant 1.57079637 : f32
      %sub3A_2945 = vector.broadcast %sub3A_2944 : f32 to vector<16xf32>
      %sub3A_2946 = arith.subf %mul3A_2943, %sub3A_2945 : vector<16xf32>
      %mul3A_2947 = arith.mulf %sub3A_2946, %sub3A_2946 : vector<16xf32>
      %mul3A_2948 = arith.constant -9.26172433E-5 : f32
      %mul3A_2949 = vector.broadcast %mul3A_2948 : f32 to vector<16xf32>
      %mul3A_2950 = arith.mulf %mul3A_2947, %mul3A_2949 : vector<16xf32>
      %add3A_2951 = arith.constant 0.00415661279 : f32
      %add3A_2952 = vector.broadcast %add3A_2951 : f32 to vector<16xf32>
      %add3A_2953 = arith.addf %add3A_2952, %mul3A_2950 : vector<16xf32>
      %mul3A_2954 = arith.mulf %mul3A_2947, %add3A_2953 : vector<16xf32>
      %add3A_2955 = arith.constant -0.083328396 : f32
      %add3A_2956 = vector.broadcast %add3A_2955 : f32 to vector<16xf32>
      %add3A_2957 = arith.addf %add3A_2956, %mul3A_2954 : vector<16xf32>
      %mul3A_2958 = arith.mulf %mul3A_2947, %add3A_2957 : vector<16xf32>
      %add3A_2959 = arith.constant 0.499999613 : f32
      %add3A_2960 = vector.broadcast %add3A_2959 : f32 to vector<16xf32>
      %add3A_2961 = arith.addf %add3A_2960, %mul3A_2958 : vector<16xf32>
      %mul3A_2962 = arith.mulf %sub3A_2946, %add3A_2961 : vector<16xf32>
      %sub3A_2963 = arith.constant 5.000000e-01 : f32
      %sub3A_2964 = vector.broadcast %sub3A_2963 : f32 to vector<16xf32>
      %sub3A_2965 = arith.subf %sub3A_2964, %mul3A_2962 : vector<16xf32>
      %mul3A_2966 = arith.mulf %min3A_2940, %min3A_2940 : vector<16xf32>
      %mul3A_2967 = arith.constant -4.000000e-02 : f32
      %mul3A_2968 = vector.broadcast %mul3A_2967 : f32 to vector<16xf32>
      %mul3A_2969 = arith.mulf %mul3A_2968, %mul3A_2966 : vector<16xf32>
      %exp3A_2970 = math.exp %mul3A_2969 : vector<16xf32>
      %mul3A_2971 = arith.constant 1.200000e-01 : f32
      %mul3A_2972 = vector.broadcast %mul3A_2971 : f32 to vector<16xf32>
      %mul3A_2973 = arith.mulf %mul3A_2972, %min3A_2940 : vector<16xf32>
      %exp3A_2974 = math.exp %mul3A_2973 : vector<16xf32>
      %mul3A_2975 = arith.mulf %sub3A_2965, %exp3A_2970 : vector<16xf32>
      %convert_element_type3A_2976 = arith.sitofp %and3A_2896 : vector<16xi32> to vector<16xf32>
      %mul3A_2977 = arith.mulf %mul3A_2975, %convert_element_type3A_2976 : vector<16xf32>
      %add3A_2978 = arith.addf %add3A_2865, %mul3A_2977 : vector<16xf32>
      %mul3A_2979 = arith.mulf %mul3A_2977, %exp3A_2974 : vector<16xf32>
      %add3A_2980 = arith.addf %add3A_2867, %mul3A_2979 : vector<16xf32>
      %mul3A_2981 = arith.mulf %mul3A_2979, %exp3A_2974 : vector<16xf32>
      %add3A_2982 = arith.addf %add3A_2869, %mul3A_2981 : vector<16xf32>
      %mul3A_2983 = arith.mulf %mul3A_2981, %exp3A_2974 : vector<16xf32>
      %add3A_2984 = arith.addf %add3A_2871, %mul3A_2983 : vector<16xf32>
      %mul3A_2985 = arith.mulf %mul3A_2983, %exp3A_2974 : vector<16xf32>
      %add3A_2986 = arith.addf %add3A_2873, %mul3A_2985 : vector<16xf32>
      %mul3A_2987 = arith.mulf %mul3A_2985, %exp3A_2974 : vector<16xf32>
      %add3A_2988 = arith.addf %add3A_2875, %mul3A_2987 : vector<16xf32>
      %mul3A_2989 = arith.mulf %mul3A_2987, %exp3A_2974 : vector<16xf32>
      %add3A_2990 = arith.addf %add3A_2877, %mul3A_2989 : vector<16xf32>
      %mul3A_2991 = arith.mulf %mul3A_2989, %exp3A_2974 : vector<16xf32>
      %add3A_2992 = arith.addf %add3A_2879, %mul3A_2991 : vector<16xf32>
      %gather3A_2993 = tpu.vector_load_idx %arg6[%shift_right_logical3A_2890] : memref<4096xf32, #tpu.memory_space<vmem>>[vector<16xi32>], vector<16xf32>,
      %gather3A_2994 = tpu.vector_load_idx %arg7[%shift_right_logical3A_2890] : memref<4096xf32, #tpu.memory_space<vmem>>[vector<16xi32>], vector<16xf32>,
      %gather3A_2995 = tpu.vector_load_idx %arg8[%shift_right_logical3A_2890] : memref<4096xf32, #tpu.memory_space<vmem>>[vector<16xi32>], vector<16xf32>,
      %sub3A_2996 = arith.subf %gather3A_2993, %get3A_37 : vector<16xf32>
      %sub3A_2997 = arith.subf %gather3A_2994, %get3A_39 : vector<16xf32>
      %sub3A_2998 = arith.subf %gather3A_2995, %get3A_41 : vector<16xf32>
      %mul3A_2999 = arith.mulf %sub3A_2996, %sub3A_2996 : vector<16xf32>
      %mul3A_3000 = arith.mulf %sub3A_2997, %sub3A_2997 : vector<16xf32>
      %add3A_3001 = arith.addf %mul3A_2999, %mul3A_3000 : vector<16xf32>
      %mul3A_3002 = arith.mulf %sub3A_2998, %sub3A_2998 : vector<16xf32>
      %add3A_3003 = arith.addf %add3A_3001, %mul3A_3002 : vector<16xf32>
      %bitcast_convert_type3A_3004 = tpu.bitcast %add3A_3003 : vector<16xf32> -> vector<16xi32>
      %shift_right_arithmetic3A_3005 = arith.constant 1 : i32
      %shift_right_arithmetic3A_3006 = vector.broadcast %shift_right_arithmetic3A_3005 : i32 to vector<16xi32>
      %shift_right_arithmetic3A_3007 = arith.shrsi %bitcast_convert_type3A_3004, %shift_right_arithmetic3A_3006 : vector<16xi32>
      %sub3A_3008 = arith.constant 1597463007 : i32
      %sub3A_3009 = vector.broadcast %sub3A_3008 : i32 to vector<16xi32>
      %sub3A_3010 = arith.subi %sub3A_3009, %shift_right_arithmetic3A_3007 : vector<16xi32>
      %bitcast_convert_type3A_3011 = tpu.bitcast %sub3A_3010 : vector<16xi32> -> vector<16xf32>
      %mul3A_3012 = arith.constant 5.000000e-01 : f32
      %mul3A_3013 = vector.broadcast %mul3A_3012 : f32 to vector<16xf32>
      %mul3A_3014 = arith.mulf %mul3A_3013, %add3A_3003 : vector<16xf32>
      %mul3A_3015 = arith.mulf %mul3A_3014, %bitcast_convert_type3A_3011 : vector<16xf32>
      %mul3A_3016 = arith.mulf %mul3A_3015, %bitcast_convert_type3A_3011 : vector<16xf32>
      %sub3A_3017 = arith.constant 1.500000e+00 : f32
      %sub3A_3018 = vector.broadcast %sub3A_3017 : f32 to vector<16xf32>
      %sub3A_3019 = arith.subf %sub3A_3018, %mul3A_3016 : vector<16xf32>
      %mul3A_3020 = arith.mulf %bitcast_convert_type3A_3011, %sub3A_3019 : vector<16xf32>
      %mul3A_3021 = arith.mulf %mul3A_3014, %mul3A_3020 : vector<16xf32>
      %mul3A_3022 = arith.mulf %mul3A_3021, %mul3A_3020 : vector<16xf32>
      %sub3A_3023 = arith.constant 1.500000e+00 : f32
      %sub3A_3024 = vector.broadcast %sub3A_3023 : f32 to vector<16xf32>
      %sub3A_3025 = arith.subf %sub3A_3024, %mul3A_3022 : vector<16xf32>
      %mul3A_3026 = arith.mulf %mul3A_3020, %sub3A_3025 : vector<16xf32>
      %mul3A_3027 = arith.mulf %add3A_3003, %mul3A_3026 : vector<16xf32>
      %min3A_3028 = arith.constant 1.200000e+01 : f32
      %min3A_3029 = vector.broadcast %min3A_3028 : f32 to vector<16xf32>
      %min3A_3030 = arith.minimumf %mul3A_3027, %min3A_3029 : vector<16xf32>
      %mul3A_3031 = arith.constant 0.261799395 : f32
      %mul3A_3032 = vector.broadcast %mul3A_3031 : f32 to vector<16xf32>
      %mul3A_3033 = arith.mulf %min3A_3030, %mul3A_3032 : vector<16xf32>
      %sub3A_3034 = arith.constant 1.57079637 : f32
      %sub3A_3035 = vector.broadcast %sub3A_3034 : f32 to vector<16xf32>
      %sub3A_3036 = arith.subf %mul3A_3033, %sub3A_3035 : vector<16xf32>
      %mul3A_3037 = arith.mulf %sub3A_3036, %sub3A_3036 : vector<16xf32>
      %mul3A_3038 = arith.constant -9.26172433E-5 : f32
      %mul3A_3039 = vector.broadcast %mul3A_3038 : f32 to vector<16xf32>
      %mul3A_3040 = arith.mulf %mul3A_3037, %mul3A_3039 : vector<16xf32>
      %add3A_3041 = arith.constant 0.00415661279 : f32
      %add3A_3042 = vector.broadcast %add3A_3041 : f32 to vector<16xf32>
      %add3A_3043 = arith.addf %add3A_3042, %mul3A_3040 : vector<16xf32>
      %mul3A_3044 = arith.mulf %mul3A_3037, %add3A_3043 : vector<16xf32>
      %add3A_3045 = arith.constant -0.083328396 : f32
      %add3A_3046 = vector.broadcast %add3A_3045 : f32 to vector<16xf32>
      %add3A_3047 = arith.addf %add3A_3046, %mul3A_3044 : vector<16xf32>
      %mul3A_3048 = arith.mulf %mul3A_3037, %add3A_3047 : vector<16xf32>
      %add3A_3049 = arith.constant 0.499999613 : f32
      %add3A_3050 = vector.broadcast %add3A_3049 : f32 to vector<16xf32>
      %add3A_3051 = arith.addf %add3A_3050, %mul3A_3048 : vector<16xf32>
      %mul3A_3052 = arith.mulf %sub3A_3036, %add3A_3051 : vector<16xf32>
      %sub3A_3053 = arith.constant 5.000000e-01 : f32
      %sub3A_3054 = vector.broadcast %sub3A_3053 : f32 to vector<16xf32>
      %sub3A_3055 = arith.subf %sub3A_3054, %mul3A_3052 : vector<16xf32>
      %mul3A_3056 = arith.mulf %min3A_3030, %min3A_3030 : vector<16xf32>
      %mul3A_3057 = arith.constant -4.000000e-02 : f32
      %mul3A_3058 = vector.broadcast %mul3A_3057 : f32 to vector<16xf32>
      %mul3A_3059 = arith.mulf %mul3A_3058, %mul3A_3056 : vector<16xf32>
      %exp3A_3060 = math.exp %mul3A_3059 : vector<16xf32>
      %mul3A_3061 = arith.constant 1.200000e-01 : f32
      %mul3A_3062 = vector.broadcast %mul3A_3061 : f32 to vector<16xf32>
      %mul3A_3063 = arith.mulf %mul3A_3062, %min3A_3030 : vector<16xf32>
      %exp3A_3064 = math.exp %mul3A_3063 : vector<16xf32>
      %mul3A_3065 = arith.mulf %sub3A_3055, %exp3A_3060 : vector<16xf32>
      %convert_element_type3A_3066 = arith.sitofp %and3A_2902 : vector<16xi32> to vector<16xf32>
      %mul3A_3067 = arith.mulf %mul3A_3065, %convert_element_type3A_3066 : vector<16xf32>
      %add3A_3068 = arith.addf %add3A_2978, %mul3A_3067 : vector<16xf32>
      %mul3A_3069 = arith.mulf %mul3A_3067, %exp3A_3064 : vector<16xf32>
      %add3A_3070 = arith.addf %add3A_2980, %mul3A_3069 : vector<16xf32>
      %mul3A_3071 = arith.mulf %mul3A_3069, %exp3A_3064 : vector<16xf32>
      %add3A_3072 = arith.addf %add3A_2982, %mul3A_3071 : vector<16xf32>
      %mul3A_3073 = arith.mulf %mul3A_3071, %exp3A_3064 : vector<16xf32>
      %add3A_3074 = arith.addf %add3A_2984, %mul3A_3073 : vector<16xf32>
      %mul3A_3075 = arith.mulf %mul3A_3073, %exp3A_3064 : vector<16xf32>
      %add3A_3076 = arith.addf %add3A_2986, %mul3A_3075 : vector<16xf32>
      %mul3A_3077 = arith.mulf %mul3A_3075, %exp3A_3064 : vector<16xf32>
      %add3A_3078 = arith.addf %add3A_2988, %mul3A_3077 : vector<16xf32>
      %mul3A_3079 = arith.mulf %mul3A_3077, %exp3A_3064 : vector<16xf32>
      %add3A_3080 = arith.addf %add3A_2990, %mul3A_3079 : vector<16xf32>
      %mul3A_3081 = arith.mulf %mul3A_3079, %exp3A_3064 : vector<16xf32>
      %add3A_3082 = arith.addf %add3A_2992, %mul3A_3081 : vector<16xf32>
      %add3A_3083 = arith.constant 15 : i32
      %add3A_3084 = arith.addi %mul3A_45, %add3A_3083 : i32
      %add3A_3085 = vector.broadcast %add3A_3084 : i32 to vector<16xi32>
      %add3A_3086 = arith.addi %mul3A_23, %add3A_3085 : vector<16xi32>
      %gather3A_3087 = tpu.vector_load_idx %arg9[%add3A_3086] : memref<65536xi32, #tpu.memory_space<vmem>>[vector<16xi32>], vector<16xi32>,
      %and3A_3088 = arith.constant 65535 : i32
      %and3A_3089 = vector.broadcast %and3A_3088 : i32 to vector<16xi32>
      %and3A_3090 = arith.andi %gather3A_3087, %and3A_3089 : vector<16xi32>
      %shift_right_logical3A_3091 = arith.constant 16 : i32
      %shift_right_logical3A_3092 = vector.broadcast %shift_right_logical3A_3091 : i32 to vector<16xi32>
      %shift_right_logical3A_3093 = arith.shrui %gather3A_3087, %shift_right_logical3A_3092 : vector<16xi32>
      %shift_right_logical3A_3094 = arith.constant 15 : i32
      %shift_right_logical3A_3095 = vector.broadcast %shift_right_logical3A_3094 : i32 to vector<16xi32>
      %shift_right_logical3A_3096 = arith.shrui %get3A_43, %shift_right_logical3A_3095 : vector<16xi32>
      %and3A_3097 = arith.constant 1 : i32
      %and3A_3098 = vector.broadcast %and3A_3097 : i32 to vector<16xi32>
      %and3A_3099 = arith.andi %shift_right_logical3A_3096, %and3A_3098 : vector<16xi32>
      %shift_right_logical3A_3100 = arith.constant 31 : i32
      %shift_right_logical3A_3101 = vector.broadcast %shift_right_logical3A_3100 : i32 to vector<16xi32>
      %shift_right_logical3A_3102 = arith.shrui %get3A_43, %shift_right_logical3A_3101 : vector<16xi32>
      %and3A_3103 = arith.constant 1 : i32
      %and3A_3104 = vector.broadcast %and3A_3103 : i32 to vector<16xi32>
      %and3A_3105 = arith.andi %shift_right_logical3A_3102, %and3A_3104 : vector<16xi32>
      %gather3A_3106 = tpu.vector_load_idx %arg6[%and3A_3090] : memref<4096xf32, #tpu.memory_space<vmem>>[vector<16xi32>], vector<16xf32>,
      %gather3A_3107 = tpu.vector_load_idx %arg7[%and3A_3090] : memref<4096xf32, #tpu.memory_space<vmem>>[vector<16xi32>], vector<16xf32>,
      %gather3A_3108 = tpu.vector_load_idx %arg8[%and3A_3090] : memref<4096xf32, #tpu.memory_space<vmem>>[vector<16xi32>], vector<16xf32>,
      %sub3A_3109 = arith.subf %gather3A_3106, %get3A_37 : vector<16xf32>
      %sub3A_3110 = arith.subf %gather3A_3107, %get3A_39 : vector<16xf32>
      %sub3A_3111 = arith.subf %gather3A_3108, %get3A_41 : vector<16xf32>
      %mul3A_3112 = arith.mulf %sub3A_3109, %sub3A_3109 : vector<16xf32>
      %mul3A_3113 = arith.mulf %sub3A_3110, %sub3A_3110 : vector<16xf32>
      %add3A_3114 = arith.addf %mul3A_3112, %mul3A_3113 : vector<16xf32>
      %mul3A_3115 = arith.mulf %sub3A_3111, %sub3A_3111 : vector<16xf32>
      %add3A_3116 = arith.addf %add3A_3114, %mul3A_3115 : vector<16xf32>
      %bitcast_convert_type3A_3117 = tpu.bitcast %add3A_3116 : vector<16xf32> -> vector<16xi32>
      %shift_right_arithmetic3A_3118 = arith.constant 1 : i32
      %shift_right_arithmetic3A_3119 = vector.broadcast %shift_right_arithmetic3A_3118 : i32 to vector<16xi32>
      %shift_right_arithmetic3A_3120 = arith.shrsi %bitcast_convert_type3A_3117, %shift_right_arithmetic3A_3119 : vector<16xi32>
      %sub3A_3121 = arith.constant 1597463007 : i32
      %sub3A_3122 = vector.broadcast %sub3A_3121 : i32 to vector<16xi32>
      %sub3A_3123 = arith.subi %sub3A_3122, %shift_right_arithmetic3A_3120 : vector<16xi32>
      %bitcast_convert_type3A_3124 = tpu.bitcast %sub3A_3123 : vector<16xi32> -> vector<16xf32>
      %mul3A_3125 = arith.constant 5.000000e-01 : f32
      %mul3A_3126 = vector.broadcast %mul3A_3125 : f32 to vector<16xf32>
      %mul3A_3127 = arith.mulf %mul3A_3126, %add3A_3116 : vector<16xf32>
      %mul3A_3128 = arith.mulf %mul3A_3127, %bitcast_convert_type3A_3124 : vector<16xf32>
      %mul3A_3129 = arith.mulf %mul3A_3128, %bitcast_convert_type3A_3124 : vector<16xf32>
      %sub3A_3130 = arith.constant 1.500000e+00 : f32
      %sub3A_3131 = vector.broadcast %sub3A_3130 : f32 to vector<16xf32>
      %sub3A_3132 = arith.subf %sub3A_3131, %mul3A_3129 : vector<16xf32>
      %mul3A_3133 = arith.mulf %bitcast_convert_type3A_3124, %sub3A_3132 : vector<16xf32>
      %mul3A_3134 = arith.mulf %mul3A_3127, %mul3A_3133 : vector<16xf32>
      %mul3A_3135 = arith.mulf %mul3A_3134, %mul3A_3133 : vector<16xf32>
      %sub3A_3136 = arith.constant 1.500000e+00 : f32
      %sub3A_3137 = vector.broadcast %sub3A_3136 : f32 to vector<16xf32>
      %sub3A_3138 = arith.subf %sub3A_3137, %mul3A_3135 : vector<16xf32>
      %mul3A_3139 = arith.mulf %mul3A_3133, %sub3A_3138 : vector<16xf32>
      %mul3A_3140 = arith.mulf %add3A_3116, %mul3A_3139 : vector<16xf32>
      %min3A_3141 = arith.constant 1.200000e+01 : f32
      %min3A_3142 = vector.broadcast %min3A_3141 : f32 to vector<16xf32>
      %min3A_3143 = arith.minimumf %mul3A_3140, %min3A_3142 : vector<16xf32>
      %mul3A_3144 = arith.constant 0.261799395 : f32
      %mul3A_3145 = vector.broadcast %mul3A_3144 : f32 to vector<16xf32>
      %mul3A_3146 = arith.mulf %min3A_3143, %mul3A_3145 : vector<16xf32>
      %sub3A_3147 = arith.constant 1.57079637 : f32
      %sub3A_3148 = vector.broadcast %sub3A_3147 : f32 to vector<16xf32>
      %sub3A_3149 = arith.subf %mul3A_3146, %sub3A_3148 : vector<16xf32>
      %mul3A_3150 = arith.mulf %sub3A_3149, %sub3A_3149 : vector<16xf32>
      %mul3A_3151 = arith.constant -9.26172433E-5 : f32
      %mul3A_3152 = vector.broadcast %mul3A_3151 : f32 to vector<16xf32>
      %mul3A_3153 = arith.mulf %mul3A_3150, %mul3A_3152 : vector<16xf32>
      %add3A_3154 = arith.constant 0.00415661279 : f32
      %add3A_3155 = vector.broadcast %add3A_3154 : f32 to vector<16xf32>
      %add3A_3156 = arith.addf %add3A_3155, %mul3A_3153 : vector<16xf32>
      %mul3A_3157 = arith.mulf %mul3A_3150, %add3A_3156 : vector<16xf32>
      %add3A_3158 = arith.constant -0.083328396 : f32
      %add3A_3159 = vector.broadcast %add3A_3158 : f32 to vector<16xf32>
      %add3A_3160 = arith.addf %add3A_3159, %mul3A_3157 : vector<16xf32>
      %mul3A_3161 = arith.mulf %mul3A_3150, %add3A_3160 : vector<16xf32>
      %add3A_3162 = arith.constant 0.499999613 : f32
      %add3A_3163 = vector.broadcast %add3A_3162 : f32 to vector<16xf32>
      %add3A_3164 = arith.addf %add3A_3163, %mul3A_3161 : vector<16xf32>
      %mul3A_3165 = arith.mulf %sub3A_3149, %add3A_3164 : vector<16xf32>
      %sub3A_3166 = arith.constant 5.000000e-01 : f32
      %sub3A_3167 = vector.broadcast %sub3A_3166 : f32 to vector<16xf32>
      %sub3A_3168 = arith.subf %sub3A_3167, %mul3A_3165 : vector<16xf32>
      %mul3A_3169 = arith.mulf %min3A_3143, %min3A_3143 : vector<16xf32>
      %mul3A_3170 = arith.constant -4.000000e-02 : f32
      %mul3A_3171 = vector.broadcast %mul3A_3170 : f32 to vector<16xf32>
      %mul3A_3172 = arith.mulf %mul3A_3171, %mul3A_3169 : vector<16xf32>
      %exp3A_3173 = math.exp %mul3A_3172 : vector<16xf32>
      %mul3A_3174 = arith.constant 1.200000e-01 : f32
      %mul3A_3175 = vector.broadcast %mul3A_3174 : f32 to vector<16xf32>
      %mul3A_3176 = arith.mulf %mul3A_3175, %min3A_3143 : vector<16xf32>
      %exp3A_3177 = math.exp %mul3A_3176 : vector<16xf32>
      %mul3A_3178 = arith.mulf %sub3A_3168, %exp3A_3173 : vector<16xf32>
      %convert_element_type3A_3179 = arith.sitofp %and3A_3099 : vector<16xi32> to vector<16xf32>
      %mul3A_3180 = arith.mulf %mul3A_3178, %convert_element_type3A_3179 : vector<16xf32>
      %add3A_3181 = arith.addf %add3A_3068, %mul3A_3180 : vector<16xf32>
      %mul3A_3182 = arith.mulf %mul3A_3180, %exp3A_3177 : vector<16xf32>
      %add3A_3183 = arith.addf %add3A_3070, %mul3A_3182 : vector<16xf32>
      %mul3A_3184 = arith.mulf %mul3A_3182, %exp3A_3177 : vector<16xf32>
      %add3A_3185 = arith.addf %add3A_3072, %mul3A_3184 : vector<16xf32>
      %mul3A_3186 = arith.mulf %mul3A_3184, %exp3A_3177 : vector<16xf32>
      %add3A_3187 = arith.addf %add3A_3074, %mul3A_3186 : vector<16xf32>
      %mul3A_3188 = arith.mulf %mul3A_3186, %exp3A_3177 : vector<16xf32>
      %add3A_3189 = arith.addf %add3A_3076, %mul3A_3188 : vector<16xf32>
      %mul3A_3190 = arith.mulf %mul3A_3188, %exp3A_3177 : vector<16xf32>
      %add3A_3191 = arith.addf %add3A_3078, %mul3A_3190 : vector<16xf32>
      %mul3A_3192 = arith.mulf %mul3A_3190, %exp3A_3177 : vector<16xf32>
      %add3A_3193 = arith.addf %add3A_3080, %mul3A_3192 : vector<16xf32>
      %mul3A_3194 = arith.mulf %mul3A_3192, %exp3A_3177 : vector<16xf32>
      %add3A_3195 = arith.addf %add3A_3082, %mul3A_3194 : vector<16xf32>
      %gather3A_3196 = tpu.vector_load_idx %arg6[%shift_right_logical3A_3093] : memref<4096xf32, #tpu.memory_space<vmem>>[vector<16xi32>], vector<16xf32>,
      %gather3A_3197 = tpu.vector_load_idx %arg7[%shift_right_logical3A_3093] : memref<4096xf32, #tpu.memory_space<vmem>>[vector<16xi32>], vector<16xf32>,
      %gather3A_3198 = tpu.vector_load_idx %arg8[%shift_right_logical3A_3093] : memref<4096xf32, #tpu.memory_space<vmem>>[vector<16xi32>], vector<16xf32>,
      %sub3A_3199 = arith.subf %gather3A_3196, %get3A_37 : vector<16xf32>
      %sub3A_3200 = arith.subf %gather3A_3197, %get3A_39 : vector<16xf32>
      %sub3A_3201 = arith.subf %gather3A_3198, %get3A_41 : vector<16xf32>
      %mul3A_3202 = arith.mulf %sub3A_3199, %sub3A_3199 : vector<16xf32>
      %mul3A_3203 = arith.mulf %sub3A_3200, %sub3A_3200 : vector<16xf32>
      %add3A_3204 = arith.addf %mul3A_3202, %mul3A_3203 : vector<16xf32>
      %mul3A_3205 = arith.mulf %sub3A_3201, %sub3A_3201 : vector<16xf32>
      %add3A_3206 = arith.addf %add3A_3204, %mul3A_3205 : vector<16xf32>
      %bitcast_convert_type3A_3207 = tpu.bitcast %add3A_3206 : vector<16xf32> -> vector<16xi32>
      %shift_right_arithmetic3A_3208 = arith.constant 1 : i32
      %shift_right_arithmetic3A_3209 = vector.broadcast %shift_right_arithmetic3A_3208 : i32 to vector<16xi32>
      %shift_right_arithmetic3A_3210 = arith.shrsi %bitcast_convert_type3A_3207, %shift_right_arithmetic3A_3209 : vector<16xi32>
      %sub3A_3211 = arith.constant 1597463007 : i32
      %sub3A_3212 = vector.broadcast %sub3A_3211 : i32 to vector<16xi32>
      %sub3A_3213 = arith.subi %sub3A_3212, %shift_right_arithmetic3A_3210 : vector<16xi32>
      %bitcast_convert_type3A_3214 = tpu.bitcast %sub3A_3213 : vector<16xi32> -> vector<16xf32>
      %mul3A_3215 = arith.constant 5.000000e-01 : f32
      %mul3A_3216 = vector.broadcast %mul3A_3215 : f32 to vector<16xf32>
      %mul3A_3217 = arith.mulf %mul3A_3216, %add3A_3206 : vector<16xf32>
      %mul3A_3218 = arith.mulf %mul3A_3217, %bitcast_convert_type3A_3214 : vector<16xf32>
      %mul3A_3219 = arith.mulf %mul3A_3218, %bitcast_convert_type3A_3214 : vector<16xf32>
      %sub3A_3220 = arith.constant 1.500000e+00 : f32
      %sub3A_3221 = vector.broadcast %sub3A_3220 : f32 to vector<16xf32>
      %sub3A_3222 = arith.subf %sub3A_3221, %mul3A_3219 : vector<16xf32>
      %mul3A_3223 = arith.mulf %bitcast_convert_type3A_3214, %sub3A_3222 : vector<16xf32>
      %mul3A_3224 = arith.mulf %mul3A_3217, %mul3A_3223 : vector<16xf32>
      %mul3A_3225 = arith.mulf %mul3A_3224, %mul3A_3223 : vector<16xf32>
      %sub3A_3226 = arith.constant 1.500000e+00 : f32
      %sub3A_3227 = vector.broadcast %sub3A_3226 : f32 to vector<16xf32>
      %sub3A_3228 = arith.subf %sub3A_3227, %mul3A_3225 : vector<16xf32>
      %mul3A_3229 = arith.mulf %mul3A_3223, %sub3A_3228 : vector<16xf32>
      %mul3A_3230 = arith.mulf %add3A_3206, %mul3A_3229 : vector<16xf32>
      %min3A_3231 = arith.constant 1.200000e+01 : f32
      %min3A_3232 = vector.broadcast %min3A_3231 : f32 to vector<16xf32>
      %min3A_3233 = arith.minimumf %mul3A_3230, %min3A_3232 : vector<16xf32>
      %mul3A_3234 = arith.constant 0.261799395 : f32
      %mul3A_3235 = vector.broadcast %mul3A_3234 : f32 to vector<16xf32>
      %mul3A_3236 = arith.mulf %min3A_3233, %mul3A_3235 : vector<16xf32>
      %sub3A_3237 = arith.constant 1.57079637 : f32
      %sub3A_3238 = vector.broadcast %sub3A_3237 : f32 to vector<16xf32>
      %sub3A_3239 = arith.subf %mul3A_3236, %sub3A_3238 : vector<16xf32>
      %mul3A_3240 = arith.mulf %sub3A_3239, %sub3A_3239 : vector<16xf32>
      %mul3A_3241 = arith.constant -9.26172433E-5 : f32
      %mul3A_3242 = vector.broadcast %mul3A_3241 : f32 to vector<16xf32>
      %mul3A_3243 = arith.mulf %mul3A_3240, %mul3A_3242 : vector<16xf32>
      %add3A_3244 = arith.constant 0.00415661279 : f32
      %add3A_3245 = vector.broadcast %add3A_3244 : f32 to vector<16xf32>
      %add3A_3246 = arith.addf %add3A_3245, %mul3A_3243 : vector<16xf32>
      %mul3A_3247 = arith.mulf %mul3A_3240, %add3A_3246 : vector<16xf32>
      %add3A_3248 = arith.constant -0.083328396 : f32
      %add3A_3249 = vector.broadcast %add3A_3248 : f32 to vector<16xf32>
      %add3A_3250 = arith.addf %add3A_3249, %mul3A_3247 : vector<16xf32>
      %mul3A_3251 = arith.mulf %mul3A_3240, %add3A_3250 : vector<16xf32>
      %add3A_3252 = arith.constant 0.499999613 : f32
      %add3A_3253 = vector.broadcast %add3A_3252 : f32 to vector<16xf32>
      %add3A_3254 = arith.addf %add3A_3253, %mul3A_3251 : vector<16xf32>
      %mul3A_3255 = arith.mulf %sub3A_3239, %add3A_3254 : vector<16xf32>
      %sub3A_3256 = arith.constant 5.000000e-01 : f32
      %sub3A_3257 = vector.broadcast %sub3A_3256 : f32 to vector<16xf32>
      %sub3A_3258 = arith.subf %sub3A_3257, %mul3A_3255 : vector<16xf32>
      %mul3A_3259 = arith.mulf %min3A_3233, %min3A_3233 : vector<16xf32>
      %mul3A_3260 = arith.constant -4.000000e-02 : f32
      %mul3A_3261 = vector.broadcast %mul3A_3260 : f32 to vector<16xf32>
      %mul3A_3262 = arith.mulf %mul3A_3261, %mul3A_3259 : vector<16xf32>
      %exp3A_3263 = math.exp %mul3A_3262 : vector<16xf32>
      %mul3A_3264 = arith.constant 1.200000e-01 : f32
      %mul3A_3265 = vector.broadcast %mul3A_3264 : f32 to vector<16xf32>
      %mul3A_3266 = arith.mulf %mul3A_3265, %min3A_3233 : vector<16xf32>
      %exp3A_3267 = math.exp %mul3A_3266 : vector<16xf32>
      %mul3A_3268 = arith.mulf %sub3A_3258, %exp3A_3263 : vector<16xf32>
      %convert_element_type3A_3269 = arith.sitofp %and3A_3105 : vector<16xi32> to vector<16xf32>
      %mul3A_3270 = arith.mulf %mul3A_3268, %convert_element_type3A_3269 : vector<16xf32>
      %add3A_3271 = arith.addf %add3A_3181, %mul3A_3270 : vector<16xf32>
      %mul3A_3272 = arith.mulf %mul3A_3270, %exp3A_3267 : vector<16xf32>
      %add3A_3273 = arith.addf %add3A_3183, %mul3A_3272 : vector<16xf32>
      %mul3A_3274 = arith.mulf %mul3A_3272, %exp3A_3267 : vector<16xf32>
      %add3A_3275 = arith.addf %add3A_3185, %mul3A_3274 : vector<16xf32>
      %mul3A_3276 = arith.mulf %mul3A_3274, %exp3A_3267 : vector<16xf32>
      %add3A_3277 = arith.addf %add3A_3187, %mul3A_3276 : vector<16xf32>
      %mul3A_3278 = arith.mulf %mul3A_3276, %exp3A_3267 : vector<16xf32>
      %add3A_3279 = arith.addf %add3A_3189, %mul3A_3278 : vector<16xf32>
      %mul3A_3280 = arith.mulf %mul3A_3278, %exp3A_3267 : vector<16xf32>
      %add3A_3281 = arith.addf %add3A_3191, %mul3A_3280 : vector<16xf32>
      %mul3A_3282 = arith.mulf %mul3A_3280, %exp3A_3267 : vector<16xf32>
      %add3A_3283 = arith.addf %add3A_3193, %mul3A_3282 : vector<16xf32>
      %mul3A_3284 = arith.mulf %mul3A_3282, %exp3A_3267 : vector<16xf32>
      %add3A_3285 = arith.addf %add3A_3195, %mul3A_3284 : vector<16xf32>
      %mul3A_3286 = arith.constant 128 : i32
      %mul3A_3287 = arith.muli %scan3A_34, %mul3A_3286 : i32
      %add3A_3288 = arith.constant 0 : i32
      %add3A_3289 = arith.addi %mul3A_3287, %add3A_3288 : i32
      %add3A_3290 = vector.broadcast %add3A_3289 : i32 to vector<16xi32>
      %add3A_3291 = arith.addi %mul3A_26, %add3A_3290 : vector<16xi32>
      %mul3A_3292 = arith.constant 1.000000e+00 : f32
      %mul3A_3293 = vector.broadcast %mul3A_3292 : f32 to vector<16xf32>
      %mul3A_3294 = arith.mulf %add3A_3271, %mul3A_3293 : vector<16xf32>
      tpu.vector_store_idx %arg11[%add3A_3291], %mul3A_3294 : memref<32768xf32, #tpu.memory_space<vmem>>[vector<16xi32>], vector<16xf32>,
      %add3A_3295 = arith.constant 1 : i32
      %add3A_3296 = arith.addi %mul3A_3287, %add3A_3295 : i32
      %add3A_3297 = vector.broadcast %add3A_3296 : i32 to vector<16xi32>
      %add3A_3298 = arith.addi %mul3A_26, %add3A_3297 : vector<16xi32>
      %mul3A_3299 = arith.constant 0.91393119 : f32
      %mul3A_3300 = vector.broadcast %mul3A_3299 : f32 to vector<16xf32>
      %mul3A_3301 = arith.mulf %add3A_3273, %mul3A_3300 : vector<16xf32>
      tpu.vector_store_idx %arg11[%add3A_3298], %mul3A_3301 : memref<32768xf32, #tpu.memory_space<vmem>>[vector<16xi32>], vector<16xf32>,
      %add3A_3302 = arith.constant 2 : i32
      %add3A_3303 = arith.addi %mul3A_3287, %add3A_3302 : i32
      %add3A_3304 = vector.broadcast %add3A_3303 : i32 to vector<16xi32>
      %add3A_3305 = arith.addi %mul3A_26, %add3A_3304 : vector<16xi32>
      %mul3A_3306 = arith.constant 0.697676301 : f32
      %mul3A_3307 = vector.broadcast %mul3A_3306 : f32 to vector<16xf32>
      %mul3A_3308 = arith.mulf %add3A_3275, %mul3A_3307 : vector<16xf32>
      tpu.vector_store_idx %arg11[%add3A_3305], %mul3A_3308 : memref<32768xf32, #tpu.memory_space<vmem>>[vector<16xi32>], vector<16xf32>,
      %add3A_3309 = arith.constant 3 : i32
      %add3A_3310 = arith.addi %mul3A_3287, %add3A_3309 : i32
      %add3A_3311 = vector.broadcast %add3A_3310 : i32 to vector<16xi32>
      %add3A_3312 = arith.addi %mul3A_26, %add3A_3311 : vector<16xi32>
      %mul3A_3313 = arith.constant 0.444858074 : f32
      %mul3A_3314 = vector.broadcast %mul3A_3313 : f32 to vector<16xf32>
      %mul3A_3315 = arith.mulf %add3A_3277, %mul3A_3314 : vector<16xf32>
      tpu.vector_store_idx %arg11[%add3A_3312], %mul3A_3315 : memref<32768xf32, #tpu.memory_space<vmem>>[vector<16xi32>], vector<16xf32>,
      %add3A_3316 = arith.constant 4 : i32
      %add3A_3317 = arith.addi %mul3A_3287, %add3A_3316 : i32
      %add3A_3318 = vector.broadcast %add3A_3317 : i32 to vector<16xi32>
      %add3A_3319 = arith.addi %mul3A_26, %add3A_3318 : vector<16xi32>
      %mul3A_3320 = arith.constant 0.236927763 : f32
      %mul3A_3321 = vector.broadcast %mul3A_3320 : f32 to vector<16xf32>
      %mul3A_3322 = arith.mulf %add3A_3279, %mul3A_3321 : vector<16xf32>
      tpu.vector_store_idx %arg11[%add3A_3319], %mul3A_3322 : memref<32768xf32, #tpu.memory_space<vmem>>[vector<16xi32>], vector<16xf32>,
      %add3A_3323 = arith.constant 5 : i32
      %add3A_3324 = arith.addi %mul3A_3287, %add3A_3323 : i32
      %add3A_3325 = vector.broadcast %add3A_3324 : i32 to vector<16xi32>
      %add3A_3326 = arith.addi %mul3A_26, %add3A_3325 : vector<16xi32>
      %mul3A_3327 = arith.constant 0.105399221 : f32
      %mul3A_3328 = vector.broadcast %mul3A_3327 : f32 to vector<16xf32>
      %mul3A_3329 = arith.mulf %add3A_3281, %mul3A_3328 : vector<16xf32>
      tpu.vector_store_idx %arg11[%add3A_3326], %mul3A_3329 : memref<32768xf32, #tpu.memory_space<vmem>>[vector<16xi32>], vector<16xf32>,
      %add3A_3330 = arith.constant 6 : i32
      %add3A_3331 = arith.addi %mul3A_3287, %add3A_3330 : i32
      %add3A_3332 = vector.broadcast %add3A_3331 : i32 to vector<16xi32>
      %add3A_3333 = arith.addi %mul3A_26, %add3A_3332 : vector<16xi32>
      %mul3A_3334 = arith.constant 0.039163895 : f32
      %mul3A_3335 = vector.broadcast %mul3A_3334 : f32 to vector<16xf32>
      %mul3A_3336 = arith.mulf %add3A_3283, %mul3A_3335 : vector<16xf32>
      tpu.vector_store_idx %arg11[%add3A_3333], %mul3A_3336 : memref<32768xf32, #tpu.memory_space<vmem>>[vector<16xi32>], vector<16xf32>,
      %add3A_3337 = arith.constant 7 : i32
      %add3A_3338 = arith.addi %mul3A_3287, %add3A_3337 : i32
      %add3A_3339 = vector.broadcast %add3A_3338 : i32 to vector<16xi32>
      %add3A_3340 = arith.addi %mul3A_26, %add3A_3339 : vector<16xi32>
      %mul3A_3341 = arith.constant 0.012155178 : f32
      %mul3A_3342 = vector.broadcast %mul3A_3341 : f32 to vector<16xf32>
      %mul3A_3343 = arith.mulf %add3A_3285, %mul3A_3342 : vector<16xf32>
      tpu.vector_store_idx %arg11[%add3A_3340], %mul3A_3343 : memref<32768xf32, #tpu.memory_space<vmem>>[vector<16xi32>], vector<16xf32>,
    }
    %scan3A_31 = arith.constant 256 : i32
    %mul3A_32 = arith.constant 32768 : i32
    %mul3A_33 = arith.muli %add3A, %mul3A_32 : i32
    "tpu.region"() ({
      %run_scoped3A = tpu.sem_alloc : memref<!tpu.dma_semaphore, #tpu.memory_space<semaphore_mem>>
      %dma_start3A = tpu.memref_slice %arg5[%mul3A_33] : memref<1048576xf32, #tpu.memory_space<hbm>> -> memref<32768xf32, #tpu.memory_space<hbm>>
      %dma_start3A_34 = tpu.memref_slice %arg5[%mul3A_33] : memref<1048576xf32, #tpu.memory_space<hbm>> -> memref<32768xf32, #tpu.memory_space<hbm>>
      tpu.enqueue_dma source(%arg11 : memref<32768xf32, #tpu.memory_space<vmem>>) target(%dma_start3A_34 : memref<32768xf32, #tpu.memory_space<hbm>>) target_semaphore(%run_scoped3A : memref<!tpu.dma_semaphore, #tpu.memory_space<semaphore_mem>>)
      %dma_wait3A = tpu.memref_slice %arg5[%mul3A_33] : memref<1048576xf32, #tpu.memory_space<hbm>> -> memref<32768xf32, #tpu.memory_space<hbm>>
      %dma_wait3A_35 = tpu.memref_slice %arg5[%mul3A_33] : memref<1048576xf32, #tpu.memory_space<hbm>> -> memref<32768xf32, #tpu.memory_space<hbm>>
      tpu.wait_dma2 semaphore(%run_scoped3A : memref<!tpu.dma_semaphore, #tpu.memory_space<semaphore_mem>>) src(%arg11 : memref<32768xf32, #tpu.memory_space<vmem>>) dst(%dma_wait3A_35 : memref<32768xf32, #tpu.memory_space<hbm>>)
      tpu.yield
    }) : () -> ()
    return
  }
}

module attributes {stable_mosaic.version = 14 : i64} {
  func.func @body(%arg0: i32, %arg1: memref<32x2048xf32, #tpu.memory_space<vmem>>, %arg2: memref<32x2048xf32, #tpu.memory_space<vmem>>) attributes {dimension_semantics = [#tpu.dimension_semantics<arbitrary>], iteration_bounds = array<i64: 16>, scalar_prefetch = 0 : i64, scratch_operands = 0 : i64, tpu.core_type = #tpu.core_type<tc>, window_params = [{transform_indices = @transform_0, window_bounds = array<i64: 32, 2048>}, {transform_indices = @transform_1, window_bounds = array<i64: 32, 2048>}]} {
    %get3A = arith.constant 0 : index
    %get3A_0 = arith.constant 0 : index
    %get3A_1 = vector.load %arg1[%get3A, %get3A_0] : memref<32x2048xf32, #tpu.memory_space<vmem>>, vector<32x2048xf32>
    %reduce_sum3A = arith.constant dense<0.000000e+00> : vector<2048xf32>
    %reduce_sum3A_2 = vector.multi_reduction <add>, %get3A_1, %reduce_sum3A [0] : vector<32x2048xf32> to vector<2048xf32>
    %broadcast_in_dim3A = vector.shape_cast %reduce_sum3A_2 : vector<2048xf32> to vector<1x2048xf32>
    %div3A = arith.constant 3.200000e+01 : f32
    %div3A_3 = vector.broadcast %div3A : f32 to vector<1x2048xf32>
    %div3A_4 = arith.divf %broadcast_in_dim3A, %div3A_3 : vector<1x2048xf32>
    %sub3A = vector.broadcast %div3A_4 : vector<1x2048xf32> to vector<32x2048xf32>
    %sub3A_5 = arith.subf %get3A_1, %sub3A : vector<32x2048xf32>
    %mul3A = arith.mulf %sub3A_5, %sub3A_5 : vector<32x2048xf32>
    %reduce_sum3A_6 = arith.constant dense<0.000000e+00> : vector<2048xf32>
    %reduce_sum3A_7 = vector.multi_reduction <add>, %mul3A, %reduce_sum3A_6 [0] : vector<32x2048xf32> to vector<2048xf32>
    %broadcast_in_dim3A_8 = vector.shape_cast %reduce_sum3A_7 : vector<2048xf32> to vector<1x2048xf32>
    %div3A_9 = arith.constant 3.200000e+01 : f32
    %div3A_10 = vector.broadcast %div3A_9 : f32 to vector<1x2048xf32>
    %div3A_11 = arith.divf %broadcast_in_dim3A_8, %div3A_10 : vector<1x2048xf32>
    %add3A = arith.constant 1.000000e-03 : f32
    %add3A_12 = vector.broadcast %add3A : f32 to vector<1x2048xf32>
    %add3A_13 = arith.addf %div3A_11, %add3A_12 : vector<1x2048xf32>
    %rsqrt3A = math.rsqrt %add3A_13 : vector<1x2048xf32>
    %mul3A_14 = vector.broadcast %rsqrt3A : vector<1x2048xf32> to vector<32x2048xf32>
    %mul3A_15 = arith.mulf %sub3A_5, %mul3A_14 : vector<32x2048xf32>
    %swap3A = arith.constant 0 : index
    %swap3A_16 = arith.constant 0 : index
    %swap3A_17 = vector.load %arg2[%swap3A, %swap3A_16] : memref<32x2048xf32, #tpu.memory_space<vmem>>, vector<32x2048xf32>
    tpu.vector_store %arg2[%swap3A, %swap3A_16], %mul3A_15 {strides = array<i32>} : memref<32x2048xf32, #tpu.memory_space<vmem>>, vector<32x2048xf32>,
    return
  }
  func.func @transform_0(%arg0: i32) -> (i32, i32) {
    %c0_i32 = arith.constant 0 : i32
    %c0_i32_0 = arith.constant 0 : i32
    return %c0_i32, %arg0 : i32, i32
  }
  func.func @transform_1(%arg0: i32) -> (i32, i32) {
    %c0_i32 = arith.constant 0 : i32
    %c0_i32_0 = arith.constant 0 : i32
    return %c0_i32, %arg0 : i32, i32
  }
}

</mosaic_0001>

<sc_bundles>
// kernel: kernel.4.cloned.1.call-start
scs
__scs_entry_jumppad:
0x0: {  	(pc) =	sbr.rel $0x88, $3  }
0x1: {  	(tag) =	ssettag $0x0;
	lr =	simm.s32 $0x1  }
0x2: {  	[smem:$0x3F9E] =	sst lr;
	_ =	strace $0xD0000000  }
0x3: {  	_ = 	snop  }
0x4: {  	_ = 	snop  }
0x5: {  	_ = 	snop  }
0x6: {  	_ = 	snop  }
0x7: {  	_ = 	snop  }
__scs_overlays_trampoline_lowered:
0x8: {  	[smem:$0x3FAD] =	sst s0  }
0x9: {  	[smem:$0x3FAE] =	sst s1  }
0xa: {  	[smem:$0x3FAF] =	sst s2  }
0xb: {  	[smem:$0x3FB0] =	sst s3  }
0xc: {  	[smem:$0x3FB1] =	sst s4  }
0xd: {  	[smem:$0x3FB2] =	sst s5  }
0xe: {  	[smem:$0x3FB3] =	sst s6  }
0xf: {  	[smem:$0x3FB4] =	sst s7  }
0x10: {  	[smem:$0x3FB5] =	sst s8  }
0x11: {  	[smem:$0x3FB6] =	sst s9;
	s0 =	simm.s32 @!p0 $0x0  }
0x12: {  	s1 =	sld [smem:$0x3F9C];
	s0 =	simm.s32 @p0 $0x1  }
0x13: {  	[smem:$0x3FB7] =	sst s0;
	s0 =	simm.s32 @!p1 $0x0  }
0x14: {  	s2 =	sld [smem:$0x3F9B];
	s0 =	simm.s32 @p1 $0x1  }
0x15: {  	[smem:$0x3FB8] =	sst s0;
	s0 =	simm.s32 @!p2 $0x0  }
0x16: {  	s3 =	sld [smem:$0x3FDB];
	s0 =	simm.s32 @p2 $0x1  }
0x17: {  	s4 =	simm.s32 $0x1BF5;
	[smem:$0x3FBA] =	sst s0  }
0x18: {  	s0 =	sld [smem:$0x3F9D];
	_ =	swait.ge [sflag:s4], $0x0  }
0x19: {  	s7 =	sld [smem:$0x3F9E]  }
0x1a: {  	s8 =	sadd.s32 $0xFFFFE003, lr  }
0x1b: {  	s9 =	sadd.s32 $0xFFFFFEF7, lr;
	s5 =	simm.s32 $0xFFFFFFFF;
	p2 =	slt.u32 s8, $0xFFFFF086  }
0x1c: {  	p1 =	slt.u32 s9, $0xF7A;
	s5 =	simm.s32 @!p2 $0x0  }
0x1d: {  	s5 =	simm.s32 @p1 $0x1;
	p0 =	seq.s32 s7, s2  }
0x1e: {  	s7 =	smul.u32 @!p0 $0xF7A, s2;
	p2 =	seq.s32 @!p0 s5, $0x0  }
0x1f: {  	s9 =	smul.u32 $0xF7A, s1;
	s8 =	simm.s32 @!p0 $0x1BF5;
	p2 =	por !p2, p0  }
0x20: {  	[sflag:s8] =	ssyncset.s32 @!p0 $0xFFFFF086;
	s6 =	sadd.s32 @!p0 s3, s7;
	s7 =	simm.s32 @!p0 $0x108  }
0x21: {  	s3 =	sadd.s32 s3, s9;
	s6 =	sadd.s32 @!p0 $0x88, s6;
	s7 =	simm.s32 @p2 $0x1082  }
0x22: {  	[simem:s7], [sflag:s8] =	dma.local @!p0 [hbm:s6], $0xF7A  }
0x23: {  	s9 =	sor.u32 $0xD0000000, s2;
	s6 =	simm.s32 $0x108;
	_ =	swait.ge @!p0 [sflag:s8], $0x0  }
0x24: {  	s3 =	sadd.s32 $0x88, s3;
	s6 =	simm.s32 @!p1 $0x1082;
	[sflag:s4] =	ssyncset.s32 $0xFFFFF086  }
0x25: {  	[simem:s6], [sflag:s4] =	dma.local [hbm:s3], $0xF7A  }
0x26: {  	[smem:$0x3F9E] =	sst s1;
	(tag) =	ssettag s2;
	_ =	strace s9  }
0x27: {  	s1 =	sld [smem:$0x3FAE]  }
0x28: {  	s2 =	sld [smem:$0x3FAF]  }
0x29: {  	s4 =	sld [smem:$0x3FB1]  }
0x2a: {  	p0 =	seq.s32 s5, $0x0;
	s5 =	sld [smem:$0x3FB2]  }
0x2b: {  	s6 =	sld [smem:$0x3FB3]  }
0x2c: {  	s7 =	sld [smem:$0x3FB4]  }
0x2d: {  	s3 =	simm.s32 $0x108;
	s8 =	sld [smem:$0x3FB5]  }
0x2e: {  	s3 =	simm.s32 @!p0 $0x1082;
	s9 =	sld [smem:$0x3FB6]  }
0x2f: {  	lr =	sadd.s32 s0, s3;
	s0 =	sld [smem:$0x3FAD]  }
0x30: {  	s3 =	sld [smem:$0x3FB0]  }
0x31: {  	[smem:$0x3FB9] =	sst s10  }
0x32: {  	s10 =	sld [smem:$0x3FB7];
	_ =	sdelay $0x3  }
0x33: {  	p0 =	seq.s32 s10, $0x1;
	s10 =	sld [smem:$0x3FB9];
	_ =	sdelay $0x3  }
0x34: {  	[smem:$0x3FB9] =	sst s10  }
0x35: {  	s10 =	sld [smem:$0x3FB8];
	_ =	sdelay $0x3  }
0x36: {  	p1 =	seq.s32 s10, $0x1;
	s10 =	sld [smem:$0x3FB9];
	_ =	sdelay $0x3  }
0x37: {  	[smem:$0x3FB9] =	sst s10  }
0x38: {  	s10 =	sld [smem:$0x3FBA]  }
0x39: {  	_ = 	snop;
	(pc) =	sbr.ind lr, $3  }
0x3a: {  	_ = 	snop  }
0x3b: {  	_ = 	snop  }
0x3c: {  	p2 =	seq.s32 s10, $0x1;
	s10 =	sld [smem:$0x3FB9]  }
0x3d: {  	_ =	shalt  }
0x3e: {  	_ =	shalt  }
0x3f: {  	_ =	shalt  }
0x40: {  	_ =	shalt  }
0x41: {  	_ =	shalt  }
0x42: {  	_ =	shalt  }
0x43: {  	_ =	shalt  }
0x44: {  	_ =	shalt  }
0x45: {  	_ =	shalt  }
0x46: {  	_ =	shalt  }
0x47: {  	_ =	shalt  }
0x48: {  	_ =	shalt  }
0x49: {  	_ =	shalt  }
0x4a: {  	_ =	shalt  }
0x4b: {  	_ =	shalt  }
0x4c: {  	_ =	shalt  }
0x4d: {  	_ =	shalt  }
0x4e: {  	_ =	shalt  }
0x4f: {  	_ =	shalt  }
0x50: {  	_ =	shalt  }
0x51: {  	_ =	shalt  }
0x52: {  	_ =	shalt  }
0x53: {  	_ =	shalt  }
0x54: {  	_ =	shalt  }
0x55: {  	_ =	shalt  }
0x56: {  	_ =	shalt  }
0x57: {  	_ =	shalt  }
0x58: {  	_ =	shalt  }
0x59: {  	_ =	shalt  }
0x5a: {  	_ =	shalt  }
0x5b: {  	_ =	shalt  }
0x5c: {  	_ =	shalt  }
0x5d: {  	_ =	shalt  }
0x5e: {  	_ =	shalt  }
0x5f: {  	_ =	shalt  }
0x60: {  	_ =	shalt  }
0x61: {  	_ =	shalt  }
0x62: {  	_ =	shalt  }
0x63: {  	_ =	shalt  }
0x64: {  	_ =	shalt  }
0x65: {  	_ =	shalt  }
0x66: {  	_ =	shalt  }
0x67: {  	_ =	shalt  }
0x68: {  	_ =	shalt  }
0x69: {  	_ =	shalt  }
0x6a: {  	_ =	shalt  }
0x6b: {  	_ =	shalt  }
0x6c: {  	_ =	shalt  }
0x6d: {  	_ =	shalt  }
0x6e: {  	_ =	shalt  }
0x6f: {  	_ =	shalt  }
0x70: {  	_ =	shalt  }
0x71: {  	_ =	shalt  }
0x72: {  	_ =	shalt  }
0x73: {  	_ =	shalt  }
0x74: {  	_ =	shalt  }
0x75: {  	_ =	shalt  }
0x76: {  	_ =	shalt  }
0x77: {  	_ =	shalt  }
0x78: {  	_ =	shalt  }
0x79: {  	_ =	shalt  }
0x7a: {  	_ =	shalt  }
0x7b: {  	_ =	shalt  }
0x7c: {  	_ =	shalt  }
0x7d: {  	_ =	shalt  }
0x7e: {  	_ =	shalt  }
0x7f: {  	_ =	shalt  }
0x80: {  	_ =	shalt  }
0x81: {  	_ =	shalt  }
0x82: {  	_ =	shalt  }
0x83: {  	_ =	shalt  }
0x84: {  	_ =	shalt  }
0x85: {  	_ =	shalt  }
0x86: {  	_ =	shalt  }
0x87: {  	_ =	shalt  }
.Lfunc_end0:
.L_simem_size_0:
called_computation_lowered:
.L_overlay_start_0:
0x88: {  	s2 =	sld [smem:$0x3FD9]  }
0x89: {  	s3 =	sld [smem:$0x3FFE];
	_ =	sdelay $0x1  }
0x8a: {  	s1 =	srdreg.scid  }
0x8b: {  	s0 =	sand.u32 $0x1, s1  }
0x8c: {  	s17 =	sshll.u32 s0, $0xA;
	s2 =	sadd.s32 s3, s2  }
0x8d: {  	s2 =	sadd.s32 s2, s17  }
0x8e: {  	[smem:$0x3FC5] =	sst s2  }
0x8f: {  	_ = 	snop  }
0x90: {  	s2 =	sld [smem:$0x3FD0];
	(tm) =	ssettm $0x1  }
0x91: {  	s18 =	sld [smem:$0x3FFB];
	_ =	sdelay $0x3  }
0x92: {  	_ =	strace s18  }
0x93: {  	s3 =	sld [smem:$0x3FFC];
	_ =	sdelay $0x3  }
0x94: {  	_ =	strace s3  }
0x95: {  	s3 =	sld [smem:$0x3FFD];
	_ =	sdelay $0x3  }
0x96: {  	_ =	strace s3  }
0x97: {  	_ =	strace $0x8FFFFFFF  }
0x98: {  	s19 =	sld [smem:$0x3FDB];
	_ =	sdelay $0x1  }
0x99: {  	s4 =	simm.s32 $_scs_section_size  }
0x9a: {  	s5 =	simm.s32 $_size__tile_overlayer_lowered;
	s6 =	simm.s32 $_tile_overlayer_lowered  }
0x9b: {  	s22 =	simm.s32 $0x1BFF;
	s21 =	sshll.u32 s6, $0x1;
	s3 =	sadd.s32 s4, s19  }
0x9c: {  	s7 =	simm.s32 $0x0;
	s20 =	sshll.u32 s5, $0x1;
	s5 =	sadd.s32 s21, s3  }
0x9d: {  	[timem:s7], [sflag:s22] =	dma.local [hbm:s5], s20  }
0x9e: {  	_ =	swait.ge [sflag:s22], s20  }
0x9f: {  	s4 =	ssub.s32 $0x0, s20;
	[sflag:s22] =	ssyncset.done $0x0  }
0xa0: {  	[sflag:s22] =	ssyncadd.s32 s4;
	_ =	sdelay $0x1  }
0xa1: {  	s23 =	simm.s32 $0x1B8B  }
0xa2: {  	_ =	swait.ge [sflag:s23], $0x1  }
0xa3: {  	[sflag:s23] =	ssyncset.done $0x0  }
0xa4: {  	s25 =	simm.s32 $0x1B8E;
	s24 =	sld [smem:$0x3FFE];
	[sflag:s23] =	ssyncadd.s32 $0xFFFFFFFF  }
0xa5: {  	s26 =	simm.s32 $execute0_lowered;
	[smem:$0x3FD2] =	sst s25  }
0xa6: {  	s5 =	sshll.u32 s26, $0x1;
	_ =	strace $0x80000046;
	[dreg:$0x1] =	wrdreg $0xFFFFFFFF  }
0xa7: {  	s28 =	simm.s32 $_size_execute0_lowered;
	s3 =	sadd.s32 s3, s5;
	[dreg:$0x0] =	wrdreg $0x0  }
0xa8: {  	s5 =	sshll.u32 s28, $0x1;
	[dreg:$0x2] =	wrdreg s3  }
0xa9: {  	[dreg:$0x3] =	wrdreg s5  }
0xaa: {  	[dreg:$0x4] =	wrdreg $0xC0  }
0xab: {  	_ =	task [dreg:s7], $0x5FFFF  }
0xac: {  	[dreg:$0x1] =	wrdreg $0xFFFFFFFF  }
0xad: {  	[dreg:$0x0] =	wrdreg $0x60  }
0xae: {  	[dreg:$0x2] =	wrdreg s24  }
0xaf: {  	[dreg:$0x3] =	wrdreg s2  }
0xb0: {  	[dreg:$0x4] =	wrdreg $0x9  }
0xb1: {  	_ =	task.clear_ibuf [dreg:s7], $0x5FFFF;
	_ =	strace $0x90000046  }
0xb2: {  	s29 =	simm.s32 $0x9;
	_ =	strace $0x80000048  }
0xb3: {  	_ =	swait.ge [sflag:s29], $0x1  }
0xb4: {  	[sflag:s29] =	ssyncadd.s32 $0xFFFFFFFF  }
0xb5: {  	_ =	strace $0x90000048  }
0xb6: {  	_ =	sfence  }
0xb7: {  	s30 =	sld [smem:$0x0];
	_ =	sdelay $0x2  }
0xb8: {  	s31 =	sshll.u32 s1, $0xD;
	s1 =	sshrl.u32 s1, $0x2  }
0xb9: {  	s3 =	sand.u32 $0x4000, s31;
	s1 =	sadd.s32 s1, s30  }
0xba: {  	s0 =	sor.u32 s3, s0;
	s1 =	sshll.u32 s1, $0x11  }
0xbb: {  	s0 =	sor.u32 s1, s0  }
0xbc: {  	s0 =	sadd.s32 $0x8F2B, s0  }
0xbd: {  	[sflag:s0] =	ssyncadd.remote.s32 $0x1  }
0xbe: {  	_ =	sfence.sel $0xFFFF  }
0xbf: {  	[dreg:$0x0] =	wrdreg $0xFFFFFFFF;
	(pc) =	sbr.abs _section_cstart, $3  }
0xc0: {  	[dreg:$0x1] =	wrdreg $0xFFFFFFFF  }
0xc1: {  	_ =	task.clear_ibuf [dreg:s7], $0x2FFFF;
	_ =	strace $0x9FFFFFFF  }
0xc2: {  	(tm) =	ssettm $0x7FFFFFFF  }
0xc3: {  	_ =	shalt  }
tec
execute0_lowered:
.L_overlay_start_1:
0x0: {  	(tag) =	ssettag $0x1  }
0x1: {  	s3 =	rddreg [dreg:$0x0]  }
0x2: {  	s8 =	rddreg [dreg:$0x1]  }
0x3: {  	s0 =	rddreg [dreg:$0x2];
	s4 =	srdreg.scid  }
0x4: {  	s1 =	stileid.u32;
	s2 =	simm.s32 $0x0;
	s14 =	simm.s32 $0x14000  }
0x5: {  	s15 =	simm.s32 $0x0;
	s4 =	sand.u32 $0x1, s4;
	s5 =	sshll.u32 s1, $0x1  }
0x6: {  	[smem:$0x7FF] =	sst s2;
	s9 =	sadd.s32 $0x41200, s3;
	s7 =	sor.u32 s4, s5  }
0x7: {  	v3 =	vlaneseq.u32;
	_ =	strace $0x80000047;
	s4 =	ssub.s32 $0x2, s4;
	s6 =	smul.u32 $0x3000, s7  }
0x8: {  	v0 =	vmul.u32 $0x10, v3;
	s5 =	sshll.u32 s7, $0xD;
	s28 =	sshll.u32 s7, $0x9;
	s11 =	smul.u32 $0x600, s7  }
0x9: {  	s29 =	sshrl.u32 s4, $0x1;
	s31 =	sshll.u32 s7, $0xC;
	s10 =	sadd.s32 s5, s3  }
0xa: {  	v3 =	vmul.u32 $0x8, v3;
	v1 =	vor.u32 $0x1, v0;
	v2 =	vor.u32 $0x2, v0;
	s12 =	sadd.s32 s28, s3;
	s13 =	ssub.s32 s4, s29;
	s8 =	sadd.s32 s8, s31  }
0xb: {  	v4 =	vor.u32 $0x3, v0;
	v5 =	vor.u32 $0x4, v0;
	v6 =	vor.u32 $0x5, v0;
	s6 =	sshrl.u32 s6, $0x3;
	s3 =	sadd.s32 s9, s11;
	s7 =	sadd.s32 $0x4D200, s12  }
0xc: {  	v7 =	vor.u32 $0x6, v0;
	v8 =	vor.u32 $0x7, v0;
	v9 =	vor.u32 $0x1, v3;
	s11 =	simm.s32 $0x3000;
	s12 =	simm.s32 $0x1000;
	s30 =	sadd.s32 s9, s6  }
0xd: {  	v10 =	vor.u32 $0x2, v3;
	v11 =	vor.u32 $0x3, v3;
	v12 =	vor.u32 $0x4, v3;
	s6 =	sadd.s32 $0x1200, s10;
	s9 =	smax.u32 s13, $0x1;
	s10 =	simm.s32 $0x1  }
0xe: {  	v13 =	vor.u32 $0x5, v3;
	v14 =	vor.u32 $0x6, v3;
	v15 =	vor.u32 $0x7, v3;
	s13 =	simm.s32 $0x2000;
	s4 =	sadd.s32 $0x200, s30;
	s5 =	sadd.s32 $0x400, s30  }
.LBB2_1:
0xf: {  	[tilespmem:s2], [sflag:$0x1] =	stream.linear.gather [hbm4b:s3+s2], $0x1000, $0x38;
	[tilespmem:$0x1C000] =	vst v63  }
0x10: {  	_ =	swait.ge [sflag:s10], $0x1000  }
0x11: {  	[sflag:s10] =	ssyncset.done $0x0  }
0x12: {  	[sflag:s10] =	ssyncadd.s32 $0xFFFFF000  }
0x13: {  	[tilespmem:s12], [sflag:$0x1] =	stream.linear.gather [hbm4b:s4+s2], $0x1000, $0x38;
	[tilespmem:$0x1C000] =	vst v63  }
0x14: {  	_ =	swait.ge [sflag:s10], $0x1000  }
0x15: {  	[sflag:s10] =	ssyncset.done $0x0  }
0x16: {  	[sflag:s10] =	ssyncadd.s32 $0xFFFFF000  }
0x17: {  	[tilespmem:s13], [sflag:$0x1] =	stream.linear.gather [hbm4b:s5+s2], $0x1000, $0x38;
	[tilespmem:$0x1C000] =	vst v63  }
0x18: {  	_ =	swait.ge [sflag:s10], $0x1000  }
0x19: {  	[sflag:s10] =	ssyncset.done $0x0  }
0x1a: {  	[sflag:s10] =	ssyncadd.s32 $0xFFFFF000  }
0x1b: {  	[tilespmem:s11], [sflag:$0x1] =	stream.linear.gather [hbm4b:s6+s2], $0x10000, $0x38;
	[tilespmem:$0x1C000] =	vst v63  }
0x1c: {  	_ =	swait.ge [sflag:s10], $0x10000  }
0x1d: {  	[sflag:s10] =	ssyncset.done $0x0  }
0x1e: {  	s16 =	simm.s32 $0x13000;
	[sflag:s10] =	ssyncadd.s32 $0xFFFF0000  }
0x1f: {  	[tilespmem:s16], [sflag:$0x1] =	stream.linear.gather [hbm4b:s7+s2], $0x1000, $0x38;
	[tilespmem:$0x1C000] =	vst v63  }
0x20: {  	s17 =	simm.s32 $0xF;
	_ =	swait.ge [sflag:s10], $0x1000  }
0x21: {  	s18 =	simm.s32 $0x2000;
	s19 =	simm.s32 $0x1000;
	[sflag:s10] =	ssyncset.done $0x0  }
0x22: {  	s20 =	simm.s32 $0x0;
	s21 =	simm.s32 $0x0;
	[sflag:s10] =	ssyncadd.s32 $0xFFFFF000  }
.LBB2_2:
0x23: {  	s22 =	sadd.s32 $0xFFFFFFF1, s17  }
0x24: {  	v16 =	vor.u32 s22, v0;
	_ =	sdelay $0x4  }
0x25: {  	v16 =	vld.idx.msk [tilespmem:v16+s11+$0x0], $0xffff;
	_ =	sdelay $0x4  }
0x26: {  	v20 =	vand.u32 $0xFFFF, v16;
	_ =	sdelay $0x2  }
0x27: {  	v18 =	vld [tilespmem:s20+$0x0]  }
0x28: {  	v19 =	vld [tilespmem:s19+$0x0]  }
0x29: {  	v21 =	vld.idx.msk [tilespmem:v20+s2+$0x0], $0xffff  }
0x2a: {  	v22 =	vld.idx.msk [tilespmem:v20+s12+$0x0], $0xffff  }
0x2b: {  	v17 =	vld [tilespmem:s18+$0x0]  }
0x2c: {  	v20 =	vld.idx.msk [tilespmem:v20+s13+$0x0], $0xffff;
	_ =	sdelay $0x1  }
0x2d: {  	v16 =	vshrl.u32 v16, $0x10  }
0x2e: {  	v21 =	vsub.f32 v21, v18;
	v22 =	vsub.f32 v22, v19;
	_ =	sdelay $0x1  }
0x2f: {  	v20 =	vsub.f32 v20, v17;
	v21 =	vmul.f32 v21, v21;
	v22 =	vmul.f32 v22, v22;
	_ =	sdelay $0x1  }
0x30: {  	v24 =	vld.idx.msk [tilespmem:v16+s12+$0x0], $0xffff;
	v20 =	vmul.f32 v20, v20;
	v21 =	vadd.f32 v22, v21  }
0x31: {  	v60 =	vld.idx.msk [tilespmem:v16+s2+$0x0], $0xffff  }
0x32: {  	v20 =	vadd.f32 v20, v21  }
0x33: {  	v26 =	vor.u32 s22, v1;
	v16 =	vld.idx.msk [tilespmem:v16+s13+$0x0], $0xffff  }
0x34: {  	v61 =	vshra.s32 v20, $0x1;
	v23 =	vmul.f32 $5.000000000e-01, v20  }
0x35: {  	v24 =	vsub.f32 v24, v19;
	v22 =	vsub.s32 $0x5F3759DF, v61  }
0x36: {  	v21 =	vsub.f32 v60, v18;
	v25 =	vmul.f32 v22, v23  }
0x37: {  	v24 =	vmul.f32 v24, v24  }
0x38: {  	v63 =	vld.idx.msk [tilespmem:v26+s11+$0x0], $0xffff;
	v16 =	vsub.f32 v16, v17;
	v21 =	vmul.f32 v21, v21;
	v25 =	vmul.f32 v22, v25;
	_ =	sdelay $0x1  }
0x39: {  	v16 =	vmul.f32 v16, v16;
	v21 =	vadd.f32 v24, v21;
	v25 =	vsub.f32 $1.500000000e+00, v25;
	_ =	sdelay $0x1  }
0x3a: {  	v16 =	vadd.f32 v16, v21;
	v22 =	vmul.f32 v22, v25  }
0x3b: {  	v37 =	vand.u32 $0xFFFF, v63  }
0x3c: {  	v33 =	vshra.s32 v16, $0x1;
	v34 =	vmul.f32 $5.000000000e-01, v16;
	v23 =	vmul.f32 v22, v23  }
0x3d: {  	v24 =	vsub.s32 $0x5F3759DF, v33  }
0x3e: {  	v35 =	vmul.f32 v24, v34;
	v62 =	vmul.f32 v23, v22;
	_ =	sdelay $0x1  }
0x3f: {  	v36 =	vmul.f32 v24, v35;
	v21 =	vsub.f32 $1.500000000e+00, v62  }
0x40: {  	v27 =	vld.idx.msk [tilespmem:v37+s12+$0x0], $0xffff  }
0x41: {  	v26 =	vld.idx.msk [tilespmem:v37+s13+$0x0], $0xffff;
	v38 =	vsub.f32 $1.500000000e+00, v36;
	v23 =	vshrl.u32 v63, $0x10;
	v21 =	vmul.f32 v21, v22  }
0x42: {  	v40 =	vld.idx.msk [tilespmem:v37+s2+$0x0], $0xffff  }
0x43: {  	v20 =	vmul.f32 v21, v20;
	v21 =	vmul.f32 v24, v38;
	_ =	sdelay $0x1  }
0x44: {  	v27 =	vsub.f32 v27, v19;
	v20 =	vmin.f32 v20, $1.200000000e+01;
	v25 =	vmul.f32 v21, v34  }
0x45: {  	v41 =	vsub.f32 v26, v17;
	v31 =	vld.idx.msk [tilespmem:v23+s2+$0x0], $0xffff;
	v39 =	vmul.f32 $2.617993950e-01, v20  }
0x46: {  	v42 =	vmul.f32 v27, v27;
	v57 =	vld.idx.msk [tilespmem:v23+s12+$0x0], $0xffff;
	v24 =	vsub.f32 v40, v18;
	v25 =	vmul.f32 v25, v21  }
0x47: {  	v46 =	vmul.f32 v41, v41;
	v61 =	vor.u32 s22, v2;
	v23 =	vld.idx.msk [tilespmem:v23+s13+$0x0], $0xffff;
	v22 =	vadd.f32 $-1.570796370e+00, v39  }
0x48: {  	v24 =	vmul.f32 v24, v24;
	v30 =	vmul.f32 v20, v20;
	v25 =	vsub.f32 $1.500000000e+00, v25  }
0x49: {  	v20 =	vmul.f32 $1.199999970e-01, v20;
	v28 =	vmul.f32 v22, v22  }
0x4a: {  	v30 =	vmul.f32 $-3.999999910e-02, v30;
	v21 =	vmul.f32 v25, v21  }
0x4b: {  	v45 =	vadd.f32 v42, v24;
	v31 =	vsub.f32 v31, v18;
	v29 =	vmul.f32 $9.261724330e-05, v28  }
0x4c: {  	v62 =	vld.idx.msk [tilespmem:v61+s11+$0x0], $0xffff;
	v23 =	vsub.f32 v23, v17;
	v44 =	vmul.f32 $1.442695020e+00, v30;
	v16 =	vmul.f32 v21, v16  }
0x4d: {  	v20 =	vmul.f32 $1.442695020e+00, v20;
	v21 =	vadd.f32 v46, v45;
	v29 =	vsub.f32 $4.156612790e-03, v29  }
0x4e: {  	v31 =	vmul.f32 v31, v31;
	(erf) = vpow2.f32 v44;
	v48 =	vmin.f32 v16, $1.200000000e+01  }
0x4f: {  	v51 =	vshra.s32 v21, $0x1;
	v52 =	vmul.f32 $5.000000000e-01, v21;
	v43 =	vmul.f32 v29, v28  }
0x50: {  	v16 =	vld [tilespmem:s16+$0x0];
	v50 =	vmul.f32 $2.617993950e-01, v48;
	v27 =	vsub.s32 $0x5F3759DF, v51;
	v58 =	vmul.f32 v48, v48  }
0x51: {  	v26 =	vmul.f32 $1.199999970e-01, v48;
	v48 =	vand.u32 $0xFFFF, v62;
	v53 =	vmul.f32 v27, v52  }
0x52: {  	v23 =	vmul.f32 v23, v23;
	(erf) = vpow2.f32 v20;
	v47 =	vadd.f32 $-8.332839600e-02, v43  }
0x53: {  	v25 =	vadd.f32 $-1.570796370e+00, v50;
	v60 =	vmul.f32 $-3.999999910e-02, v58;
	v29 =	vmul.f32 v27, v53  }
0x54: {  	v26 =	vmul.f32 $1.442695020e+00, v26;
	v49 =	vmul.f32 v47, v28  }
0x55: {  	v54 =	vmul.f32 v25, v25;
	v32 =	vand.u32 $0x1, v16;
	v56 =	vsub.f32 $1.500000000e+00, v29  }
0x56: {  	v32 =	vcvt.s32.f32 v32;
	v29 =	vsub.f32 v57, v19;
	v36 =	vld.idx.msk [tilespmem:v48+s2+$0x0], $0xffff;
	v24 =	vadd.f32 $4.999996130e-01, v49  }
0x57: {  	v55 =	vmul.f32 $9.261724330e-05, v54;
	v20 =	vmul.f32 v27, v56  }
0x58: {  	v29 =	vmul.f32 v29, v29;
	v22 =	vmul.f32 v24, v22  }
0x59: {  	v53 =	vld.idx.msk [tilespmem:v48+s12+$0x0], $0xffff;
	v49 =	vshrl.u32 v16, $0x10;
	v30 =	vsub.f32 $4.156612790e-03, v55;
	v28 =	vmul.f32 v20, v52  }
0x5a: {  	v29 =	vadd.f32 v29, v31;
	v31 =	vld.idx.msk [tilespmem:v48+s13+$0x0], $0xffff;
	v48 =	vshrl.u32 v16, $0x1;
	v22 =	vsub.f32 $5.000000000e-01, v22  }
0x5b: {  	v33 =	vpop (erf);
	v59 =	vmul.f32 v30, v54;
	v30 =	vmul.f32 $1.442695020e+00, v60;
	v36 =	vsub.f32 v36, v18  }
0x5c: {  	v28 =	vmul.f32 v28, v20;
	v23 =	vadd.f32 v23, v29;
	v22 =	vmul.f32 v22, v33  }
0x5d: {  	v27 =	vadd.f32 $-8.332839600e-02, v59;
	(erf) = vpow2.f32 v30;
	v36 =	vmul.f32 v36, v36  }
0x5e: {  	v28 =	vsub.f32 $1.500000000e+00, v28;
	(erf) = vpow2.f32 v26;
	v45 =	vmul.f32 $5.000000000e-01, v23  }
0x5f: {  	v44 =	vshra.s32 v23, $0x1;
	v22 =	vmul.f32 v32, v22;
	v24 =	vmul.f32 v27, v54  }
0x60: {  	v63 =	vpop (erf);
	v32 =	vand.u32 $0x1, v49;
	v31 =	vsub.f32 v31, v17;
	v20 =	vmul.f32 v28, v20  }
0x61: {  	v27 =	vshrl.u32 v62, $0x10;
	v43 =	vmul.f32 v22, v63;
	v24 =	vadd.f32 $4.999996130e-01, v24  }
0x62: {  	v32 =	vcvt.s32.f32 v32;
	v22 =	vadd.f32 $0.0e+00, v22;
	v20 =	vmul.f32 v20, v21  }
0x63: {  	v21 =	vsub.s32 $0x5F3759DF, v44;
	v46 =	vmul.f32 v43, v63;
	v24 =	vmul.f32 v24, v25  }
0x64: {  	v54 =	vmul.f32 v31, v31;
	v47 =	vmul.f32 v21, v45;
	v20 =	vmin.f32 v20, $1.200000000e+01  }
0x65: {  	v24 =	vsub.f32 $5.000000000e-01, v24;
	v50 =	vmul.f32 $2.617993950e-01, v20;
	v34 =	vmul.f32 v46, v63  }
0x66: {  	v28 =	vadd.f32 $0.0e+00, v43;
	v25 =	vmul.f32 v21, v47;
	v41 =	vmul.f32 v20, v20;
	v35 =	vpop (erf)  }
0x67: {  	v20 =	vmul.f32 $1.199999970e-01, v20;
	v24 =	vmul.f32 v24, v35;
	v33 =	vadd.f32 $-1.570796370e+00, v50  }
0x68: {  	v51 =	vmul.f32 v34, v63;
	v25 =	vsub.f32 $1.500000000e+00, v25;
	v41 =	vmul.f32 $-3.999999910e-02, v41  }
0x69: {  	v29 =	vadd.f32 $0.0e+00, v46;
	v20 =	vmul.f32 $1.442695020e+00, v20;
	v24 =	vmul.f32 v32, v24  }
0x6a: {  	v34 =	vadd.f32 $0.0e+00, v34;
	v52 =	vmul.f32 v33, v33;
	v21 =	vmul.f32 v21, v25  }
0x6b: {  	v37 =	vmul.f32 v51, v63;
	v35 =	vadd.f32 $0.0e+00, v51;
	v41 =	vmul.f32 $1.442695020e+00, v41  }
0x6c: {  	v38 =	vpop (erf);
	v25 =	vsub.f32 v53, v19;
	v40 =	vmul.f32 $9.261724330e-05, v52;
	v26 =	vmul.f32 v21, v45  }
0x6d: {  	v39 =	vmul.f32 v24, v38;
	v42 =	vadd.f32 $0.0e+00, v37;
	v37 =	vmul.f32 v37, v63  }
0x6e: {  	v25 =	vmul.f32 v25, v25;
	v40 =	vsub.f32 $4.156612790e-03, v40;
	v26 =	vmul.f32 v26, v21  }
0x6f: {  	(erf) = vpow2.f32 v41;
	v22 =	vadd.f32 v24, v22;
	v43 =	vmul.f32 v39, v38  }
0x70: {  	(erf) = vpow2.f32 v20;
	v40 =	vmul.f32 v40, v52;
	v26 =	vsub.f32 $1.500000000e+00, v26  }
0x71: {  	v25 =	vadd.f32 v25, v36;
	v30 =	vmul.f32 v37, v63;
	v44 =	vmul.f32 v43, v38  }
0x72: {  	v31 =	vadd.f32 $0.0e+00, v37;
	v40 =	vadd.f32 $-8.332839600e-02, v40;
	v21 =	vmul.f32 v26, v21  }
0x73: {  	v28 =	vadd.f32 v39, v28;
	v30 =	vadd.f32 $0.0e+00, v30;
	v45 =	vmul.f32 v44, v38  }
0x74: {  	v29 =	vadd.f32 v43, v29;
	v32 =	vmul.f32 v40, v52;
	v21 =	vmul.f32 v21, v23  }
0x75: {  	v34 =	vadd.f32 v44, v34;
	v23 =	vadd.f32 v54, v25;
	v25 =	vmul.f32 v45, v38;
	v52 =	vld.idx.msk [tilespmem:v27+s2+$0x0], $0xffff  }
0x76: {  	v54 =	vld.idx.msk [tilespmem:v27+s12+$0x0], $0xffff;
	v35 =	vadd.f32 v45, v35;
	v55 =	vadd.f32 $4.999996130e-01, v32;
	v21 =	vmin.f32 v21, $1.200000000e+01  }
0x77: {  	v27 =	vld.idx.msk [tilespmem:v27+s13+$0x0], $0xffff;
	v56 =	vshra.s32 v23, $0x1;
	v57 =	vmul.f32 $5.000000000e-01, v23;
	v60 =	vmul.f32 v25, v38  }
0x78: {  	v58 =	vmul.f32 $2.617993950e-01, v21;
	v32 =	vsub.s32 $0x5F3759DF, v56;
	v53 =	vmul.f32 v21, v21  }
0x79: {  	v56 =	vor.u32 s22, v4;
	v21 =	vmul.f32 $1.199999970e-01, v21;
	v26 =	vmul.f32 v55, v33  }
0x7a: {  	v59 =	vmul.f32 v32, v57;
	v63 =	vmul.f32 v60, v38;
	v38 =	vand.u32 $0x1, v48  }
0x7b: {  	v20 =	vadd.f32 $-1.570796370e+00, v58;
	v38 =	vcvt.s32.f32 v38;
	v43 =	vmul.f32 $-3.999999910e-02, v53  }
0x7c: {  	v40 =	vsub.f32 v52, v18;
	v27 =	vsub.f32 v27, v17;
	v62 =	vmul.f32 v32, v59  }
0x7d: {  	v21 =	vmul.f32 $1.442695020e+00, v21;
	v61 =	vsub.f32 $5.000000000e-01, v26;
	v50 =	vmul.f32 v20, v20  }
0x7e: {  	v49 =	vpop (erf);
	v58 =	vmul.f32 $1.442695020e+00, v43;
	v40 =	vmul.f32 v40, v40;
	v26 =	vsub.f32 $1.500000000e+00, v62  }
0x7f: {  	v25 =	vadd.f32 v25, v42;
	v24 =	vmul.f32 v61, v49;
	v39 =	vld.idx.msk [tilespmem:v56+s11+$0x0], $0xffff;
	v51 =	vmul.f32 $9.261724330e-05, v50  }
0x80: {  	v31 =	vadd.f32 v60, v31;
	v27 =	vmul.f32 v27, v27;
	v26 =	vmul.f32 v32, v26  }
0x81: {  	(erf) = vpow2.f32 v58;
	v24 =	vmul.f32 v38, v24;
	v55 =	vsub.f32 $4.156612790e-03, v51  }
0x82: {  	v44 =	vpop (erf);
	v32 =	vsub.f32 v54, v19;
	(erf) = vpow2.f32 v21;
	v36 =	vmul.f32 v26, v57  }
0x83: {  	v30 =	vadd.f32 v63, v30;
	v57 =	vmul.f32 v24, v44;
	v38 =	vmul.f32 v55, v50  }
0x84: {  	v32 =	vmul.f32 v32, v32;
	v62 =	vand.u32 $0xFFFF, v39;
	v36 =	vmul.f32 v36, v26  }
0x85: {  	v22 =	vadd.f32 v24, v22;
	v59 =	vmul.f32 v57, v44;
	v38 =	vadd.f32 $-8.332839600e-02, v38  }
0x86: {  	v39 =	vshrl.u32 v39, $0x10;
	v32 =	vadd.f32 v32, v40;
	v36 =	vsub.f32 $1.500000000e+00, v36  }
0x87: {  	v28 =	vadd.f32 v57, v28;
	v61 =	vmul.f32 v59, v44;
	v60 =	vmul.f32 v38, v50  }
0x88: {  	v29 =	vadd.f32 v59, v29;
	v50 =	vshrl.u32 v16, $0x11;
	v26 =	vmul.f32 v36, v26  }
0x89: {  	v48 =	vmul.f32 v61, v44;
	v38 =	vand.u32 $0x1, v50;
	v46 =	vld.idx.msk [tilespmem:v62+s2+$0x0], $0xffff;
	v37 =	vadd.f32 $4.999996130e-01, v60  }
0x8a: {  	v54 =	vld.idx.msk [tilespmem:v62+s12+$0x0], $0xffff;
	v38 =	vcvt.s32.f32 v38;
	v23 =	vmul.f32 v26, v23;
	v26 =	vadd.f32 v27, v32  }
0x8b: {  	v34 =	vadd.f32 v61, v34;
	v52 =	vmul.f32 v48, v44;
	v20 =	vmul.f32 v37, v20  }
0x8c: {  	v63 =	vmin.f32 v23, $1.200000000e+01;
	v47 =	vshra.s32 v26, $0x1;
	v32 =	vmul.f32 $5.000000000e-01, v26  }
0x8d: {  	v56 =	vmul.f32 v52, v44;
	v25 =	vadd.f32 v52, v25;
	v52 =	vshrl.u32 v16, $0x2  }
0x8e: {  	v27 =	vld.idx.msk [tilespmem:v62+s13+$0x0], $0xffff;
	v49 =	vmul.f32 $2.617993950e-01, v63;
	v23 =	vsub.s32 $0x5F3759DF, v47;
	v20 =	vsub.f32 $5.000000000e-01, v20  }
0x8f: {  	v58 =	vmul.f32 v63, v63;
	v60 =	vsub.f32 v46, v18;
	v40 =	vsub.f32 v54, v19  }
0x90: {  	v21 =	vmul.f32 $1.199999970e-01, v63;
	v41 =	vand.u32 $0x1, v52;
	v51 =	vmul.f32 v23, v32  }
0x91: {  	v42 =	vpop (erf);
	v61 =	vmul.f32 v56, v44;
	v31 =	vadd.f32 v56, v31;
	v56 =	vcvt.s32.f32 v41  }
0x92: {  	v37 =	vadd.f32 $-1.570796370e+00, v49;
	v20 =	vmul.f32 v20, v42;
	v45 =	vmul.f32 v60, v60  }
0x93: {  	v27 =	vsub.f32 v27, v17;
	v40 =	vmul.f32 v40, v40;
	v53 =	vmul.f32 v23, v51  }
0x94: {  	v33 =	vadd.f32 v48, v35;
	v55 =	vmul.f32 v37, v37;
	v20 =	vmul.f32 v38, v20  }
0x95: {  	v38 =	vmul.f32 $-3.999999910e-02, v58;
	v40 =	vadd.f32 v40, v45;
	v27 =	vmul.f32 v27, v27  }
0x96: {  	v35 =	vpop (erf);
	v21 =	vmul.f32 $1.442695020e+00, v21;
	v24 =	vsub.f32 $1.500000000e+00, v53;
	v57 =	vmul.f32 $9.261724330e-05, v55  }
0x97: {  	v59 =	vmul.f32 v20, v35;
	v38 =	vmul.f32 $1.442695020e+00, v38;
	v27 =	vadd.f32 v27, v40  }
0x98: {  	v30 =	vadd.f32 v61, v30;
	v23 =	vmul.f32 v23, v24;
	v36 =	vsub.f32 $4.156612790e-03, v57  }
0x99: {  	v62 =	vmul.f32 v59, v35;
	(erf) = vpow2.f32 v38;
	v43 =	vshra.s32 v27, $0x1;
	v57 =	vld.idx.msk [tilespmem:v39+s2+$0x0], $0xffff  }
0x9a: {  	v45 =	vmul.f32 $5.000000000e-01, v27;
	v24 =	vadd.f32 v59, v28;
	v59 =	vld.idx.msk [tilespmem:v39+s12+$0x0], $0xffff;
	v32 =	vmul.f32 v23, v32  }
0x9b: {  	v39 =	vld.idx.msk [tilespmem:v39+s13+$0x0], $0xffff;
	v46 =	vsub.s32 $0x5F3759DF, v43;
	(erf) = vpow2.f32 v21;
	v36 =	vmul.f32 v36, v55  }
0x9c: {  	v47 =	vmul.f32 v62, v35;
	v48 =	vmul.f32 v46, v45;
	v29 =	vadd.f32 v62, v29  }
0x9d: {  	v62 =	vor.u32 s22, v5;
	v32 =	vmul.f32 v32, v23;
	v36 =	vadd.f32 $-8.332839600e-02, v36  }
0x9e: {  	v40 =	vmul.f32 v46, v48;
	v49 =	vmul.f32 v47, v35;
	v34 =	vadd.f32 v47, v34  }
0x9f: {  	v32 =	vsub.f32 $1.500000000e+00, v32;
	v42 =	vsub.f32 v59, v19;
	v63 =	vmul.f32 v36, v55  }
0xa0: {  	v47 =	vsub.f32 v39, v17;
	v50 =	vsub.f32 $1.500000000e+00, v40;
	v51 =	vmul.f32 v49, v35  }
0xa1: {  	v23 =	vmul.f32 v32, v23;
	v48 =	vmul.f32 v42, v42;
	v32 =	vadd.f32 $4.999996130e-01, v63  }
0xa2: {  	v60 =	vmul.f32 v51, v35;
	v25 =	vadd.f32 v51, v25;
	v51 =	vmul.f32 v47, v47  }
0xa3: {  	v20 =	vadd.f32 v20, v22;
	v23 =	vmul.f32 v23, v26;
	v26 =	vmul.f32 v46, v50  }
0xa4: {  	v22 =	vadd.f32 v49, v33;
	v32 =	vmul.f32 v32, v37;
	v35 =	vmul.f32 v60, v35  }
0xa5: {  	v37 =	vsub.f32 v57, v18;
	v21 =	vmin.f32 v23, $1.200000000e+01;
	v38 =	vmul.f32 v26, v45  }
0xa6: {  	v23 =	vmul.f32 $2.617993950e-01, v21;
	v32 =	vsub.f32 $5.000000000e-01, v32;
	v63 =	vmul.f32 v21, v21  }
0xa7: {  	v42 =	vld.idx.msk [tilespmem:v62+s11+$0x0], $0xffff;
	v53 =	vpop (erf);
	v31 =	vadd.f32 v60, v31;
	v21 =	vmul.f32 $1.199999970e-01, v21;
	v38 =	vmul.f32 v38, v26  }
0xa8: {  	v37 =	vmul.f32 v37, v37;
	v23 =	vadd.f32 $-1.570796370e+00, v23;
	v55 =	vmul.f32 v32, v53  }
0xa9: {  	v45 =	vmul.f32 $-3.999999910e-02, v63;
	v21 =	vmul.f32 $1.442695020e+00, v21;
	v38 =	vsub.f32 $1.500000000e+00, v38  }
0xaa: {  	v30 =	vadd.f32 v35, v30;
	v54 =	vmul.f32 v23, v23;
	v28 =	vmul.f32 v56, v55  }
0xab: {  	v50 =	vadd.f32 v48, v37;
	v32 =	vpop (erf);
	v49 =	vmul.f32 $1.442695020e+00, v45;
	v26 =	vmul.f32 v38, v26  }
0xac: {  	v55 =	vand.u32 $0xFFFF, v42;
	v58 =	vmul.f32 $9.261724330e-05, v54;
	v41 =	vmul.f32 v28, v32  }
0xad: {  	(erf) = vpow2.f32 v49;
	v20 =	vadd.f32 v28, v20;
	v26 =	vmul.f32 v26, v27  }
0xae: {  	v27 =	vadd.f32 v51, v50;
	(erf) = vpow2.f32 v21;
	v61 =	vsub.f32 $4.156612790e-03, v58  }
0xaf: {  	v46 =	vmul.f32 v41, v32;
	v58 =	vshrl.u32 v16, $0x12;
	v24 =	vadd.f32 v41, v24  }
0xb0: {  	v26 =	vmin.f32 v26, $1.200000000e+01;
	v53 =	vshra.s32 v27, $0x1;
	v33 =	vmul.f32 v61, v54  }
0xb1: {  	v43 =	vand.u32 $0x1, v58;
	v36 =	vmul.f32 v46, v32;
	v52 =	vmul.f32 $2.617993950e-01, v26  }
0xb2: {  	v56 =	vsub.s32 $0x5F3759DF, v53;
	v50 =	vmul.f32 v26, v26;
	v26 =	vmul.f32 $1.199999970e-01, v26  }
0xb3: {  	v43 =	vcvt.s32.f32 v43;
	v33 =	vadd.f32 $-8.332839600e-02, v33;
	v57 =	vmul.f32 v36, v32  }
0xb4: {  	v62 =	vld.idx.msk [tilespmem:v55+s2+$0x0], $0xffff;
	v21 =	vadd.f32 $-1.570796370e+00, v52;
	v52 =	vmul.f32 $-3.999999910e-02, v50;
	v26 =	vmul.f32 $1.442695020e+00, v26  }
0xb5: {  	v29 =	vadd.f32 v46, v29;
	v33 =	vmul.f32 v33, v54;
	v54 =	vmul.f32 $5.000000000e-01, v27  }
0xb6: {  	v34 =	vadd.f32 v36, v34;
	v59 =	vmul.f32 v21, v21;
	v60 =	vmul.f32 v57, v32  }
0xb7: {  	v36 =	vmul.f32 $1.442695020e+00, v52;
	v33 =	vadd.f32 $4.999996130e-01, v33;
	v38 =	vmul.f32 v56, v54  }
0xb8: {  	v22 =	vadd.f32 v57, v22;
	v61 =	vmul.f32 $9.261724330e-05, v59;
	v63 =	vmul.f32 v60, v32  }
0xb9: {  	v51 =	vld.idx.msk [tilespmem:v55+s13+$0x0], $0xffff;
	v53 =	vsub.f32 v62, v18;
	v23 =	vmul.f32 v33, v23;
	v38 =	vmul.f32 v56, v38  }
0xba: {  	v48 =	vld.idx.msk [tilespmem:v55+s12+$0x0], $0xffff;
	v47 =	vpop (erf);
	(erf) = vpow2.f32 v36;
	v25 =	vadd.f32 v60, v25;
	v28 =	vsub.f32 $4.156612790e-03, v61  }
0xbb: {  	v32 =	vmul.f32 v63, v32;
	v23 =	vsub.f32 $5.000000000e-01, v23;
	v38 =	vsub.f32 $1.500000000e+00, v38  }
0xbc: {  	v35 =	vpop (erf);
	(erf) = vpow2.f32 v26;
	v31 =	vadd.f32 v63, v31;
	v28 =	vmul.f32 v28, v59  }
0xbd: {  	v30 =	vadd.f32 v32, v30;
	v23 =	vmul.f32 v23, v47;
	v37 =	vmul.f32 v56, v38  }
0xbe: {  	v28 =	vadd.f32 $-8.332839600e-02, v28;
	v38 =	vsub.f32 v51, v17;
	v47 =	vshrl.u32 v16, $0x3  }
0xbf: {  	v23 =	vmul.f32 v43, v23;
	v39 =	vmul.f32 v37, v54;
	v54 =	vsub.f32 v48, v19  }
0xc0: {  	v43 =	vmul.f32 v53, v53;
	v28 =	vmul.f32 v28, v59;
	v59 =	vshrl.u32 v42, $0x10  }
0xc1: {  	v41 =	vand.u32 $0x1, v47;
	v39 =	vmul.f32 v39, v37;
	v45 =	vmul.f32 v54, v54  }
0xc2: {  	v38 =	vmul.f32 v38, v38;
	v40 =	vmul.f32 v23, v35;
	v28 =	vadd.f32 $4.999996130e-01, v28  }
0xc3: {  	v41 =	vcvt.s32.f32 v41;
	v55 =	vsub.f32 $1.500000000e+00, v39;
	v56 =	vadd.f32 v45, v43  }
0xc4: {  	v20 =	vadd.f32 v23, v20;
	v57 =	vmul.f32 v40, v35;
	v21 =	vmul.f32 v28, v21  }
0xc5: {  	v24 =	vadd.f32 v40, v24;
	v51 =	vld.idx.msk [tilespmem:v59+s2+$0x0], $0xffff;
	v36 =	vmul.f32 v55, v37;
	v33 =	vadd.f32 v38, v56  }
0xc6: {  	v53 =	vld.idx.msk [tilespmem:v59+s12+$0x0], $0xffff;
	v62 =	vmul.f32 v57, v35;
	v21 =	vsub.f32 $5.000000000e-01, v21;
	v29 =	vadd.f32 v57, v29  }
0xc7: {  	v50 =	vpop (erf);
	v58 =	vmul.f32 v36, v27;
	v60 =	vshra.s32 v33, $0x1;
	v38 =	vmul.f32 $5.000000000e-01, v33  }
0xc8: {  	v49 =	vmul.f32 v62, v35;
	v21 =	vmul.f32 v21, v50;
	v61 =	vsub.s32 $0x5F3759DF, v60  }
0xc9: {  	v27 =	vld.idx.msk [tilespmem:v59+s13+$0x0], $0xffff;
	v34 =	vadd.f32 v62, v34;
	v59 =	vor.u32 s22, v6;
	v63 =	vmul.f32 v61, v38  }
0xca: {  	v26 =	vmin.f32 v58, $1.200000000e+01;
	v52 =	vmul.f32 v49, v35;
	v21 =	vmul.f32 v41, v21  }
0xcb: {  	v44 =	vsub.f32 v51, v18;
	v45 =	vsub.f32 v53, v19;
	v48 =	vmul.f32 $2.617993950e-01, v26  }
0xcc: {  	v22 =	vadd.f32 v49, v22;
	v58 =	vmul.f32 v26, v26;
	v26 =	vmul.f32 $1.199999970e-01, v26  }
0xcd: {  	v41 =	vpop (erf);
	v49 =	vshrl.u32 v16, $0x13;
	v39 =	vmul.f32 v61, v63;
	v55 =	vmul.f32 v52, v35  }
0xce: {  	v56 =	vmul.f32 v21, v41;
	v44 =	vmul.f32 v44, v44;
	v25 =	vadd.f32 v52, v25  }
0xcf: {  	v45 =	vmul.f32 v45, v45;
	v20 =	vadd.f32 v21, v20;
	v42 =	vadd.f32 $-1.570796370e+00, v48  }
0xd0: {  	v36 =	vmul.f32 $-3.999999910e-02, v58;
	v27 =	vsub.f32 v27, v17;
	v26 =	vmul.f32 $1.442695020e+00, v26  }
0xd1: {  	v39 =	vsub.f32 $1.500000000e+00, v39;
	v60 =	vadd.f32 v45, v44;
	v35 =	vmul.f32 v55, v35;
	v45 =	vld.idx.msk [tilespmem:v59+s11+$0x0], $0xffff  }
0xd2: {  	v31 =	vadd.f32 v55, v31;
	v54 =	vmul.f32 v42, v42;
	v36 =	vmul.f32 $1.442695020e+00, v36  }
0xd3: {  	v24 =	vadd.f32 v56, v24;
	v27 =	vmul.f32 v27, v27;
	v28 =	vmul.f32 v61, v39  }
0xd4: {  	v61 =	vmul.f32 v56, v41;
	v30 =	vadd.f32 v35, v30;
	v57 =	vmul.f32 $9.261724330e-05, v54  }
0xd5: {  	(erf) = vpow2.f32 v36;
	v27 =	vadd.f32 v27, v60;
	v38 =	vmul.f32 v28, v38  }
0xd6: {  	v50 =	vmul.f32 v61, v41;
	v39 =	vsub.f32 $4.156612790e-03, v57;
	v46 =	vand.u32 $0xFFFF, v45  }
0xd7: {  	v62 =	vshra.s32 v27, $0x1;
	v63 =	vmul.f32 $5.000000000e-01, v27;
	v38 =	vmul.f32 v38, v28  }
0xd8: {  	v32 =	vsub.s32 $0x5F3759DF, v62;
	v51 =	vmul.f32 v50, v41;
	v39 =	vmul.f32 v39, v54  }
0xd9: {  	v36 =	vand.u32 $0x1, v49;
	v43 =	vmul.f32 v32, v63;
	v38 =	vsub.f32 $1.500000000e+00, v38  }
0xda: {  	(erf) = vpow2.f32 v26;
	v21 =	vmul.f32 v51, v41;
	v39 =	vadd.f32 $-8.332839600e-02, v39  }
0xdb: {  	v29 =	vadd.f32 v61, v29;
	v48 =	vmul.f32 v32, v43;
	v28 =	vmul.f32 v38, v28;
	v55 =	vld.idx.msk [tilespmem:v46+s12+$0x0], $0xffff  }
0xdc: {  	v38 =	vld.idx.msk [tilespmem:v46+s13+$0x0], $0xffff;
	v25 =	vadd.f32 v21, v25;
	v21 =	vmul.f32 v21, v41;
	v23 =	vmul.f32 v39, v54  }
0xdd: {  	v34 =	vadd.f32 v50, v34;
	v35 =	vsub.f32 $1.500000000e+00, v48;
	v54 =	vld.idx.msk [tilespmem:v46+s2+$0x0], $0xffff;
	v28 =	vmul.f32 v28, v33  }
0xde: {  	v36 =	vcvt.s32.f32 v36;
	v31 =	vadd.f32 v21, v31;
	v23 =	vadd.f32 $4.999996130e-01, v23  }
0xdf: {  	v21 =	vmul.f32 v21, v41;
	v32 =	vmul.f32 v32, v35;
	v28 =	vmin.f32 v28, $1.200000000e+01  }
0xe0: {  	v50 =	vshrl.u32 v16, $0x4;
	v47 =	vmul.f32 $2.617993950e-01, v28;
	v23 =	vmul.f32 v23, v42  }
0xe1: {  	v57 =	vmul.f32 v28, v28;
	v33 =	vmul.f32 v32, v63;
	v35 =	vsub.f32 v55, v19  }
0xe2: {  	v38 =	vsub.f32 v38, v17;
	v28 =	vmul.f32 $1.199999970e-01, v28;
	v43 =	vsub.f32 v54, v18  }
0xe3: {  	v26 =	vadd.f32 $-1.570796370e+00, v47;
	v39 =	vmul.f32 $-3.999999910e-02, v57;
	v33 =	vmul.f32 v33, v32  }
0xe4: {  	v23 =	vsub.f32 $5.000000000e-01, v23;
	v35 =	vmul.f32 v35, v35;
	v59 =	vmul.f32 v38, v38  }
0xe5: {  	v22 =	vadd.f32 v51, v22;
	v52 =	vpop (erf);
	v28 =	vmul.f32 $1.442695020e+00, v28;
	v53 =	vmul.f32 v26, v26  }
0xe6: {  	v43 =	vmul.f32 v43, v43;
	v23 =	vmul.f32 v23, v52;
	v33 =	vsub.f32 $1.500000000e+00, v33  }
0xe7: {  	v48 =	vshrl.u32 v45, $0x10;
	v39 =	vmul.f32 $1.442695020e+00, v39;
	v56 =	vmul.f32 $9.261724330e-05, v53  }
0xe8: {  	v21 =	vadd.f32 v21, v30;
	v23 =	vmul.f32 v36, v23;
	v32 =	vmul.f32 v33, v32  }
0xe9: {  	v58 =	vadd.f32 v35, v43;
	v36 =	vpop (erf);
	(erf) = vpow2.f32 v39;
	v37 =	vsub.f32 $4.156612790e-03, v56  }
0xea: {  	v43 =	vand.u32 $0x1, v50;
	v40 =	vmul.f32 v23, v36;
	v27 =	vmul.f32 v32, v27  }
0xeb: {  	(erf) = vpow2.f32 v28;
	v32 =	vadd.f32 v59, v58;
	v37 =	vmul.f32 v37, v53  }
0xec: {  	v20 =	vadd.f32 v23, v20;
	v44 =	vmul.f32 v40, v36;
	v27 =	vmin.f32 v27, $1.200000000e+01  }
0xed: {  	v35 =	vld.idx.msk [tilespmem:v48+s13+$0x0], $0xffff;
	v63 =	vmul.f32 $5.000000000e-01, v32;
	v47 =	vmul.f32 $2.617993950e-01, v27;
	v37 =	vadd.f32 $-8.332839600e-02, v37  }
0xee: {  	v62 =	vshra.s32 v32, $0x1;
	v56 =	vmul.f32 v27, v27;
	v27 =	vmul.f32 $1.199999970e-01, v27  }
0xef: {  	v60 =	vmul.f32 v44, v36;
	v28 =	vadd.f32 $-1.570796370e+00, v47;
	v37 =	vmul.f32 v37, v53  }
0xf0: {  	v24 =	vadd.f32 v40, v24;
	v23 =	vmul.f32 $-3.999999910e-02, v56;
	v27 =	vmul.f32 $1.442695020e+00, v27  }
0xf1: {  	v52 =	vmul.f32 v28, v28;
	v61 =	vadd.f32 $4.999996130e-01, v37;
	v37 =	vsub.s32 $0x5F3759DF, v62  }
0xf2: {  	v45 =	vsub.f32 v35, v17;
	v42 =	vmul.f32 v60, v36;
	v49 =	vmul.f32 v37, v63  }
0xf3: {  	v29 =	vadd.f32 v44, v29;
	v53 =	vcvt.s32.f32 v43;
	v54 =	vmul.f32 $9.261724330e-05, v52  }
0xf4: {  	v55 =	vld.idx.msk [tilespmem:v48+s2+$0x0], $0xffff;
	v33 =	vadd.f32 v60, v34;
	v34 =	vmul.f32 v45, v45;
	v39 =	vmul.f32 v37, v49  }
0xf5: {  	v23 =	vmul.f32 $1.442695020e+00, v23;
	v41 =	vmul.f32 v42, v36;
	v59 =	vsub.f32 $4.156612790e-03, v54  }
0xf6: {  	v62 =	vor.u32 s22, v7;
	v26 =	vmul.f32 v61, v26;
	v39 =	vsub.f32 $1.500000000e+00, v39  }
0xf7: {  	v57 =	vld.idx.msk [tilespmem:v48+s12+$0x0], $0xffff;
	v51 =	vpop (erf);
	v22 =	vadd.f32 v42, v22;
	(erf) = vpow2.f32 v23;
	v30 =	vmul.f32 v59, v52  }
0xf8: {  	v58 =	vmul.f32 v41, v36;
	v26 =	vsub.f32 $5.000000000e-01, v26;
	v37 =	vmul.f32 v37, v39  }
0xf9: {  	v40 =	vpop (erf);
	v61 =	vsub.f32 v55, v18;
	(erf) = vpow2.f32 v27;
	v30 =	vadd.f32 $-8.332839600e-02, v30  }
0xfa: {  	v25 =	vadd.f32 v41, v25;
	v26 =	vmul.f32 v26, v51;
	v38 =	vmul.f32 v37, v63  }
0xfb: {  	v54 =	vshrl.u32 v16, $0x14;
	v48 =	vmul.f32 v61, v61;
	v30 =	vmul.f32 v30, v52  }
0xfc: {  	v39 =	vsub.f32 v57, v19;
	v26 =	vmul.f32 v53, v26;
	v60 =	vmul.f32 v38, v37  }
0xfd: {  	v36 =	vmul.f32 v58, v36;
	v42 =	vand.u32 $0x1, v54;
	v30 =	vadd.f32 $4.999996130e-01, v30  }
0xfe: {  	v49 =	vmul.f32 v39, v39;
	v43 =	vmul.f32 v26, v40;
	v63 =	vsub.f32 $1.500000000e+00, v60  }
0xff: {  	v31 =	vadd.f32 v58, v31;
	v21 =	vadd.f32 v36, v21;
	v28 =	vmul.f32 v30, v28  }
0x100: {  	v35 =	vadd.f32 v49, v48;
	v38 =	vmul.f32 v43, v40;
	v23 =	vmul.f32 v63, v37  }
0x101: {  	v42 =	vcvt.s32.f32 v42;
	v20 =	vadd.f32 v26, v20;
	v37 =	vld.idx.msk [tilespmem:v62+s11+$0x0], $0xffff;
	v28 =	vsub.f32 $5.000000000e-01, v28  }
0x102: {  	v56 =	vpop (erf);
	v23 =	vmul.f32 v23, v32;
	v32 =	vadd.f32 v34, v35;
	v34 =	vmul.f32 v38, v40  }
0x103: {  	v24 =	vadd.f32 v43, v24;
	v29 =	vadd.f32 v38, v29;
	v28 =	vmul.f32 v28, v56  }
0x104: {  	v23 =	vmin.f32 v23, $1.200000000e+01;
	v30 =	vmul.f32 $5.000000000e-01, v32;
	v55 =	vmul.f32 v34, v40  }
0x105: {  	v50 =	vshra.s32 v32, $0x1;
	v26 =	vmul.f32 v42, v28;
	v51 =	vmul.f32 $2.617993950e-01, v23  }
0x106: {  	v27 =	vsub.s32 $0x5F3759DF, v50;
	v53 =	vand.u32 $0xFFFF, v37;
	v61 =	vmul.f32 v23, v23  }
0x107: {  	v43 =	vpop (erf);
	v33 =	vadd.f32 v34, v33;
	v23 =	vmul.f32 $1.199999970e-01, v23;
	v52 =	vmul.f32 v27, v30  }
0x108: {  	v37 =	vshrl.u32 v37, $0x10;
	v58 =	vmul.f32 v55, v40;
	v48 =	vmul.f32 v26, v43  }
0x109: {  	v35 =	vadd.f32 $-1.570796370e+00, v51;
	v49 =	vmul.f32 $-3.999999910e-02, v61;
	v23 =	vmul.f32 $1.442695020e+00, v23  }
0x10a: {  	v22 =	vadd.f32 v55, v22;
	v39 =	vmul.f32 v27, v52;
	v63 =	vmul.f32 v58, v40  }
0x10b: {  	v20 =	vadd.f32 v26, v20;
	v34 =	vmul.f32 v48, v43;
	v57 =	vmul.f32 v35, v35;
	v60 =	vld.idx.msk [tilespmem:v53+s2+$0x0], $0xffff  }
0x10c: {  	v25 =	vadd.f32 v58, v25;
	v38 =	vmul.f32 $1.442695020e+00, v49;
	v39 =	vsub.f32 $1.500000000e+00, v39;
	v62 =	vld.idx.msk [tilespmem:v53+s12+$0x0], $0xffff  }
0x10d: {  	v24 =	vadd.f32 v48, v24;
	v41 =	vld.idx.msk [tilespmem:v53+s13+$0x0], $0xffff;
	v44 =	vmul.f32 v34, v43;
	v59 =	vmul.f32 $9.261724330e-05, v57  }
0x10e: {  	v54 =	vmul.f32 v63, v40;
	v31 =	vadd.f32 v63, v31;
	v27 =	vmul.f32 v27, v39  }
0x10f: {  	v29 =	vadd.f32 v34, v29;
	(erf) = vpow2.f32 v38;
	v28 =	vsub.f32 $4.156612790e-03, v59  }
0x110: {  	(erf) = vpow2.f32 v23;
	v21 =	vadd.f32 v54, v21;
	v30 =	vmul.f32 v27, v30  }
0x111: {  	v28 =	vmul.f32 v28, v57;
	v42 =	vsub.f32 v60, v18;
	v39 =	vsub.f32 v62, v19  }
0x112: {  	v54 =	vor.u32 s22, v8;
	v50 =	vsub.f32 v41, v17;
	v30 =	vmul.f32 v30, v27  }
0x113: {  	v28 =	vadd.f32 $-8.332839600e-02, v28;
	v51 =	vmul.f32 v42, v42;
	v39 =	vmul.f32 v39, v39  }
0x114: {  	v33 =	vadd.f32 v44, v33;
	v60 =	vshrl.u32 v16, $0x5;
	v30 =	vsub.f32 $1.500000000e+00, v30  }
0x115: {  	v53 =	vmul.f32 v50, v50;
	v28 =	vmul.f32 v28, v57;
	v52 =	vadd.f32 v39, v51  }
0x116: {  	v42 =	vand.u32 $0x1, v60;
	v39 =	vmul.f32 v44, v43;
	v27 =	vmul.f32 v30, v27  }
0x117: {  	v62 =	vcvt.s32.f32 v42;
	v28 =	vadd.f32 $4.999996130e-01, v28;
	v30 =	vadd.f32 v53, v52  }
0x118: {  	v51 =	vld.idx.msk [tilespmem:v37+s2+$0x0], $0xffff;
	v56 =	vmul.f32 v39, v43;
	v22 =	vadd.f32 v39, v22;
	v27 =	vmul.f32 v27, v32  }
0x119: {  	v53 =	vld.idx.msk [tilespmem:v37+s12+$0x0], $0xffff;
	v28 =	vmul.f32 v28, v35;
	v55 =	vshra.s32 v30, $0x1;
	v32 =	vmul.f32 $5.000000000e-01, v30  }
0x11a: {  	v37 =	vld.idx.msk [tilespmem:v37+s13+$0x0], $0xffff;
	v59 =	vmul.f32 v56, v43;
	v23 =	vmin.f32 v27, $1.200000000e+01;
	v27 =	vsub.s32 $0x5F3759DF, v55  }
0x11b: {  	v25 =	vadd.f32 v56, v25;
	v57 =	vmul.f32 $2.617993950e-01, v23;
	v58 =	vmul.f32 v27, v32  }
0x11c: {  	v35 =	vld.idx.msk [tilespmem:v54+s11+$0x0], $0xffff;
	v28 =	vsub.f32 $5.000000000e-01, v28;
	v49 =	vmul.f32 v59, v43;
	v52 =	vmul.f32 v23, v23  }
0x11d: {  	v61 =	vpop (erf);
	v43 =	vsub.f32 v51, v18;
	v31 =	vadd.f32 v59, v31;
	v23 =	vmul.f32 $1.199999970e-01, v23  }
0x11e: {  	v36 =	vadd.f32 $-1.570796370e+00, v57;
	v28 =	vmul.f32 v28, v61;
	v40 =	vmul.f32 v27, v58  }
0x11f: {  	v37 =	vsub.f32 v37, v17;
	v55 =	vmul.f32 $-3.999999910e-02, v52;
	v43 =	vmul.f32 v43, v43  }
0x120: {  	v23 =	vmul.f32 $1.442695020e+00, v23;
	v21 =	vadd.f32 v49, v21;
	v63 =	vmul.f32 v36, v36  }
0x121: {  	v37 =	vmul.f32 v37, v37;
	v59 =	vand.u32 $0xFFFF, v35;
	v40 =	vsub.f32 $1.500000000e+00, v40  }
0x122: {  	v49 =	vshrl.u32 v16, $0x15;
	v28 =	vmul.f32 v62, v28;
	v50 =	vmul.f32 $9.261724330e-05, v63  }
0x123: {  	v34 =	vpop (erf);
	v41 =	vand.u32 $0x1, v49;
	v56 =	vmul.f32 $1.442695020e+00, v55;
	v27 =	vmul.f32 v27, v40  }
0x124: {  	v41 =	vcvt.s32.f32 v41;
	v46 =	vmul.f32 v28, v34;
	v38 =	vsub.f32 $4.156612790e-03, v50  }
0x125: {  	v40 =	vsub.f32 v53, v19;
	(erf) = vpow2.f32 v56;
	v32 =	vmul.f32 v27, v32  }
0x126: {  	v35 =	vshrl.u32 v35, $0x10;
	v39 =	vmul.f32 v46, v34;
	v55 =	vld.idx.msk [tilespmem:v59+s12+$0x0], $0xffff;
	v38 =	vmul.f32 v38, v63  }
0x127: {  	v20 =	vadd.f32 v28, v20;
	v40 =	vmul.f32 v40, v40;
	v32 =	vmul.f32 v32, v27  }
0x128: {  	v24 =	vadd.f32 v46, v24;
	v44 =	vmul.f32 v39, v34;
	v38 =	vadd.f32 $-8.332839600e-02, v38  }
0x129: {  	(erf) = vpow2.f32 v23;
	v57 =	vadd.f32 v40, v43;
	v32 =	vsub.f32 $1.500000000e+00, v32  }
0x12a: {  	v29 =	vadd.f32 v39, v29;
	v58 =	vmul.f32 v44, v34;
	v38 =	vmul.f32 v38, v63  }
0x12b: {  	v33 =	vadd.f32 v44, v33;
	v42 =	vsub.f32 v55, v19;
	v27 =	vmul.f32 v32, v27  }
0x12c: {  	v63 =	vmul.f32 v58, v34;
	v32 =	vld.idx.msk [tilespmem:v59+s13+$0x0], $0xffff;
	v22 =	vadd.f32 v58, v22;
	v38 =	vadd.f32 $4.999996130e-01, v38  }
0x12d: {  	v42 =	vmul.f32 v42, v42;
	v27 =	vmul.f32 v27, v30;
	v30 =	vadd.f32 v37, v57  }
0x12e: {  	v53 =	vld.idx.msk [tilespmem:v59+s2+$0x0], $0xffff;
	v51 =	vmul.f32 v63, v34;
	v25 =	vadd.f32 v63, v25;
	v60 =	vmul.f32 v38, v36  }
0x12f: {  	v23 =	vmin.f32 v27, $1.200000000e+01;
	v61 =	vshra.s32 v30, $0x1;
	v62 =	vmul.f32 $5.000000000e-01, v30  }
0x130: {  	v34 =	vmul.f32 v51, v34;
	v48 =	vmul.f32 $2.617993950e-01, v23;
	v27 =	vsub.s32 $0x5F3759DF, v61  }
0x131: {  	v31 =	vadd.f32 v51, v31;
	v32 =	vsub.f32 v32, v17;
	v50 =	vmul.f32 v27, v62  }
0x132: {  	v58 =	vmul.f32 v23, v23;
	v26 =	vsub.f32 $5.000000000e-01, v60;
	v38 =	vadd.f32 $-1.570796370e+00, v48  }
0x133: {  	v52 =	vpop (erf);
	v23 =	vmul.f32 $1.199999970e-01, v23;
	v60 =	vsub.f32 v53, v18;
	v54 =	vmul.f32 v27, v50  }
0x134: {  	v51 =	vshrl.u32 v16, $0x6;
	v26 =	vmul.f32 v26, v52;
	v56 =	vmul.f32 v38, v38  }
0x135: {  	v32 =	vmul.f32 v32, v32;
	v44 =	vmul.f32 v60, v60;
	v28 =	vsub.f32 $1.500000000e+00, v54  }
0x136: {  	v21 =	vadd.f32 v34, v21;
	v26 =	vmul.f32 v41, v26;
	v57 =	vmul.f32 $9.261724330e-05, v56  }
0x137: {  	v40 =	vpop (erf);
	v34 =	vand.u32 $0x1, v51;
	v41 =	vmul.f32 $-3.999999910e-02, v58;
	v27 =	vmul.f32 v27, v28  }
0x138: {  	v23 =	vmul.f32 $1.442695020e+00, v23;
	v59 =	vmul.f32 v26, v40;
	v39 =	vsub.f32 $4.156612790e-03, v57  }
0x139: {  	v63 =	vadd.f32 v42, v44;
	v36 =	vmul.f32 v27, v62;
	v62 =	vmul.f32 $1.442695020e+00, v41  }
0x13a: {  	v51 =	vshrl.u32 v16, $0x16;
	v44 =	vmul.f32 v59, v40;
	v61 =	vmul.f32 v39, v56  }
0x13b: {  	v34 =	vcvt.s32.f32 v34;
	v32 =	vadd.f32 v32, v63;
	v36 =	vmul.f32 v36, v27  }
0x13c: {  	(erf) = vpow2.f32 v62;
	v50 =	vmul.f32 v44, v40;
	v37 =	vadd.f32 $-8.332839600e-02, v61  }
0x13d: {  	v46 =	vshra.s32 v32, $0x1;
	v41 =	vmul.f32 $5.000000000e-01, v32;
	v36 =	vsub.f32 $1.500000000e+00, v36  }
0x13e: {  	v47 =	vsub.s32 $0x5F3759DF, v46;
	v53 =	vmul.f32 v50, v40;
	v37 =	vmul.f32 v37, v56  }
0x13f: {  	v20 =	vadd.f32 v26, v20;
	v48 =	vmul.f32 v47, v41;
	v27 =	vmul.f32 v36, v27  }
0x140: {  	v62 =	vld.idx.msk [tilespmem:v35+s2+$0x0], $0xffff;
	(erf) = vpow2.f32 v23;
	v55 =	vmul.f32 v53, v40;
	v37 =	vadd.f32 $4.999996130e-01, v37  }
0x141: {  	v22 =	vadd.f32 v53, v22;
	v53 =	vld.idx.msk [tilespmem:v35+s13+$0x0], $0xffff;
	v27 =	vmul.f32 v27, v30;
	v30 =	vmul.f32 v47, v48  }
0x142: {  	s24 =	sadd.s32 $0xFFFFFFF9, s17;
	v24 =	vadd.f32 v59, v24;
	v29 =	vadd.f32 v44, v29;
	v49 =	vmul.f32 v37, v38  }
0x143: {  	v63 =	vor.u32 s24, v0;
	v28 =	vadd.f32 v50, v33;
	v30 =	vsub.f32 $1.500000000e+00, v30  }
0x144: {  	v56 =	vmul.f32 v55, v40;
	v27 =	vmin.f32 v27, $1.200000000e+01;
	v26 =	vsub.f32 $5.000000000e-01, v49  }
0x145: {  	v42 =	vsub.f32 v62, v18;
	v52 =	vmul.f32 $2.617993950e-01, v27;
	v54 =	vpop (erf);
	v23 =	vmul.f32 v47, v30  }
0x146: {  	v60 =	vmul.f32 v56, v40;
	v49 =	vld.idx.msk [tilespmem:v35+s12+$0x0], $0xffff;
	v33 =	vsub.f32 v53, v17;
	v26 =	vmul.f32 v26, v54  }
0x147: {  	v36 =	vadd.f32 $-1.570796370e+00, v52;
	v52 =	vmul.f32 v27, v27;
	v57 =	vmul.f32 v23, v41  }
0x148: {  	v62 =	vand.u32 $0x1, v51;
	v33 =	vmul.f32 v33, v33;
	v26 =	vmul.f32 v34, v26  }
0x149: {  	v25 =	vadd.f32 v55, v25;
	v30 =	vmul.f32 v36, v36;
	v34 =	vpop (erf);
	v39 =	vmul.f32 v57, v23  }
0x14a: {  	v31 =	vadd.f32 v56, v31;
	v56 =	vmul.f32 $-3.999999910e-02, v52;
	v58 =	vmul.f32 v26, v34  }
0x14b: {  	v59 =	vmul.f32 $9.261724330e-05, v30;
	v48 =	vsub.f32 $1.500000000e+00, v39;
	v39 =	vsub.f32 v49, v19  }
0x14c: {  	v61 =	vmul.f32 v58, v34;
	v24 =	vadd.f32 v58, v24;
	v58 =	vmul.f32 $1.442695020e+00, v56  }
0x14d: {  	v41 =	vsub.f32 $4.156612790e-03, v59;
	v59 =	vmul.f32 v42, v42;
	v23 =	vmul.f32 v48, v23  }
0x14e: {  	v21 =	vadd.f32 v60, v21;
	v39 =	vmul.f32 v39, v39;
	v48 =	vmul.f32 $1.199999970e-01, v27  }
0x14f: {  	v20 =	vadd.f32 v26, v20;
	v50 =	vmul.f32 v61, v34;
	v23 =	vmul.f32 v23, v32;
	v32 =	vld.idx.msk [tilespmem:v63+s11+$0x0], $0xffff  }
0x150: {  	v41 =	vmul.f32 v41, v30;
	v29 =	vadd.f32 v61, v29;
	(erf) = vpow2.f32 v58  }
0x151: {  	v37 =	vadd.f32 v39, v59;
	v26 =	vmul.f32 $1.442695020e+00, v48;
	v54 =	vmul.f32 v50, v34  }
0x152: {  	v55 =	vadd.f32 $-8.332839600e-02, v41;
	v28 =	vadd.f32 v50, v28;
	v23 =	vmin.f32 v23, $1.200000000e+01  }
0x153: {  	v33 =	vadd.f32 v33, v37;
	(erf) = vpow2.f32 v26;
	v57 =	vmul.f32 v54, v34  }
0x154: {  	v30 =	vmul.f32 v55, v30;
	v60 =	vmul.f32 $2.617993950e-01, v23;
	v61 =	vand.u32 $0xFFFF, v32  }
0x155: {  	v22 =	vadd.f32 v54, v22;
	v53 =	vmul.f32 v23, v23;
	v23 =	vmul.f32 $1.199999970e-01, v23  }
0x156: {  	v50 =	vshra.s32 v33, $0x1;
	v35 =	vadd.f32 $-1.570796370e+00, v60;
	v30 =	vadd.f32 $4.999996130e-01, v30  }
0x157: {  	v37 =	vmul.f32 $5.000000000e-01, v33;
	v63 =	vmul.f32 v57, v34;
	v32 =	vshrl.u32 v32, $0x10  }
0x158: {  	v49 =	vmul.f32 v35, v35;
	v30 =	vmul.f32 v30, v36;
	v36 =	vsub.s32 $0x5F3759DF, v50  }
0x159: {  	v25 =	vadd.f32 v57, v25;
	v41 =	vmul.f32 $-3.999999910e-02, v53;
	v54 =	vmul.f32 v36, v37;
	v52 =	vld.idx.msk [tilespmem:v61+s2+$0x0], $0xffff  }
0x15a: {  	v57 =	vcvt.s32.f32 v62;
	v51 =	vmul.f32 $9.261724330e-05, v49;
	v30 =	vsub.f32 $5.000000000e-01, v30;
	v55 =	vld.idx.msk [tilespmem:v61+s12+$0x0], $0xffff  }
0x15b: {  	v23 =	vmul.f32 $1.442695020e+00, v23;
	v56 =	vpop (erf);
	v44 =	vmul.f32 v36, v54;
	v39 =	vld.idx.msk [tilespmem:v61+s13+$0x0], $0xffff  }
0x15c: {  	v34 =	vmul.f32 v63, v34;
	v53 =	vld.idx.msk [tilespmem:v32+s2+$0x0], $0xffff;
	v42 =	vsub.f32 $4.156612790e-03, v51;
	v26 =	vmul.f32 v30, v56  }
0x15d: {  	v31 =	vadd.f32 v63, v31;
	v59 =	vmul.f32 $1.442695020e+00, v41;
	v56 =	vld.idx.msk [tilespmem:v32+s12+$0x0], $0xffff;
	v60 =	vsub.f32 $1.500000000e+00, v44  }
0x15e: {  	v21 =	vadd.f32 v34, v21;
	v32 =	vld.idx.msk [tilespmem:v32+s13+$0x0], $0xffff;
	v58 =	vmul.f32 v42, v49;
	v26 =	vmul.f32 v57, v26  }
0x15f: {  	v36 =	vmul.f32 v36, v60;
	v61 =	vsub.f32 v52, v18;
	v62 =	vsub.f32 v55, v19  }
0x160: {  	(erf) = vpow2.f32 v59;
	v38 =	vadd.f32 $-8.332839600e-02, v58;
	v39 =	vsub.f32 v39, v17  }
0x161: {  	v20 =	vadd.f32 v26, v20;
	v52 =	vshrl.u32 v16, $0x7;
	v44 =	vmul.f32 v36, v37  }
0x162: {  	v42 =	vsub.f32 v56, v19;
	v30 =	vmul.f32 v61, v61;
	v63 =	vmul.f32 v62, v62  }
0x163: {  	v32 =	vsub.f32 v32, v17;
	v27 =	vmul.f32 v38, v49;
	v45 =	vmul.f32 v39, v39  }
0x164: {  	v34 =	vmul.f32 v44, v36;
	v42 =	vmul.f32 v42, v42;
	v30 =	vadd.f32 v63, v30;
	v38 =	vpop (erf)  }
0x165: {  	v32 =	vmul.f32 v32, v32;
	v27 =	vadd.f32 $4.999996130e-01, v27;
	v26 =	vmul.f32 v26, v38  }
0x166: {  	s25 =	sadd.s32 $0xFFFFFFFA, s17;
	(erf) = vpow2.f32 v23;
	v46 =	vsub.f32 $1.500000000e+00, v34;
	v30 =	vadd.f32 v45, v30  }
0x167: {  	v61 =	vor.u32 s25, v1;
	v27 =	vmul.f32 v27, v35;
	v47 =	vmul.f32 v26, v38  }
0x168: {  	v23 =	vmul.f32 v46, v36;
	v24 =	vadd.f32 v26, v24;
	v37 =	vshra.s32 v30, $0x1  }
0x169: {  	v48 =	vmul.f32 $5.000000000e-01, v30;
	v27 =	vsub.f32 $5.000000000e-01, v27;
	v49 =	vsub.s32 $0x5F3759DF, v37  }
0x16a: {  	v55 =	vpop (erf);
	v50 =	vmul.f32 v47, v38;
	v23 =	vmul.f32 v23, v33;
	v37 =	vand.u32 $0x1, v52  }
0x16b: {  	v33 =	vsub.f32 v53, v18;
	v51 =	vmul.f32 v49, v48;
	v27 =	vmul.f32 v27, v55  }
0x16c: {  	v41 =	vld.idx.msk [tilespmem:v61+s11+$0x0], $0xffff;
	v29 =	vadd.f32 v47, v29;
	v37 =	vcvt.s32.f32 v37;
	v54 =	vmul.f32 v50, v38  }
0x16d: {  	v23 =	vmin.f32 v23, $1.200000000e+01;
	v33 =	vmul.f32 v33, v33;
	v36 =	vmul.f32 v49, v51  }
0x16e: {  	v26 =	vadd.f32 v50, v28;
	v58 =	vmul.f32 $2.617993950e-01, v23;
	v27 =	vmul.f32 v37, v27  }
0x16f: {  	v63 =	vmul.f32 v23, v23;
	v23 =	vmul.f32 $1.199999970e-01, v23;
	v36 =	vsub.f32 $1.500000000e+00, v36  }
0x170: {  	v57 =	vmul.f32 v54, v38;
	v22 =	vadd.f32 v54, v22;
	v60 =	vadd.f32 $-1.570796370e+00, v58  }
0x171: {  	v33 =	vadd.f32 v42, v33;
	v54 =	vand.u32 $0xFFFF, v41;
	v35 =	vmul.f32 v49, v36  }
0x172: {  	v23 =	vmul.f32 $1.442695020e+00, v23;
	v20 =	vadd.f32 v27, v20;
	v43 =	vmul.f32 v60, v60  }
0x173: {  	v34 =	vpop (erf);
	v59 =	vmul.f32 v57, v38;
	v32 =	vadd.f32 v32, v33;
	v39 =	vmul.f32 v35, v48  }
0x174: {  	v25 =	vadd.f32 v57, v25;
	v36 =	vmul.f32 v27, v34;
	v62 =	vmul.f32 $9.261724330e-05, v43  }
0x175: {  	v57 =	vshrl.u32 v16, $0x17;
	v48 =	vmul.f32 $-3.999999910e-02, v63;
	v39 =	vmul.f32 v39, v35  }
0x176: {  	v38 =	vmul.f32 v59, v38;
	v45 =	vmul.f32 v36, v34;
	v40 =	vsub.f32 $4.156612790e-03, v62  }
0x177: {  	v52 =	vmul.f32 $5.000000000e-01, v32;
	v50 =	vmul.f32 $1.442695020e+00, v48;
	v39 =	vsub.f32 $1.500000000e+00, v39  }
0x178: {  	v51 =	vshra.s32 v32, $0x1;
	v55 =	vmul.f32 v45, v34;
	v49 =	vmul.f32 v40, v43  }
0x179: {  	v28 =	vadd.f32 v59, v31;
	v48 =	vld.idx.msk [tilespmem:v54+s12+$0x0], $0xffff;
	(erf) = vpow2.f32 v50;
	v35 =	vmul.f32 v39, v35  }
0x17a: {  	v58 =	vmul.f32 v55, v34;
	v33 =	vadd.f32 $-8.332839600e-02, v49;
	v39 =	vsub.s32 $0x5F3759DF, v51  }
0x17b: {  	v59 =	vand.u32 $0x1, v57;
	v53 =	vmul.f32 v39, v52;
	v30 =	vmul.f32 v35, v30  }
0x17c: {  	v26 =	vadd.f32 v55, v26;
	v50 =	vcvt.s32.f32 v59;
	v33 =	vmul.f32 v33, v43  }
0x17d: {  	(erf) = vpow2.f32 v23;
	v35 =	vld.idx.msk [tilespmem:v54+s13+$0x0], $0xffff;
	v31 =	vmul.f32 v39, v53;
	v30 =	vmin.f32 v30, $1.200000000e+01  }
0x17e: {  	v63 =	vld.idx.msk [tilespmem:v54+s2+$0x0], $0xffff;
	v43 =	vsub.f32 v48, v19;
	v33 =	vadd.f32 $4.999996130e-01, v33;
	v56 =	vmul.f32 $2.617993950e-01, v30  }
0x17f: {  	v46 =	vmul.f32 v58, v34;
	v31 =	vsub.f32 $1.500000000e+00, v31;
	v53 =	vmul.f32 v30, v30  }
0x180: {  	v55 =	vmul.f32 v43, v43;
	v33 =	vmul.f32 v33, v60;
	v37 =	vadd.f32 $-1.570796370e+00, v56  }
0x181: {  	v24 =	vadd.f32 v36, v24;
	v60 =	vmul.f32 v39, v31;
	v54 =	vmul.f32 $-3.999999910e-02, v53  }
0x182: {  	v35 =	vsub.f32 v35, v17;
	v61 =	vsub.f32 $5.000000000e-01, v33;
	v62 =	vmul.f32 v37, v37  }
0x183: {  	v33 =	vsub.f32 v63, v18;
	v42 =	vmul.f32 v60, v52;
	v52 =	vmul.f32 v46, v34  }
0x184: {  	v22 =	vadd.f32 v58, v22;
	v47 =	vpop (erf);
	v36 =	vmul.f32 $1.442695020e+00, v54;
	v58 =	vmul.f32 v35, v35  }
0x185: {  	v21 =	vadd.f32 v38, v21;
	v27 =	vmul.f32 v61, v47;
	v33 =	vmul.f32 v33, v33  }
0x186: {  	v29 =	vadd.f32 v45, v29;
	v47 =	vmul.f32 $1.199999970e-01, v30;
	v49 =	vmul.f32 $9.261724330e-05, v62  }
0x187: {  	v25 =	vadd.f32 v46, v25;
	v51 =	vmul.f32 v42, v60;
	(erf) = vpow2.f32 v36  }
0x188: {  	v28 =	vadd.f32 v52, v28;
	v34 =	vmul.f32 v52, v34;
	v27 =	vmul.f32 v50, v27  }
0x189: {  	v38 =	vpop (erf);
	v52 =	vshrl.u32 v16, $0x8;
	v57 =	vadd.f32 v55, v33;
	v39 =	vsub.f32 $4.156612790e-03, v49  }
0x18a: {  	v40 =	vsub.f32 $1.500000000e+00, v51;
	v21 =	vadd.f32 v34, v21;
	v56 =	vmul.f32 v27, v38  }
0x18b: {  	v20 =	vadd.f32 v27, v20;
	v27 =	vmul.f32 $1.442695020e+00, v47;
	v39 =	vmul.f32 v39, v62  }
0x18c: {  	v23 =	vmul.f32 v40, v60;
	v60 =	vshrl.u32 v41, $0x10;
	v33 =	vmul.f32 v56, v38  }
0x18d: {  	v24 =	vadd.f32 v56, v24;
	(erf) = vpow2.f32 v27;
	v39 =	vadd.f32 $-8.332839600e-02, v39  }
0x18e: {  	v23 =	vmul.f32 v23, v32;
	v32 =	vadd.f32 v58, v57;
	v57 =	vand.u32 $0x1, v52  }
0x18f: {  	v63 =	vmul.f32 v33, v38;
	v29 =	vadd.f32 v33, v29;
	v31 =	vmul.f32 v39, v62  }
0x190: {  	v23 =	vmin.f32 v23, $1.200000000e+01;
	v61 =	vshra.s32 v32, $0x1;
	v62 =	vmul.f32 $5.000000000e-01, v32  }
0x191: {  	v59 =	vmul.f32 $2.617993950e-01, v23;
	v39 =	vsub.s32 $0x5F3759DF, v61;
	v48 =	vmul.f32 v63, v38  }
0x192: {  	v50 =	vld.idx.msk [tilespmem:v60+s2+$0x0], $0xffff;
	v58 =	vmul.f32 v23, v23;
	v26 =	vadd.f32 v63, v26;
	v23 =	vmul.f32 $1.199999970e-01, v23  }
0x193: {  	v54 =	vld.idx.msk [tilespmem:v60+s12+$0x0], $0xffff;
	v31 =	vadd.f32 $4.999996130e-01, v31;
	v46 =	vmul.f32 v39, v62;
	v51 =	vmul.f32 v48, v38  }
0x194: {  	s26 =	sadd.s32 $0xFFFFFFFB, s17;
	v36 =	vld.idx.msk [tilespmem:v60+s13+$0x0], $0xffff;
	v35 =	vadd.f32 $-1.570796370e+00, v59;
	v59 =	vcvt.s32.f32 v57;
	v60 =	vmul.f32 $-3.999999910e-02, v58  }
0x195: {  	v63 =	vor.u32 s26, v2;
	v23 =	vmul.f32 $1.442695020e+00, v23;
	v31 =	vmul.f32 v31, v37  }
0x196: {  	v22 =	vadd.f32 v48, v22;
	v34 =	vmul.f32 v39, v46;
	v30 =	vmul.f32 v35, v35  }
0x197: {  	v45 =	vmul.f32 $1.442695020e+00, v60;
	v25 =	vadd.f32 v51, v25;
	v31 =	vsub.f32 $5.000000000e-01, v31  }
0x198: {  	v51 =	vmul.f32 v51, v38;
	v34 =	vsub.f32 $1.500000000e+00, v34;
	v61 =	vsub.f32 v50, v18  }
0x199: {  	v36 =	vsub.f32 v36, v17;
	v49 =	vmul.f32 $9.261724330e-05, v30;
	(erf) = vpow2.f32 v45  }
0x19a: {  	v53 =	vpop (erf);
	v28 =	vadd.f32 v51, v28;
	v38 =	vmul.f32 v51, v38;
	v34 =	vmul.f32 v39, v34  }
0x19b: {  	v55 =	vmul.f32 v31, v53;
	v47 =	vmul.f32 v61, v61;
	v56 =	vsub.f32 $4.156612790e-03, v49  }
0x19c: {  	v36 =	vmul.f32 v36, v36;
	v40 =	vmul.f32 v34, v62;
	v62 =	vsub.f32 v54, v19  }
0x19d: {  	(erf) = vpow2.f32 v23;
	v21 =	vadd.f32 v38, v21;
	v31 =	vmul.f32 v56, v30  }
0x19e: {  	v56 =	vshrl.u32 v16, $0x18;
	v46 =	vmul.f32 v40, v34;
	v48 =	vmul.f32 v62, v62  }
0x19f: {  	v27 =	vmul.f32 v59, v55;
	v59 =	vand.u32 $0x1, v56;
	v31 =	vadd.f32 $-8.332839600e-02, v31  }
0x1a0: {  	v62 =	vcvt.s32.f32 v59;
	v49 =	vsub.f32 $1.500000000e+00, v46;
	v50 =	vadd.f32 v48, v47;
	v40 =	vpop (erf)  }
0x1a1: {  	v20 =	vadd.f32 v27, v20;
	v30 =	vmul.f32 v31, v30;
	v31 =	vld.idx.msk [tilespmem:v63+s11+$0x0], $0xffff;
	v52 =	vmul.f32 v27, v40  }
0x1a2: {  	v59 =	vshrl.u32 v16, $0x9;
	v33 =	vmul.f32 v49, v34;
	v34 =	vadd.f32 v36, v50  }
0x1a3: {  	v30 =	vadd.f32 $4.999996130e-01, v30;
	v58 =	vmul.f32 v52, v40;
	v24 =	vadd.f32 v52, v24  }
0x1a4: {  	v32 =	vmul.f32 v33, v32;
	v53 =	vshra.s32 v34, $0x1;
	v37 =	vmul.f32 $5.000000000e-01, v34  }
0x1a5: {  	v30 =	vmul.f32 v30, v35;
	v54 =	vsub.s32 $0x5F3759DF, v53;
	v61 =	vmul.f32 v58, v40  }
0x1a6: {  	v32 =	vmin.f32 v32, $1.200000000e+01;
	v33 =	vmul.f32 v54, v37;
	v55 =	vand.u32 $0xFFFF, v31  }
0x1a7: {  	v57 =	vmul.f32 $2.617993950e-01, v32;
	v30 =	vsub.f32 $5.000000000e-01, v30;
	v49 =	vmul.f32 v61, v40  }
0x1a8: {  	v60 =	vpop (erf);
	v29 =	vadd.f32 v58, v29;
	v52 =	vmul.f32 v32, v32;
	v32 =	vmul.f32 $1.199999970e-01, v32  }
0x1a9: {  	v33 =	vmul.f32 v54, v33;
	v42 =	vadd.f32 $-1.570796370e+00, v57;
	v30 =	vmul.f32 v30, v60  }
0x1aa: {  	v31 =	vshrl.u32 v31, $0x10;
	v53 =	vmul.f32 v49, v40;
	v43 =	vmul.f32 $-3.999999910e-02, v52  }
0x1ab: {  	v32 =	vmul.f32 $1.442695020e+00, v32;
	v33 =	vsub.f32 $1.500000000e+00, v33;
	v63 =	vmul.f32 v42, v42;
	v48 =	vld.idx.msk [tilespmem:v55+s2+$0x0], $0xffff  }
0x1ac: {  	v26 =	vadd.f32 v61, v26;
	v50 =	vld.idx.msk [tilespmem:v55+s12+$0x0], $0xffff;
	v30 =	vmul.f32 v62, v30;
	v43 =	vmul.f32 $1.442695020e+00, v43  }
0x1ad: {  	v38 =	vpop (erf);
	v22 =	vadd.f32 v49, v22;
	v35 =	vld.idx.msk [tilespmem:v55+s13+$0x0], $0xffff;
	v55 =	vmul.f32 v53, v40;
	v23 =	vmul.f32 v54, v33  }
0x1ae: {  	s28 =	sadd.s32 $0xFFFFFFFC, s17;
	v25 =	vadd.f32 v53, v25;
	v51 =	vmul.f32 $9.261724330e-05, v63;
	v45 =	vmul.f32 v30, v38  }
0x1af: {  	v53 =	vor.u32 s28, v4;
	(erf) = vpow2.f32 v43;
	v40 =	vmul.f32 v55, v40  }
0x1b0: {  	v49 =	vld.idx.msk [tilespmem:v31+s2+$0x0], $0xffff;
	v43 =	vand.u32 $0x1, v59;
	v28 =	vadd.f32 v55, v28;
	v37 =	vmul.f32 v23, v37  }
0x1b1: {  	v20 =	vadd.f32 v30, v20;
	(erf) = vpow2.f32 v32;
	v36 =	vsub.f32 $4.156612790e-03, v51;
	v51 =	vld.idx.msk [tilespmem:v31+s12+$0x0], $0xffff  }
0x1b2: {  	v31 =	vld.idx.msk [tilespmem:v31+s13+$0x0], $0xffff;
	v37 =	vmul.f32 v37, v23;
	v41 =	vsub.f32 v48, v18;
	v33 =	vsub.f32 v50, v19  }
0x1b3: {  	v62 =	vcvt.s32.f32 v43;
	v35 =	vsub.f32 v35, v17;
	v36 =	vmul.f32 v36, v63  }
0x1b4: {  	v37 =	vsub.f32 $1.500000000e+00, v37;
	v41 =	vmul.f32 v41, v41;
	v33 =	vmul.f32 v33, v33  }
0x1b5: {  	v46 =	vmul.f32 v45, v38;
	v21 =	vadd.f32 v40, v21;
	v36 =	vadd.f32 $-8.332839600e-02, v36  }
0x1b6: {  	v35 =	vmul.f32 v35, v35;
	v23 =	vmul.f32 v37, v23;
	v33 =	vadd.f32 v33, v41  }
0x1b7: {  	v47 =	vmul.f32 v46, v38;
	v31 =	vsub.f32 v31, v17;
	v54 =	vmul.f32 v36, v63  }
0x1b8: {  	v44 =	vsub.f32 v49, v18;
	v23 =	vmul.f32 v23, v34;
	v33 =	vadd.f32 v35, v33  }
0x1b9: {  	v34 =	vmul.f32 v47, v38;
	v31 =	vmul.f32 v31, v31;
	v27 =	vadd.f32 $4.999996130e-01, v54  }
0x1ba: {  	v54 =	vmul.f32 v44, v44;
	v23 =	vmin.f32 v23, $1.200000000e+01;
	v56 =	vmul.f32 $5.000000000e-01, v33  }
0x1bb: {  	v35 =	vshra.s32 v33, $0x1;
	v41 =	vmul.f32 v34, v38;
	v57 =	vmul.f32 $2.617993950e-01, v23  }
0x1bc: {  	v35 =	vsub.s32 $0x5F3759DF, v35;
	v27 =	vmul.f32 v27, v42;
	v50 =	vmul.f32 v23, v23  }
0x1bd: {  	v24 =	vadd.f32 v45, v24;
	v23 =	vmul.f32 $1.199999970e-01, v23;
	v58 =	vmul.f32 v35, v56  }
0x1be: {  	v42 =	vmul.f32 v41, v38;
	v32 =	vadd.f32 $-1.570796370e+00, v57;
	v27 =	vsub.f32 $5.000000000e-01, v27  }
0x1bf: {  	v29 =	vadd.f32 v46, v29;
	v60 =	vpop (erf);
	v40 =	vmul.f32 $-3.999999910e-02, v50;
	v39 =	vmul.f32 v35, v58  }
0x1c0: {  	v26 =	vadd.f32 v47, v26;
	v61 =	vmul.f32 v32, v32;
	v27 =	vmul.f32 v27, v60  }
0x1c1: {  	v23 =	vmul.f32 $1.442695020e+00, v23;
	v40 =	vmul.f32 $1.442695020e+00, v40;
	v39 =	vsub.f32 $1.500000000e+00, v39  }
0x1c2: {  	v22 =	vadd.f32 v34, v22;
	v63 =	vmul.f32 $9.261724330e-05, v61;
	v27 =	vmul.f32 v62, v27  }
0x1c3: {  	v25 =	vadd.f32 v41, v25;
	(erf) = vpow2.f32 v40;
	v40 =	vld.idx.msk [tilespmem:v53+s11+$0x0], $0xffff;
	v35 =	vmul.f32 v35, v39  }
0x1c4: {  	v30 =	vpop (erf);
	v38 =	vmul.f32 v42, v38;
	v39 =	vsub.f32 v51, v19;
	v52 =	vsub.f32 $4.156612790e-03, v63  }
0x1c5: {  	v28 =	vadd.f32 v42, v28;
	v45 =	vmul.f32 v27, v30;
	v37 =	vmul.f32 v35, v56  }
0x1c6: {  	v21 =	vadd.f32 v38, v21;
	v39 =	vmul.f32 v39, v39;
	v36 =	vmul.f32 v52, v61  }
0x1c7: {  	v20 =	vadd.f32 v27, v20;
	v46 =	vmul.f32 v45, v30;
	v37 =	vmul.f32 v37, v35  }
0x1c8: {  	v24 =	vadd.f32 v45, v24;
	v56 =	vand.u32 $0xFFFF, v40;
	v36 =	vadd.f32 $-8.332839600e-02, v36  }
0x1c9: {  	(erf) = vpow2.f32 v23;
	v55 =	vadd.f32 v39, v54;
	v37 =	vsub.f32 $1.500000000e+00, v37  }
0x1ca: {  	v40 =	vshrl.u32 v40, $0x10;
	v39 =	vmul.f32 v46, v30;
	v36 =	vmul.f32 v36, v61  }
0x1cb: {  	v29 =	vadd.f32 v46, v29;
	v31 =	vadd.f32 v31, v55;
	v35 =	vmul.f32 v37, v35  }
0x1cc: {  	v46 =	vshrl.u32 v16, $0xA;
	v61 =	vshrl.u32 v16, $0x19;
	v36 =	vadd.f32 $4.999996130e-01, v36  }
0x1cd: {  	v58 =	vmul.f32 $5.000000000e-01, v31;
	v44 =	vand.u32 $0x1, v61;
	v49 =	vld.idx.msk [tilespmem:v56+s2+$0x0], $0xffff;
	v33 =	vmul.f32 v35, v33  }
0x1ce: {  	v57 =	vshra.s32 v31, $0x1;
	v63 =	vld.idx.msk [tilespmem:v56+s12+$0x0], $0xffff;
	v51 =	vcvt.s32.f32 v44;
	v32 =	vmul.f32 v36, v32  }
0x1cf: {  	v36 =	vmul.f32 v39, v30;
	v23 =	vmin.f32 v33, $1.200000000e+01;
	v33 =	vsub.s32 $0x5F3759DF, v57  }
0x1d0: {  	v35 =	vld.idx.msk [tilespmem:v56+s13+$0x0], $0xffff;
	v59 =	vmul.f32 $2.617993950e-01, v23;
	v32 =	vsub.f32 $5.000000000e-01, v32;
	v60 =	vmul.f32 v33, v58  }
0x1d1: {  	v26 =	vadd.f32 v39, v26;
	v62 =	vpop (erf);
	v47 =	vmul.f32 v36, v30;
	v55 =	vmul.f32 v23, v23  }
0x1d2: {  	v23 =	vmul.f32 $1.199999970e-01, v23;
	v49 =	vsub.f32 v49, v18;
	v32 =	vmul.f32 v32, v62  }
0x1d3: {  	v48 =	vsub.f32 v63, v19;
	v43 =	vmul.f32 v33, v60;
	v53 =	vmul.f32 v47, v30  }
0x1d4: {  	v37 =	vadd.f32 $-1.570796370e+00, v59;
	v41 =	vmul.f32 $-3.999999910e-02, v55;
	v23 =	vmul.f32 $1.442695020e+00, v23  }
0x1d5: {  	v35 =	vsub.f32 v35, v17;
	v49 =	vmul.f32 v49, v49;
	v48 =	vmul.f32 v48, v48  }
0x1d6: {  	v22 =	vadd.f32 v36, v22;
	v52 =	vmul.f32 v37, v37;
	v32 =	vmul.f32 v51, v32  }
0x1d7: {  	v43 =	vsub.f32 $1.500000000e+00, v43;
	v41 =	vmul.f32 $1.442695020e+00, v41;
	v35 =	vmul.f32 v35, v35  }
0x1d8: {  	v27 =	vpop (erf);
	v25 =	vadd.f32 v47, v25;
	v30 =	vmul.f32 v53, v30;
	v54 =	vmul.f32 $9.261724330e-05, v52  }
0x1d9: {  	v28 =	vadd.f32 v53, v28;
	v33 =	vmul.f32 v33, v43;
	v56 =	vmul.f32 v32, v27  }
0x1da: {  	v57 =	vadd.f32 v48, v49;
	(erf) = vpow2.f32 v41;
	v38 =	vsub.f32 $4.156612790e-03, v54  }
0x1db: {  	v21 =	vadd.f32 v30, v21;
	v34 =	vmul.f32 v33, v58;
	v41 =	vmul.f32 v56, v27  }
0x1dc: {  	v35 =	vadd.f32 v35, v57;
	(erf) = vpow2.f32 v23;
	v38 =	vmul.f32 v38, v52  }
0x1dd: {  	v20 =	vadd.f32 v32, v20;
	v34 =	vmul.f32 v34, v33;
	v63 =	vmul.f32 v41, v27  }
0x1de: {  	v58 =	vshra.s32 v35, $0x1;
	v59 =	vmul.f32 $5.000000000e-01, v35;
	v38 =	vadd.f32 $-8.332839600e-02, v38  }
0x1df: {  	v55 =	vld.idx.msk [tilespmem:v40+s2+$0x0], $0xffff;
	v60 =	vsub.s32 $0x5F3759DF, v58;
	v34 =	vsub.f32 $1.500000000e+00, v34;
	v50 =	vmul.f32 v63, v27  }
0x1e0: {  	v24 =	vadd.f32 v56, v24;
	v61 =	vmul.f32 v60, v59;
	v38 =	vmul.f32 v38, v52  }
0x1e1: {  	s29 =	sadd.s32 $0xFFFFFFFD, s17;
	v29 =	vadd.f32 v41, v29;
	v33 =	vmul.f32 v34, v33;
	v52 =	vmul.f32 v50, v27  }
0x1e2: {  	v26 =	vadd.f32 v63, v26;
	v63 =	vor.u32 s29, v5;
	v38 =	vadd.f32 $4.999996130e-01, v38  }
0x1e3: {  	v22 =	vadd.f32 v50, v22;
	v31 =	vmul.f32 v33, v31;
	v56 =	vmul.f32 v52, v27  }
0x1e4: {  	v33 =	vmul.f32 v60, v61;
	v61 =	vsub.f32 v55, v18;
	v62 =	vmul.f32 v38, v37  }
0x1e5: {  	v57 =	vld.idx.msk [tilespmem:v40+s12+$0x0], $0xffff;
	v31 =	vmin.f32 v31, $1.200000000e+01;
	v37 =	vand.u32 $0x1, v46;
	v27 =	vmul.f32 v56, v27  }
0x1e6: {  	v40 =	vld.idx.msk [tilespmem:v40+s13+$0x0], $0xffff;
	v33 =	vsub.f32 $1.500000000e+00, v33;
	v36 =	vmul.f32 v61, v61;
	v48 =	vmul.f32 $2.617993950e-01, v31  }
0x1e7: {  	v61 =	vshrl.u32 v16, $0x1A;
	v37 =	vcvt.s32.f32 v37;
	v50 =	vmul.f32 $1.199999970e-01, v31  }
0x1e8: {  	v45 =	vand.u32 $0x1, v61;
	v34 =	vsub.f32 $5.000000000e-01, v62;
	v23 =	vmul.f32 v60, v33  }
0x1e9: {  	v49 =	vpop (erf);
	v60 =	vmul.f32 v31, v31;
	v61 =	vcvt.s32.f32 v45;
	v38 =	vadd.f32 $-1.570796370e+00, v48  }
0x1ea: {  	v25 =	vadd.f32 v52, v25;
	v34 =	vmul.f32 v34, v49;
	v53 =	vmul.f32 v23, v59  }
0x1eb: {  	v46 =	vsub.f32 v40, v17;
	v40 =	vld.idx.msk [tilespmem:v63+s11+$0x0], $0xffff;
	v30 =	vmul.f32 $-3.999999910e-02, v60;
	v51 =	vmul.f32 v38, v38  }
0x1ec: {  	v62 =	vsub.f32 v57, v19;
	v33 =	vmul.f32 v37, v34;
	v42 =	vmul.f32 v53, v23  }
0x1ed: {  	v28 =	vadd.f32 v56, v28;
	v37 =	vpop (erf);
	v30 =	vmul.f32 $1.442695020e+00, v30;
	v54 =	vmul.f32 $9.261724330e-05, v51  }
0x1ee: {  	v21 =	vadd.f32 v27, v21;
	v47 =	vmul.f32 v62, v62;
	v32 =	vmul.f32 v33, v37  }
0x1ef: {  	v58 =	vsub.f32 $1.500000000e+00, v42;
	(erf) = vpow2.f32 v30;
	v44 =	vsub.f32 $4.156612790e-03, v54  }
0x1f0: {  	v55 =	vand.u32 $0xFFFF, v40;
	v30 =	vmul.f32 $1.442695020e+00, v50;
	v41 =	vmul.f32 v32, v37  }
0x1f1: {  	v36 =	vadd.f32 v47, v36;
	v23 =	vmul.f32 v58, v23;
	v59 =	vmul.f32 v44, v51  }
0x1f2: {  	v20 =	vadd.f32 v33, v20;
	(erf) = vpow2.f32 v30;
	v39 =	vmul.f32 v41, v37  }
0x1f3: {  	v23 =	vmul.f32 v23, v35;
	v35 =	vmul.f32 v46, v46;
	v42 =	vadd.f32 $-8.332839600e-02, v59  }
0x1f4: {  	v24 =	vadd.f32 v32, v24;
	v29 =	vadd.f32 v41, v29;
	v43 =	vmul.f32 v39, v37  }
0x1f5: {  	v23 =	vmin.f32 v23, $1.200000000e+01;
	v31 =	vadd.f32 v35, v36;
	v48 =	vmul.f32 v42, v51  }
0x1f6: {  	v26 =	vadd.f32 v39, v26;
	v49 =	vmul.f32 $2.617993950e-01, v23;
	v63 =	vmul.f32 v23, v23  }
0x1f7: {  	v59 =	vld.idx.msk [tilespmem:v55+s2+$0x0], $0xffff;
	v23 =	vmul.f32 $1.199999970e-01, v23;
	v51 =	vmul.f32 v43, v37;
	v36 =	vshra.s32 v31, $0x1  }
0x1f8: {  	v52 =	vmul.f32 $5.000000000e-01, v31;
	v27 =	vadd.f32 $4.999996130e-01, v48;
	v34 =	vadd.f32 $-1.570796370e+00, v49  }
0x1f9: {  	v36 =	vsub.s32 $0x5F3759DF, v36;
	v57 =	vmul.f32 $-3.999999910e-02, v63;
	v23 =	vmul.f32 $1.442695020e+00, v23  }
0x1fa: {  	v22 =	vadd.f32 v43, v22;
	v54 =	vmul.f32 v36, v52;
	v48 =	vmul.f32 v51, v37  }
0x1fb: {  	v25 =	vadd.f32 v51, v25;
	v27 =	vmul.f32 v27, v38;
	v53 =	vmul.f32 v34, v34  }
0x1fc: {  	v60 =	vld.idx.msk [tilespmem:v55+s12+$0x0], $0xffff;
	v49 =	vsub.f32 v59, v18;
	v59 =	vshrl.u32 v40, $0x10;
	v30 =	vmul.f32 v36, v54  }
0x1fd: {  	v63 =	vld.idx.msk [tilespmem:v55+s13+$0x0], $0xffff;
	v46 =	vmul.f32 $1.442695020e+00, v57;
	v62 =	vmul.f32 $9.261724330e-05, v53;
	v27 =	vsub.f32 $5.000000000e-01, v27  }
0x1fe: {  	v58 =	vpop (erf);
	v37 =	vmul.f32 v48, v37;
	v41 =	vmul.f32 v49, v49;
	v30 =	vsub.f32 $1.500000000e+00, v30  }
0x1ff: {  	(erf) = vpow2.f32 v46;
	v56 =	vsub.f32 $4.156612790e-03, v62;
	v27 =	vmul.f32 v27, v58  }
0x200: {  	v35 =	vpop (erf);
	v28 =	vadd.f32 v48, v28;
	(erf) = vpow2.f32 v23;
	v30 =	vmul.f32 v36, v30  }
0x201: {  	v36 =	vsub.f32 v60, v19;
	v32 =	vmul.f32 v56, v53;
	v27 =	vmul.f32 v61, v27  }
0x202: {  	v51 =	vsub.f32 v63, v17;
	v21 =	vadd.f32 v37, v21;
	v62 =	vmul.f32 v30, v52  }
0x203: {  	v36 =	vmul.f32 v36, v36;
	v32 =	vadd.f32 $-8.332839600e-02, v32;
	v46 =	vmul.f32 v27, v35  }
0x204: {  	v55 =	vmul.f32 v51, v51;
	v51 =	vld.idx.msk [tilespmem:v59+s12+$0x0], $0xffff;
	v20 =	vadd.f32 v27, v20;
	v45 =	vmul.f32 v62, v30  }
0x205: {  	v54 =	vadd.f32 v36, v41;
	v32 =	vmul.f32 v32, v53;
	v52 =	vmul.f32 v46, v35  }
0x206: {  	v53 =	vshrl.u32 v16, $0xB;
	v24 =	vadd.f32 v46, v24;
	v50 =	vsub.f32 $1.500000000e+00, v45  }
0x207: {  	v57 =	vand.u32 $0x1, v53;
	v32 =	vadd.f32 $4.999996130e-01, v32;
	v56 =	vmul.f32 v52, v35  }
0x208: {  	v60 =	vcvt.s32.f32 v57;
	v29 =	vadd.f32 v52, v29;
	v23 =	vmul.f32 v50, v30  }
0x209: {  	v49 =	vld.idx.msk [tilespmem:v59+s2+$0x0], $0xffff;
	v57 =	vsub.f32 v51, v19;
	v30 =	vadd.f32 v55, v54;
	v32 =	vmul.f32 v32, v34  }
0x20a: {  	v63 =	vmul.f32 v56, v35;
	v26 =	vadd.f32 v56, v26;
	v23 =	vmul.f32 v23, v31  }
0x20b: {  	v34 =	vshra.s32 v30, $0x1;
	v61 =	vmul.f32 $5.000000000e-01, v30;
	v32 =	vsub.f32 $5.000000000e-01, v32  }
0x20c: {  	v58 =	vpop (erf);
	v43 =	vmul.f32 v57, v57;
	v34 =	vsub.s32 $0x5F3759DF, v34;
	v50 =	vmul.f32 v63, v35  }
0x20d: {  	v23 =	vmin.f32 v23, $1.200000000e+01;
	v48 =	vmul.f32 v34, v61;
	v32 =	vmul.f32 v32, v58  }
0x20e: {  	v56 =	vsub.f32 v49, v18;
	v31 =	vld.idx.msk [tilespmem:v59+s13+$0x0], $0xffff;
	v62 =	vmul.f32 $2.617993950e-01, v23;
	v53 =	vmul.f32 v50, v35  }
0x20f: {  	s30 =	sadd.s32 $0xFFFFFFFE, s17;
	v22 =	vadd.f32 v63, v22;
	v55 =	vmul.f32 v23, v23;
	v23 =	vmul.f32 $1.199999970e-01, v23  }
0x210: {  	v58 =	vor.u32 s30, v6;
	v41 =	vmul.f32 v34, v48;
	v32 =	vmul.f32 v60, v32  }
0x211: {  	v40 =	vpop (erf);
	v33 =	vadd.f32 $-1.570796370e+00, v62;
	v39 =	vmul.f32 $-3.999999910e-02, v55;
	v35 =	vmul.f32 v53, v35  }
0x212: {  	v23 =	vmul.f32 $1.442695020e+00, v23;
	v41 =	vsub.f32 $1.500000000e+00, v41;
	v27 =	vmul.f32 v32, v40  }
0x213: {  	v31 =	vsub.f32 v31, v17;
	v52 =	vmul.f32 v33, v33;
	v39 =	vmul.f32 $1.442695020e+00, v39  }
0x214: {  	v25 =	vadd.f32 v50, v25;
	v34 =	vmul.f32 v34, v41;
	v41 =	vmul.f32 v56, v56  }
0x215: {  	v28 =	vadd.f32 v53, v28;
	v31 =	vmul.f32 v31, v31;
	v54 =	vmul.f32 $9.261724330e-05, v52  }
0x216: {  	v42 =	vmul.f32 v27, v40;
	v38 =	vmul.f32 v34, v61;
	v41 =	vadd.f32 v43, v41  }
0x217: {  	v21 =	vadd.f32 v35, v21;
	(erf) = vpow2.f32 v39;
	v43 =	vld.idx.msk [tilespmem:v58+s11+$0x0], $0xffff;
	v46 =	vsub.f32 $4.156612790e-03, v54  }
0x218: {  	v37 =	vmul.f32 v42, v40;
	v38 =	vmul.f32 v38, v34;
	v31 =	vadd.f32 v31, v41  }
0x219: {  	v20 =	vadd.f32 v32, v20;
	(erf) = vpow2.f32 v23;
	v46 =	vmul.f32 v46, v52  }
0x21a: {  	v59 =	vmul.f32 v37, v40;
	v38 =	vsub.f32 $1.500000000e+00, v38;
	v62 =	vshra.s32 v31, $0x1  }
0x21b: {  	v63 =	vmul.f32 $5.000000000e-01, v31;
	v60 =	vadd.f32 $-8.332839600e-02, v46;
	v48 =	vsub.s32 $0x5F3759DF, v62  }
0x21c: {  	v49 =	vmul.f32 v59, v40;
	v51 =	vand.u32 $0xFFFF, v43;
	v34 =	vmul.f32 v38, v34  }
0x21d: {  	v24 =	vadd.f32 v27, v24;
	v50 =	vmul.f32 v48, v63;
	v61 =	vmul.f32 v60, v52  }
0x21e: {  	v29 =	vadd.f32 v42, v29;
	v54 =	vmul.f32 v49, v40;
	v30 =	vmul.f32 v34, v30  }
0x21f: {  	v26 =	vadd.f32 v37, v26;
	v52 =	vshrl.u32 v16, $0x1B;
	v41 =	vmul.f32 v48, v50  }
0x220: {  	v35 =	vadd.f32 $4.999996130e-01, v61;
	v55 =	vmul.f32 v54, v40;
	v23 =	vmin.f32 v30, $1.200000000e+01  }
0x221: {  	v30 =	vand.u32 $0x1, v52;
	v41 =	vsub.f32 $1.500000000e+00, v41;
	v56 =	vld.idx.msk [tilespmem:v51+s2+$0x0], $0xffff;
	v53 =	vmul.f32 $2.617993950e-01, v23  }
0x222: {  	v22 =	vadd.f32 v59, v22;
	v58 =	vld.idx.msk [tilespmem:v51+s12+$0x0], $0xffff;
	v33 =	vmul.f32 v35, v33;
	v30 =	vcvt.s32.f32 v30  }
0x223: {  	v25 =	vadd.f32 v49, v25;
	v61 =	vld.idx.msk [tilespmem:v51+s13+$0x0], $0xffff;
	v34 =	vmul.f32 v48, v41;
	v48 =	vmul.f32 v23, v23  }
0x224: {  	v23 =	vmul.f32 $1.199999970e-01, v23;
	v35 =	vadd.f32 $-1.570796370e+00, v53;
	v33 =	vsub.f32 $5.000000000e-01, v33  }
0x225: {  	v57 =	vpop (erf);
	v28 =	vadd.f32 v54, v28;
	v60 =	vmul.f32 v34, v63;
	v49 =	vmul.f32 $-3.999999910e-02, v48  }
0x226: {  	v21 =	vadd.f32 v55, v21;
	v45 =	vmul.f32 v35, v35;
	v33 =	vmul.f32 v33, v57  }
0x227: {  	v46 =	vsub.f32 v56, v18;
	v47 =	vsub.f32 v58, v19;
	v63 =	vmul.f32 v60, v34  }
0x228: {  	v39 =	vsub.f32 v61, v17;
	v59 =	vmul.f32 $9.261724330e-05, v45;
	v30 =	vmul.f32 v30, v33  }
0x229: {  	v53 =	vshrl.u32 v43, $0x10;
	v37 =	vmul.f32 v46, v46;
	v38 =	vmul.f32 v47, v47  }
0x22a: {  	v27 =	vpop (erf);
	v23 =	vmul.f32 $1.442695020e+00, v23;
	v51 =	vmul.f32 v39, v39;
	v33 =	vsub.f32 $1.500000000e+00, v63  }
0x22b: {  	v62 =	vsub.f32 $4.156612790e-03, v59;
	v44 =	vmul.f32 v30, v27;
	v37 =	vadd.f32 v38, v37  }
0x22c: {  	v20 =	vadd.f32 v30, v20;
	v30 =	vmul.f32 $1.442695020e+00, v49;
	v33 =	vmul.f32 v33, v34  }
0x22d: {  	v32 =	vmul.f32 v62, v45;
	v50 =	vmul.f32 v44, v27;
	v36 =	vadd.f32 v51, v37  }
0x22e: {  	(erf) = vpow2.f32 v30;
	v62 =	vshrl.u32 v16, $0xC;
	v31 =	vmul.f32 v33, v31  }
0x22f: {  	v43 =	vld.idx.msk [tilespmem:v53+s12+$0x0], $0xffff;
	(erf) = vpow2.f32 v23;
	v42 =	vand.u32 $0x1, v62;
	v32 =	vadd.f32 $-8.332839600e-02, v32  }
0x230: {  	v52 =	vmul.f32 v50, v27;
	v37 =	vshra.s32 v36, $0x1;
	v38 =	vmul.f32 $5.000000000e-01, v36  }
0x231: {  	v29 =	vadd.f32 v50, v29;
	v50 =	vcvt.s32.f32 v42;
	v30 =	vmin.f32 v31, $1.200000000e+01  }
0x232: {  	v37 =	vsub.s32 $0x5F3759DF, v37;
	v32 =	vmul.f32 v32, v45;
	v54 =	vmul.f32 v52, v27  }
0x233: {  	v24 =	vadd.f32 v44, v24;
	v55 =	vmul.f32 $2.617993950e-01, v30;
	v56 =	vmul.f32 v37, v38  }
0x234: {  	v60 =	vld.idx.msk [tilespmem:v53+s2+$0x0], $0xffff;
	v26 =	vadd.f32 v52, v26;
	v49 =	vmul.f32 v30, v30;
	v52 =	vsub.f32 v43, v19  }
0x235: {  	v31 =	vld.idx.msk [tilespmem:v53+s13+$0x0], $0xffff;
	v30 =	vmul.f32 $1.199999970e-01, v30;
	v32 =	vadd.f32 $4.999996130e-01, v32;
	v57 =	vmul.f32 v54, v27  }
0x236: {  	s31 =	sadd.s32 $0xFFFFFFFF, s17;
	v40 =	vadd.f32 $-1.570796370e+00, v55;
	v58 =	vmul.f32 v37, v56;
	v51 =	vmul.f32 $-3.999999910e-02, v49  }
0x237: {  	v53 =	vor.u32 s31, v7;
	v42 =	vmul.f32 v52, v52;
	v30 =	vmul.f32 $1.442695020e+00, v30  }
0x238: {  	v22 =	vadd.f32 v54, v22;
	v32 =	vmul.f32 v32, v35;
	v59 =	vmul.f32 v40, v40  }
0x239: {  	v61 =	vmul.f32 v57, v27;
	v33 =	vsub.f32 $1.500000000e+00, v58;
	v25 =	vadd.f32 v57, v25  }
0x23a: {  	v35 =	vsub.f32 v60, v18;
	v41 =	vmul.f32 $1.442695020e+00, v51;
	v31 =	vsub.f32 v31, v17  }
0x23b: {  	v60 =	vshrl.u32 v16, $0x1C;
	v63 =	vmul.f32 $9.261724330e-05, v59;
	v33 =	vmul.f32 v37, v33  }
0x23c: {  	v48 =	vpop (erf);
	v32 =	vsub.f32 $5.000000000e-01, v32;
	v35 =	vmul.f32 v35, v35;
	(erf) = vpow2.f32 v41  }
0x23d: {  	v31 =	vmul.f32 v31, v31;
	v28 =	vadd.f32 v61, v28;
	v27 =	vmul.f32 v61, v27;
	v37 =	vld.idx.msk [tilespmem:v53+s11+$0x0], $0xffff  }
0x23e: {  	v34 =	vpop (erf);
	(erf) = vpow2.f32 v30;
	v23 =	vsub.f32 $4.156612790e-03, v63;
	v38 =	vmul.f32 v33, v38  }
0x23f: {  	v32 =	vmul.f32 v32, v48;
	v35 =	vadd.f32 v42, v35;
	v21 =	vadd.f32 v27, v21  }
0x240: {  	v63 =	vand.u32 $0x1, v60;
	v23 =	vmul.f32 v23, v59;
	v38 =	vmul.f32 v38, v33  }
0x241: {  	v27 =	vcvt.s32.f32 v63;
	v32 =	vmul.f32 v50, v32;
	v31 =	vadd.f32 v31, v35  }
0x242: {  	v43 =	vand.u32 $0xFFFF, v37;
	v23 =	vadd.f32 $-8.332839600e-02, v23;
	v54 =	vsub.f32 $1.500000000e+00, v38  }
0x243: {  	v63 =	vshrl.u32 v37, $0x10;
	v55 =	vmul.f32 v32, v34;
	v57 =	vmul.f32 $5.000000000e-01, v31  }
0x244: {  	v56 =	vshra.s32 v31, $0x1;
	v23 =	vmul.f32 v23, v59;
	v33 =	vmul.f32 v54, v33  }
0x245: {  	v20 =	vadd.f32 v32, v20;
	v58 =	vmul.f32 v55, v34;
	v59 =	vsub.s32 $0x5F3759DF, v56  }
0x246: {  	v23 =	vadd.f32 $4.999996130e-01, v23;
	v33 =	vmul.f32 v33, v36;
	v36 =	vmul.f32 v59, v57  }
0x247: {  	v24 =	vadd.f32 v55, v24;
	v61 =	vmul.f32 v58, v34;
	v29 =	vadd.f32 v58, v29;
	v55 =	vld.idx.msk [tilespmem:v43+s12+$0x0], $0xffff  }
0x248: {  	v23 =	vmul.f32 v23, v40;
	v33 =	vmin.f32 v33, $1.200000000e+01;
	v36 =	vmul.f32 v59, v36  }
0x249: {  	v49 =	vmul.f32 v61, v34;
	v26 =	vadd.f32 v61, v26;
	v62 =	vmul.f32 $2.617993950e-01, v33  }
0x24a: {  	v53 =	vld.idx.msk [tilespmem:v43+s2+$0x0], $0xffff;
	v54 =	vmul.f32 v33, v33;
	v23 =	vsub.f32 $5.000000000e-01, v23;
	v36 =	vsub.f32 $1.500000000e+00, v36  }
0x24b: {  	v48 =	vpop (erf);
	v51 =	vmul.f32 v49, v34;
	v22 =	vadd.f32 v49, v22;
	v42 =	vadd.f32 $-1.570796370e+00, v62  }
0x24c: {  	v43 =	vld.idx.msk [tilespmem:v43+s13+$0x0], $0xffff;
	v40 =	vmul.f32 $-3.999999910e-02, v54;
	v41 =	vsub.f32 v55, v19;
	v23 =	vmul.f32 v23, v48  }
0x24d: {  	v54 =	vshrl.u32 v16, $0xD;
	v30 =	vmul.f32 v59, v36;
	v56 =	vmul.f32 v51, v34  }
0x24e: {  	v25 =	vadd.f32 v51, v25;
	v59 =	vmul.f32 $1.199999970e-01, v33;
	v50 =	vmul.f32 v42, v42  }
0x24f: {  	v36 =	vsub.f32 v53, v18;
	v40 =	vmul.f32 $1.442695020e+00, v40;
	v58 =	vmul.f32 v41, v41  }
0x250: {  	v41 =	vand.u32 $0x1, v54;
	v23 =	vmul.f32 v27, v23;
	v38 =	vmul.f32 v30, v57  }
0x251: {  	v34 =	vmul.f32 v56, v34;
	v57 =	vsub.f32 v43, v17;
	v52 =	vmul.f32 $9.261724330e-05, v50  }
0x252: {  	v33 =	vld.idx.msk [tilespmem:v63+s13+$0x0], $0xffff;
	v36 =	vmul.f32 v36, v36;
	v28 =	vadd.f32 v56, v28;
	v38 =	vmul.f32 v38, v30  }
0x253: {  	v39 =	vpop (erf);
	v32 =	vmul.f32 $1.442695020e+00, v59;
	v41 =	vcvt.s32.f32 v41;
	v27 =	vsub.f32 $4.156612790e-03, v52  }
0x254: {  	(erf) = vpow2.f32 v40;
	v45 =	vmul.f32 v23, v39;
	v38 =	vsub.f32 $1.500000000e+00, v38  }
0x255: {  	v60 =	vadd.f32 v58, v36;
	v61 =	vmul.f32 v57, v57;
	v27 =	vmul.f32 v27, v50  }
0x256: {  	v21 =	vadd.f32 v34, v21;
	v35 =	vmul.f32 v45, v39;
	v30 =	vmul.f32 v38, v30  }
0x257: {  	(erf) = vpow2.f32 v32;
	v33 =	vsub.f32 v33, v17;
	v27 =	vadd.f32 $-8.332839600e-02, v27  }
0x258: {  	v20 =	vadd.f32 v23, v20;
	v46 =	vmul.f32 v35, v39;
	v30 =	vmul.f32 v30, v31  }
0x259: {  	v33 =	vmul.f32 v33, v33;
	v31 =	vadd.f32 v61, v60;
	v27 =	vmul.f32 v27, v50  }
0x25a: {  	v34 =	vmul.f32 v46, v39;
	v50 =	vor.u32 s17, v8;
	v30 =	vmin.f32 v30, $1.200000000e+01  }
0x25b: {  	v48 =	vshra.s32 v31, $0x1;
	v49 =	vmul.f32 $5.000000000e-01, v31;
	v27 =	vadd.f32 $4.999996130e-01, v27  }
0x25c: {  	v53 =	vmul.f32 v34, v39;
	v62 =	vmul.f32 $2.617993950e-01, v30;
	v36 =	vsub.s32 $0x5F3759DF, v48  }
0x25d: {  	v59 =	vld.idx.msk [tilespmem:v63+s12+$0x0], $0xffff;
	v24 =	vadd.f32 v45, v24;
	v52 =	vmul.f32 v36, v49;
	v27 =	vmul.f32 v27, v42  }
0x25e: {  	v29 =	vadd.f32 v35, v29;
	v60 =	vmul.f32 v53, v39;
	v32 =	vadd.f32 $-1.570796370e+00, v62  }
0x25f: {  	v62 =	vmul.f32 v30, v30;
	v35 =	vld.idx.msk [tilespmem:v50+s11+$0x0], $0xffff;
	v51 =	vsub.f32 $5.000000000e-01, v27;
	v27 =	vmul.f32 v36, v52  }
0x260: {  	v26 =	vadd.f32 v46, v26;
	v30 =	vmul.f32 $1.199999970e-01, v30;
	v56 =	vmul.f32 v32, v32  }
0x261: {  	v57 =	vld.idx.msk [tilespmem:v63+s2+$0x0], $0xffff;
	v38 =	vmul.f32 v60, v39;
	v48 =	vmul.f32 $-3.999999910e-02, v62;
	v27 =	vsub.f32 $1.500000000e+00, v27  }
0x262: {  	v55 =	vpop (erf);
	v50 =	vsub.f32 v59, v19;
	v30 =	vmul.f32 $1.442695020e+00, v30;
	v58 =	vmul.f32 $9.261724330e-05, v56  }
0x263: {  	v22 =	vadd.f32 v34, v22;
	v23 =	vmul.f32 v51, v55;
	v27 =	vmul.f32 v36, v27  }
0x264: {  	v42 =	vmul.f32 v50, v50;
	v61 =	vsub.f32 $4.156612790e-03, v58;
	v51 =	vand.u32 $0xFFFF, v35  }
0x265: {  	v25 =	vadd.f32 v53, v25;
	v23 =	vmul.f32 v41, v23;
	v37 =	vmul.f32 v27, v49  }
0x266: {  	v44 =	vpop (erf);
	v40 =	vmul.f32 $1.442695020e+00, v48;
	v63 =	vmul.f32 v61, v56;
	v49 =	vsub.f32 v57, v18  }
0x267: {  	v28 =	vadd.f32 v60, v28;
	v34 =	vmul.f32 v23, v44;
	v37 =	vmul.f32 v37, v27  }
0x268: {  	(erf) = vpow2.f32 v40;
	v36 =	vadd.f32 $-8.332839600e-02, v63;
	v41 =	vmul.f32 v49, v49  }
0x269: {  	v35 =	vshrl.u32 v35, $0x10;
	v46 =	vmul.f32 v34, v44;
	v53 =	vld.idx.msk [tilespmem:v51+s2+$0x0], $0xffff;
	v37 =	vsub.f32 $1.500000000e+00, v37  }
0x26a: {  	(erf) = vpow2.f32 v30;
	v54 =	vld.idx.msk [tilespmem:v51+s12+$0x0], $0xffff;
	v36 =	vmul.f32 v36, v56;
	v52 =	vadd.f32 v42, v41  }
0x26b: {  	v55 =	vshrl.u32 v16, $0x1D;
	v59 =	vld.idx.msk [tilespmem:v51+s13+$0x0], $0xffff;
	v39 =	vmul.f32 v46, v44;
	v27 =	vmul.f32 v37, v27  }
0x26c: {  	v41 =	vand.u32 $0x1, v55;
	v36 =	vadd.f32 $4.999996130e-01, v36;
	v33 =	vadd.f32 v33, v52  }
0x26d: {  	v21 =	vadd.f32 v38, v21;
	v50 =	vcvt.s32.f32 v41;
	v27 =	vmul.f32 v27, v31  }
0x26e: {  	v52 =	vld.idx.msk [tilespmem:v35+s2+$0x0], $0xffff;
	v56 =	vmul.f32 v36, v32;
	v57 =	vshra.s32 v33, $0x1;
	v58 =	vmul.f32 $5.000000000e-01, v33  }
0x26f: {  	v37 =	vsub.f32 v53, v18;
	v40 =	vsub.f32 v54, v19;
	v32 =	vsub.s32 $0x5F3759DF, v57  }
0x270: {  	v42 =	vsub.f32 v59, v17;
	v54 =	vld.idx.msk [tilespmem:v35+s12+$0x0], $0xffff;
	v27 =	vmin.f32 v27, $1.200000000e+01;
	v61 =	vmul.f32 v32, v58  }
0x271: {  	v35 =	vld.idx.msk [tilespmem:v35+s13+$0x0], $0xffff;
	v31 =	vsub.f32 $5.000000000e-01, v56;
	v37 =	vmul.f32 v37, v37;
	v40 =	vmul.f32 v40, v40  }
0x272: {  	v20 =	vadd.f32 v23, v20;
	v63 =	vpop (erf);
	v49 =	vmul.f32 v42, v42;
	v60 =	vmul.f32 $2.617993950e-01, v27  }
0x273: {  	v18 =	vsub.f32 v52, v18;
	v62 =	vmul.f32 v32, v61;
	v31 =	vmul.f32 v31, v63  }
0x274: {  	v37 =	vadd.f32 v40, v37;
	v40 =	vmul.f32 v39, v44;
	v30 =	vadd.f32 $-1.570796370e+00, v60  }
0x275: {  	v19 =	vsub.f32 v54, v19;
	v18 =	vmul.f32 v18, v18;
	v54 =	vmul.f32 v27, v27  }
0x276: {  	v17 =	vsub.f32 v35, v17;
	v27 =	vmul.f32 $1.199999970e-01, v27;
	v31 =	vmul.f32 v50, v31  }
0x277: {  	v43 =	vsub.f32 $1.500000000e+00, v62;
	v47 =	vmul.f32 v40, v44;
	v48 =	vmul.f32 v30, v30  }
0x278: {  	v26 =	vadd.f32 v39, v26;
	v19 =	vmul.f32 v19, v19;
	v17 =	vmul.f32 v17, v17  }
0x279: {  	v39 =	vmul.f32 $-3.999999910e-02, v54;
	v53 =	vmul.f32 v32, v43;
	v32 =	vadd.f32 v49, v37  }
0x27a: {  	v24 =	vadd.f32 v34, v24;
	v27 =	vmul.f32 $1.442695020e+00, v27;
	v51 =	vmul.f32 $9.261724330e-05, v48  }
0x27b: {  	v60 =	vmul.f32 v47, v44;
	v56 =	vshra.s32 v32, $0x1;
	v57 =	vmul.f32 $5.000000000e-01, v32  }
0x27c: {  	v36 =	vmul.f32 v53, v58;
	v55 =	vsub.f32 $4.156612790e-03, v51;
	v41 =	vsub.s32 $0x5F3759DF, v56  }
0x27d: {  	v22 =	vadd.f32 v40, v22;
	v39 =	vmul.f32 $1.442695020e+00, v39;
	v59 =	vmul.f32 v41, v57  }
0x27e: {  	v25 =	vadd.f32 v47, v25;
	v58 =	vmul.f32 v36, v53;
	v38 =	vmul.f32 v55, v48  }
0x27f: {  	v18 =	vadd.f32 v19, v18;
	v63 =	vmul.f32 v60, v44;
	v36 =	vmul.f32 v41, v59  }
0x280: {  	(erf) = vpow2.f32 v39;
	v34 =	vsub.f32 $1.500000000e+00, v58;
	v38 =	vadd.f32 $-8.332839600e-02, v38  }
0x281: {  	v17 =	vadd.f32 v17, v18;
	(erf) = vpow2.f32 v27;
	v62 =	vsub.f32 $1.500000000e+00, v36  }
0x282: {  	v20 =	vadd.f32 v31, v20;
	v23 =	vmul.f32 v34, v53;
	v61 =	vmul.f32 v38, v48  }
0x283: {  	v51 =	vshra.s32 v17, $0x1;
	v52 =	vmul.f32 $5.000000000e-01, v17;
	v34 =	vmul.f32 v41, v62  }
0x284: {  	v23 =	vmul.f32 v23, v33;
	v33 =	vsub.s32 $0x5F3759DF, v51;
	v38 =	vpop (erf);
	v35 =	vadd.f32 $4.999996130e-01, v61  }
0x285: {  	v28 =	vadd.f32 v60, v28;
	v55 =	vmul.f32 v33, v52;
	v36 =	vmul.f32 v31, v38  }
0x286: {  	v50 =	vmul.f32 v34, v57;
	v23 =	vmin.f32 v23, $1.200000000e+01;
	v49 =	vmul.f32 v35, v30  }
0x287: {  	v19 =	vadd.f32 v63, v21;
	v53 =	vmul.f32 $2.617993950e-01, v23;
	v57 =	vmul.f32 v33, v55  }
0x288: {  	v48 =	vadd.f32 v46, v29;
	v62 =	vmul.f32 v23, v23;
	v23 =	vmul.f32 $1.199999970e-01, v23  }
0x289: {  	v41 =	vmul.f32 v36, v38;
	v30 =	vmul.f32 v50, v34;
	v42 =	vadd.f32 $-1.570796370e+00, v53  }
0x28a: {  	v40 =	vsub.f32 $1.500000000e+00, v57;
	v43 =	vmul.f32 $-3.999999910e-02, v62;
	v23 =	vmul.f32 $1.442695020e+00, v23  }
0x28b: {  	v56 =	vmul.f32 v41, v38;
	v30 =	vsub.f32 $1.500000000e+00, v30;
	v58 =	vmul.f32 v42, v42  }
0x28c: {  	v24 =	vadd.f32 v36, v24;
	v60 =	vmul.f32 v33, v40;
	v36 =	vmul.f32 $1.442695020e+00, v43  }
0x28d: {  	v55 =	vshrl.u32 v16, $0xE;
	v30 =	vmul.f32 v30, v34;
	v61 =	vmul.f32 v56, v38  }
0x28e: {  	v29 =	vsub.f32 $5.000000000e-01, v49;
	v59 =	vmul.f32 $9.261724330e-05, v58;
	v35 =	vmul.f32 v60, v52  }
0x28f: {  	v18 =	vadd.f32 v41, v48;
	(erf) = vpow2.f32 v36;
	v30 =	vmul.f32 v30, v32  }
0x290: {  	v50 =	vpop (erf);
	v26 =	vadd.f32 v56, v26;
	v47 =	vmul.f32 v61, v38;
	v35 =	vmul.f32 v35, v60  }
0x291: {  	v52 =	vmul.f32 v29, v50;
	(erf) = vpow2.f32 v23;
	v32 =	vsub.f32 $4.156612790e-03, v59  }
0x292: {  	v30 =	vmin.f32 v30, $1.200000000e+01;
	v57 =	vmul.f32 v47, v38;
	v35 =	vsub.f32 $1.500000000e+00, v35  }
0x293: {  	v36 =	vand.u32 $0x1, v55;
	v63 =	vmul.f32 v32, v58;
	v40 =	vmul.f32 $2.617993950e-01, v30  }
0x294: {  	v22 =	vadd.f32 v61, v22;
	v51 =	vmul.f32 v30, v30;
	v21 =	vmul.f32 v35, v60  }
0x295: {  	v25 =	vadd.f32 v47, v25;
	v30 =	vmul.f32 $1.199999970e-01, v30;
	v45 =	vadd.f32 $-8.332839600e-02, v63  }
0x296: {  	v46 =	vadd.f32 $-1.570796370e+00, v40;
	v54 =	vmul.f32 $-3.999999910e-02, v51;
	v17 =	vmul.f32 v21, v17  }
0x297: {  	v60 =	vcvt.s32.f32 v36;
	v63 =	vmul.f32 v57, v38;
	v40 =	vshrl.u32 v16, $0x1E  }
0x298: {  	v30 =	vmul.f32 $1.442695020e+00, v30;
	v48 =	vmul.f32 v46, v46;
	v17 =	vmin.f32 v17, $1.200000000e+01  }
0x299: {  	v51 =	vshrl.u32 v16, $0xF;
	v16 =	vshrl.u32 v16, $0x1F;
	v56 =	vmul.f32 $2.617993950e-01, v17  }
0x29a: {  	v34 =	vand.u32 $0x1, v51;
	v16 =	vcvt.s32.f32 v16;
	v49 =	vmul.f32 $9.261724330e-05, v48  }
0x29b: {  	v27 =	vmul.f32 v45, v58;
	v35 =	vmul.f32 $1.442695020e+00, v54;
	v59 =	vadd.f32 $-1.570796370e+00, v56  }
0x29c: {  	v21 =	vmul.f32 v60, v52;
	v34 =	vcvt.s32.f32 v34;
	v53 =	vsub.f32 $4.156612790e-03, v49  }
0x29d: {  	v27 =	vadd.f32 $4.999996130e-01, v27;
	(erf) = vpow2.f32 v35;
	v62 =	vmul.f32 v59, v59  }
0x29e: {  	v28 =	vadd.f32 v57, v28;
	v45 =	vmul.f32 v17, v17;
	v29 =	vmul.f32 v53, v48  }
0x29f: {  	v61 =	vpop (erf);
	v37 =	vand.u32 $0x1, v40;
	v27 =	vmul.f32 v27, v42;
	v42 =	vmul.f32 $9.261724330e-05, v62  }
0x2a0: {  	v43 =	vmul.f32 v21, v61;
	(erf) = vpow2.f32 v30;
	v58 =	vadd.f32 $-8.332839600e-02, v29  }
0x2a1: {  	v17 =	vmul.f32 $1.199999970e-01, v17;
	v33 =	vmul.f32 $-3.999999910e-02, v45;
	v44 =	vsub.f32 $4.156612790e-03, v42  }
0x2a2: {  	v19 =	vadd.f32 v63, v19;
	v47 =	vmul.f32 v43, v61;
	v23 =	vmul.f32 v58, v48  }
0x2a3: {  	v27 =	vsub.f32 $5.000000000e-01, v27;
	v33 =	vmul.f32 $1.442695020e+00, v33;
	v31 =	vmul.f32 v44, v62  }
0x2a4: {  	v41 =	vpop (erf);
	v17 =	vmul.f32 $1.442695020e+00, v17;
	v50 =	vmul.f32 v47, v61;
	v23 =	vadd.f32 $4.999996130e-01, v23  }
0x2a5: {  	v27 =	vmul.f32 v27, v41;
	v48 =	vpop (erf);
	(erf) = vpow2.f32 v33;
	v31 =	vadd.f32 $-8.332839600e-02, v31  }
0x2a6: {  	v20 =	vadd.f32 v21, v20;
	v52 =	vmul.f32 v50, v61;
	v23 =	vmul.f32 v23, v46  }
0x2a7: {  	v24 =	vadd.f32 v43, v24;
	v46 =	vcvt.s32.f32 v37;
	v31 =	vmul.f32 v31, v62  }
0x2a8: {  	v18 =	vadd.f32 v47, v18;
	v26 =	vadd.f32 v50, v26;
	v54 =	vmul.f32 v52, v61  }
0x2a9: {  	(erf) = vpow2.f32 v17;
	v27 =	vmul.f32 v46, v27;
	v31 =	vadd.f32 $4.999996130e-01, v31  }
0x2aa: {  	v50 =	vor.u32 s21, v3;
	v56 =	vmul.f32 v54, v61;
	v23 =	vsub.f32 $5.000000000e-01, v23  }
0x2ab: {  	v22 =	vadd.f32 v52, v22;
	v49 =	vpop (erf);
	v53 =	vmul.f32 v27, v48;
	v29 =	vmul.f32 v31, v59  }
0x2ac: {  	v52 =	vor.u32 s21, v9;
	v25 =	vadd.f32 v54, v25;
	v23 =	vmul.f32 v23, v49  }
0x2ad: {  	v17 =	vpop (erf);
	v58 =	vmul.f32 v56, v61;
	v55 =	vmul.f32 v53, v48;
	v29 =	vsub.f32 $5.000000000e-01, v29  }
0x2ae: {  	v54 =	vor.u32 s21, v10;
	v28 =	vadd.f32 v56, v28;
	v61 =	vpop (erf);
	v23 =	vmul.f32 v34, v23  }
0x2af: {  	v19 =	vadd.f32 v58, v19;
	v57 =	vmul.f32 v55, v48;
	v29 =	vmul.f32 v29, v61  }
0x2b0: {  	v58 =	vor.u32 s21, v13;
	v20 =	vadd.f32 v27, v20;
	v59 =	vmul.f32 v23, v17  }
0x2b1: {  	v21 =	vadd.f32 v53, v24;
	v60 =	vmul.f32 v57, v48;
	v16 =	vmul.f32 v16, v29  }
0x2b2: {  	v43 =	vpop (erf);
	v18 =	vadd.f32 v55, v18;
	v20 =	vadd.f32 v23, v20;
	v62 =	vmul.f32 v59, v17  }
0x2b3: {  	v55 =	vor.u32 s21, v11;
	v63 =	vmul.f32 v60, v48;
	v45 =	vmul.f32 v16, v43  }
0x2b4: {  	v26 =	vadd.f32 v57, v26;
	v21 =	vadd.f32 v59, v21;
	v40 =	vmul.f32 v62, v17  }
0x2b5: {  	v57 =	vor.u32 s21, v12;
	v41 =	vmul.f32 v63, v48;
	v47 =	vmul.f32 v45, v43  }
0x2b6: {  	v61 =	vor.u32 s21, v14;
	v22 =	vadd.f32 v60, v22;
	v42 =	vmul.f32 v40, v17  }
0x2b7: {  	v18 =	vadd.f32 v62, v18;
	v30 =	vmul.f32 v41, v48;
	v48 =	vmul.f32 v47, v43  }
0x2b8: {  	v25 =	vadd.f32 v63, v25;
	v26 =	vadd.f32 v40, v26;
	v44 =	vmul.f32 v42, v17  }
0x2b9: {  	v16 =	vadd.f32 v16, v20;
	v24 =	vadd.f32 v41, v28;
	v49 =	vmul.f32 v48, v43  }
0x2ba: {  	v22 =	vadd.f32 v42, v22;
	v51 =	vadd.f32 v45, v21;
	v46 =	vmul.f32 v44, v17  }
0x2bb: {  	v19 =	vadd.f32 v30, v19;
	v25 =	vadd.f32 v44, v25;
	v53 =	vmul.f32 v49, v43  }
0x2bc: {  	v18 =	vadd.f32 v47, v18;
	v20 =	vmul.f32 $9.139311900e-01, v51;
	v17 =	vmul.f32 v46, v17  }
0x2bd: {  	v23 =	vadd.f32 v46, v24;
	v26 =	vadd.f32 v48, v26;
	v56 =	vmul.f32 v53, v43  }
0x2be: {  	[tilespmem:v50+s14+$0x0] =	vst.idx.msk $0xffff, v16;
	v16 =	vmul.f32 $6.976763010e-01, v18;
	v17 =	vadd.f32 v17, v19;
	v19 =	vadd.f32 v49, v22  }
0x2bf: {  	[tilespmem:v52+s14+$0x0] =	vst.idx.msk $0xffff, v20;
	v60 =	vmul.f32 $4.448580740e-01, v26;
	v25 =	vadd.f32 v53, v25;
	v59 =	vmul.f32 v56, v43  }
0x2c0: {  	p0 =	sne.s32 s17, $0xFF0F;
	v62 =	vor.u32 s21, v15;
	[tilespmem:v54+s14+$0x0] =	vst.idx.msk $0xffff, v16;
	v16 =	vmul.f32 $2.369277630e-01, v19;
	v23 =	vadd.f32 v56, v23  }
.Ltmp0:
0x2c1: {  	[tilespmem:v55+s14+$0x0] =	vst.idx.msk $0xffff, v60;
	v63 =	vmul.f32 $1.053992210e-01, v25;
	v17 =	vadd.f32 v59, v17;
	(pc) =	sbr.rel @p0 .LBB2_2-.Ltmp0, $4  }
0x2c2: {  	[tilespmem:v57+s14+$0x0] =	vst.idx.msk $0xffff, v16;
	v16 =	vmul.f32 $3.916389500e-02, v23  }
0x2c3: {  	[tilespmem:v58+s14+$0x0] =	vst.idx.msk $0xffff, v63;
	v17 =	vmul.f32 $1.215517800e-02, v17  }
0x2c4: {  	s20 =	sadd.s32 $0x10, s20;
	s19 =	sadd.s32 $0x10, s19;
	s18 =	sadd.s32 $0x10, s18;
	[tilespmem:v61+s14+$0x0] =	vst.idx.msk $0xffff, v16  }
0x2c5: {  	s16 =	sadd.s32 $0x10, s16;
	s17 =	sadd.s32 $0x100, s17;
	s21 =	sadd.s32 $0x80, s21;
	[tilespmem:v62+s14+$0x0] =	vst.idx.msk $0xffff, v17  }
0x2c6: {  	s15 =	sadd.s32 $0x1, s15  }
0x2c7: {  	p0 =	sne.s32 s15, s9  }
.Ltmp1:
0x2c8: {  	_ = 	snop;
	(pc) =	sbr.rel @p0 .LBB2_1-.Ltmp1, $4  }
0x2c9: {  	[hbm4b:s8+s2] =	stream.linear.scatter [tilespmem:s14], [sflag:$0x1], $0x8000, $0x38;
	[tilespmem:$0x1C000] =	vst v63  }
0x2ca: {  	_ =	swait.ge [sflag:s10], $0x8000  }
0x2cb: {  	[sflag:s10] =	ssyncset.done $0x0  }
0x2cc: {  	[sflag:s10] =	ssyncadd.s32 $0xFFFF8000  }
0x2cd: {  	_ =	sfence.sel $0x180000  }
0x2ce: {  	[bflag:$0x0] =	sbarrier.arrive $0xFFFF  }
0x2cf: {  	p0 =	sne.s32 s1, $0x0;
	_ =	strace $0x90000047  }
0x2d0: {  	s0 =	sadd.s32 @!p0 $0x100000, s0;
	[bflag:$0x2] =	sbarrier.arrive $0xFFFF  }
0x2d1: {  	[sflag:s0] =	ssyncadd.tile.s32 @!p0 $0x1;
	_ =	shalt  }
.Lfunc_end2:
_tile_overlayer_lowered:
.L_overlay_start_2:
0x2d2: {  	(tag) =	ssettag $0x2  }
0x2d3: {  	s0 =	rddreg [dreg:$0x0];
	s2 =	stileid.u32  }
0x2d4: {  	s1 =	rddreg [dreg:$0x1];
	p0 =	sne.s32 s2, $0x0  }
0x2d5: {  	s3 =	rddreg [dreg:$0x2];
	[bflag:$0x3] =	sbarrier.arrive $0xFFFF;
	s2 =	simm.s32 @!p0 $0x1C01  }
0x2d6: {  	[timem:s3], [sflag:s2] =	dma.local @!p0 [hbm:s0], s1  }
0x2d7: {  	s0 =	simm.s32 @!p0 $0x1  }
0x2d8: {  	_ =	swait.ge @!p0 [sflag:s0], s1  }
0x2d9: {  	s1 =	ssub.s32 @!p0 $0x0, s1;
	[sflag:s0] =	ssyncset.done @!p0 $0x0  }
0x2da: {  	[sflag:s0] =	ssyncadd.s32 @!p0 s1  }
0x2db: {  	[bflag:$0x3] =	sbarrier.arrive $0xFFFF  }
0x2dc: {  	_ =	shalt  }

</sc_bundles>
